<compile_context>
chip_gen: v7x
topology: tpu7x:2x2x1
jax: 0.10.2.dev20260603
libtpu: 0.0.44.dev20260713+nightly
codegen_flags: <defaults>
</compile_context>

<pallas_src>
import functools

import numpy as np
import jax
import jax.numpy as jnp
from jax import lax
from jax.experimental import pallas as pl
from jax.experimental.pallas import tpu as pltpu
from jax.experimental.pallas import tpu_sc as plsc

B, L, D, K = 2, 2048, 64, 64
NS = 16
QPW = L // NS
LANES = 16
NCHUNK = L // LANES

ONES = np.int32(0x01010101)
HIGH = np.int32(-2139062144)


def _bit(d):
    w = 1 << (d & 31)
    return np.int32(w - (1 << 32) if w >= (1 << 31) else w)


def _pack_words(stage, jj):
    zero = jnp.zeros((LANES,), jnp.float32)
    zero_i = jnp.zeros((LANES,), jnp.int32)
    w0 = zero_i
    w1 = zero_i
    for d in range(32):
        v = stage[d, pl.ds(jj * LANES, LANES)]
        w0 = w0 | jnp.where(v > zero, jnp.full((LANES,), _bit(d)), zero_i)
    for d in range(32, 64):
        v = stage[d, pl.ds(jj * LANES, LANES)]
        w1 = w1 | jnp.where(v > zero, jnp.full((LANES,), _bit(d)), zero_i)
    return w0, w1


@functools.partial(
    pl.kernel,
    out_type=jax.ShapeDtypeStruct((B * L * K,), jnp.int32),
    mesh=plsc.VectorSubcoreMesh(core_axis_name="c", subcore_axis_name="s"),
    compiler_params=pltpu.CompilerParams(needs_layout_passes=False),
    scratch_types=[
        pltpu.VMEM((D, QPW), jnp.float32),
        pltpu.VMEM((L,), jnp.int32),
        pltpu.VMEM((L,), jnp.int32),
        pltpu.VMEM((QPW,), jnp.int32),
        pltpu.VMEM((QPW,), jnp.int32),
        pltpu.VMEM((QPW * K + LANES,), jnp.int32),
        pltpu.VMEM_SHARED((2 * L,), jnp.int32),
    ],
)
def _finder(qt_hbm, kt_hbm, out_hbm, stage, k0r, k1r, q0r, q1r, obuf, shared):
    c = lax.axis_index("c")
    s = lax.axis_index("s")
    base = s * QPW

    pltpu.sync_copy(kt_hbm.at[c, :, pl.ds(base, QPW)], stage)

    def pack_keys(jj, _):
        w0, w1 = _pack_words(stage, jj)
        k0r[pl.ds(base + jj * LANES, LANES)] = w0
        k1r[pl.ds(base + jj * LANES, LANES)] = w1
        return 0

    lax.fori_loop(0, QPW // LANES, pack_keys, 0)
    pltpu.sync_copy(k0r.at[pl.ds(base, QPW)], shared.at[pl.ds(base, QPW)])
    pltpu.sync_copy(k1r.at[pl.ds(base, QPW)], shared.at[pl.ds(L + base, QPW)])

    pltpu.sync_copy(qt_hbm.at[c, :, pl.ds(base, QPW)], stage)

    def pack_queries(jj, _):
        w0, w1 = _pack_words(stage, jj)
        q0r[pl.ds(jj * LANES, LANES)] = w0
        q1r[pl.ds(jj * LANES, LANES)] = w1
        return 0

    lax.fori_loop(0, QPW // LANES, pack_queries, 0)

    plsc.subcore_barrier()
    pltpu.sync_copy(shared.at[pl.ds(0, L)], k0r)
    pltpu.sync_copy(shared.at[pl.ds(L, L)], k1r)

    iota = lax.iota(jnp.int32, LANES)
    neg1 = jnp.full((LANES,), -1, jnp.int32)
    ones_v = jnp.full((LANES,), ONES, jnp.int32)
    high_v = jnp.full((LANES,), HIGH, jnp.int32)
    zero_v = jnp.zeros((LANES,), jnp.int32)

    def per_query_group(qg, _):
        qv0 = q0r[pl.ds(qg * LANES, LANES)]
        qv1 = q1r[pl.ds(qg * LANES, LANES)]
        for lane in range(LANES):
            q0v = lax.broadcast_in_dim(qv0[lane], (LANES,), ())
            q1v = lax.broadcast_in_dim(qv1[lane], (LANES,), ())
            row = (qg * LANES + lane) * K
            for r in range(K // LANES):
                obuf[pl.ds(row + r * LANES, LANES)] = neg1

            def chunk(cb, found, q0v=q0v, q1v=q1v, row=row):
                x0 = k0r[pl.ds(cb * LANES, LANES)] ^ q0v
                x1 = k1r[pl.ds(cb * LANES, LANES)] ^ q1v
                t = ((x0 - ones_v) & ~x0) | ((x1 - ones_v) & ~x1)
                m = (t & high_v) != zero_v
                cnt = plsc.all_reduce_population_count(m)[0]

                @pl.when(jnp.logical_and(found < K, cnt > 0))
                def _():
                    idxv = iota + lax.broadcast_in_dim(
                        cb * LANES, (LANES,), ())
                    plsc.store_compressed(
                        obuf.at[pl.ds(row + found, LANES)], idxv, mask=m)

                return found + cnt

            lax.fori_loop(0, NCHUNK, chunk, jnp.int32(0))
        return 0

    lax.fori_loop(0, QPW // LANES, per_query_group, 0)
    pltpu.sync_copy(obuf.at[pl.ds(0, QPW * K)],
                    out_hbm.at[pl.ds((c * L + base) * K, QPW * K)])


def kernel(query_up, key_up, head_idx):
    del head_idx
    qt = jnp.transpose(query_up, (0, 2, 1))
    kt = jnp.transpose(key_up, (0, 2, 1))
    return _finder(qt, kt).reshape(B, L, K)

# --- scband reference (transcript-rebuilt; emitter-appended) ---
"""Pipeline reference for scband-candidate-finder-12421045420475 (READ-ONLY COPY).

The authoritative reference and input builder live on the scoring server;
editing this copy changes nothing except your own understanding.
"""

import jax, jax.numpy as jnp
import numpy as np

# Config constants mirroring FastAttentionConfig in init_kwargs
HYPER_CUTS_DIM_GROUPS = [8, 8, 8, 8, 8, 8, 8, 8]  # sums to lsh_key_dim = 64
K_MAX = 64
WU_MANBER_PREFIX_LEN = 4

B, L, D = 2, 2048, 64


def setup_inputs(seed: int = 0) -> dict:
    key = jax.random.key(seed)
    k1, k2 = jax.random.split(key)
    query_up = jax.random.normal(k1, (B, L, D), dtype=jnp.float32)
    key_up = jax.random.normal(k2, (B, L, D), dtype=jnp.float32)
    return {"query_up": query_up, "key_up": key_up, "head_idx": 0}


def _find_candidates(query_up, key_up):
    # binary_quantize: sign-bit quantization used by both Wu-Manber tables and Tries
    qb = query_up > 0.0
    kb = key_up > 0.0
    Bq, Lq, _ = query_up.shape
    Lk = key_up.shape[1]
    match = jnp.zeros((Bq, Lq, Lk), dtype=bool)
    start = 0
    for g in HYPER_CUTS_DIM_GROUPS:
        qg = qb[:, :, start:start + g]
        kg = kb[:, :, start:start + g]
        # Wu-Manber: prefix match on first wu_manber_prefix_len bits of the group
        p = min(WU_MANBER_PREFIX_LEN, g)
        prefix_match = jnp.all(qg[:, :, None, :p] == kg[:, None, :, :p], axis=-1)
        # Trie search: full binary-vector match (all stride-chunks equal <=> all bits equal)
        full_match = jnp.all(qg[:, :, None, :] == kg[:, None, :, :], axis=-1)
        # merged candidates per dim-group = common candidates (intersection)
        group_match = prefix_match & full_match
        # hyper-cuts: union of candidates across dimension groups
        match = match | group_match
        start += g
    # select up to k_max candidate key indices per query, lowest index first, pad with -1
    pos = jnp.arange(Lk, dtype=jnp.float32)
    tiebreak = (Lk - pos) / (Lk + 1.0)  # in (0, 1), prefers earlier indices
    score = match.astype(jnp.float32) * 2.0 + tiebreak[None, None, :]
    vals, idx = jax.lax.top_k(score, K_MAX)
    candidates = jnp.where(vals >= 2.0, idx, -1).astype(jnp.int32)
    return candidates


def reference(query_up, key_up, head_idx):
    # head_idx selects per-head LSH/Trie structures; the candidate math is identical per head.
    return _find_candidates(query_up, key_up)

if __name__ == "__main__":
    import jax
    _d = setup_inputs()
    print(jax.jit(kernel)(*tuple(_d.values())))

</pallas_src>

<mosaic_0001>
#map = affine_map<(d0, d1) -> (0, 0, 0)>
#map1 = affine_map<(d0, d1) -> (0)>
module attributes {stable_mosaic.version = 14 : i64} {
  func.func @_finder(%arg0: i32, %arg1: i32, %arg2: memref<2x64x2048xf32, #tpu.memory_space<hbm>>, %arg3: memref<2x64x2048xf32, #tpu.memory_space<hbm>>, %arg4: memref<262144xi32, #tpu.memory_space<hbm>>, %arg5: memref<64x128xf32, #tpu.memory_space<vmem>>, %arg6: memref<2048xi32, #tpu.memory_space<vmem>>, %arg7: memref<2048xi32, #tpu.memory_space<vmem>>, %arg8: memref<128xi32, #tpu.memory_space<vmem>>, %arg9: memref<128xi32, #tpu.memory_space<vmem>>, %arg10: memref<8208xi32, #tpu.memory_space<vmem>>, %arg11: memref<4096xi32, #tpu.memory_space<vmem_shared>>) attributes {dimension_semantics = [#tpu.dimension_semantics<core_parallel>, #tpu.dimension_semantics<subcore_parallel>], iteration_bounds = array<i64: 2, 16>, scalar_prefetch = 0 : i64, scratch_operands = 7 : i64, tpu.core_type = #tpu.core_type<sc_vector_subcore>, window_params = [{transform_indices = #map}, {transform_indices = #map}, {transform_indices = #map1}]} {
    %mul3A = arith.constant 128 : i32
    %mul3A_0 = arith.muli %arg1, %mul3A : i32
    "tpu.region"() ({
      %run_scoped3A = tpu.sem_alloc : memref<!tpu.dma_semaphore, #tpu.memory_space<semaphore_mem>>
      %dma_start3A = arith.constant 0 : i32
      %dma_start3A_34 = tpu.memref_slice %arg3[%arg0, %dma_start3A, %mul3A_0] : memref<2x64x2048xf32, #tpu.memory_space<hbm>> -> memref<1x64x128xf32, #tpu.memory_space<hbm>>
      %dma_start3A_35 = tpu.memref_squeeze %dma_start3A_34 : memref<1x64x128xf32, #tpu.memory_space<hbm>> -> memref<64x128xf32, #tpu.memory_space<hbm>>
      %dma_start3A_36 = arith.constant 0 : i32
      %dma_start3A_37 = tpu.memref_slice %arg3[%arg0, %dma_start3A_36, %mul3A_0] : memref<2x64x2048xf32, #tpu.memory_space<hbm>> -> memref<1x64x128xf32, #tpu.memory_space<hbm>>
      %dma_start3A_38 = tpu.memref_squeeze %dma_start3A_37 : memref<1x64x128xf32, #tpu.memory_space<hbm>> -> memref<64x128xf32, #tpu.memory_space<hbm>>
      tpu.enqueue_dma source(%dma_start3A_38 : memref<64x128xf32, #tpu.memory_space<hbm>>) target(%arg5 : memref<64x128xf32, #tpu.memory_space<vmem>>) target_semaphore(%run_scoped3A : memref<!tpu.dma_semaphore, #tpu.memory_space<semaphore_mem>>)
      %dma_wait3A = arith.constant 0 : i32
      %dma_wait3A_39 = tpu.memref_slice %arg3[%arg0, %dma_wait3A, %mul3A_0] : memref<2x64x2048xf32, #tpu.memory_space<hbm>> -> memref<1x64x128xf32, #tpu.memory_space<hbm>>
      %dma_wait3A_40 = tpu.memref_squeeze %dma_wait3A_39 : memref<1x64x128xf32, #tpu.memory_space<hbm>> -> memref<64x128xf32, #tpu.memory_space<hbm>>
      %dma_wait3A_41 = arith.constant 0 : i32
      %dma_wait3A_42 = tpu.memref_slice %arg3[%arg0, %dma_wait3A_41, %mul3A_0] : memref<2x64x2048xf32, #tpu.memory_space<hbm>> -> memref<1x64x128xf32, #tpu.memory_space<hbm>>
      %dma_wait3A_43 = tpu.memref_squeeze %dma_wait3A_42 : memref<1x64x128xf32, #tpu.memory_space<hbm>> -> memref<64x128xf32, #tpu.memory_space<hbm>>
      tpu.wait_dma2 semaphore(%run_scoped3A : memref<!tpu.dma_semaphore, #tpu.memory_space<semaphore_mem>>) src(%dma_wait3A_43 : memref<64x128xf32, #tpu.memory_space<hbm>>) dst(%arg5 : memref<64x128xf32, #tpu.memory_space<vmem>>)
      tpu.yield
    }) : () -> ()
    %scan3A = arith.constant 0 : i32
    %scan3A_1 = arith.constant 0 : i32
    %scan3A_2 = arith.constant 8 : i32
    %scan3A_3 = arith.addi %scan3A_1, %scan3A_2 : i32
    %scan3A_4 = arith.constant 1 : i32
    %scan3A_5 = scf.for %scan3A_34 = %scan3A_1 to %scan3A_3 step %scan3A_4 iter_args(%scan3A_35 = %scan3A) -> (i32)  : i32 {
      %broadcast_in_dim3A_36 = arith.constant 0.000000e+00 : f32
      %broadcast_in_dim3A_37 = vector.broadcast %broadcast_in_dim3A_36 : f32 to vector<16xf32>
      %broadcast_in_dim3A_38 = arith.constant 0 : i32
      %broadcast_in_dim3A_39 = vector.broadcast %broadcast_in_dim3A_38 : i32 to vector<16xi32>
      %mul3A_40 = arith.constant 16 : i32
      %mul3A_41 = arith.muli %scan3A_34, %mul3A_40 : i32
      %get3A = arith.constant 0 : i32
      %get3A_42 = arith.index_cast %get3A : i32 to index
      %get3A_43 = arith.index_cast %mul3A_41 : i32 to index
      %get3A_44 = tpu.vector_load %arg5[%get3A_42, %get3A_43] {strides = array<i32>} : memref<64x128xf32, #tpu.memory_space<vmem>>, vector<16xf32>,
      %gt3A = arith.cmpf ogt, %get3A_44, %broadcast_in_dim3A_37 : vector<16xf32>
      %broadcast_in_dim3A_45 = arith.constant 1 : i32
      %broadcast_in_dim3A_46 = vector.broadcast %broadcast_in_dim3A_45 : i32 to vector<16xi32>
      %select_n3A = arith.select %gt3A, %broadcast_in_dim3A_46, %broadcast_in_dim3A_39 : vector<16xi1>, vector<16xi32>
      %or3A = arith.ori %broadcast_in_dim3A_39, %select_n3A : vector<16xi32>
      %mul3A_47 = arith.constant 16 : i32
      %mul3A_48 = arith.muli %scan3A_34, %mul3A_47 : i32
      %get3A_49 = arith.constant 1 : i32
      %get3A_50 = arith.index_cast %get3A_49 : i32 to index
      %get3A_51 = arith.index_cast %mul3A_48 : i32 to index
      %get3A_52 = tpu.vector_load %arg5[%get3A_50, %get3A_51] {strides = array<i32>} : memref<64x128xf32, #tpu.memory_space<vmem>>, vector<16xf32>,
      %gt3A_53 = arith.cmpf ogt, %get3A_52, %broadcast_in_dim3A_37 : vector<16xf32>
      %broadcast_in_dim3A_54 = arith.constant 2 : i32
      %broadcast_in_dim3A_55 = vector.broadcast %broadcast_in_dim3A_54 : i32 to vector<16xi32>
      %select_n3A_56 = arith.select %gt3A_53, %broadcast_in_dim3A_55, %broadcast_in_dim3A_39 : vector<16xi1>, vector<16xi32>
      %or3A_57 = arith.ori %or3A, %select_n3A_56 : vector<16xi32>
      %mul3A_58 = arith.constant 16 : i32
      %mul3A_59 = arith.muli %scan3A_34, %mul3A_58 : i32
      %get3A_60 = arith.constant 2 : i32
      %get3A_61 = arith.index_cast %get3A_60 : i32 to index
      %get3A_62 = arith.index_cast %mul3A_59 : i32 to index
      %get3A_63 = tpu.vector_load %arg5[%get3A_61, %get3A_62] {strides = array<i32>} : memref<64x128xf32, #tpu.memory_space<vmem>>, vector<16xf32>,
      %gt3A_64 = arith.cmpf ogt, %get3A_63, %broadcast_in_dim3A_37 : vector<16xf32>
      %broadcast_in_dim3A_65 = arith.constant 4 : i32
      %broadcast_in_dim3A_66 = vector.broadcast %broadcast_in_dim3A_65 : i32 to vector<16xi32>
      %select_n3A_67 = arith.select %gt3A_64, %broadcast_in_dim3A_66, %broadcast_in_dim3A_39 : vector<16xi1>, vector<16xi32>
      %or3A_68 = arith.ori %or3A_57, %select_n3A_67 : vector<16xi32>
      %mul3A_69 = arith.constant 16 : i32
      %mul3A_70 = arith.muli %scan3A_34, %mul3A_69 : i32
      %get3A_71 = arith.constant 3 : i32
      %get3A_72 = arith.index_cast %get3A_71 : i32 to index
      %get3A_73 = arith.index_cast %mul3A_70 : i32 to index
      %get3A_74 = tpu.vector_load %arg5[%get3A_72, %get3A_73] {strides = array<i32>} : memref<64x128xf32, #tpu.memory_space<vmem>>, vector<16xf32>,
      %gt3A_75 = arith.cmpf ogt, %get3A_74, %broadcast_in_dim3A_37 : vector<16xf32>
      %broadcast_in_dim3A_76 = arith.constant 8 : i32
      %broadcast_in_dim3A_77 = vector.broadcast %broadcast_in_dim3A_76 : i32 to vector<16xi32>
      %select_n3A_78 = arith.select %gt3A_75, %broadcast_in_dim3A_77, %broadcast_in_dim3A_39 : vector<16xi1>, vector<16xi32>
      %or3A_79 = arith.ori %or3A_68, %select_n3A_78 : vector<16xi32>
      %mul3A_80 = arith.constant 16 : i32
      %mul3A_81 = arith.muli %scan3A_34, %mul3A_80 : i32
      %get3A_82 = arith.constant 4 : i32
      %get3A_83 = arith.index_cast %get3A_82 : i32 to index
      %get3A_84 = arith.index_cast %mul3A_81 : i32 to index
      %get3A_85 = tpu.vector_load %arg5[%get3A_83, %get3A_84] {strides = array<i32>} : memref<64x128xf32, #tpu.memory_space<vmem>>, vector<16xf32>,
      %gt3A_86 = arith.cmpf ogt, %get3A_85, %broadcast_in_dim3A_37 : vector<16xf32>
      %broadcast_in_dim3A_87 = arith.constant 16 : i32
      %broadcast_in_dim3A_88 = vector.broadcast %broadcast_in_dim3A_87 : i32 to vector<16xi32>
      %select_n3A_89 = arith.select %gt3A_86, %broadcast_in_dim3A_88, %broadcast_in_dim3A_39 : vector<16xi1>, vector<16xi32>
      %or3A_90 = arith.ori %or3A_79, %select_n3A_89 : vector<16xi32>
      %mul3A_91 = arith.constant 16 : i32
      %mul3A_92 = arith.muli %scan3A_34, %mul3A_91 : i32
      %get3A_93 = arith.constant 5 : i32
      %get3A_94 = arith.index_cast %get3A_93 : i32 to index
      %get3A_95 = arith.index_cast %mul3A_92 : i32 to index
      %get3A_96 = tpu.vector_load %arg5[%get3A_94, %get3A_95] {strides = array<i32>} : memref<64x128xf32, #tpu.memory_space<vmem>>, vector<16xf32>,
      %gt3A_97 = arith.cmpf ogt, %get3A_96, %broadcast_in_dim3A_37 : vector<16xf32>
      %broadcast_in_dim3A_98 = arith.constant 32 : i32
      %broadcast_in_dim3A_99 = vector.broadcast %broadcast_in_dim3A_98 : i32 to vector<16xi32>
      %select_n3A_100 = arith.select %gt3A_97, %broadcast_in_dim3A_99, %broadcast_in_dim3A_39 : vector<16xi1>, vector<16xi32>
      %or3A_101 = arith.ori %or3A_90, %select_n3A_100 : vector<16xi32>
      %mul3A_102 = arith.constant 16 : i32
      %mul3A_103 = arith.muli %scan3A_34, %mul3A_102 : i32
      %get3A_104 = arith.constant 6 : i32
      %get3A_105 = arith.index_cast %get3A_104 : i32 to index
      %get3A_106 = arith.index_cast %mul3A_103 : i32 to index
      %get3A_107 = tpu.vector_load %arg5[%get3A_105, %get3A_106] {strides = array<i32>} : memref<64x128xf32, #tpu.memory_space<vmem>>, vector<16xf32>,
      %gt3A_108 = arith.cmpf ogt, %get3A_107, %broadcast_in_dim3A_37 : vector<16xf32>
      %broadcast_in_dim3A_109 = arith.constant 64 : i32
      %broadcast_in_dim3A_110 = vector.broadcast %broadcast_in_dim3A_109 : i32 to vector<16xi32>
      %select_n3A_111 = arith.select %gt3A_108, %broadcast_in_dim3A_110, %broadcast_in_dim3A_39 : vector<16xi1>, vector<16xi32>
      %or3A_112 = arith.ori %or3A_101, %select_n3A_111 : vector<16xi32>
      %mul3A_113 = arith.constant 16 : i32
      %mul3A_114 = arith.muli %scan3A_34, %mul3A_113 : i32
      %get3A_115 = arith.constant 7 : i32
      %get3A_116 = arith.index_cast %get3A_115 : i32 to index
      %get3A_117 = arith.index_cast %mul3A_114 : i32 to index
      %get3A_118 = tpu.vector_load %arg5[%get3A_116, %get3A_117] {strides = array<i32>} : memref<64x128xf32, #tpu.memory_space<vmem>>, vector<16xf32>,
      %gt3A_119 = arith.cmpf ogt, %get3A_118, %broadcast_in_dim3A_37 : vector<16xf32>
      %broadcast_in_dim3A_120 = arith.constant 128 : i32
      %broadcast_in_dim3A_121 = vector.broadcast %broadcast_in_dim3A_120 : i32 to vector<16xi32>
      %select_n3A_122 = arith.select %gt3A_119, %broadcast_in_dim3A_121, %broadcast_in_dim3A_39 : vector<16xi1>, vector<16xi32>
      %or3A_123 = arith.ori %or3A_112, %select_n3A_122 : vector<16xi32>
      %mul3A_124 = arith.constant 16 : i32
      %mul3A_125 = arith.muli %scan3A_34, %mul3A_124 : i32
      %get3A_126 = arith.constant 8 : i32
      %get3A_127 = arith.index_cast %get3A_126 : i32 to index
      %get3A_128 = arith.index_cast %mul3A_125 : i32 to index
      %get3A_129 = tpu.vector_load %arg5[%get3A_127, %get3A_128] {strides = array<i32>} : memref<64x128xf32, #tpu.memory_space<vmem>>, vector<16xf32>,
      %gt3A_130 = arith.cmpf ogt, %get3A_129, %broadcast_in_dim3A_37 : vector<16xf32>
      %broadcast_in_dim3A_131 = arith.constant 256 : i32
      %broadcast_in_dim3A_132 = vector.broadcast %broadcast_in_dim3A_131 : i32 to vector<16xi32>
      %select_n3A_133 = arith.select %gt3A_130, %broadcast_in_dim3A_132, %broadcast_in_dim3A_39 : vector<16xi1>, vector<16xi32>
      %or3A_134 = arith.ori %or3A_123, %select_n3A_133 : vector<16xi32>
      %mul3A_135 = arith.constant 16 : i32
      %mul3A_136 = arith.muli %scan3A_34, %mul3A_135 : i32
      %get3A_137 = arith.constant 9 : i32
      %get3A_138 = arith.index_cast %get3A_137 : i32 to index
      %get3A_139 = arith.index_cast %mul3A_136 : i32 to index
      %get3A_140 = tpu.vector_load %arg5[%get3A_138, %get3A_139] {strides = array<i32>} : memref<64x128xf32, #tpu.memory_space<vmem>>, vector<16xf32>,
      %gt3A_141 = arith.cmpf ogt, %get3A_140, %broadcast_in_dim3A_37 : vector<16xf32>
      %broadcast_in_dim3A_142 = arith.constant 512 : i32
      %broadcast_in_dim3A_143 = vector.broadcast %broadcast_in_dim3A_142 : i32 to vector<16xi32>
      %select_n3A_144 = arith.select %gt3A_141, %broadcast_in_dim3A_143, %broadcast_in_dim3A_39 : vector<16xi1>, vector<16xi32>
      %or3A_145 = arith.ori %or3A_134, %select_n3A_144 : vector<16xi32>
      %mul3A_146 = arith.constant 16 : i32
      %mul3A_147 = arith.muli %scan3A_34, %mul3A_146 : i32
      %get3A_148 = arith.constant 10 : i32
      %get3A_149 = arith.index_cast %get3A_148 : i32 to index
      %get3A_150 = arith.index_cast %mul3A_147 : i32 to index
      %get3A_151 = tpu.vector_load %arg5[%get3A_149, %get3A_150] {strides = array<i32>} : memref<64x128xf32, #tpu.memory_space<vmem>>, vector<16xf32>,
      %gt3A_152 = arith.cmpf ogt, %get3A_151, %broadcast_in_dim3A_37 : vector<16xf32>
      %broadcast_in_dim3A_153 = arith.constant 1024 : i32
      %broadcast_in_dim3A_154 = vector.broadcast %broadcast_in_dim3A_153 : i32 to vector<16xi32>
      %select_n3A_155 = arith.select %gt3A_152, %broadcast_in_dim3A_154, %broadcast_in_dim3A_39 : vector<16xi1>, vector<16xi32>
      %or3A_156 = arith.ori %or3A_145, %select_n3A_155 : vector<16xi32>
      %mul3A_157 = arith.constant 16 : i32
      %mul3A_158 = arith.muli %scan3A_34, %mul3A_157 : i32
      %get3A_159 = arith.constant 11 : i32
      %get3A_160 = arith.index_cast %get3A_159 : i32 to index
      %get3A_161 = arith.index_cast %mul3A_158 : i32 to index
      %get3A_162 = tpu.vector_load %arg5[%get3A_160, %get3A_161] {strides = array<i32>} : memref<64x128xf32, #tpu.memory_space<vmem>>, vector<16xf32>,
      %gt3A_163 = arith.cmpf ogt, %get3A_162, %broadcast_in_dim3A_37 : vector<16xf32>
      %broadcast_in_dim3A_164 = arith.constant 2048 : i32
      %broadcast_in_dim3A_165 = vector.broadcast %broadcast_in_dim3A_164 : i32 to vector<16xi32>
      %select_n3A_166 = arith.select %gt3A_163, %broadcast_in_dim3A_165, %broadcast_in_dim3A_39 : vector<16xi1>, vector<16xi32>
      %or3A_167 = arith.ori %or3A_156, %select_n3A_166 : vector<16xi32>
      %mul3A_168 = arith.constant 16 : i32
      %mul3A_169 = arith.muli %scan3A_34, %mul3A_168 : i32
      %get3A_170 = arith.constant 12 : i32
      %get3A_171 = arith.index_cast %get3A_170 : i32 to index
      %get3A_172 = arith.index_cast %mul3A_169 : i32 to index
      %get3A_173 = tpu.vector_load %arg5[%get3A_171, %get3A_172] {strides = array<i32>} : memref<64x128xf32, #tpu.memory_space<vmem>>, vector<16xf32>,
      %gt3A_174 = arith.cmpf ogt, %get3A_173, %broadcast_in_dim3A_37 : vector<16xf32>
      %broadcast_in_dim3A_175 = arith.constant 4096 : i32
      %broadcast_in_dim3A_176 = vector.broadcast %broadcast_in_dim3A_175 : i32 to vector<16xi32>
      %select_n3A_177 = arith.select %gt3A_174, %broadcast_in_dim3A_176, %broadcast_in_dim3A_39 : vector<16xi1>, vector<16xi32>
      %or3A_178 = arith.ori %or3A_167, %select_n3A_177 : vector<16xi32>
      %mul3A_179 = arith.constant 16 : i32
      %mul3A_180 = arith.muli %scan3A_34, %mul3A_179 : i32
      %get3A_181 = arith.constant 13 : i32
      %get3A_182 = arith.index_cast %get3A_181 : i32 to index
      %get3A_183 = arith.index_cast %mul3A_180 : i32 to index
      %get3A_184 = tpu.vector_load %arg5[%get3A_182, %get3A_183] {strides = array<i32>} : memref<64x128xf32, #tpu.memory_space<vmem>>, vector<16xf32>,
      %gt3A_185 = arith.cmpf ogt, %get3A_184, %broadcast_in_dim3A_37 : vector<16xf32>
      %broadcast_in_dim3A_186 = arith.constant 8192 : i32
      %broadcast_in_dim3A_187 = vector.broadcast %broadcast_in_dim3A_186 : i32 to vector<16xi32>
      %select_n3A_188 = arith.select %gt3A_185, %broadcast_in_dim3A_187, %broadcast_in_dim3A_39 : vector<16xi1>, vector<16xi32>
      %or3A_189 = arith.ori %or3A_178, %select_n3A_188 : vector<16xi32>
      %mul3A_190 = arith.constant 16 : i32
      %mul3A_191 = arith.muli %scan3A_34, %mul3A_190 : i32
      %get3A_192 = arith.constant 14 : i32
      %get3A_193 = arith.index_cast %get3A_192 : i32 to index
      %get3A_194 = arith.index_cast %mul3A_191 : i32 to index
      %get3A_195 = tpu.vector_load %arg5[%get3A_193, %get3A_194] {strides = array<i32>} : memref<64x128xf32, #tpu.memory_space<vmem>>, vector<16xf32>,
      %gt3A_196 = arith.cmpf ogt, %get3A_195, %broadcast_in_dim3A_37 : vector<16xf32>
      %broadcast_in_dim3A_197 = arith.constant 16384 : i32
      %broadcast_in_dim3A_198 = vector.broadcast %broadcast_in_dim3A_197 : i32 to vector<16xi32>
      %select_n3A_199 = arith.select %gt3A_196, %broadcast_in_dim3A_198, %broadcast_in_dim3A_39 : vector<16xi1>, vector<16xi32>
      %or3A_200 = arith.ori %or3A_189, %select_n3A_199 : vector<16xi32>
      %mul3A_201 = arith.constant 16 : i32
      %mul3A_202 = arith.muli %scan3A_34, %mul3A_201 : i32
      %get3A_203 = arith.constant 15 : i32
      %get3A_204 = arith.index_cast %get3A_203 : i32 to index
      %get3A_205 = arith.index_cast %mul3A_202 : i32 to index
      %get3A_206 = tpu.vector_load %arg5[%get3A_204, %get3A_205] {strides = array<i32>} : memref<64x128xf32, #tpu.memory_space<vmem>>, vector<16xf32>,
      %gt3A_207 = arith.cmpf ogt, %get3A_206, %broadcast_in_dim3A_37 : vector<16xf32>
      %broadcast_in_dim3A_208 = arith.constant 32768 : i32
      %broadcast_in_dim3A_209 = vector.broadcast %broadcast_in_dim3A_208 : i32 to vector<16xi32>
      %select_n3A_210 = arith.select %gt3A_207, %broadcast_in_dim3A_209, %broadcast_in_dim3A_39 : vector<16xi1>, vector<16xi32>
      %or3A_211 = arith.ori %or3A_200, %select_n3A_210 : vector<16xi32>
      %mul3A_212 = arith.constant 16 : i32
      %mul3A_213 = arith.muli %scan3A_34, %mul3A_212 : i32
      %get3A_214 = arith.constant 16 : i32
      %get3A_215 = arith.index_cast %get3A_214 : i32 to index
      %get3A_216 = arith.index_cast %mul3A_213 : i32 to index
      %get3A_217 = tpu.vector_load %arg5[%get3A_215, %get3A_216] {strides = array<i32>} : memref<64x128xf32, #tpu.memory_space<vmem>>, vector<16xf32>,
      %gt3A_218 = arith.cmpf ogt, %get3A_217, %broadcast_in_dim3A_37 : vector<16xf32>
      %broadcast_in_dim3A_219 = arith.constant 65536 : i32
      %broadcast_in_dim3A_220 = vector.broadcast %broadcast_in_dim3A_219 : i32 to vector<16xi32>
      %select_n3A_221 = arith.select %gt3A_218, %broadcast_in_dim3A_220, %broadcast_in_dim3A_39 : vector<16xi1>, vector<16xi32>
      %or3A_222 = arith.ori %or3A_211, %select_n3A_221 : vector<16xi32>
      %mul3A_223 = arith.constant 16 : i32
      %mul3A_224 = arith.muli %scan3A_34, %mul3A_223 : i32
      %get3A_225 = arith.constant 17 : i32
      %get3A_226 = arith.index_cast %get3A_225 : i32 to index
      %get3A_227 = arith.index_cast %mul3A_224 : i32 to index
      %get3A_228 = tpu.vector_load %arg5[%get3A_226, %get3A_227] {strides = array<i32>} : memref<64x128xf32, #tpu.memory_space<vmem>>, vector<16xf32>,
      %gt3A_229 = arith.cmpf ogt, %get3A_228, %broadcast_in_dim3A_37 : vector<16xf32>
      %broadcast_in_dim3A_230 = arith.constant 131072 : i32
      %broadcast_in_dim3A_231 = vector.broadcast %broadcast_in_dim3A_230 : i32 to vector<16xi32>
      %select_n3A_232 = arith.select %gt3A_229, %broadcast_in_dim3A_231, %broadcast_in_dim3A_39 : vector<16xi1>, vector<16xi32>
      %or3A_233 = arith.ori %or3A_222, %select_n3A_232 : vector<16xi32>
      %mul3A_234 = arith.constant 16 : i32
      %mul3A_235 = arith.muli %scan3A_34, %mul3A_234 : i32
      %get3A_236 = arith.constant 18 : i32
      %get3A_237 = arith.index_cast %get3A_236 : i32 to index
      %get3A_238 = arith.index_cast %mul3A_235 : i32 to index
      %get3A_239 = tpu.vector_load %arg5[%get3A_237, %get3A_238] {strides = array<i32>} : memref<64x128xf32, #tpu.memory_space<vmem>>, vector<16xf32>,
      %gt3A_240 = arith.cmpf ogt, %get3A_239, %broadcast_in_dim3A_37 : vector<16xf32>
      %broadcast_in_dim3A_241 = arith.constant 262144 : i32
      %broadcast_in_dim3A_242 = vector.broadcast %broadcast_in_dim3A_241 : i32 to vector<16xi32>
      %select_n3A_243 = arith.select %gt3A_240, %broadcast_in_dim3A_242, %broadcast_in_dim3A_39 : vector<16xi1>, vector<16xi32>
      %or3A_244 = arith.ori %or3A_233, %select_n3A_243 : vector<16xi32>
      %mul3A_245 = arith.constant 16 : i32
      %mul3A_246 = arith.muli %scan3A_34, %mul3A_245 : i32
      %get3A_247 = arith.constant 19 : i32
      %get3A_248 = arith.index_cast %get3A_247 : i32 to index
      %get3A_249 = arith.index_cast %mul3A_246 : i32 to index
      %get3A_250 = tpu.vector_load %arg5[%get3A_248, %get3A_249] {strides = array<i32>} : memref<64x128xf32, #tpu.memory_space<vmem>>, vector<16xf32>,
      %gt3A_251 = arith.cmpf ogt, %get3A_250, %broadcast_in_dim3A_37 : vector<16xf32>
      %broadcast_in_dim3A_252 = arith.constant 524288 : i32
      %broadcast_in_dim3A_253 = vector.broadcast %broadcast_in_dim3A_252 : i32 to vector<16xi32>
      %select_n3A_254 = arith.select %gt3A_251, %broadcast_in_dim3A_253, %broadcast_in_dim3A_39 : vector<16xi1>, vector<16xi32>
      %or3A_255 = arith.ori %or3A_244, %select_n3A_254 : vector<16xi32>
      %mul3A_256 = arith.constant 16 : i32
      %mul3A_257 = arith.muli %scan3A_34, %mul3A_256 : i32
      %get3A_258 = arith.constant 20 : i32
      %get3A_259 = arith.index_cast %get3A_258 : i32 to index
      %get3A_260 = arith.index_cast %mul3A_257 : i32 to index
      %get3A_261 = tpu.vector_load %arg5[%get3A_259, %get3A_260] {strides = array<i32>} : memref<64x128xf32, #tpu.memory_space<vmem>>, vector<16xf32>,
      %gt3A_262 = arith.cmpf ogt, %get3A_261, %broadcast_in_dim3A_37 : vector<16xf32>
      %broadcast_in_dim3A_263 = arith.constant 1048576 : i32
      %broadcast_in_dim3A_264 = vector.broadcast %broadcast_in_dim3A_263 : i32 to vector<16xi32>
      %select_n3A_265 = arith.select %gt3A_262, %broadcast_in_dim3A_264, %broadcast_in_dim3A_39 : vector<16xi1>, vector<16xi32>
      %or3A_266 = arith.ori %or3A_255, %select_n3A_265 : vector<16xi32>
      %mul3A_267 = arith.constant 16 : i32
      %mul3A_268 = arith.muli %scan3A_34, %mul3A_267 : i32
      %get3A_269 = arith.constant 21 : i32
      %get3A_270 = arith.index_cast %get3A_269 : i32 to index
      %get3A_271 = arith.index_cast %mul3A_268 : i32 to index
      %get3A_272 = tpu.vector_load %arg5[%get3A_270, %get3A_271] {strides = array<i32>} : memref<64x128xf32, #tpu.memory_space<vmem>>, vector<16xf32>,
      %gt3A_273 = arith.cmpf ogt, %get3A_272, %broadcast_in_dim3A_37 : vector<16xf32>
      %broadcast_in_dim3A_274 = arith.constant 2097152 : i32
      %broadcast_in_dim3A_275 = vector.broadcast %broadcast_in_dim3A_274 : i32 to vector<16xi32>
      %select_n3A_276 = arith.select %gt3A_273, %broadcast_in_dim3A_275, %broadcast_in_dim3A_39 : vector<16xi1>, vector<16xi32>
      %or3A_277 = arith.ori %or3A_266, %select_n3A_276 : vector<16xi32>
      %mul3A_278 = arith.constant 16 : i32
      %mul3A_279 = arith.muli %scan3A_34, %mul3A_278 : i32
      %get3A_280 = arith.constant 22 : i32
      %get3A_281 = arith.index_cast %get3A_280 : i32 to index
      %get3A_282 = arith.index_cast %mul3A_279 : i32 to index
      %get3A_283 = tpu.vector_load %arg5[%get3A_281, %get3A_282] {strides = array<i32>} : memref<64x128xf32, #tpu.memory_space<vmem>>, vector<16xf32>,
      %gt3A_284 = arith.cmpf ogt, %get3A_283, %broadcast_in_dim3A_37 : vector<16xf32>
      %broadcast_in_dim3A_285 = arith.constant 4194304 : i32
      %broadcast_in_dim3A_286 = vector.broadcast %broadcast_in_dim3A_285 : i32 to vector<16xi32>
      %select_n3A_287 = arith.select %gt3A_284, %broadcast_in_dim3A_286, %broadcast_in_dim3A_39 : vector<16xi1>, vector<16xi32>
      %or3A_288 = arith.ori %or3A_277, %select_n3A_287 : vector<16xi32>
      %mul3A_289 = arith.constant 16 : i32
      %mul3A_290 = arith.muli %scan3A_34, %mul3A_289 : i32
      %get3A_291 = arith.constant 23 : i32
      %get3A_292 = arith.index_cast %get3A_291 : i32 to index
      %get3A_293 = arith.index_cast %mul3A_290 : i32 to index
      %get3A_294 = tpu.vector_load %arg5[%get3A_292, %get3A_293] {strides = array<i32>} : memref<64x128xf32, #tpu.memory_space<vmem>>, vector<16xf32>,
      %gt3A_295 = arith.cmpf ogt, %get3A_294, %broadcast_in_dim3A_37 : vector<16xf32>
      %broadcast_in_dim3A_296 = arith.constant 8388608 : i32
      %broadcast_in_dim3A_297 = vector.broadcast %broadcast_in_dim3A_296 : i32 to vector<16xi32>
      %select_n3A_298 = arith.select %gt3A_295, %broadcast_in_dim3A_297, %broadcast_in_dim3A_39 : vector<16xi1>, vector<16xi32>
      %or3A_299 = arith.ori %or3A_288, %select_n3A_298 : vector<16xi32>
      %mul3A_300 = arith.constant 16 : i32
      %mul3A_301 = arith.muli %scan3A_34, %mul3A_300 : i32
      %get3A_302 = arith.constant 24 : i32
      %get3A_303 = arith.index_cast %get3A_302 : i32 to index
      %get3A_304 = arith.index_cast %mul3A_301 : i32 to index
      %get3A_305 = tpu.vector_load %arg5[%get3A_303, %get3A_304] {strides = array<i32>} : memref<64x128xf32, #tpu.memory_space<vmem>>, vector<16xf32>,
      %gt3A_306 = arith.cmpf ogt, %get3A_305, %broadcast_in_dim3A_37 : vector<16xf32>
      %broadcast_in_dim3A_307 = arith.constant 16777216 : i32
      %broadcast_in_dim3A_308 = vector.broadcast %broadcast_in_dim3A_307 : i32 to vector<16xi32>
      %select_n3A_309 = arith.select %gt3A_306, %broadcast_in_dim3A_308, %broadcast_in_dim3A_39 : vector<16xi1>, vector<16xi32>
      %or3A_310 = arith.ori %or3A_299, %select_n3A_309 : vector<16xi32>
      %mul3A_311 = arith.constant 16 : i32
      %mul3A_312 = arith.muli %scan3A_34, %mul3A_311 : i32
      %get3A_313 = arith.constant 25 : i32
      %get3A_314 = arith.index_cast %get3A_313 : i32 to index
      %get3A_315 = arith.index_cast %mul3A_312 : i32 to index
      %get3A_316 = tpu.vector_load %arg5[%get3A_314, %get3A_315] {strides = array<i32>} : memref<64x128xf32, #tpu.memory_space<vmem>>, vector<16xf32>,
      %gt3A_317 = arith.cmpf ogt, %get3A_316, %broadcast_in_dim3A_37 : vector<16xf32>
      %broadcast_in_dim3A_318 = arith.constant 33554432 : i32
      %broadcast_in_dim3A_319 = vector.broadcast %broadcast_in_dim3A_318 : i32 to vector<16xi32>
      %select_n3A_320 = arith.select %gt3A_317, %broadcast_in_dim3A_319, %broadcast_in_dim3A_39 : vector<16xi1>, vector<16xi32>
      %or3A_321 = arith.ori %or3A_310, %select_n3A_320 : vector<16xi32>
      %mul3A_322 = arith.constant 16 : i32
      %mul3A_323 = arith.muli %scan3A_34, %mul3A_322 : i32
      %get3A_324 = arith.constant 26 : i32
      %get3A_325 = arith.index_cast %get3A_324 : i32 to index
      %get3A_326 = arith.index_cast %mul3A_323 : i32 to index
      %get3A_327 = tpu.vector_load %arg5[%get3A_325, %get3A_326] {strides = array<i32>} : memref<64x128xf32, #tpu.memory_space<vmem>>, vector<16xf32>,
      %gt3A_328 = arith.cmpf ogt, %get3A_327, %broadcast_in_dim3A_37 : vector<16xf32>
      %broadcast_in_dim3A_329 = arith.constant 67108864 : i32
      %broadcast_in_dim3A_330 = vector.broadcast %broadcast_in_dim3A_329 : i32 to vector<16xi32>
      %select_n3A_331 = arith.select %gt3A_328, %broadcast_in_dim3A_330, %broadcast_in_dim3A_39 : vector<16xi1>, vector<16xi32>
      %or3A_332 = arith.ori %or3A_321, %select_n3A_331 : vector<16xi32>
      %mul3A_333 = arith.constant 16 : i32
      %mul3A_334 = arith.muli %scan3A_34, %mul3A_333 : i32
      %get3A_335 = arith.constant 27 : i32
      %get3A_336 = arith.index_cast %get3A_335 : i32 to index
      %get3A_337 = arith.index_cast %mul3A_334 : i32 to index
      %get3A_338 = tpu.vector_load %arg5[%get3A_336, %get3A_337] {strides = array<i32>} : memref<64x128xf32, #tpu.memory_space<vmem>>, vector<16xf32>,
      %gt3A_339 = arith.cmpf ogt, %get3A_338, %broadcast_in_dim3A_37 : vector<16xf32>
      %broadcast_in_dim3A_340 = arith.constant 134217728 : i32
      %broadcast_in_dim3A_341 = vector.broadcast %broadcast_in_dim3A_340 : i32 to vector<16xi32>
      %select_n3A_342 = arith.select %gt3A_339, %broadcast_in_dim3A_341, %broadcast_in_dim3A_39 : vector<16xi1>, vector<16xi32>
      %or3A_343 = arith.ori %or3A_332, %select_n3A_342 : vector<16xi32>
      %mul3A_344 = arith.constant 16 : i32
      %mul3A_345 = arith.muli %scan3A_34, %mul3A_344 : i32
      %get3A_346 = arith.constant 28 : i32
      %get3A_347 = arith.index_cast %get3A_346 : i32 to index
      %get3A_348 = arith.index_cast %mul3A_345 : i32 to index
      %get3A_349 = tpu.vector_load %arg5[%get3A_347, %get3A_348] {strides = array<i32>} : memref<64x128xf32, #tpu.memory_space<vmem>>, vector<16xf32>,
      %gt3A_350 = arith.cmpf ogt, %get3A_349, %broadcast_in_dim3A_37 : vector<16xf32>
      %broadcast_in_dim3A_351 = arith.constant 268435456 : i32
      %broadcast_in_dim3A_352 = vector.broadcast %broadcast_in_dim3A_351 : i32 to vector<16xi32>
      %select_n3A_353 = arith.select %gt3A_350, %broadcast_in_dim3A_352, %broadcast_in_dim3A_39 : vector<16xi1>, vector<16xi32>
      %or3A_354 = arith.ori %or3A_343, %select_n3A_353 : vector<16xi32>
      %mul3A_355 = arith.constant 16 : i32
      %mul3A_356 = arith.muli %scan3A_34, %mul3A_355 : i32
      %get3A_357 = arith.constant 29 : i32
      %get3A_358 = arith.index_cast %get3A_357 : i32 to index
      %get3A_359 = arith.index_cast %mul3A_356 : i32 to index
      %get3A_360 = tpu.vector_load %arg5[%get3A_358, %get3A_359] {strides = array<i32>} : memref<64x128xf32, #tpu.memory_space<vmem>>, vector<16xf32>,
      %gt3A_361 = arith.cmpf ogt, %get3A_360, %broadcast_in_dim3A_37 : vector<16xf32>
      %broadcast_in_dim3A_362 = arith.constant 536870912 : i32
      %broadcast_in_dim3A_363 = vector.broadcast %broadcast_in_dim3A_362 : i32 to vector<16xi32>
      %select_n3A_364 = arith.select %gt3A_361, %broadcast_in_dim3A_363, %broadcast_in_dim3A_39 : vector<16xi1>, vector<16xi32>
      %or3A_365 = arith.ori %or3A_354, %select_n3A_364 : vector<16xi32>
      %mul3A_366 = arith.constant 16 : i32
      %mul3A_367 = arith.muli %scan3A_34, %mul3A_366 : i32
      %get3A_368 = arith.constant 30 : i32
      %get3A_369 = arith.index_cast %get3A_368 : i32 to index
      %get3A_370 = arith.index_cast %mul3A_367 : i32 to index
      %get3A_371 = tpu.vector_load %arg5[%get3A_369, %get3A_370] {strides = array<i32>} : memref<64x128xf32, #tpu.memory_space<vmem>>, vector<16xf32>,
      %gt3A_372 = arith.cmpf ogt, %get3A_371, %broadcast_in_dim3A_37 : vector<16xf32>
      %broadcast_in_dim3A_373 = arith.constant 1073741824 : i32
      %broadcast_in_dim3A_374 = vector.broadcast %broadcast_in_dim3A_373 : i32 to vector<16xi32>
      %select_n3A_375 = arith.select %gt3A_372, %broadcast_in_dim3A_374, %broadcast_in_dim3A_39 : vector<16xi1>, vector<16xi32>
      %or3A_376 = arith.ori %or3A_365, %select_n3A_375 : vector<16xi32>
      %mul3A_377 = arith.constant 16 : i32
      %mul3A_378 = arith.muli %scan3A_34, %mul3A_377 : i32
      %get3A_379 = arith.constant 31 : i32
      %get3A_380 = arith.index_cast %get3A_379 : i32 to index
      %get3A_381 = arith.index_cast %mul3A_378 : i32 to index
      %get3A_382 = tpu.vector_load %arg5[%get3A_380, %get3A_381] {strides = array<i32>} : memref<64x128xf32, #tpu.memory_space<vmem>>, vector<16xf32>,
      %gt3A_383 = arith.cmpf ogt, %get3A_382, %broadcast_in_dim3A_37 : vector<16xf32>
      %broadcast_in_dim3A_384 = arith.constant -2147483648 : i32
      %broadcast_in_dim3A_385 = vector.broadcast %broadcast_in_dim3A_384 : i32 to vector<16xi32>
      %select_n3A_386 = arith.select %gt3A_383, %broadcast_in_dim3A_385, %broadcast_in_dim3A_39 : vector<16xi1>, vector<16xi32>
      %or3A_387 = arith.ori %or3A_376, %select_n3A_386 : vector<16xi32>
      %mul3A_388 = arith.constant 16 : i32
      %mul3A_389 = arith.muli %scan3A_34, %mul3A_388 : i32
      %get3A_390 = arith.constant 32 : i32
      %get3A_391 = arith.index_cast %get3A_390 : i32 to index
      %get3A_392 = arith.index_cast %mul3A_389 : i32 to index
      %get3A_393 = tpu.vector_load %arg5[%get3A_391, %get3A_392] {strides = array<i32>} : memref<64x128xf32, #tpu.memory_space<vmem>>, vector<16xf32>,
      %gt3A_394 = arith.cmpf ogt, %get3A_393, %broadcast_in_dim3A_37 : vector<16xf32>
      %broadcast_in_dim3A_395 = arith.constant 1 : i32
      %broadcast_in_dim3A_396 = vector.broadcast %broadcast_in_dim3A_395 : i32 to vector<16xi32>
      %select_n3A_397 = arith.select %gt3A_394, %broadcast_in_dim3A_396, %broadcast_in_dim3A_39 : vector<16xi1>, vector<16xi32>
      %or3A_398 = arith.ori %broadcast_in_dim3A_39, %select_n3A_397 : vector<16xi32>
      %mul3A_399 = arith.constant 16 : i32
      %mul3A_400 = arith.muli %scan3A_34, %mul3A_399 : i32
      %get3A_401 = arith.constant 33 : i32
      %get3A_402 = arith.index_cast %get3A_401 : i32 to index
      %get3A_403 = arith.index_cast %mul3A_400 : i32 to index
      %get3A_404 = tpu.vector_load %arg5[%get3A_402, %get3A_403] {strides = array<i32>} : memref<64x128xf32, #tpu.memory_space<vmem>>, vector<16xf32>,
      %gt3A_405 = arith.cmpf ogt, %get3A_404, %broadcast_in_dim3A_37 : vector<16xf32>
      %broadcast_in_dim3A_406 = arith.constant 2 : i32
      %broadcast_in_dim3A_407 = vector.broadcast %broadcast_in_dim3A_406 : i32 to vector<16xi32>
      %select_n3A_408 = arith.select %gt3A_405, %broadcast_in_dim3A_407, %broadcast_in_dim3A_39 : vector<16xi1>, vector<16xi32>
      %or3A_409 = arith.ori %or3A_398, %select_n3A_408 : vector<16xi32>
      %mul3A_410 = arith.constant 16 : i32
      %mul3A_411 = arith.muli %scan3A_34, %mul3A_410 : i32
      %get3A_412 = arith.constant 34 : i32
      %get3A_413 = arith.index_cast %get3A_412 : i32 to index
      %get3A_414 = arith.index_cast %mul3A_411 : i32 to index
      %get3A_415 = tpu.vector_load %arg5[%get3A_413, %get3A_414] {strides = array<i32>} : memref<64x128xf32, #tpu.memory_space<vmem>>, vector<16xf32>,
      %gt3A_416 = arith.cmpf ogt, %get3A_415, %broadcast_in_dim3A_37 : vector<16xf32>
      %broadcast_in_dim3A_417 = arith.constant 4 : i32
      %broadcast_in_dim3A_418 = vector.broadcast %broadcast_in_dim3A_417 : i32 to vector<16xi32>
      %select_n3A_419 = arith.select %gt3A_416, %broadcast_in_dim3A_418, %broadcast_in_dim3A_39 : vector<16xi1>, vector<16xi32>
      %or3A_420 = arith.ori %or3A_409, %select_n3A_419 : vector<16xi32>
      %mul3A_421 = arith.constant 16 : i32
      %mul3A_422 = arith.muli %scan3A_34, %mul3A_421 : i32
      %get3A_423 = arith.constant 35 : i32
      %get3A_424 = arith.index_cast %get3A_423 : i32 to index
      %get3A_425 = arith.index_cast %mul3A_422 : i32 to index
      %get3A_426 = tpu.vector_load %arg5[%get3A_424, %get3A_425] {strides = array<i32>} : memref<64x128xf32, #tpu.memory_space<vmem>>, vector<16xf32>,
      %gt3A_427 = arith.cmpf ogt, %get3A_426, %broadcast_in_dim3A_37 : vector<16xf32>
      %broadcast_in_dim3A_428 = arith.constant 8 : i32
      %broadcast_in_dim3A_429 = vector.broadcast %broadcast_in_dim3A_428 : i32 to vector<16xi32>
      %select_n3A_430 = arith.select %gt3A_427, %broadcast_in_dim3A_429, %broadcast_in_dim3A_39 : vector<16xi1>, vector<16xi32>
      %or3A_431 = arith.ori %or3A_420, %select_n3A_430 : vector<16xi32>
      %mul3A_432 = arith.constant 16 : i32
      %mul3A_433 = arith.muli %scan3A_34, %mul3A_432 : i32
      %get3A_434 = arith.constant 36 : i32
      %get3A_435 = arith.index_cast %get3A_434 : i32 to index
      %get3A_436 = arith.index_cast %mul3A_433 : i32 to index
      %get3A_437 = tpu.vector_load %arg5[%get3A_435, %get3A_436] {strides = array<i32>} : memref<64x128xf32, #tpu.memory_space<vmem>>, vector<16xf32>,
      %gt3A_438 = arith.cmpf ogt, %get3A_437, %broadcast_in_dim3A_37 : vector<16xf32>
      %broadcast_in_dim3A_439 = arith.constant 16 : i32
      %broadcast_in_dim3A_440 = vector.broadcast %broadcast_in_dim3A_439 : i32 to vector<16xi32>
      %select_n3A_441 = arith.select %gt3A_438, %broadcast_in_dim3A_440, %broadcast_in_dim3A_39 : vector<16xi1>, vector<16xi32>
      %or3A_442 = arith.ori %or3A_431, %select_n3A_441 : vector<16xi32>
      %mul3A_443 = arith.constant 16 : i32
      %mul3A_444 = arith.muli %scan3A_34, %mul3A_443 : i32
      %get3A_445 = arith.constant 37 : i32
      %get3A_446 = arith.index_cast %get3A_445 : i32 to index
      %get3A_447 = arith.index_cast %mul3A_444 : i32 to index
      %get3A_448 = tpu.vector_load %arg5[%get3A_446, %get3A_447] {strides = array<i32>} : memref<64x128xf32, #tpu.memory_space<vmem>>, vector<16xf32>,
      %gt3A_449 = arith.cmpf ogt, %get3A_448, %broadcast_in_dim3A_37 : vector<16xf32>
      %broadcast_in_dim3A_450 = arith.constant 32 : i32
      %broadcast_in_dim3A_451 = vector.broadcast %broadcast_in_dim3A_450 : i32 to vector<16xi32>
      %select_n3A_452 = arith.select %gt3A_449, %broadcast_in_dim3A_451, %broadcast_in_dim3A_39 : vector<16xi1>, vector<16xi32>
      %or3A_453 = arith.ori %or3A_442, %select_n3A_452 : vector<16xi32>
      %mul3A_454 = arith.constant 16 : i32
      %mul3A_455 = arith.muli %scan3A_34, %mul3A_454 : i32
      %get3A_456 = arith.constant 38 : i32
      %get3A_457 = arith.index_cast %get3A_456 : i32 to index
      %get3A_458 = arith.index_cast %mul3A_455 : i32 to index
      %get3A_459 = tpu.vector_load %arg5[%get3A_457, %get3A_458] {strides = array<i32>} : memref<64x128xf32, #tpu.memory_space<vmem>>, vector<16xf32>,
      %gt3A_460 = arith.cmpf ogt, %get3A_459, %broadcast_in_dim3A_37 : vector<16xf32>
      %broadcast_in_dim3A_461 = arith.constant 64 : i32
      %broadcast_in_dim3A_462 = vector.broadcast %broadcast_in_dim3A_461 : i32 to vector<16xi32>
      %select_n3A_463 = arith.select %gt3A_460, %broadcast_in_dim3A_462, %broadcast_in_dim3A_39 : vector<16xi1>, vector<16xi32>
      %or3A_464 = arith.ori %or3A_453, %select_n3A_463 : vector<16xi32>
      %mul3A_465 = arith.constant 16 : i32
      %mul3A_466 = arith.muli %scan3A_34, %mul3A_465 : i32
      %get3A_467 = arith.constant 39 : i32
      %get3A_468 = arith.index_cast %get3A_467 : i32 to index
      %get3A_469 = arith.index_cast %mul3A_466 : i32 to index
      %get3A_470 = tpu.vector_load %arg5[%get3A_468, %get3A_469] {strides = array<i32>} : memref<64x128xf32, #tpu.memory_space<vmem>>, vector<16xf32>,
      %gt3A_471 = arith.cmpf ogt, %get3A_470, %broadcast_in_dim3A_37 : vector<16xf32>
      %broadcast_in_dim3A_472 = arith.constant 128 : i32
      %broadcast_in_dim3A_473 = vector.broadcast %broadcast_in_dim3A_472 : i32 to vector<16xi32>
      %select_n3A_474 = arith.select %gt3A_471, %broadcast_in_dim3A_473, %broadcast_in_dim3A_39 : vector<16xi1>, vector<16xi32>
      %or3A_475 = arith.ori %or3A_464, %select_n3A_474 : vector<16xi32>
      %mul3A_476 = arith.constant 16 : i32
      %mul3A_477 = arith.muli %scan3A_34, %mul3A_476 : i32
      %get3A_478 = arith.constant 40 : i32
      %get3A_479 = arith.index_cast %get3A_478 : i32 to index
      %get3A_480 = arith.index_cast %mul3A_477 : i32 to index
      %get3A_481 = tpu.vector_load %arg5[%get3A_479, %get3A_480] {strides = array<i32>} : memref<64x128xf32, #tpu.memory_space<vmem>>, vector<16xf32>,
      %gt3A_482 = arith.cmpf ogt, %get3A_481, %broadcast_in_dim3A_37 : vector<16xf32>
      %broadcast_in_dim3A_483 = arith.constant 256 : i32
      %broadcast_in_dim3A_484 = vector.broadcast %broadcast_in_dim3A_483 : i32 to vector<16xi32>
      %select_n3A_485 = arith.select %gt3A_482, %broadcast_in_dim3A_484, %broadcast_in_dim3A_39 : vector<16xi1>, vector<16xi32>
      %or3A_486 = arith.ori %or3A_475, %select_n3A_485 : vector<16xi32>
      %mul3A_487 = arith.constant 16 : i32
      %mul3A_488 = arith.muli %scan3A_34, %mul3A_487 : i32
      %get3A_489 = arith.constant 41 : i32
      %get3A_490 = arith.index_cast %get3A_489 : i32 to index
      %get3A_491 = arith.index_cast %mul3A_488 : i32 to index
      %get3A_492 = tpu.vector_load %arg5[%get3A_490, %get3A_491] {strides = array<i32>} : memref<64x128xf32, #tpu.memory_space<vmem>>, vector<16xf32>,
      %gt3A_493 = arith.cmpf ogt, %get3A_492, %broadcast_in_dim3A_37 : vector<16xf32>
      %broadcast_in_dim3A_494 = arith.constant 512 : i32
      %broadcast_in_dim3A_495 = vector.broadcast %broadcast_in_dim3A_494 : i32 to vector<16xi32>
      %select_n3A_496 = arith.select %gt3A_493, %broadcast_in_dim3A_495, %broadcast_in_dim3A_39 : vector<16xi1>, vector<16xi32>
      %or3A_497 = arith.ori %or3A_486, %select_n3A_496 : vector<16xi32>
      %mul3A_498 = arith.constant 16 : i32
      %mul3A_499 = arith.muli %scan3A_34, %mul3A_498 : i32
      %get3A_500 = arith.constant 42 : i32
      %get3A_501 = arith.index_cast %get3A_500 : i32 to index
      %get3A_502 = arith.index_cast %mul3A_499 : i32 to index
      %get3A_503 = tpu.vector_load %arg5[%get3A_501, %get3A_502] {strides = array<i32>} : memref<64x128xf32, #tpu.memory_space<vmem>>, vector<16xf32>,
      %gt3A_504 = arith.cmpf ogt, %get3A_503, %broadcast_in_dim3A_37 : vector<16xf32>
      %broadcast_in_dim3A_505 = arith.constant 1024 : i32
      %broadcast_in_dim3A_506 = vector.broadcast %broadcast_in_dim3A_505 : i32 to vector<16xi32>
      %select_n3A_507 = arith.select %gt3A_504, %broadcast_in_dim3A_506, %broadcast_in_dim3A_39 : vector<16xi1>, vector<16xi32>
      %or3A_508 = arith.ori %or3A_497, %select_n3A_507 : vector<16xi32>
      %mul3A_509 = arith.constant 16 : i32
      %mul3A_510 = arith.muli %scan3A_34, %mul3A_509 : i32
      %get3A_511 = arith.constant 43 : i32
      %get3A_512 = arith.index_cast %get3A_511 : i32 to index
      %get3A_513 = arith.index_cast %mul3A_510 : i32 to index
      %get3A_514 = tpu.vector_load %arg5[%get3A_512, %get3A_513] {strides = array<i32>} : memref<64x128xf32, #tpu.memory_space<vmem>>, vector<16xf32>,
      %gt3A_515 = arith.cmpf ogt, %get3A_514, %broadcast_in_dim3A_37 : vector<16xf32>
      %broadcast_in_dim3A_516 = arith.constant 2048 : i32
      %broadcast_in_dim3A_517 = vector.broadcast %broadcast_in_dim3A_516 : i32 to vector<16xi32>
      %select_n3A_518 = arith.select %gt3A_515, %broadcast_in_dim3A_517, %broadcast_in_dim3A_39 : vector<16xi1>, vector<16xi32>
      %or3A_519 = arith.ori %or3A_508, %select_n3A_518 : vector<16xi32>
      %mul3A_520 = arith.constant 16 : i32
      %mul3A_521 = arith.muli %scan3A_34, %mul3A_520 : i32
      %get3A_522 = arith.constant 44 : i32
      %get3A_523 = arith.index_cast %get3A_522 : i32 to index
      %get3A_524 = arith.index_cast %mul3A_521 : i32 to index
      %get3A_525 = tpu.vector_load %arg5[%get3A_523, %get3A_524] {strides = array<i32>} : memref<64x128xf32, #tpu.memory_space<vmem>>, vector<16xf32>,
      %gt3A_526 = arith.cmpf ogt, %get3A_525, %broadcast_in_dim3A_37 : vector<16xf32>
      %broadcast_in_dim3A_527 = arith.constant 4096 : i32
      %broadcast_in_dim3A_528 = vector.broadcast %broadcast_in_dim3A_527 : i32 to vector<16xi32>
      %select_n3A_529 = arith.select %gt3A_526, %broadcast_in_dim3A_528, %broadcast_in_dim3A_39 : vector<16xi1>, vector<16xi32>
      %or3A_530 = arith.ori %or3A_519, %select_n3A_529 : vector<16xi32>
      %mul3A_531 = arith.constant 16 : i32
      %mul3A_532 = arith.muli %scan3A_34, %mul3A_531 : i32
      %get3A_533 = arith.constant 45 : i32
      %get3A_534 = arith.index_cast %get3A_533 : i32 to index
      %get3A_535 = arith.index_cast %mul3A_532 : i32 to index
      %get3A_536 = tpu.vector_load %arg5[%get3A_534, %get3A_535] {strides = array<i32>} : memref<64x128xf32, #tpu.memory_space<vmem>>, vector<16xf32>,
      %gt3A_537 = arith.cmpf ogt, %get3A_536, %broadcast_in_dim3A_37 : vector<16xf32>
      %broadcast_in_dim3A_538 = arith.constant 8192 : i32
      %broadcast_in_dim3A_539 = vector.broadcast %broadcast_in_dim3A_538 : i32 to vector<16xi32>
      %select_n3A_540 = arith.select %gt3A_537, %broadcast_in_dim3A_539, %broadcast_in_dim3A_39 : vector<16xi1>, vector<16xi32>
      %or3A_541 = arith.ori %or3A_530, %select_n3A_540 : vector<16xi32>
      %mul3A_542 = arith.constant 16 : i32
      %mul3A_543 = arith.muli %scan3A_34, %mul3A_542 : i32
      %get3A_544 = arith.constant 46 : i32
      %get3A_545 = arith.index_cast %get3A_544 : i32 to index
      %get3A_546 = arith.index_cast %mul3A_543 : i32 to index
      %get3A_547 = tpu.vector_load %arg5[%get3A_545, %get3A_546] {strides = array<i32>} : memref<64x128xf32, #tpu.memory_space<vmem>>, vector<16xf32>,
      %gt3A_548 = arith.cmpf ogt, %get3A_547, %broadcast_in_dim3A_37 : vector<16xf32>
      %broadcast_in_dim3A_549 = arith.constant 16384 : i32
      %broadcast_in_dim3A_550 = vector.broadcast %broadcast_in_dim3A_549 : i32 to vector<16xi32>
      %select_n3A_551 = arith.select %gt3A_548, %broadcast_in_dim3A_550, %broadcast_in_dim3A_39 : vector<16xi1>, vector<16xi32>
      %or3A_552 = arith.ori %or3A_541, %select_n3A_551 : vector<16xi32>
      %mul3A_553 = arith.constant 16 : i32
      %mul3A_554 = arith.muli %scan3A_34, %mul3A_553 : i32
      %get3A_555 = arith.constant 47 : i32
      %get3A_556 = arith.index_cast %get3A_555 : i32 to index
      %get3A_557 = arith.index_cast %mul3A_554 : i32 to index
      %get3A_558 = tpu.vector_load %arg5[%get3A_556, %get3A_557] {strides = array<i32>} : memref<64x128xf32, #tpu.memory_space<vmem>>, vector<16xf32>,
      %gt3A_559 = arith.cmpf ogt, %get3A_558, %broadcast_in_dim3A_37 : vector<16xf32>
      %broadcast_in_dim3A_560 = arith.constant 32768 : i32
      %broadcast_in_dim3A_561 = vector.broadcast %broadcast_in_dim3A_560 : i32 to vector<16xi32>
      %select_n3A_562 = arith.select %gt3A_559, %broadcast_in_dim3A_561, %broadcast_in_dim3A_39 : vector<16xi1>, vector<16xi32>
      %or3A_563 = arith.ori %or3A_552, %select_n3A_562 : vector<16xi32>
      %mul3A_564 = arith.constant 16 : i32
      %mul3A_565 = arith.muli %scan3A_34, %mul3A_564 : i32
      %get3A_566 = arith.constant 48 : i32
      %get3A_567 = arith.index_cast %get3A_566 : i32 to index
      %get3A_568 = arith.index_cast %mul3A_565 : i32 to index
      %get3A_569 = tpu.vector_load %arg5[%get3A_567, %get3A_568] {strides = array<i32>} : memref<64x128xf32, #tpu.memory_space<vmem>>, vector<16xf32>,
      %gt3A_570 = arith.cmpf ogt, %get3A_569, %broadcast_in_dim3A_37 : vector<16xf32>
      %broadcast_in_dim3A_571 = arith.constant 65536 : i32
      %broadcast_in_dim3A_572 = vector.broadcast %broadcast_in_dim3A_571 : i32 to vector<16xi32>
      %select_n3A_573 = arith.select %gt3A_570, %broadcast_in_dim3A_572, %broadcast_in_dim3A_39 : vector<16xi1>, vector<16xi32>
      %or3A_574 = arith.ori %or3A_563, %select_n3A_573 : vector<16xi32>
      %mul3A_575 = arith.constant 16 : i32
      %mul3A_576 = arith.muli %scan3A_34, %mul3A_575 : i32
      %get3A_577 = arith.constant 49 : i32
      %get3A_578 = arith.index_cast %get3A_577 : i32 to index
      %get3A_579 = arith.index_cast %mul3A_576 : i32 to index
      %get3A_580 = tpu.vector_load %arg5[%get3A_578, %get3A_579] {strides = array<i32>} : memref<64x128xf32, #tpu.memory_space<vmem>>, vector<16xf32>,
      %gt3A_581 = arith.cmpf ogt, %get3A_580, %broadcast_in_dim3A_37 : vector<16xf32>
      %broadcast_in_dim3A_582 = arith.constant 131072 : i32
      %broadcast_in_dim3A_583 = vector.broadcast %broadcast_in_dim3A_582 : i32 to vector<16xi32>
      %select_n3A_584 = arith.select %gt3A_581, %broadcast_in_dim3A_583, %broadcast_in_dim3A_39 : vector<16xi1>, vector<16xi32>
      %or3A_585 = arith.ori %or3A_574, %select_n3A_584 : vector<16xi32>
      %mul3A_586 = arith.constant 16 : i32
      %mul3A_587 = arith.muli %scan3A_34, %mul3A_586 : i32
      %get3A_588 = arith.constant 50 : i32
      %get3A_589 = arith.index_cast %get3A_588 : i32 to index
      %get3A_590 = arith.index_cast %mul3A_587 : i32 to index
      %get3A_591 = tpu.vector_load %arg5[%get3A_589, %get3A_590] {strides = array<i32>} : memref<64x128xf32, #tpu.memory_space<vmem>>, vector<16xf32>,
      %gt3A_592 = arith.cmpf ogt, %get3A_591, %broadcast_in_dim3A_37 : vector<16xf32>
      %broadcast_in_dim3A_593 = arith.constant 262144 : i32
      %broadcast_in_dim3A_594 = vector.broadcast %broadcast_in_dim3A_593 : i32 to vector<16xi32>
      %select_n3A_595 = arith.select %gt3A_592, %broadcast_in_dim3A_594, %broadcast_in_dim3A_39 : vector<16xi1>, vector<16xi32>
      %or3A_596 = arith.ori %or3A_585, %select_n3A_595 : vector<16xi32>
      %mul3A_597 = arith.constant 16 : i32
      %mul3A_598 = arith.muli %scan3A_34, %mul3A_597 : i32
      %get3A_599 = arith.constant 51 : i32
      %get3A_600 = arith.index_cast %get3A_599 : i32 to index
      %get3A_601 = arith.index_cast %mul3A_598 : i32 to index
      %get3A_602 = tpu.vector_load %arg5[%get3A_600, %get3A_601] {strides = array<i32>} : memref<64x128xf32, #tpu.memory_space<vmem>>, vector<16xf32>,
      %gt3A_603 = arith.cmpf ogt, %get3A_602, %broadcast_in_dim3A_37 : vector<16xf32>
      %broadcast_in_dim3A_604 = arith.constant 524288 : i32
      %broadcast_in_dim3A_605 = vector.broadcast %broadcast_in_dim3A_604 : i32 to vector<16xi32>
      %select_n3A_606 = arith.select %gt3A_603, %broadcast_in_dim3A_605, %broadcast_in_dim3A_39 : vector<16xi1>, vector<16xi32>
      %or3A_607 = arith.ori %or3A_596, %select_n3A_606 : vector<16xi32>
      %mul3A_608 = arith.constant 16 : i32
      %mul3A_609 = arith.muli %scan3A_34, %mul3A_608 : i32
      %get3A_610 = arith.constant 52 : i32
      %get3A_611 = arith.index_cast %get3A_610 : i32 to index
      %get3A_612 = arith.index_cast %mul3A_609 : i32 to index
      %get3A_613 = tpu.vector_load %arg5[%get3A_611, %get3A_612] {strides = array<i32>} : memref<64x128xf32, #tpu.memory_space<vmem>>, vector<16xf32>,
      %gt3A_614 = arith.cmpf ogt, %get3A_613, %broadcast_in_dim3A_37 : vector<16xf32>
      %broadcast_in_dim3A_615 = arith.constant 1048576 : i32
      %broadcast_in_dim3A_616 = vector.broadcast %broadcast_in_dim3A_615 : i32 to vector<16xi32>
      %select_n3A_617 = arith.select %gt3A_614, %broadcast_in_dim3A_616, %broadcast_in_dim3A_39 : vector<16xi1>, vector<16xi32>
      %or3A_618 = arith.ori %or3A_607, %select_n3A_617 : vector<16xi32>
      %mul3A_619 = arith.constant 16 : i32
      %mul3A_620 = arith.muli %scan3A_34, %mul3A_619 : i32
      %get3A_621 = arith.constant 53 : i32
      %get3A_622 = arith.index_cast %get3A_621 : i32 to index
      %get3A_623 = arith.index_cast %mul3A_620 : i32 to index
      %get3A_624 = tpu.vector_load %arg5[%get3A_622, %get3A_623] {strides = array<i32>} : memref<64x128xf32, #tpu.memory_space<vmem>>, vector<16xf32>,
      %gt3A_625 = arith.cmpf ogt, %get3A_624, %broadcast_in_dim3A_37 : vector<16xf32>
      %broadcast_in_dim3A_626 = arith.constant 2097152 : i32
      %broadcast_in_dim3A_627 = vector.broadcast %broadcast_in_dim3A_626 : i32 to vector<16xi32>
      %select_n3A_628 = arith.select %gt3A_625, %broadcast_in_dim3A_627, %broadcast_in_dim3A_39 : vector<16xi1>, vector<16xi32>
      %or3A_629 = arith.ori %or3A_618, %select_n3A_628 : vector<16xi32>
      %mul3A_630 = arith.constant 16 : i32
      %mul3A_631 = arith.muli %scan3A_34, %mul3A_630 : i32
      %get3A_632 = arith.constant 54 : i32
      %get3A_633 = arith.index_cast %get3A_632 : i32 to index
      %get3A_634 = arith.index_cast %mul3A_631 : i32 to index
      %get3A_635 = tpu.vector_load %arg5[%get3A_633, %get3A_634] {strides = array<i32>} : memref<64x128xf32, #tpu.memory_space<vmem>>, vector<16xf32>,
      %gt3A_636 = arith.cmpf ogt, %get3A_635, %broadcast_in_dim3A_37 : vector<16xf32>
      %broadcast_in_dim3A_637 = arith.constant 4194304 : i32
      %broadcast_in_dim3A_638 = vector.broadcast %broadcast_in_dim3A_637 : i32 to vector<16xi32>
      %select_n3A_639 = arith.select %gt3A_636, %broadcast_in_dim3A_638, %broadcast_in_dim3A_39 : vector<16xi1>, vector<16xi32>
      %or3A_640 = arith.ori %or3A_629, %select_n3A_639 : vector<16xi32>
      %mul3A_641 = arith.constant 16 : i32
      %mul3A_642 = arith.muli %scan3A_34, %mul3A_641 : i32
      %get3A_643 = arith.constant 55 : i32
      %get3A_644 = arith.index_cast %get3A_643 : i32 to index
      %get3A_645 = arith.index_cast %mul3A_642 : i32 to index
      %get3A_646 = tpu.vector_load %arg5[%get3A_644, %get3A_645] {strides = array<i32>} : memref<64x128xf32, #tpu.memory_space<vmem>>, vector<16xf32>,
      %gt3A_647 = arith.cmpf ogt, %get3A_646, %broadcast_in_dim3A_37 : vector<16xf32>
      %broadcast_in_dim3A_648 = arith.constant 8388608 : i32
      %broadcast_in_dim3A_649 = vector.broadcast %broadcast_in_dim3A_648 : i32 to vector<16xi32>
      %select_n3A_650 = arith.select %gt3A_647, %broadcast_in_dim3A_649, %broadcast_in_dim3A_39 : vector<16xi1>, vector<16xi32>
      %or3A_651 = arith.ori %or3A_640, %select_n3A_650 : vector<16xi32>
      %mul3A_652 = arith.constant 16 : i32
      %mul3A_653 = arith.muli %scan3A_34, %mul3A_652 : i32
      %get3A_654 = arith.constant 56 : i32
      %get3A_655 = arith.index_cast %get3A_654 : i32 to index
      %get3A_656 = arith.index_cast %mul3A_653 : i32 to index
      %get3A_657 = tpu.vector_load %arg5[%get3A_655, %get3A_656] {strides = array<i32>} : memref<64x128xf32, #tpu.memory_space<vmem>>, vector<16xf32>,
      %gt3A_658 = arith.cmpf ogt, %get3A_657, %broadcast_in_dim3A_37 : vector<16xf32>
      %broadcast_in_dim3A_659 = arith.constant 16777216 : i32
      %broadcast_in_dim3A_660 = vector.broadcast %broadcast_in_dim3A_659 : i32 to vector<16xi32>
      %select_n3A_661 = arith.select %gt3A_658, %broadcast_in_dim3A_660, %broadcast_in_dim3A_39 : vector<16xi1>, vector<16xi32>
      %or3A_662 = arith.ori %or3A_651, %select_n3A_661 : vector<16xi32>
      %mul3A_663 = arith.constant 16 : i32
      %mul3A_664 = arith.muli %scan3A_34, %mul3A_663 : i32
      %get3A_665 = arith.constant 57 : i32
      %get3A_666 = arith.index_cast %get3A_665 : i32 to index
      %get3A_667 = arith.index_cast %mul3A_664 : i32 to index
      %get3A_668 = tpu.vector_load %arg5[%get3A_666, %get3A_667] {strides = array<i32>} : memref<64x128xf32, #tpu.memory_space<vmem>>, vector<16xf32>,
      %gt3A_669 = arith.cmpf ogt, %get3A_668, %broadcast_in_dim3A_37 : vector<16xf32>
      %broadcast_in_dim3A_670 = arith.constant 33554432 : i32
      %broadcast_in_dim3A_671 = vector.broadcast %broadcast_in_dim3A_670 : i32 to vector<16xi32>
      %select_n3A_672 = arith.select %gt3A_669, %broadcast_in_dim3A_671, %broadcast_in_dim3A_39 : vector<16xi1>, vector<16xi32>
      %or3A_673 = arith.ori %or3A_662, %select_n3A_672 : vector<16xi32>
      %mul3A_674 = arith.constant 16 : i32
      %mul3A_675 = arith.muli %scan3A_34, %mul3A_674 : i32
      %get3A_676 = arith.constant 58 : i32
      %get3A_677 = arith.index_cast %get3A_676 : i32 to index
      %get3A_678 = arith.index_cast %mul3A_675 : i32 to index
      %get3A_679 = tpu.vector_load %arg5[%get3A_677, %get3A_678] {strides = array<i32>} : memref<64x128xf32, #tpu.memory_space<vmem>>, vector<16xf32>,
      %gt3A_680 = arith.cmpf ogt, %get3A_679, %broadcast_in_dim3A_37 : vector<16xf32>
      %broadcast_in_dim3A_681 = arith.constant 67108864 : i32
      %broadcast_in_dim3A_682 = vector.broadcast %broadcast_in_dim3A_681 : i32 to vector<16xi32>
      %select_n3A_683 = arith.select %gt3A_680, %broadcast_in_dim3A_682, %broadcast_in_dim3A_39 : vector<16xi1>, vector<16xi32>
      %or3A_684 = arith.ori %or3A_673, %select_n3A_683 : vector<16xi32>
      %mul3A_685 = arith.constant 16 : i32
      %mul3A_686 = arith.muli %scan3A_34, %mul3A_685 : i32
      %get3A_687 = arith.constant 59 : i32
      %get3A_688 = arith.index_cast %get3A_687 : i32 to index
      %get3A_689 = arith.index_cast %mul3A_686 : i32 to index
      %get3A_690 = tpu.vector_load %arg5[%get3A_688, %get3A_689] {strides = array<i32>} : memref<64x128xf32, #tpu.memory_space<vmem>>, vector<16xf32>,
      %gt3A_691 = arith.cmpf ogt, %get3A_690, %broadcast_in_dim3A_37 : vector<16xf32>
      %broadcast_in_dim3A_692 = arith.constant 134217728 : i32
      %broadcast_in_dim3A_693 = vector.broadcast %broadcast_in_dim3A_692 : i32 to vector<16xi32>
      %select_n3A_694 = arith.select %gt3A_691, %broadcast_in_dim3A_693, %broadcast_in_dim3A_39 : vector<16xi1>, vector<16xi32>
      %or3A_695 = arith.ori %or3A_684, %select_n3A_694 : vector<16xi32>
      %mul3A_696 = arith.constant 16 : i32
      %mul3A_697 = arith.muli %scan3A_34, %mul3A_696 : i32
      %get3A_698 = arith.constant 60 : i32
      %get3A_699 = arith.index_cast %get3A_698 : i32 to index
      %get3A_700 = arith.index_cast %mul3A_697 : i32 to index
      %get3A_701 = tpu.vector_load %arg5[%get3A_699, %get3A_700] {strides = array<i32>} : memref<64x128xf32, #tpu.memory_space<vmem>>, vector<16xf32>,
      %gt3A_702 = arith.cmpf ogt, %get3A_701, %broadcast_in_dim3A_37 : vector<16xf32>
      %broadcast_in_dim3A_703 = arith.constant 268435456 : i32
      %broadcast_in_dim3A_704 = vector.broadcast %broadcast_in_dim3A_703 : i32 to vector<16xi32>
      %select_n3A_705 = arith.select %gt3A_702, %broadcast_in_dim3A_704, %broadcast_in_dim3A_39 : vector<16xi1>, vector<16xi32>
      %or3A_706 = arith.ori %or3A_695, %select_n3A_705 : vector<16xi32>
      %mul3A_707 = arith.constant 16 : i32
      %mul3A_708 = arith.muli %scan3A_34, %mul3A_707 : i32
      %get3A_709 = arith.constant 61 : i32
      %get3A_710 = arith.index_cast %get3A_709 : i32 to index
      %get3A_711 = arith.index_cast %mul3A_708 : i32 to index
      %get3A_712 = tpu.vector_load %arg5[%get3A_710, %get3A_711] {strides = array<i32>} : memref<64x128xf32, #tpu.memory_space<vmem>>, vector<16xf32>,
      %gt3A_713 = arith.cmpf ogt, %get3A_712, %broadcast_in_dim3A_37 : vector<16xf32>
      %broadcast_in_dim3A_714 = arith.constant 536870912 : i32
      %broadcast_in_dim3A_715 = vector.broadcast %broadcast_in_dim3A_714 : i32 to vector<16xi32>
      %select_n3A_716 = arith.select %gt3A_713, %broadcast_in_dim3A_715, %broadcast_in_dim3A_39 : vector<16xi1>, vector<16xi32>
      %or3A_717 = arith.ori %or3A_706, %select_n3A_716 : vector<16xi32>
      %mul3A_718 = arith.constant 16 : i32
      %mul3A_719 = arith.muli %scan3A_34, %mul3A_718 : i32
      %get3A_720 = arith.constant 62 : i32
      %get3A_721 = arith.index_cast %get3A_720 : i32 to index
      %get3A_722 = arith.index_cast %mul3A_719 : i32 to index
      %get3A_723 = tpu.vector_load %arg5[%get3A_721, %get3A_722] {strides = array<i32>} : memref<64x128xf32, #tpu.memory_space<vmem>>, vector<16xf32>,
      %gt3A_724 = arith.cmpf ogt, %get3A_723, %broadcast_in_dim3A_37 : vector<16xf32>
      %broadcast_in_dim3A_725 = arith.constant 1073741824 : i32
      %broadcast_in_dim3A_726 = vector.broadcast %broadcast_in_dim3A_725 : i32 to vector<16xi32>
      %select_n3A_727 = arith.select %gt3A_724, %broadcast_in_dim3A_726, %broadcast_in_dim3A_39 : vector<16xi1>, vector<16xi32>
      %or3A_728 = arith.ori %or3A_717, %select_n3A_727 : vector<16xi32>
      %mul3A_729 = arith.constant 16 : i32
      %mul3A_730 = arith.muli %scan3A_34, %mul3A_729 : i32
      %get3A_731 = arith.constant 63 : i32
      %get3A_732 = arith.index_cast %get3A_731 : i32 to index
      %get3A_733 = arith.index_cast %mul3A_730 : i32 to index
      %get3A_734 = tpu.vector_load %arg5[%get3A_732, %get3A_733] {strides = array<i32>} : memref<64x128xf32, #tpu.memory_space<vmem>>, vector<16xf32>,
      %gt3A_735 = arith.cmpf ogt, %get3A_734, %broadcast_in_dim3A_37 : vector<16xf32>
      %broadcast_in_dim3A_736 = arith.constant -2147483648 : i32
      %broadcast_in_dim3A_737 = vector.broadcast %broadcast_in_dim3A_736 : i32 to vector<16xi32>
      %select_n3A_738 = arith.select %gt3A_735, %broadcast_in_dim3A_737, %broadcast_in_dim3A_39 : vector<16xi1>, vector<16xi32>
      %or3A_739 = arith.ori %or3A_728, %select_n3A_738 : vector<16xi32>
      %mul3A_740 = arith.constant 16 : i32
      %mul3A_741 = arith.muli %scan3A_34, %mul3A_740 : i32
      %add3A_742 = arith.addi %mul3A_0, %mul3A_741 : i32
      %swap3A = arith.index_cast %add3A_742 : i32 to index
      %swap3A_743 = tpu.vector_load %arg6[%swap3A] {strides = array<i32>} : memref<2048xi32, #tpu.memory_space<vmem>>, vector<16xi32>,
      tpu.vector_store %arg6[%swap3A], %or3A_387 {strides = array<i32>} : memref<2048xi32, #tpu.memory_space<vmem>>, vector<16xi32>,
      %mul3A_744 = arith.constant 16 : i32
      %mul3A_745 = arith.muli %scan3A_34, %mul3A_744 : i32
      %add3A_746 = arith.addi %mul3A_0, %mul3A_745 : i32
      %swap3A_747 = arith.index_cast %add3A_746 : i32 to index
      %swap3A_748 = tpu.vector_load %arg7[%swap3A_747] {strides = array<i32>} : memref<2048xi32, #tpu.memory_space<vmem>>, vector<16xi32>,
      tpu.vector_store %arg7[%swap3A_747], %or3A_739 {strides = array<i32>} : memref<2048xi32, #tpu.memory_space<vmem>>, vector<16xi32>,
      %scan3A_749 = arith.constant 0 : i32
      scf.yield %scan3A_749 : i32
    }
    %scan3A_6 = arith.constant 8 : i32
    "tpu.region"() ({
      %run_scoped3A = tpu.sem_alloc : memref<!tpu.dma_semaphore, #tpu.memory_space<semaphore_mem>>
      %dma_start3A = tpu.memref_slice %arg6[%mul3A_0] : memref<2048xi32, #tpu.memory_space<vmem>> -> memref<128xi32, #tpu.memory_space<vmem>>
      %dma_start3A_34 = tpu.memref_slice %arg11[%mul3A_0] : memref<4096xi32, #tpu.memory_space<vmem_shared>> -> memref<128xi32, #tpu.memory_space<vmem_shared>>
      %dma_start3A_35 = tpu.memref_slice %arg11[%mul3A_0] : memref<4096xi32, #tpu.memory_space<vmem_shared>> -> memref<128xi32, #tpu.memory_space<vmem_shared>>
      %dma_start3A_36 = tpu.memref_slice %arg6[%mul3A_0] : memref<2048xi32, #tpu.memory_space<vmem>> -> memref<128xi32, #tpu.memory_space<vmem>>
      tpu.enqueue_dma source(%dma_start3A_36 : memref<128xi32, #tpu.memory_space<vmem>>) target(%dma_start3A_35 : memref<128xi32, #tpu.memory_space<vmem_shared>>) target_semaphore(%run_scoped3A : memref<!tpu.dma_semaphore, #tpu.memory_space<semaphore_mem>>)
      %dma_wait3A = tpu.memref_slice %arg6[%mul3A_0] : memref<2048xi32, #tpu.memory_space<vmem>> -> memref<128xi32, #tpu.memory_space<vmem>>
      %dma_wait3A_37 = tpu.memref_slice %arg11[%mul3A_0] : memref<4096xi32, #tpu.memory_space<vmem_shared>> -> memref<128xi32, #tpu.memory_space<vmem_shared>>
      %dma_wait3A_38 = tpu.memref_slice %arg11[%mul3A_0] : memref<4096xi32, #tpu.memory_space<vmem_shared>> -> memref<128xi32, #tpu.memory_space<vmem_shared>>
      %dma_wait3A_39 = tpu.memref_slice %arg6[%mul3A_0] : memref<2048xi32, #tpu.memory_space<vmem>> -> memref<128xi32, #tpu.memory_space<vmem>>
      tpu.wait_dma2 semaphore(%run_scoped3A : memref<!tpu.dma_semaphore, #tpu.memory_space<semaphore_mem>>) src(%dma_wait3A_39 : memref<128xi32, #tpu.memory_space<vmem>>) dst(%dma_wait3A_38 : memref<128xi32, #tpu.memory_space<vmem_shared>>)
      tpu.yield
    }) : () -> ()
    %add3A = arith.constant 2048 : i32
    %add3A_7 = arith.addi %add3A, %mul3A_0 : i32
    "tpu.region"() ({
      %run_scoped3A = tpu.sem_alloc : memref<!tpu.dma_semaphore, #tpu.memory_space<semaphore_mem>>
      %dma_start3A = tpu.memref_slice %arg7[%mul3A_0] : memref<2048xi32, #tpu.memory_space<vmem>> -> memref<128xi32, #tpu.memory_space<vmem>>
      %dma_start3A_34 = tpu.memref_slice %arg11[%add3A_7] : memref<4096xi32, #tpu.memory_space<vmem_shared>> -> memref<128xi32, #tpu.memory_space<vmem_shared>>
      %dma_start3A_35 = tpu.memref_slice %arg11[%add3A_7] : memref<4096xi32, #tpu.memory_space<vmem_shared>> -> memref<128xi32, #tpu.memory_space<vmem_shared>>
      %dma_start3A_36 = tpu.memref_slice %arg7[%mul3A_0] : memref<2048xi32, #tpu.memory_space<vmem>> -> memref<128xi32, #tpu.memory_space<vmem>>
      tpu.enqueue_dma source(%dma_start3A_36 : memref<128xi32, #tpu.memory_space<vmem>>) target(%dma_start3A_35 : memref<128xi32, #tpu.memory_space<vmem_shared>>) target_semaphore(%run_scoped3A : memref<!tpu.dma_semaphore, #tpu.memory_space<semaphore_mem>>)
      %dma_wait3A = tpu.memref_slice %arg7[%mul3A_0] : memref<2048xi32, #tpu.memory_space<vmem>> -> memref<128xi32, #tpu.memory_space<vmem>>
      %dma_wait3A_37 = tpu.memref_slice %arg11[%add3A_7] : memref<4096xi32, #tpu.memory_space<vmem_shared>> -> memref<128xi32, #tpu.memory_space<vmem_shared>>
      %dma_wait3A_38 = tpu.memref_slice %arg11[%add3A_7] : memref<4096xi32, #tpu.memory_space<vmem_shared>> -> memref<128xi32, #tpu.memory_space<vmem_shared>>
      %dma_wait3A_39 = tpu.memref_slice %arg7[%mul3A_0] : memref<2048xi32, #tpu.memory_space<vmem>> -> memref<128xi32, #tpu.memory_space<vmem>>
      tpu.wait_dma2 semaphore(%run_scoped3A : memref<!tpu.dma_semaphore, #tpu.memory_space<semaphore_mem>>) src(%dma_wait3A_39 : memref<128xi32, #tpu.memory_space<vmem>>) dst(%dma_wait3A_38 : memref<128xi32, #tpu.memory_space<vmem_shared>>)
      tpu.yield
    }) : () -> ()
    "tpu.region"() ({
      %run_scoped3A = tpu.sem_alloc : memref<!tpu.dma_semaphore, #tpu.memory_space<semaphore_mem>>
      %dma_start3A = arith.constant 0 : i32
      %dma_start3A_34 = tpu.memref_slice %arg2[%arg0, %dma_start3A, %mul3A_0] : memref<2x64x2048xf32, #tpu.memory_space<hbm>> -> memref<1x64x128xf32, #tpu.memory_space<hbm>>
      %dma_start3A_35 = tpu.memref_squeeze %dma_start3A_34 : memref<1x64x128xf32, #tpu.memory_space<hbm>> -> memref<64x128xf32, #tpu.memory_space<hbm>>
      %dma_start3A_36 = arith.constant 0 : i32
      %dma_start3A_37 = tpu.memref_slice %arg2[%arg0, %dma_start3A_36, %mul3A_0] : memref<2x64x2048xf32, #tpu.memory_space<hbm>> -> memref<1x64x128xf32, #tpu.memory_space<hbm>>
      %dma_start3A_38 = tpu.memref_squeeze %dma_start3A_37 : memref<1x64x128xf32, #tpu.memory_space<hbm>> -> memref<64x128xf32, #tpu.memory_space<hbm>>
      tpu.enqueue_dma source(%dma_start3A_38 : memref<64x128xf32, #tpu.memory_space<hbm>>) target(%arg5 : memref<64x128xf32, #tpu.memory_space<vmem>>) target_semaphore(%run_scoped3A : memref<!tpu.dma_semaphore, #tpu.memory_space<semaphore_mem>>)
      %dma_wait3A = arith.constant 0 : i32
      %dma_wait3A_39 = tpu.memref_slice %arg2[%arg0, %dma_wait3A, %mul3A_0] : memref<2x64x2048xf32, #tpu.memory_space<hbm>> -> memref<1x64x128xf32, #tpu.memory_space<hbm>>
      %dma_wait3A_40 = tpu.memref_squeeze %dma_wait3A_39 : memref<1x64x128xf32, #tpu.memory_space<hbm>> -> memref<64x128xf32, #tpu.memory_space<hbm>>
      %dma_wait3A_41 = arith.constant 0 : i32
      %dma_wait3A_42 = tpu.memref_slice %arg2[%arg0, %dma_wait3A_41, %mul3A_0] : memref<2x64x2048xf32, #tpu.memory_space<hbm>> -> memref<1x64x128xf32, #tpu.memory_space<hbm>>
      %dma_wait3A_43 = tpu.memref_squeeze %dma_wait3A_42 : memref<1x64x128xf32, #tpu.memory_space<hbm>> -> memref<64x128xf32, #tpu.memory_space<hbm>>
      tpu.wait_dma2 semaphore(%run_scoped3A : memref<!tpu.dma_semaphore, #tpu.memory_space<semaphore_mem>>) src(%dma_wait3A_43 : memref<64x128xf32, #tpu.memory_space<hbm>>) dst(%arg5 : memref<64x128xf32, #tpu.memory_space<vmem>>)
      tpu.yield
    }) : () -> ()
    %scan3A_8 = arith.constant 0 : i32
    %scan3A_9 = arith.constant 0 : i32
    %scan3A_10 = arith.constant 8 : i32
    %scan3A_11 = arith.addi %scan3A_9, %scan3A_10 : i32
    %scan3A_12 = arith.constant 1 : i32
    %scan3A_13 = scf.for %scan3A_34 = %scan3A_9 to %scan3A_11 step %scan3A_12 iter_args(%scan3A_35 = %scan3A_8) -> (i32)  : i32 {
      %broadcast_in_dim3A_36 = arith.constant 0.000000e+00 : f32
      %broadcast_in_dim3A_37 = vector.broadcast %broadcast_in_dim3A_36 : f32 to vector<16xf32>
      %broadcast_in_dim3A_38 = arith.constant 0 : i32
      %broadcast_in_dim3A_39 = vector.broadcast %broadcast_in_dim3A_38 : i32 to vector<16xi32>
      %mul3A_40 = arith.constant 16 : i32
      %mul3A_41 = arith.muli %scan3A_34, %mul3A_40 : i32
      %get3A = arith.constant 0 : i32
      %get3A_42 = arith.index_cast %get3A : i32 to index
      %get3A_43 = arith.index_cast %mul3A_41 : i32 to index
      %get3A_44 = tpu.vector_load %arg5[%get3A_42, %get3A_43] {strides = array<i32>} : memref<64x128xf32, #tpu.memory_space<vmem>>, vector<16xf32>,
      %gt3A = arith.cmpf ogt, %get3A_44, %broadcast_in_dim3A_37 : vector<16xf32>
      %broadcast_in_dim3A_45 = arith.constant 1 : i32
      %broadcast_in_dim3A_46 = vector.broadcast %broadcast_in_dim3A_45 : i32 to vector<16xi32>
      %select_n3A = arith.select %gt3A, %broadcast_in_dim3A_46, %broadcast_in_dim3A_39 : vector<16xi1>, vector<16xi32>
      %or3A = arith.ori %broadcast_in_dim3A_39, %select_n3A : vector<16xi32>
      %mul3A_47 = arith.constant 16 : i32
      %mul3A_48 = arith.muli %scan3A_34, %mul3A_47 : i32
      %get3A_49 = arith.constant 1 : i32
      %get3A_50 = arith.index_cast %get3A_49 : i32 to index
      %get3A_51 = arith.index_cast %mul3A_48 : i32 to index
      %get3A_52 = tpu.vector_load %arg5[%get3A_50, %get3A_51] {strides = array<i32>} : memref<64x128xf32, #tpu.memory_space<vmem>>, vector<16xf32>,
      %gt3A_53 = arith.cmpf ogt, %get3A_52, %broadcast_in_dim3A_37 : vector<16xf32>
      %broadcast_in_dim3A_54 = arith.constant 2 : i32
      %broadcast_in_dim3A_55 = vector.broadcast %broadcast_in_dim3A_54 : i32 to vector<16xi32>
      %select_n3A_56 = arith.select %gt3A_53, %broadcast_in_dim3A_55, %broadcast_in_dim3A_39 : vector<16xi1>, vector<16xi32>
      %or3A_57 = arith.ori %or3A, %select_n3A_56 : vector<16xi32>
      %mul3A_58 = arith.constant 16 : i32
      %mul3A_59 = arith.muli %scan3A_34, %mul3A_58 : i32
      %get3A_60 = arith.constant 2 : i32
      %get3A_61 = arith.index_cast %get3A_60 : i32 to index
      %get3A_62 = arith.index_cast %mul3A_59 : i32 to index
      %get3A_63 = tpu.vector_load %arg5[%get3A_61, %get3A_62] {strides = array<i32>} : memref<64x128xf32, #tpu.memory_space<vmem>>, vector<16xf32>,
      %gt3A_64 = arith.cmpf ogt, %get3A_63, %broadcast_in_dim3A_37 : vector<16xf32>
      %broadcast_in_dim3A_65 = arith.constant 4 : i32
      %broadcast_in_dim3A_66 = vector.broadcast %broadcast_in_dim3A_65 : i32 to vector<16xi32>
      %select_n3A_67 = arith.select %gt3A_64, %broadcast_in_dim3A_66, %broadcast_in_dim3A_39 : vector<16xi1>, vector<16xi32>
      %or3A_68 = arith.ori %or3A_57, %select_n3A_67 : vector<16xi32>
      %mul3A_69 = arith.constant 16 : i32
      %mul3A_70 = arith.muli %scan3A_34, %mul3A_69 : i32
      %get3A_71 = arith.constant 3 : i32
      %get3A_72 = arith.index_cast %get3A_71 : i32 to index
      %get3A_73 = arith.index_cast %mul3A_70 : i32 to index
      %get3A_74 = tpu.vector_load %arg5[%get3A_72, %get3A_73] {strides = array<i32>} : memref<64x128xf32, #tpu.memory_space<vmem>>, vector<16xf32>,
      %gt3A_75 = arith.cmpf ogt, %get3A_74, %broadcast_in_dim3A_37 : vector<16xf32>
      %broadcast_in_dim3A_76 = arith.constant 8 : i32
      %broadcast_in_dim3A_77 = vector.broadcast %broadcast_in_dim3A_76 : i32 to vector<16xi32>
      %select_n3A_78 = arith.select %gt3A_75, %broadcast_in_dim3A_77, %broadcast_in_dim3A_39 : vector<16xi1>, vector<16xi32>
      %or3A_79 = arith.ori %or3A_68, %select_n3A_78 : vector<16xi32>
      %mul3A_80 = arith.constant 16 : i32
      %mul3A_81 = arith.muli %scan3A_34, %mul3A_80 : i32
      %get3A_82 = arith.constant 4 : i32
      %get3A_83 = arith.index_cast %get3A_82 : i32 to index
      %get3A_84 = arith.index_cast %mul3A_81 : i32 to index
      %get3A_85 = tpu.vector_load %arg5[%get3A_83, %get3A_84] {strides = array<i32>} : memref<64x128xf32, #tpu.memory_space<vmem>>, vector<16xf32>,
      %gt3A_86 = arith.cmpf ogt, %get3A_85, %broadcast_in_dim3A_37 : vector<16xf32>
      %broadcast_in_dim3A_87 = arith.constant 16 : i32
      %broadcast_in_dim3A_88 = vector.broadcast %broadcast_in_dim3A_87 : i32 to vector<16xi32>
      %select_n3A_89 = arith.select %gt3A_86, %broadcast_in_dim3A_88, %broadcast_in_dim3A_39 : vector<16xi1>, vector<16xi32>
      %or3A_90 = arith.ori %or3A_79, %select_n3A_89 : vector<16xi32>
      %mul3A_91 = arith.constant 16 : i32
      %mul3A_92 = arith.muli %scan3A_34, %mul3A_91 : i32
      %get3A_93 = arith.constant 5 : i32
      %get3A_94 = arith.index_cast %get3A_93 : i32 to index
      %get3A_95 = arith.index_cast %mul3A_92 : i32 to index
      %get3A_96 = tpu.vector_load %arg5[%get3A_94, %get3A_95] {strides = array<i32>} : memref<64x128xf32, #tpu.memory_space<vmem>>, vector<16xf32>,
      %gt3A_97 = arith.cmpf ogt, %get3A_96, %broadcast_in_dim3A_37 : vector<16xf32>
      %broadcast_in_dim3A_98 = arith.constant 32 : i32
      %broadcast_in_dim3A_99 = vector.broadcast %broadcast_in_dim3A_98 : i32 to vector<16xi32>
      %select_n3A_100 = arith.select %gt3A_97, %broadcast_in_dim3A_99, %broadcast_in_dim3A_39 : vector<16xi1>, vector<16xi32>
      %or3A_101 = arith.ori %or3A_90, %select_n3A_100 : vector<16xi32>
      %mul3A_102 = arith.constant 16 : i32
      %mul3A_103 = arith.muli %scan3A_34, %mul3A_102 : i32
      %get3A_104 = arith.constant 6 : i32
      %get3A_105 = arith.index_cast %get3A_104 : i32 to index
      %get3A_106 = arith.index_cast %mul3A_103 : i32 to index
      %get3A_107 = tpu.vector_load %arg5[%get3A_105, %get3A_106] {strides = array<i32>} : memref<64x128xf32, #tpu.memory_space<vmem>>, vector<16xf32>,
      %gt3A_108 = arith.cmpf ogt, %get3A_107, %broadcast_in_dim3A_37 : vector<16xf32>
      %broadcast_in_dim3A_109 = arith.constant 64 : i32
      %broadcast_in_dim3A_110 = vector.broadcast %broadcast_in_dim3A_109 : i32 to vector<16xi32>
      %select_n3A_111 = arith.select %gt3A_108, %broadcast_in_dim3A_110, %broadcast_in_dim3A_39 : vector<16xi1>, vector<16xi32>
      %or3A_112 = arith.ori %or3A_101, %select_n3A_111 : vector<16xi32>
      %mul3A_113 = arith.constant 16 : i32
      %mul3A_114 = arith.muli %scan3A_34, %mul3A_113 : i32
      %get3A_115 = arith.constant 7 : i32
      %get3A_116 = arith.index_cast %get3A_115 : i32 to index
      %get3A_117 = arith.index_cast %mul3A_114 : i32 to index
      %get3A_118 = tpu.vector_load %arg5[%get3A_116, %get3A_117] {strides = array<i32>} : memref<64x128xf32, #tpu.memory_space<vmem>>, vector<16xf32>,
      %gt3A_119 = arith.cmpf ogt, %get3A_118, %broadcast_in_dim3A_37 : vector<16xf32>
      %broadcast_in_dim3A_120 = arith.constant 128 : i32
      %broadcast_in_dim3A_121 = vector.broadcast %broadcast_in_dim3A_120 : i32 to vector<16xi32>
      %select_n3A_122 = arith.select %gt3A_119, %broadcast_in_dim3A_121, %broadcast_in_dim3A_39 : vector<16xi1>, vector<16xi32>
      %or3A_123 = arith.ori %or3A_112, %select_n3A_122 : vector<16xi32>
      %mul3A_124 = arith.constant 16 : i32
      %mul3A_125 = arith.muli %scan3A_34, %mul3A_124 : i32
      %get3A_126 = arith.constant 8 : i32
      %get3A_127 = arith.index_cast %get3A_126 : i32 to index
      %get3A_128 = arith.index_cast %mul3A_125 : i32 to index
      %get3A_129 = tpu.vector_load %arg5[%get3A_127, %get3A_128] {strides = array<i32>} : memref<64x128xf32, #tpu.memory_space<vmem>>, vector<16xf32>,
      %gt3A_130 = arith.cmpf ogt, %get3A_129, %broadcast_in_dim3A_37 : vector<16xf32>
      %broadcast_in_dim3A_131 = arith.constant 256 : i32
      %broadcast_in_dim3A_132 = vector.broadcast %broadcast_in_dim3A_131 : i32 to vector<16xi32>
      %select_n3A_133 = arith.select %gt3A_130, %broadcast_in_dim3A_132, %broadcast_in_dim3A_39 : vector<16xi1>, vector<16xi32>
      %or3A_134 = arith.ori %or3A_123, %select_n3A_133 : vector<16xi32>
      %mul3A_135 = arith.constant 16 : i32
      %mul3A_136 = arith.muli %scan3A_34, %mul3A_135 : i32
      %get3A_137 = arith.constant 9 : i32
      %get3A_138 = arith.index_cast %get3A_137 : i32 to index
      %get3A_139 = arith.index_cast %mul3A_136 : i32 to index
      %get3A_140 = tpu.vector_load %arg5[%get3A_138, %get3A_139] {strides = array<i32>} : memref<64x128xf32, #tpu.memory_space<vmem>>, vector<16xf32>,
      %gt3A_141 = arith.cmpf ogt, %get3A_140, %broadcast_in_dim3A_37 : vector<16xf32>
      %broadcast_in_dim3A_142 = arith.constant 512 : i32
      %broadcast_in_dim3A_143 = vector.broadcast %broadcast_in_dim3A_142 : i32 to vector<16xi32>
      %select_n3A_144 = arith.select %gt3A_141, %broadcast_in_dim3A_143, %broadcast_in_dim3A_39 : vector<16xi1>, vector<16xi32>
      %or3A_145 = arith.ori %or3A_134, %select_n3A_144 : vector<16xi32>
      %mul3A_146 = arith.constant 16 : i32
      %mul3A_147 = arith.muli %scan3A_34, %mul3A_146 : i32
      %get3A_148 = arith.constant 10 : i32
      %get3A_149 = arith.index_cast %get3A_148 : i32 to index
      %get3A_150 = arith.index_cast %mul3A_147 : i32 to index
      %get3A_151 = tpu.vector_load %arg5[%get3A_149, %get3A_150] {strides = array<i32>} : memref<64x128xf32, #tpu.memory_space<vmem>>, vector<16xf32>,
      %gt3A_152 = arith.cmpf ogt, %get3A_151, %broadcast_in_dim3A_37 : vector<16xf32>
      %broadcast_in_dim3A_153 = arith.constant 1024 : i32
      %broadcast_in_dim3A_154 = vector.broadcast %broadcast_in_dim3A_153 : i32 to vector<16xi32>
      %select_n3A_155 = arith.select %gt3A_152, %broadcast_in_dim3A_154, %broadcast_in_dim3A_39 : vector<16xi1>, vector<16xi32>
      %or3A_156 = arith.ori %or3A_145, %select_n3A_155 : vector<16xi32>
      %mul3A_157 = arith.constant 16 : i32
      %mul3A_158 = arith.muli %scan3A_34, %mul3A_157 : i32
      %get3A_159 = arith.constant 11 : i32
      %get3A_160 = arith.index_cast %get3A_159 : i32 to index
      %get3A_161 = arith.index_cast %mul3A_158 : i32 to index
      %get3A_162 = tpu.vector_load %arg5[%get3A_160, %get3A_161] {strides = array<i32>} : memref<64x128xf32, #tpu.memory_space<vmem>>, vector<16xf32>,
      %gt3A_163 = arith.cmpf ogt, %get3A_162, %broadcast_in_dim3A_37 : vector<16xf32>
      %broadcast_in_dim3A_164 = arith.constant 2048 : i32
      %broadcast_in_dim3A_165 = vector.broadcast %broadcast_in_dim3A_164 : i32 to vector<16xi32>
      %select_n3A_166 = arith.select %gt3A_163, %broadcast_in_dim3A_165, %broadcast_in_dim3A_39 : vector<16xi1>, vector<16xi32>
      %or3A_167 = arith.ori %or3A_156, %select_n3A_166 : vector<16xi32>
      %mul3A_168 = arith.constant 16 : i32
      %mul3A_169 = arith.muli %scan3A_34, %mul3A_168 : i32
      %get3A_170 = arith.constant 12 : i32
      %get3A_171 = arith.index_cast %get3A_170 : i32 to index
      %get3A_172 = arith.index_cast %mul3A_169 : i32 to index
      %get3A_173 = tpu.vector_load %arg5[%get3A_171, %get3A_172] {strides = array<i32>} : memref<64x128xf32, #tpu.memory_space<vmem>>, vector<16xf32>,
      %gt3A_174 = arith.cmpf ogt, %get3A_173, %broadcast_in_dim3A_37 : vector<16xf32>
      %broadcast_in_dim3A_175 = arith.constant 4096 : i32
      %broadcast_in_dim3A_176 = vector.broadcast %broadcast_in_dim3A_175 : i32 to vector<16xi32>
      %select_n3A_177 = arith.select %gt3A_174, %broadcast_in_dim3A_176, %broadcast_in_dim3A_39 : vector<16xi1>, vector<16xi32>
      %or3A_178 = arith.ori %or3A_167, %select_n3A_177 : vector<16xi32>
      %mul3A_179 = arith.constant 16 : i32
      %mul3A_180 = arith.muli %scan3A_34, %mul3A_179 : i32
      %get3A_181 = arith.constant 13 : i32
      %get3A_182 = arith.index_cast %get3A_181 : i32 to index
      %get3A_183 = arith.index_cast %mul3A_180 : i32 to index
      %get3A_184 = tpu.vector_load %arg5[%get3A_182, %get3A_183] {strides = array<i32>} : memref<64x128xf32, #tpu.memory_space<vmem>>, vector<16xf32>,
      %gt3A_185 = arith.cmpf ogt, %get3A_184, %broadcast_in_dim3A_37 : vector<16xf32>
      %broadcast_in_dim3A_186 = arith.constant 8192 : i32
      %broadcast_in_dim3A_187 = vector.broadcast %broadcast_in_dim3A_186 : i32 to vector<16xi32>
      %select_n3A_188 = arith.select %gt3A_185, %broadcast_in_dim3A_187, %broadcast_in_dim3A_39 : vector<16xi1>, vector<16xi32>
      %or3A_189 = arith.ori %or3A_178, %select_n3A_188 : vector<16xi32>
      %mul3A_190 = arith.constant 16 : i32
      %mul3A_191 = arith.muli %scan3A_34, %mul3A_190 : i32
      %get3A_192 = arith.constant 14 : i32
      %get3A_193 = arith.index_cast %get3A_192 : i32 to index
      %get3A_194 = arith.index_cast %mul3A_191 : i32 to index
      %get3A_195 = tpu.vector_load %arg5[%get3A_193, %get3A_194] {strides = array<i32>} : memref<64x128xf32, #tpu.memory_space<vmem>>, vector<16xf32>,
      %gt3A_196 = arith.cmpf ogt, %get3A_195, %broadcast_in_dim3A_37 : vector<16xf32>
      %broadcast_in_dim3A_197 = arith.constant 16384 : i32
      %broadcast_in_dim3A_198 = vector.broadcast %broadcast_in_dim3A_197 : i32 to vector<16xi32>
      %select_n3A_199 = arith.select %gt3A_196, %broadcast_in_dim3A_198, %broadcast_in_dim3A_39 : vector<16xi1>, vector<16xi32>
      %or3A_200 = arith.ori %or3A_189, %select_n3A_199 : vector<16xi32>
      %mul3A_201 = arith.constant 16 : i32
      %mul3A_202 = arith.muli %scan3A_34, %mul3A_201 : i32
      %get3A_203 = arith.constant 15 : i32
      %get3A_204 = arith.index_cast %get3A_203 : i32 to index
      %get3A_205 = arith.index_cast %mul3A_202 : i32 to index
      %get3A_206 = tpu.vector_load %arg5[%get3A_204, %get3A_205] {strides = array<i32>} : memref<64x128xf32, #tpu.memory_space<vmem>>, vector<16xf32>,
      %gt3A_207 = arith.cmpf ogt, %get3A_206, %broadcast_in_dim3A_37 : vector<16xf32>
      %broadcast_in_dim3A_208 = arith.constant 32768 : i32
      %broadcast_in_dim3A_209 = vector.broadcast %broadcast_in_dim3A_208 : i32 to vector<16xi32>
      %select_n3A_210 = arith.select %gt3A_207, %broadcast_in_dim3A_209, %broadcast_in_dim3A_39 : vector<16xi1>, vector<16xi32>
      %or3A_211 = arith.ori %or3A_200, %select_n3A_210 : vector<16xi32>
      %mul3A_212 = arith.constant 16 : i32
      %mul3A_213 = arith.muli %scan3A_34, %mul3A_212 : i32
      %get3A_214 = arith.constant 16 : i32
      %get3A_215 = arith.index_cast %get3A_214 : i32 to index
      %get3A_216 = arith.index_cast %mul3A_213 : i32 to index
      %get3A_217 = tpu.vector_load %arg5[%get3A_215, %get3A_216] {strides = array<i32>} : memref<64x128xf32, #tpu.memory_space<vmem>>, vector<16xf32>,
      %gt3A_218 = arith.cmpf ogt, %get3A_217, %broadcast_in_dim3A_37 : vector<16xf32>
      %broadcast_in_dim3A_219 = arith.constant 65536 : i32
      %broadcast_in_dim3A_220 = vector.broadcast %broadcast_in_dim3A_219 : i32 to vector<16xi32>
      %select_n3A_221 = arith.select %gt3A_218, %broadcast_in_dim3A_220, %broadcast_in_dim3A_39 : vector<16xi1>, vector<16xi32>
      %or3A_222 = arith.ori %or3A_211, %select_n3A_221 : vector<16xi32>
      %mul3A_223 = arith.constant 16 : i32
      %mul3A_224 = arith.muli %scan3A_34, %mul3A_223 : i32
      %get3A_225 = arith.constant 17 : i32
      %get3A_226 = arith.index_cast %get3A_225 : i32 to index
      %get3A_227 = arith.index_cast %mul3A_224 : i32 to index
      %get3A_228 = tpu.vector_load %arg5[%get3A_226, %get3A_227] {strides = array<i32>} : memref<64x128xf32, #tpu.memory_space<vmem>>, vector<16xf32>,
      %gt3A_229 = arith.cmpf ogt, %get3A_228, %broadcast_in_dim3A_37 : vector<16xf32>
      %broadcast_in_dim3A_230 = arith.constant 131072 : i32
      %broadcast_in_dim3A_231 = vector.broadcast %broadcast_in_dim3A_230 : i32 to vector<16xi32>
      %select_n3A_232 = arith.select %gt3A_229, %broadcast_in_dim3A_231, %broadcast_in_dim3A_39 : vector<16xi1>, vector<16xi32>
      %or3A_233 = arith.ori %or3A_222, %select_n3A_232 : vector<16xi32>
      %mul3A_234 = arith.constant 16 : i32
      %mul3A_235 = arith.muli %scan3A_34, %mul3A_234 : i32
      %get3A_236 = arith.constant 18 : i32
      %get3A_237 = arith.index_cast %get3A_236 : i32 to index
      %get3A_238 = arith.index_cast %mul3A_235 : i32 to index
      %get3A_239 = tpu.vector_load %arg5[%get3A_237, %get3A_238] {strides = array<i32>} : memref<64x128xf32, #tpu.memory_space<vmem>>, vector<16xf32>,
      %gt3A_240 = arith.cmpf ogt, %get3A_239, %broadcast_in_dim3A_37 : vector<16xf32>
      %broadcast_in_dim3A_241 = arith.constant 262144 : i32
      %broadcast_in_dim3A_242 = vector.broadcast %broadcast_in_dim3A_241 : i32 to vector<16xi32>
      %select_n3A_243 = arith.select %gt3A_240, %broadcast_in_dim3A_242, %broadcast_in_dim3A_39 : vector<16xi1>, vector<16xi32>
      %or3A_244 = arith.ori %or3A_233, %select_n3A_243 : vector<16xi32>
      %mul3A_245 = arith.constant 16 : i32
      %mul3A_246 = arith.muli %scan3A_34, %mul3A_245 : i32
      %get3A_247 = arith.constant 19 : i32
      %get3A_248 = arith.index_cast %get3A_247 : i32 to index
      %get3A_249 = arith.index_cast %mul3A_246 : i32 to index
      %get3A_250 = tpu.vector_load %arg5[%get3A_248, %get3A_249] {strides = array<i32>} : memref<64x128xf32, #tpu.memory_space<vmem>>, vector<16xf32>,
      %gt3A_251 = arith.cmpf ogt, %get3A_250, %broadcast_in_dim3A_37 : vector<16xf32>
      %broadcast_in_dim3A_252 = arith.constant 524288 : i32
      %broadcast_in_dim3A_253 = vector.broadcast %broadcast_in_dim3A_252 : i32 to vector<16xi32>
      %select_n3A_254 = arith.select %gt3A_251, %broadcast_in_dim3A_253, %broadcast_in_dim3A_39 : vector<16xi1>, vector<16xi32>
      %or3A_255 = arith.ori %or3A_244, %select_n3A_254 : vector<16xi32>
      %mul3A_256 = arith.constant 16 : i32
      %mul3A_257 = arith.muli %scan3A_34, %mul3A_256 : i32
      %get3A_258 = arith.constant 20 : i32
      %get3A_259 = arith.index_cast %get3A_258 : i32 to index
      %get3A_260 = arith.index_cast %mul3A_257 : i32 to index
      %get3A_261 = tpu.vector_load %arg5[%get3A_259, %get3A_260] {strides = array<i32>} : memref<64x128xf32, #tpu.memory_space<vmem>>, vector<16xf32>,
      %gt3A_262 = arith.cmpf ogt, %get3A_261, %broadcast_in_dim3A_37 : vector<16xf32>
      %broadcast_in_dim3A_263 = arith.constant 1048576 : i32
      %broadcast_in_dim3A_264 = vector.broadcast %broadcast_in_dim3A_263 : i32 to vector<16xi32>
      %select_n3A_265 = arith.select %gt3A_262, %broadcast_in_dim3A_264, %broadcast_in_dim3A_39 : vector<16xi1>, vector<16xi32>
      %or3A_266 = arith.ori %or3A_255, %select_n3A_265 : vector<16xi32>
      %mul3A_267 = arith.constant 16 : i32
      %mul3A_268 = arith.muli %scan3A_34, %mul3A_267 : i32
      %get3A_269 = arith.constant 21 : i32
      %get3A_270 = arith.index_cast %get3A_269 : i32 to index
      %get3A_271 = arith.index_cast %mul3A_268 : i32 to index
      %get3A_272 = tpu.vector_load %arg5[%get3A_270, %get3A_271] {strides = array<i32>} : memref<64x128xf32, #tpu.memory_space<vmem>>, vector<16xf32>,
      %gt3A_273 = arith.cmpf ogt, %get3A_272, %broadcast_in_dim3A_37 : vector<16xf32>
      %broadcast_in_dim3A_274 = arith.constant 2097152 : i32
      %broadcast_in_dim3A_275 = vector.broadcast %broadcast_in_dim3A_274 : i32 to vector<16xi32>
      %select_n3A_276 = arith.select %gt3A_273, %broadcast_in_dim3A_275, %broadcast_in_dim3A_39 : vector<16xi1>, vector<16xi32>
      %or3A_277 = arith.ori %or3A_266, %select_n3A_276 : vector<16xi32>
      %mul3A_278 = arith.constant 16 : i32
      %mul3A_279 = arith.muli %scan3A_34, %mul3A_278 : i32
      %get3A_280 = arith.constant 22 : i32
      %get3A_281 = arith.index_cast %get3A_280 : i32 to index
      %get3A_282 = arith.index_cast %mul3A_279 : i32 to index
      %get3A_283 = tpu.vector_load %arg5[%get3A_281, %get3A_282] {strides = array<i32>} : memref<64x128xf32, #tpu.memory_space<vmem>>, vector<16xf32>,
      %gt3A_284 = arith.cmpf ogt, %get3A_283, %broadcast_in_dim3A_37 : vector<16xf32>
      %broadcast_in_dim3A_285 = arith.constant 4194304 : i32
      %broadcast_in_dim3A_286 = vector.broadcast %broadcast_in_dim3A_285 : i32 to vector<16xi32>
      %select_n3A_287 = arith.select %gt3A_284, %broadcast_in_dim3A_286, %broadcast_in_dim3A_39 : vector<16xi1>, vector<16xi32>
      %or3A_288 = arith.ori %or3A_277, %select_n3A_287 : vector<16xi32>
      %mul3A_289 = arith.constant 16 : i32
      %mul3A_290 = arith.muli %scan3A_34, %mul3A_289 : i32
      %get3A_291 = arith.constant 23 : i32
      %get3A_292 = arith.index_cast %get3A_291 : i32 to index
      %get3A_293 = arith.index_cast %mul3A_290 : i32 to index
      %get3A_294 = tpu.vector_load %arg5[%get3A_292, %get3A_293] {strides = array<i32>} : memref<64x128xf32, #tpu.memory_space<vmem>>, vector<16xf32>,
      %gt3A_295 = arith.cmpf ogt, %get3A_294, %broadcast_in_dim3A_37 : vector<16xf32>
      %broadcast_in_dim3A_296 = arith.constant 8388608 : i32
      %broadcast_in_dim3A_297 = vector.broadcast %broadcast_in_dim3A_296 : i32 to vector<16xi32>
      %select_n3A_298 = arith.select %gt3A_295, %broadcast_in_dim3A_297, %broadcast_in_dim3A_39 : vector<16xi1>, vector<16xi32>
      %or3A_299 = arith.ori %or3A_288, %select_n3A_298 : vector<16xi32>
      %mul3A_300 = arith.constant 16 : i32
      %mul3A_301 = arith.muli %scan3A_34, %mul3A_300 : i32
      %get3A_302 = arith.constant 24 : i32
      %get3A_303 = arith.index_cast %get3A_302 : i32 to index
      %get3A_304 = arith.index_cast %mul3A_301 : i32 to index
      %get3A_305 = tpu.vector_load %arg5[%get3A_303, %get3A_304] {strides = array<i32>} : memref<64x128xf32, #tpu.memory_space<vmem>>, vector<16xf32>,
      %gt3A_306 = arith.cmpf ogt, %get3A_305, %broadcast_in_dim3A_37 : vector<16xf32>
      %broadcast_in_dim3A_307 = arith.constant 16777216 : i32
      %broadcast_in_dim3A_308 = vector.broadcast %broadcast_in_dim3A_307 : i32 to vector<16xi32>
      %select_n3A_309 = arith.select %gt3A_306, %broadcast_in_dim3A_308, %broadcast_in_dim3A_39 : vector<16xi1>, vector<16xi32>
      %or3A_310 = arith.ori %or3A_299, %select_n3A_309 : vector<16xi32>
      %mul3A_311 = arith.constant 16 : i32
      %mul3A_312 = arith.muli %scan3A_34, %mul3A_311 : i32
      %get3A_313 = arith.constant 25 : i32
      %get3A_314 = arith.index_cast %get3A_313 : i32 to index
      %get3A_315 = arith.index_cast %mul3A_312 : i32 to index
      %get3A_316 = tpu.vector_load %arg5[%get3A_314, %get3A_315] {strides = array<i32>} : memref<64x128xf32, #tpu.memory_space<vmem>>, vector<16xf32>,
      %gt3A_317 = arith.cmpf ogt, %get3A_316, %broadcast_in_dim3A_37 : vector<16xf32>
      %broadcast_in_dim3A_318 = arith.constant 33554432 : i32
      %broadcast_in_dim3A_319 = vector.broadcast %broadcast_in_dim3A_318 : i32 to vector<16xi32>
      %select_n3A_320 = arith.select %gt3A_317, %broadcast_in_dim3A_319, %broadcast_in_dim3A_39 : vector<16xi1>, vector<16xi32>
      %or3A_321 = arith.ori %or3A_310, %select_n3A_320 : vector<16xi32>
      %mul3A_322 = arith.constant 16 : i32
      %mul3A_323 = arith.muli %scan3A_34, %mul3A_322 : i32
      %get3A_324 = arith.constant 26 : i32
      %get3A_325 = arith.index_cast %get3A_324 : i32 to index
      %get3A_326 = arith.index_cast %mul3A_323 : i32 to index
      %get3A_327 = tpu.vector_load %arg5[%get3A_325, %get3A_326] {strides = array<i32>} : memref<64x128xf32, #tpu.memory_space<vmem>>, vector<16xf32>,
      %gt3A_328 = arith.cmpf ogt, %get3A_327, %broadcast_in_dim3A_37 : vector<16xf32>
      %broadcast_in_dim3A_329 = arith.constant 67108864 : i32
      %broadcast_in_dim3A_330 = vector.broadcast %broadcast_in_dim3A_329 : i32 to vector<16xi32>
      %select_n3A_331 = arith.select %gt3A_328, %broadcast_in_dim3A_330, %broadcast_in_dim3A_39 : vector<16xi1>, vector<16xi32>
      %or3A_332 = arith.ori %or3A_321, %select_n3A_331 : vector<16xi32>
      %mul3A_333 = arith.constant 16 : i32
      %mul3A_334 = arith.muli %scan3A_34, %mul3A_333 : i32
      %get3A_335 = arith.constant 27 : i32
      %get3A_336 = arith.index_cast %get3A_335 : i32 to index
      %get3A_337 = arith.index_cast %mul3A_334 : i32 to index
      %get3A_338 = tpu.vector_load %arg5[%get3A_336, %get3A_337] {strides = array<i32>} : memref<64x128xf32, #tpu.memory_space<vmem>>, vector<16xf32>,
      %gt3A_339 = arith.cmpf ogt, %get3A_338, %broadcast_in_dim3A_37 : vector<16xf32>
      %broadcast_in_dim3A_340 = arith.constant 134217728 : i32
      %broadcast_in_dim3A_341 = vector.broadcast %broadcast_in_dim3A_340 : i32 to vector<16xi32>
      %select_n3A_342 = arith.select %gt3A_339, %broadcast_in_dim3A_341, %broadcast_in_dim3A_39 : vector<16xi1>, vector<16xi32>
      %or3A_343 = arith.ori %or3A_332, %select_n3A_342 : vector<16xi32>
      %mul3A_344 = arith.constant 16 : i32
      %mul3A_345 = arith.muli %scan3A_34, %mul3A_344 : i32
      %get3A_346 = arith.constant 28 : i32
      %get3A_347 = arith.index_cast %get3A_346 : i32 to index
      %get3A_348 = arith.index_cast %mul3A_345 : i32 to index
      %get3A_349 = tpu.vector_load %arg5[%get3A_347, %get3A_348] {strides = array<i32>} : memref<64x128xf32, #tpu.memory_space<vmem>>, vector<16xf32>,
      %gt3A_350 = arith.cmpf ogt, %get3A_349, %broadcast_in_dim3A_37 : vector<16xf32>
      %broadcast_in_dim3A_351 = arith.constant 268435456 : i32
      %broadcast_in_dim3A_352 = vector.broadcast %broadcast_in_dim3A_351 : i32 to vector<16xi32>
      %select_n3A_353 = arith.select %gt3A_350, %broadcast_in_dim3A_352, %broadcast_in_dim3A_39 : vector<16xi1>, vector<16xi32>
      %or3A_354 = arith.ori %or3A_343, %select_n3A_353 : vector<16xi32>
      %mul3A_355 = arith.constant 16 : i32
      %mul3A_356 = arith.muli %scan3A_34, %mul3A_355 : i32
      %get3A_357 = arith.constant 29 : i32
      %get3A_358 = arith.index_cast %get3A_357 : i32 to index
      %get3A_359 = arith.index_cast %mul3A_356 : i32 to index
      %get3A_360 = tpu.vector_load %arg5[%get3A_358, %get3A_359] {strides = array<i32>} : memref<64x128xf32, #tpu.memory_space<vmem>>, vector<16xf32>,
      %gt3A_361 = arith.cmpf ogt, %get3A_360, %broadcast_in_dim3A_37 : vector<16xf32>
      %broadcast_in_dim3A_362 = arith.constant 536870912 : i32
      %broadcast_in_dim3A_363 = vector.broadcast %broadcast_in_dim3A_362 : i32 to vector<16xi32>
      %select_n3A_364 = arith.select %gt3A_361, %broadcast_in_dim3A_363, %broadcast_in_dim3A_39 : vector<16xi1>, vector<16xi32>
      %or3A_365 = arith.ori %or3A_354, %select_n3A_364 : vector<16xi32>
      %mul3A_366 = arith.constant 16 : i32
      %mul3A_367 = arith.muli %scan3A_34, %mul3A_366 : i32
      %get3A_368 = arith.constant 30 : i32
      %get3A_369 = arith.index_cast %get3A_368 : i32 to index
      %get3A_370 = arith.index_cast %mul3A_367 : i32 to index
      %get3A_371 = tpu.vector_load %arg5[%get3A_369, %get3A_370] {strides = array<i32>} : memref<64x128xf32, #tpu.memory_space<vmem>>, vector<16xf32>,
      %gt3A_372 = arith.cmpf ogt, %get3A_371, %broadcast_in_dim3A_37 : vector<16xf32>
      %broadcast_in_dim3A_373 = arith.constant 1073741824 : i32
      %broadcast_in_dim3A_374 = vector.broadcast %broadcast_in_dim3A_373 : i32 to vector<16xi32>
      %select_n3A_375 = arith.select %gt3A_372, %broadcast_in_dim3A_374, %broadcast_in_dim3A_39 : vector<16xi1>, vector<16xi32>
      %or3A_376 = arith.ori %or3A_365, %select_n3A_375 : vector<16xi32>
      %mul3A_377 = arith.constant 16 : i32
      %mul3A_378 = arith.muli %scan3A_34, %mul3A_377 : i32
      %get3A_379 = arith.constant 31 : i32
      %get3A_380 = arith.index_cast %get3A_379 : i32 to index
      %get3A_381 = arith.index_cast %mul3A_378 : i32 to index
      %get3A_382 = tpu.vector_load %arg5[%get3A_380, %get3A_381] {strides = array<i32>} : memref<64x128xf32, #tpu.memory_space<vmem>>, vector<16xf32>,
      %gt3A_383 = arith.cmpf ogt, %get3A_382, %broadcast_in_dim3A_37 : vector<16xf32>
      %broadcast_in_dim3A_384 = arith.constant -2147483648 : i32
      %broadcast_in_dim3A_385 = vector.broadcast %broadcast_in_dim3A_384 : i32 to vector<16xi32>
      %select_n3A_386 = arith.select %gt3A_383, %broadcast_in_dim3A_385, %broadcast_in_dim3A_39 : vector<16xi1>, vector<16xi32>
      %or3A_387 = arith.ori %or3A_376, %select_n3A_386 : vector<16xi32>
      %mul3A_388 = arith.constant 16 : i32
      %mul3A_389 = arith.muli %scan3A_34, %mul3A_388 : i32
      %get3A_390 = arith.constant 32 : i32
      %get3A_391 = arith.index_cast %get3A_390 : i32 to index
      %get3A_392 = arith.index_cast %mul3A_389 : i32 to index
      %get3A_393 = tpu.vector_load %arg5[%get3A_391, %get3A_392] {strides = array<i32>} : memref<64x128xf32, #tpu.memory_space<vmem>>, vector<16xf32>,
      %gt3A_394 = arith.cmpf ogt, %get3A_393, %broadcast_in_dim3A_37 : vector<16xf32>
      %broadcast_in_dim3A_395 = arith.constant 1 : i32
      %broadcast_in_dim3A_396 = vector.broadcast %broadcast_in_dim3A_395 : i32 to vector<16xi32>
      %select_n3A_397 = arith.select %gt3A_394, %broadcast_in_dim3A_396, %broadcast_in_dim3A_39 : vector<16xi1>, vector<16xi32>
      %or3A_398 = arith.ori %broadcast_in_dim3A_39, %select_n3A_397 : vector<16xi32>
      %mul3A_399 = arith.constant 16 : i32
      %mul3A_400 = arith.muli %scan3A_34, %mul3A_399 : i32
      %get3A_401 = arith.constant 33 : i32
      %get3A_402 = arith.index_cast %get3A_401 : i32 to index
      %get3A_403 = arith.index_cast %mul3A_400 : i32 to index
      %get3A_404 = tpu.vector_load %arg5[%get3A_402, %get3A_403] {strides = array<i32>} : memref<64x128xf32, #tpu.memory_space<vmem>>, vector<16xf32>,
      %gt3A_405 = arith.cmpf ogt, %get3A_404, %broadcast_in_dim3A_37 : vector<16xf32>
      %broadcast_in_dim3A_406 = arith.constant 2 : i32
      %broadcast_in_dim3A_407 = vector.broadcast %broadcast_in_dim3A_406 : i32 to vector<16xi32>
      %select_n3A_408 = arith.select %gt3A_405, %broadcast_in_dim3A_407, %broadcast_in_dim3A_39 : vector<16xi1>, vector<16xi32>
      %or3A_409 = arith.ori %or3A_398, %select_n3A_408 : vector<16xi32>
      %mul3A_410 = arith.constant 16 : i32
      %mul3A_411 = arith.muli %scan3A_34, %mul3A_410 : i32
      %get3A_412 = arith.constant 34 : i32
      %get3A_413 = arith.index_cast %get3A_412 : i32 to index
      %get3A_414 = arith.index_cast %mul3A_411 : i32 to index
      %get3A_415 = tpu.vector_load %arg5[%get3A_413, %get3A_414] {strides = array<i32>} : memref<64x128xf32, #tpu.memory_space<vmem>>, vector<16xf32>,
      %gt3A_416 = arith.cmpf ogt, %get3A_415, %broadcast_in_dim3A_37 : vector<16xf32>
      %broadcast_in_dim3A_417 = arith.constant 4 : i32
      %broadcast_in_dim3A_418 = vector.broadcast %broadcast_in_dim3A_417 : i32 to vector<16xi32>
      %select_n3A_419 = arith.select %gt3A_416, %broadcast_in_dim3A_418, %broadcast_in_dim3A_39 : vector<16xi1>, vector<16xi32>
      %or3A_420 = arith.ori %or3A_409, %select_n3A_419 : vector<16xi32>
      %mul3A_421 = arith.constant 16 : i32
      %mul3A_422 = arith.muli %scan3A_34, %mul3A_421 : i32
      %get3A_423 = arith.constant 35 : i32
      %get3A_424 = arith.index_cast %get3A_423 : i32 to index
      %get3A_425 = arith.index_cast %mul3A_422 : i32 to index
      %get3A_426 = tpu.vector_load %arg5[%get3A_424, %get3A_425] {strides = array<i32>} : memref<64x128xf32, #tpu.memory_space<vmem>>, vector<16xf32>,
      %gt3A_427 = arith.cmpf ogt, %get3A_426, %broadcast_in_dim3A_37 : vector<16xf32>
      %broadcast_in_dim3A_428 = arith.constant 8 : i32
      %broadcast_in_dim3A_429 = vector.broadcast %broadcast_in_dim3A_428 : i32 to vector<16xi32>
      %select_n3A_430 = arith.select %gt3A_427, %broadcast_in_dim3A_429, %broadcast_in_dim3A_39 : vector<16xi1>, vector<16xi32>
      %or3A_431 = arith.ori %or3A_420, %select_n3A_430 : vector<16xi32>
      %mul3A_432 = arith.constant 16 : i32
      %mul3A_433 = arith.muli %scan3A_34, %mul3A_432 : i32
      %get3A_434 = arith.constant 36 : i32
      %get3A_435 = arith.index_cast %get3A_434 : i32 to index
      %get3A_436 = arith.index_cast %mul3A_433 : i32 to index
      %get3A_437 = tpu.vector_load %arg5[%get3A_435, %get3A_436] {strides = array<i32>} : memref<64x128xf32, #tpu.memory_space<vmem>>, vector<16xf32>,
      %gt3A_438 = arith.cmpf ogt, %get3A_437, %broadcast_in_dim3A_37 : vector<16xf32>
      %broadcast_in_dim3A_439 = arith.constant 16 : i32
      %broadcast_in_dim3A_440 = vector.broadcast %broadcast_in_dim3A_439 : i32 to vector<16xi32>
      %select_n3A_441 = arith.select %gt3A_438, %broadcast_in_dim3A_440, %broadcast_in_dim3A_39 : vector<16xi1>, vector<16xi32>
      %or3A_442 = arith.ori %or3A_431, %select_n3A_441 : vector<16xi32>
      %mul3A_443 = arith.constant 16 : i32
      %mul3A_444 = arith.muli %scan3A_34, %mul3A_443 : i32
      %get3A_445 = arith.constant 37 : i32
      %get3A_446 = arith.index_cast %get3A_445 : i32 to index
      %get3A_447 = arith.index_cast %mul3A_444 : i32 to index
      %get3A_448 = tpu.vector_load %arg5[%get3A_446, %get3A_447] {strides = array<i32>} : memref<64x128xf32, #tpu.memory_space<vmem>>, vector<16xf32>,
      %gt3A_449 = arith.cmpf ogt, %get3A_448, %broadcast_in_dim3A_37 : vector<16xf32>
      %broadcast_in_dim3A_450 = arith.constant 32 : i32
      %broadcast_in_dim3A_451 = vector.broadcast %broadcast_in_dim3A_450 : i32 to vector<16xi32>
      %select_n3A_452 = arith.select %gt3A_449, %broadcast_in_dim3A_451, %broadcast_in_dim3A_39 : vector<16xi1>, vector<16xi32>
      %or3A_453 = arith.ori %or3A_442, %select_n3A_452 : vector<16xi32>
      %mul3A_454 = arith.constant 16 : i32
      %mul3A_455 = arith.muli %scan3A_34, %mul3A_454 : i32
      %get3A_456 = arith.constant 38 : i32
      %get3A_457 = arith.index_cast %get3A_456 : i32 to index
      %get3A_458 = arith.index_cast %mul3A_455 : i32 to index
      %get3A_459 = tpu.vector_load %arg5[%get3A_457, %get3A_458] {strides = array<i32>} : memref<64x128xf32, #tpu.memory_space<vmem>>, vector<16xf32>,
      %gt3A_460 = arith.cmpf ogt, %get3A_459, %broadcast_in_dim3A_37 : vector<16xf32>
      %broadcast_in_dim3A_461 = arith.constant 64 : i32
      %broadcast_in_dim3A_462 = vector.broadcast %broadcast_in_dim3A_461 : i32 to vector<16xi32>
      %select_n3A_463 = arith.select %gt3A_460, %broadcast_in_dim3A_462, %broadcast_in_dim3A_39 : vector<16xi1>, vector<16xi32>
      %or3A_464 = arith.ori %or3A_453, %select_n3A_463 : vector<16xi32>
      %mul3A_465 = arith.constant 16 : i32
      %mul3A_466 = arith.muli %scan3A_34, %mul3A_465 : i32
      %get3A_467 = arith.constant 39 : i32
      %get3A_468 = arith.index_cast %get3A_467 : i32 to index
      %get3A_469 = arith.index_cast %mul3A_466 : i32 to index
      %get3A_470 = tpu.vector_load %arg5[%get3A_468, %get3A_469] {strides = array<i32>} : memref<64x128xf32, #tpu.memory_space<vmem>>, vector<16xf32>,
      %gt3A_471 = arith.cmpf ogt, %get3A_470, %broadcast_in_dim3A_37 : vector<16xf32>
      %broadcast_in_dim3A_472 = arith.constant 128 : i32
      %broadcast_in_dim3A_473 = vector.broadcast %broadcast_in_dim3A_472 : i32 to vector<16xi32>
      %select_n3A_474 = arith.select %gt3A_471, %broadcast_in_dim3A_473, %broadcast_in_dim3A_39 : vector<16xi1>, vector<16xi32>
      %or3A_475 = arith.ori %or3A_464, %select_n3A_474 : vector<16xi32>
      %mul3A_476 = arith.constant 16 : i32
      %mul3A_477 = arith.muli %scan3A_34, %mul3A_476 : i32
      %get3A_478 = arith.constant 40 : i32
      %get3A_479 = arith.index_cast %get3A_478 : i32 to index
      %get3A_480 = arith.index_cast %mul3A_477 : i32 to index
      %get3A_481 = tpu.vector_load %arg5[%get3A_479, %get3A_480] {strides = array<i32>} : memref<64x128xf32, #tpu.memory_space<vmem>>, vector<16xf32>,
      %gt3A_482 = arith.cmpf ogt, %get3A_481, %broadcast_in_dim3A_37 : vector<16xf32>
      %broadcast_in_dim3A_483 = arith.constant 256 : i32
      %broadcast_in_dim3A_484 = vector.broadcast %broadcast_in_dim3A_483 : i32 to vector<16xi32>
      %select_n3A_485 = arith.select %gt3A_482, %broadcast_in_dim3A_484, %broadcast_in_dim3A_39 : vector<16xi1>, vector<16xi32>
      %or3A_486 = arith.ori %or3A_475, %select_n3A_485 : vector<16xi32>
      %mul3A_487 = arith.constant 16 : i32
      %mul3A_488 = arith.muli %scan3A_34, %mul3A_487 : i32
      %get3A_489 = arith.constant 41 : i32
      %get3A_490 = arith.index_cast %get3A_489 : i32 to index
      %get3A_491 = arith.index_cast %mul3A_488 : i32 to index
      %get3A_492 = tpu.vector_load %arg5[%get3A_490, %get3A_491] {strides = array<i32>} : memref<64x128xf32, #tpu.memory_space<vmem>>, vector<16xf32>,
      %gt3A_493 = arith.cmpf ogt, %get3A_492, %broadcast_in_dim3A_37 : vector<16xf32>
      %broadcast_in_dim3A_494 = arith.constant 512 : i32
      %broadcast_in_dim3A_495 = vector.broadcast %broadcast_in_dim3A_494 : i32 to vector<16xi32>
      %select_n3A_496 = arith.select %gt3A_493, %broadcast_in_dim3A_495, %broadcast_in_dim3A_39 : vector<16xi1>, vector<16xi32>
      %or3A_497 = arith.ori %or3A_486, %select_n3A_496 : vector<16xi32>
      %mul3A_498 = arith.constant 16 : i32
      %mul3A_499 = arith.muli %scan3A_34, %mul3A_498 : i32
      %get3A_500 = arith.constant 42 : i32
      %get3A_501 = arith.index_cast %get3A_500 : i32 to index
      %get3A_502 = arith.index_cast %mul3A_499 : i32 to index
      %get3A_503 = tpu.vector_load %arg5[%get3A_501, %get3A_502] {strides = array<i32>} : memref<64x128xf32, #tpu.memory_space<vmem>>, vector<16xf32>,
      %gt3A_504 = arith.cmpf ogt, %get3A_503, %broadcast_in_dim3A_37 : vector<16xf32>
      %broadcast_in_dim3A_505 = arith.constant 1024 : i32
      %broadcast_in_dim3A_506 = vector.broadcast %broadcast_in_dim3A_505 : i32 to vector<16xi32>
      %select_n3A_507 = arith.select %gt3A_504, %broadcast_in_dim3A_506, %broadcast_in_dim3A_39 : vector<16xi1>, vector<16xi32>
      %or3A_508 = arith.ori %or3A_497, %select_n3A_507 : vector<16xi32>
      %mul3A_509 = arith.constant 16 : i32
      %mul3A_510 = arith.muli %scan3A_34, %mul3A_509 : i32
      %get3A_511 = arith.constant 43 : i32
      %get3A_512 = arith.index_cast %get3A_511 : i32 to index
      %get3A_513 = arith.index_cast %mul3A_510 : i32 to index
      %get3A_514 = tpu.vector_load %arg5[%get3A_512, %get3A_513] {strides = array<i32>} : memref<64x128xf32, #tpu.memory_space<vmem>>, vector<16xf32>,
      %gt3A_515 = arith.cmpf ogt, %get3A_514, %broadcast_in_dim3A_37 : vector<16xf32>
      %broadcast_in_dim3A_516 = arith.constant 2048 : i32
      %broadcast_in_dim3A_517 = vector.broadcast %broadcast_in_dim3A_516 : i32 to vector<16xi32>
      %select_n3A_518 = arith.select %gt3A_515, %broadcast_in_dim3A_517, %broadcast_in_dim3A_39 : vector<16xi1>, vector<16xi32>
      %or3A_519 = arith.ori %or3A_508, %select_n3A_518 : vector<16xi32>
      %mul3A_520 = arith.constant 16 : i32
      %mul3A_521 = arith.muli %scan3A_34, %mul3A_520 : i32
      %get3A_522 = arith.constant 44 : i32
      %get3A_523 = arith.index_cast %get3A_522 : i32 to index
      %get3A_524 = arith.index_cast %mul3A_521 : i32 to index
      %get3A_525 = tpu.vector_load %arg5[%get3A_523, %get3A_524] {strides = array<i32>} : memref<64x128xf32, #tpu.memory_space<vmem>>, vector<16xf32>,
      %gt3A_526 = arith.cmpf ogt, %get3A_525, %broadcast_in_dim3A_37 : vector<16xf32>
      %broadcast_in_dim3A_527 = arith.constant 4096 : i32
      %broadcast_in_dim3A_528 = vector.broadcast %broadcast_in_dim3A_527 : i32 to vector<16xi32>
      %select_n3A_529 = arith.select %gt3A_526, %broadcast_in_dim3A_528, %broadcast_in_dim3A_39 : vector<16xi1>, vector<16xi32>
      %or3A_530 = arith.ori %or3A_519, %select_n3A_529 : vector<16xi32>
      %mul3A_531 = arith.constant 16 : i32
      %mul3A_532 = arith.muli %scan3A_34, %mul3A_531 : i32
      %get3A_533 = arith.constant 45 : i32
      %get3A_534 = arith.index_cast %get3A_533 : i32 to index
      %get3A_535 = arith.index_cast %mul3A_532 : i32 to index
      %get3A_536 = tpu.vector_load %arg5[%get3A_534, %get3A_535] {strides = array<i32>} : memref<64x128xf32, #tpu.memory_space<vmem>>, vector<16xf32>,
      %gt3A_537 = arith.cmpf ogt, %get3A_536, %broadcast_in_dim3A_37 : vector<16xf32>
      %broadcast_in_dim3A_538 = arith.constant 8192 : i32
      %broadcast_in_dim3A_539 = vector.broadcast %broadcast_in_dim3A_538 : i32 to vector<16xi32>
      %select_n3A_540 = arith.select %gt3A_537, %broadcast_in_dim3A_539, %broadcast_in_dim3A_39 : vector<16xi1>, vector<16xi32>
      %or3A_541 = arith.ori %or3A_530, %select_n3A_540 : vector<16xi32>
      %mul3A_542 = arith.constant 16 : i32
      %mul3A_543 = arith.muli %scan3A_34, %mul3A_542 : i32
      %get3A_544 = arith.constant 46 : i32
      %get3A_545 = arith.index_cast %get3A_544 : i32 to index
      %get3A_546 = arith.index_cast %mul3A_543 : i32 to index
      %get3A_547 = tpu.vector_load %arg5[%get3A_545, %get3A_546] {strides = array<i32>} : memref<64x128xf32, #tpu.memory_space<vmem>>, vector<16xf32>,
      %gt3A_548 = arith.cmpf ogt, %get3A_547, %broadcast_in_dim3A_37 : vector<16xf32>
      %broadcast_in_dim3A_549 = arith.constant 16384 : i32
      %broadcast_in_dim3A_550 = vector.broadcast %broadcast_in_dim3A_549 : i32 to vector<16xi32>
      %select_n3A_551 = arith.select %gt3A_548, %broadcast_in_dim3A_550, %broadcast_in_dim3A_39 : vector<16xi1>, vector<16xi32>
      %or3A_552 = arith.ori %or3A_541, %select_n3A_551 : vector<16xi32>
      %mul3A_553 = arith.constant 16 : i32
      %mul3A_554 = arith.muli %scan3A_34, %mul3A_553 : i32
      %get3A_555 = arith.constant 47 : i32
      %get3A_556 = arith.index_cast %get3A_555 : i32 to index
      %get3A_557 = arith.index_cast %mul3A_554 : i32 to index
      %get3A_558 = tpu.vector_load %arg5[%get3A_556, %get3A_557] {strides = array<i32>} : memref<64x128xf32, #tpu.memory_space<vmem>>, vector<16xf32>,
      %gt3A_559 = arith.cmpf ogt, %get3A_558, %broadcast_in_dim3A_37 : vector<16xf32>
      %broadcast_in_dim3A_560 = arith.constant 32768 : i32
      %broadcast_in_dim3A_561 = vector.broadcast %broadcast_in_dim3A_560 : i32 to vector<16xi32>
      %select_n3A_562 = arith.select %gt3A_559, %broadcast_in_dim3A_561, %broadcast_in_dim3A_39 : vector<16xi1>, vector<16xi32>
      %or3A_563 = arith.ori %or3A_552, %select_n3A_562 : vector<16xi32>
      %mul3A_564 = arith.constant 16 : i32
      %mul3A_565 = arith.muli %scan3A_34, %mul3A_564 : i32
      %get3A_566 = arith.constant 48 : i32
      %get3A_567 = arith.index_cast %get3A_566 : i32 to index
      %get3A_568 = arith.index_cast %mul3A_565 : i32 to index
      %get3A_569 = tpu.vector_load %arg5[%get3A_567, %get3A_568] {strides = array<i32>} : memref<64x128xf32, #tpu.memory_space<vmem>>, vector<16xf32>,
      %gt3A_570 = arith.cmpf ogt, %get3A_569, %broadcast_in_dim3A_37 : vector<16xf32>
      %broadcast_in_dim3A_571 = arith.constant 65536 : i32
      %broadcast_in_dim3A_572 = vector.broadcast %broadcast_in_dim3A_571 : i32 to vector<16xi32>
      %select_n3A_573 = arith.select %gt3A_570, %broadcast_in_dim3A_572, %broadcast_in_dim3A_39 : vector<16xi1>, vector<16xi32>
      %or3A_574 = arith.ori %or3A_563, %select_n3A_573 : vector<16xi32>
      %mul3A_575 = arith.constant 16 : i32
      %mul3A_576 = arith.muli %scan3A_34, %mul3A_575 : i32
      %get3A_577 = arith.constant 49 : i32
      %get3A_578 = arith.index_cast %get3A_577 : i32 to index
      %get3A_579 = arith.index_cast %mul3A_576 : i32 to index
      %get3A_580 = tpu.vector_load %arg5[%get3A_578, %get3A_579] {strides = array<i32>} : memref<64x128xf32, #tpu.memory_space<vmem>>, vector<16xf32>,
      %gt3A_581 = arith.cmpf ogt, %get3A_580, %broadcast_in_dim3A_37 : vector<16xf32>
      %broadcast_in_dim3A_582 = arith.constant 131072 : i32
      %broadcast_in_dim3A_583 = vector.broadcast %broadcast_in_dim3A_582 : i32 to vector<16xi32>
      %select_n3A_584 = arith.select %gt3A_581, %broadcast_in_dim3A_583, %broadcast_in_dim3A_39 : vector<16xi1>, vector<16xi32>
      %or3A_585 = arith.ori %or3A_574, %select_n3A_584 : vector<16xi32>
      %mul3A_586 = arith.constant 16 : i32
      %mul3A_587 = arith.muli %scan3A_34, %mul3A_586 : i32
      %get3A_588 = arith.constant 50 : i32
      %get3A_589 = arith.index_cast %get3A_588 : i32 to index
      %get3A_590 = arith.index_cast %mul3A_587 : i32 to index
      %get3A_591 = tpu.vector_load %arg5[%get3A_589, %get3A_590] {strides = array<i32>} : memref<64x128xf32, #tpu.memory_space<vmem>>, vector<16xf32>,
      %gt3A_592 = arith.cmpf ogt, %get3A_591, %broadcast_in_dim3A_37 : vector<16xf32>
      %broadcast_in_dim3A_593 = arith.constant 262144 : i32
      %broadcast_in_dim3A_594 = vector.broadcast %broadcast_in_dim3A_593 : i32 to vector<16xi32>
      %select_n3A_595 = arith.select %gt3A_592, %broadcast_in_dim3A_594, %broadcast_in_dim3A_39 : vector<16xi1>, vector<16xi32>
      %or3A_596 = arith.ori %or3A_585, %select_n3A_595 : vector<16xi32>
      %mul3A_597 = arith.constant 16 : i32
      %mul3A_598 = arith.muli %scan3A_34, %mul3A_597 : i32
      %get3A_599 = arith.constant 51 : i32
      %get3A_600 = arith.index_cast %get3A_599 : i32 to index
      %get3A_601 = arith.index_cast %mul3A_598 : i32 to index
      %get3A_602 = tpu.vector_load %arg5[%get3A_600, %get3A_601] {strides = array<i32>} : memref<64x128xf32, #tpu.memory_space<vmem>>, vector<16xf32>,
      %gt3A_603 = arith.cmpf ogt, %get3A_602, %broadcast_in_dim3A_37 : vector<16xf32>
      %broadcast_in_dim3A_604 = arith.constant 524288 : i32
      %broadcast_in_dim3A_605 = vector.broadcast %broadcast_in_dim3A_604 : i32 to vector<16xi32>
      %select_n3A_606 = arith.select %gt3A_603, %broadcast_in_dim3A_605, %broadcast_in_dim3A_39 : vector<16xi1>, vector<16xi32>
      %or3A_607 = arith.ori %or3A_596, %select_n3A_606 : vector<16xi32>
      %mul3A_608 = arith.constant 16 : i32
      %mul3A_609 = arith.muli %scan3A_34, %mul3A_608 : i32
      %get3A_610 = arith.constant 52 : i32
      %get3A_611 = arith.index_cast %get3A_610 : i32 to index
      %get3A_612 = arith.index_cast %mul3A_609 : i32 to index
      %get3A_613 = tpu.vector_load %arg5[%get3A_611, %get3A_612] {strides = array<i32>} : memref<64x128xf32, #tpu.memory_space<vmem>>, vector<16xf32>,
      %gt3A_614 = arith.cmpf ogt, %get3A_613, %broadcast_in_dim3A_37 : vector<16xf32>
      %broadcast_in_dim3A_615 = arith.constant 1048576 : i32
      %broadcast_in_dim3A_616 = vector.broadcast %broadcast_in_dim3A_615 : i32 to vector<16xi32>
      %select_n3A_617 = arith.select %gt3A_614, %broadcast_in_dim3A_616, %broadcast_in_dim3A_39 : vector<16xi1>, vector<16xi32>
      %or3A_618 = arith.ori %or3A_607, %select_n3A_617 : vector<16xi32>
      %mul3A_619 = arith.constant 16 : i32
      %mul3A_620 = arith.muli %scan3A_34, %mul3A_619 : i32
      %get3A_621 = arith.constant 53 : i32
      %get3A_622 = arith.index_cast %get3A_621 : i32 to index
      %get3A_623 = arith.index_cast %mul3A_620 : i32 to index
      %get3A_624 = tpu.vector_load %arg5[%get3A_622, %get3A_623] {strides = array<i32>} : memref<64x128xf32, #tpu.memory_space<vmem>>, vector<16xf32>,
      %gt3A_625 = arith.cmpf ogt, %get3A_624, %broadcast_in_dim3A_37 : vector<16xf32>
      %broadcast_in_dim3A_626 = arith.constant 2097152 : i32
      %broadcast_in_dim3A_627 = vector.broadcast %broadcast_in_dim3A_626 : i32 to vector<16xi32>
      %select_n3A_628 = arith.select %gt3A_625, %broadcast_in_dim3A_627, %broadcast_in_dim3A_39 : vector<16xi1>, vector<16xi32>
      %or3A_629 = arith.ori %or3A_618, %select_n3A_628 : vector<16xi32>
      %mul3A_630 = arith.constant 16 : i32
      %mul3A_631 = arith.muli %scan3A_34, %mul3A_630 : i32
      %get3A_632 = arith.constant 54 : i32
      %get3A_633 = arith.index_cast %get3A_632 : i32 to index
      %get3A_634 = arith.index_cast %mul3A_631 : i32 to index
      %get3A_635 = tpu.vector_load %arg5[%get3A_633, %get3A_634] {strides = array<i32>} : memref<64x128xf32, #tpu.memory_space<vmem>>, vector<16xf32>,
      %gt3A_636 = arith.cmpf ogt, %get3A_635, %broadcast_in_dim3A_37 : vector<16xf32>
      %broadcast_in_dim3A_637 = arith.constant 4194304 : i32
      %broadcast_in_dim3A_638 = vector.broadcast %broadcast_in_dim3A_637 : i32 to vector<16xi32>
      %select_n3A_639 = arith.select %gt3A_636, %broadcast_in_dim3A_638, %broadcast_in_dim3A_39 : vector<16xi1>, vector<16xi32>
      %or3A_640 = arith.ori %or3A_629, %select_n3A_639 : vector<16xi32>
      %mul3A_641 = arith.constant 16 : i32
      %mul3A_642 = arith.muli %scan3A_34, %mul3A_641 : i32
      %get3A_643 = arith.constant 55 : i32
      %get3A_644 = arith.index_cast %get3A_643 : i32 to index
      %get3A_645 = arith.index_cast %mul3A_642 : i32 to index
      %get3A_646 = tpu.vector_load %arg5[%get3A_644, %get3A_645] {strides = array<i32>} : memref<64x128xf32, #tpu.memory_space<vmem>>, vector<16xf32>,
      %gt3A_647 = arith.cmpf ogt, %get3A_646, %broadcast_in_dim3A_37 : vector<16xf32>
      %broadcast_in_dim3A_648 = arith.constant 8388608 : i32
      %broadcast_in_dim3A_649 = vector.broadcast %broadcast_in_dim3A_648 : i32 to vector<16xi32>
      %select_n3A_650 = arith.select %gt3A_647, %broadcast_in_dim3A_649, %broadcast_in_dim3A_39 : vector<16xi1>, vector<16xi32>
      %or3A_651 = arith.ori %or3A_640, %select_n3A_650 : vector<16xi32>
      %mul3A_652 = arith.constant 16 : i32
      %mul3A_653 = arith.muli %scan3A_34, %mul3A_652 : i32
      %get3A_654 = arith.constant 56 : i32
      %get3A_655 = arith.index_cast %get3A_654 : i32 to index
      %get3A_656 = arith.index_cast %mul3A_653 : i32 to index
      %get3A_657 = tpu.vector_load %arg5[%get3A_655, %get3A_656] {strides = array<i32>} : memref<64x128xf32, #tpu.memory_space<vmem>>, vector<16xf32>,
      %gt3A_658 = arith.cmpf ogt, %get3A_657, %broadcast_in_dim3A_37 : vector<16xf32>
      %broadcast_in_dim3A_659 = arith.constant 16777216 : i32
      %broadcast_in_dim3A_660 = vector.broadcast %broadcast_in_dim3A_659 : i32 to vector<16xi32>
      %select_n3A_661 = arith.select %gt3A_658, %broadcast_in_dim3A_660, %broadcast_in_dim3A_39 : vector<16xi1>, vector<16xi32>
      %or3A_662 = arith.ori %or3A_651, %select_n3A_661 : vector<16xi32>
      %mul3A_663 = arith.constant 16 : i32
      %mul3A_664 = arith.muli %scan3A_34, %mul3A_663 : i32
      %get3A_665 = arith.constant 57 : i32
      %get3A_666 = arith.index_cast %get3A_665 : i32 to index
      %get3A_667 = arith.index_cast %mul3A_664 : i32 to index
      %get3A_668 = tpu.vector_load %arg5[%get3A_666, %get3A_667] {strides = array<i32>} : memref<64x128xf32, #tpu.memory_space<vmem>>, vector<16xf32>,
      %gt3A_669 = arith.cmpf ogt, %get3A_668, %broadcast_in_dim3A_37 : vector<16xf32>
      %broadcast_in_dim3A_670 = arith.constant 33554432 : i32
      %broadcast_in_dim3A_671 = vector.broadcast %broadcast_in_dim3A_670 : i32 to vector<16xi32>
      %select_n3A_672 = arith.select %gt3A_669, %broadcast_in_dim3A_671, %broadcast_in_dim3A_39 : vector<16xi1>, vector<16xi32>
      %or3A_673 = arith.ori %or3A_662, %select_n3A_672 : vector<16xi32>
      %mul3A_674 = arith.constant 16 : i32
      %mul3A_675 = arith.muli %scan3A_34, %mul3A_674 : i32
      %get3A_676 = arith.constant 58 : i32
      %get3A_677 = arith.index_cast %get3A_676 : i32 to index
      %get3A_678 = arith.index_cast %mul3A_675 : i32 to index
      %get3A_679 = tpu.vector_load %arg5[%get3A_677, %get3A_678] {strides = array<i32>} : memref<64x128xf32, #tpu.memory_space<vmem>>, vector<16xf32>,
      %gt3A_680 = arith.cmpf ogt, %get3A_679, %broadcast_in_dim3A_37 : vector<16xf32>
      %broadcast_in_dim3A_681 = arith.constant 67108864 : i32
      %broadcast_in_dim3A_682 = vector.broadcast %broadcast_in_dim3A_681 : i32 to vector<16xi32>
      %select_n3A_683 = arith.select %gt3A_680, %broadcast_in_dim3A_682, %broadcast_in_dim3A_39 : vector<16xi1>, vector<16xi32>
      %or3A_684 = arith.ori %or3A_673, %select_n3A_683 : vector<16xi32>
      %mul3A_685 = arith.constant 16 : i32
      %mul3A_686 = arith.muli %scan3A_34, %mul3A_685 : i32
      %get3A_687 = arith.constant 59 : i32
      %get3A_688 = arith.index_cast %get3A_687 : i32 to index
      %get3A_689 = arith.index_cast %mul3A_686 : i32 to index
      %get3A_690 = tpu.vector_load %arg5[%get3A_688, %get3A_689] {strides = array<i32>} : memref<64x128xf32, #tpu.memory_space<vmem>>, vector<16xf32>,
      %gt3A_691 = arith.cmpf ogt, %get3A_690, %broadcast_in_dim3A_37 : vector<16xf32>
      %broadcast_in_dim3A_692 = arith.constant 134217728 : i32
      %broadcast_in_dim3A_693 = vector.broadcast %broadcast_in_dim3A_692 : i32 to vector<16xi32>
      %select_n3A_694 = arith.select %gt3A_691, %broadcast_in_dim3A_693, %broadcast_in_dim3A_39 : vector<16xi1>, vector<16xi32>
      %or3A_695 = arith.ori %or3A_684, %select_n3A_694 : vector<16xi32>
      %mul3A_696 = arith.constant 16 : i32
      %mul3A_697 = arith.muli %scan3A_34, %mul3A_696 : i32
      %get3A_698 = arith.constant 60 : i32
      %get3A_699 = arith.index_cast %get3A_698 : i32 to index
      %get3A_700 = arith.index_cast %mul3A_697 : i32 to index
      %get3A_701 = tpu.vector_load %arg5[%get3A_699, %get3A_700] {strides = array<i32>} : memref<64x128xf32, #tpu.memory_space<vmem>>, vector<16xf32>,
      %gt3A_702 = arith.cmpf ogt, %get3A_701, %broadcast_in_dim3A_37 : vector<16xf32>
      %broadcast_in_dim3A_703 = arith.constant 268435456 : i32
      %broadcast_in_dim3A_704 = vector.broadcast %broadcast_in_dim3A_703 : i32 to vector<16xi32>
      %select_n3A_705 = arith.select %gt3A_702, %broadcast_in_dim3A_704, %broadcast_in_dim3A_39 : vector<16xi1>, vector<16xi32>
      %or3A_706 = arith.ori %or3A_695, %select_n3A_705 : vector<16xi32>
      %mul3A_707 = arith.constant 16 : i32
      %mul3A_708 = arith.muli %scan3A_34, %mul3A_707 : i32
      %get3A_709 = arith.constant 61 : i32
      %get3A_710 = arith.index_cast %get3A_709 : i32 to index
      %get3A_711 = arith.index_cast %mul3A_708 : i32 to index
      %get3A_712 = tpu.vector_load %arg5[%get3A_710, %get3A_711] {strides = array<i32>} : memref<64x128xf32, #tpu.memory_space<vmem>>, vector<16xf32>,
      %gt3A_713 = arith.cmpf ogt, %get3A_712, %broadcast_in_dim3A_37 : vector<16xf32>
      %broadcast_in_dim3A_714 = arith.constant 536870912 : i32
      %broadcast_in_dim3A_715 = vector.broadcast %broadcast_in_dim3A_714 : i32 to vector<16xi32>
      %select_n3A_716 = arith.select %gt3A_713, %broadcast_in_dim3A_715, %broadcast_in_dim3A_39 : vector<16xi1>, vector<16xi32>
      %or3A_717 = arith.ori %or3A_706, %select_n3A_716 : vector<16xi32>
      %mul3A_718 = arith.constant 16 : i32
      %mul3A_719 = arith.muli %scan3A_34, %mul3A_718 : i32
      %get3A_720 = arith.constant 62 : i32
      %get3A_721 = arith.index_cast %get3A_720 : i32 to index
      %get3A_722 = arith.index_cast %mul3A_719 : i32 to index
      %get3A_723 = tpu.vector_load %arg5[%get3A_721, %get3A_722] {strides = array<i32>} : memref<64x128xf32, #tpu.memory_space<vmem>>, vector<16xf32>,
      %gt3A_724 = arith.cmpf ogt, %get3A_723, %broadcast_in_dim3A_37 : vector<16xf32>
      %broadcast_in_dim3A_725 = arith.constant 1073741824 : i32
      %broadcast_in_dim3A_726 = vector.broadcast %broadcast_in_dim3A_725 : i32 to vector<16xi32>
      %select_n3A_727 = arith.select %gt3A_724, %broadcast_in_dim3A_726, %broadcast_in_dim3A_39 : vector<16xi1>, vector<16xi32>
      %or3A_728 = arith.ori %or3A_717, %select_n3A_727 : vector<16xi32>
      %mul3A_729 = arith.constant 16 : i32
      %mul3A_730 = arith.muli %scan3A_34, %mul3A_729 : i32
      %get3A_731 = arith.constant 63 : i32
      %get3A_732 = arith.index_cast %get3A_731 : i32 to index
      %get3A_733 = arith.index_cast %mul3A_730 : i32 to index
      %get3A_734 = tpu.vector_load %arg5[%get3A_732, %get3A_733] {strides = array<i32>} : memref<64x128xf32, #tpu.memory_space<vmem>>, vector<16xf32>,
      %gt3A_735 = arith.cmpf ogt, %get3A_734, %broadcast_in_dim3A_37 : vector<16xf32>
      %broadcast_in_dim3A_736 = arith.constant -2147483648 : i32
      %broadcast_in_dim3A_737 = vector.broadcast %broadcast_in_dim3A_736 : i32 to vector<16xi32>
      %select_n3A_738 = arith.select %gt3A_735, %broadcast_in_dim3A_737, %broadcast_in_dim3A_39 : vector<16xi1>, vector<16xi32>
      %or3A_739 = arith.ori %or3A_728, %select_n3A_738 : vector<16xi32>
      %mul3A_740 = arith.constant 16 : i32
      %mul3A_741 = arith.muli %scan3A_34, %mul3A_740 : i32
      %swap3A = arith.index_cast %mul3A_741 : i32 to index
      %swap3A_742 = tpu.vector_load %arg8[%swap3A] {strides = array<i32>} : memref<128xi32, #tpu.memory_space<vmem>>, vector<16xi32>,
      tpu.vector_store %arg8[%swap3A], %or3A_387 {strides = array<i32>} : memref<128xi32, #tpu.memory_space<vmem>>, vector<16xi32>,
      %mul3A_743 = arith.constant 16 : i32
      %mul3A_744 = arith.muli %scan3A_34, %mul3A_743 : i32
      %swap3A_745 = arith.index_cast %mul3A_744 : i32 to index
      %swap3A_746 = tpu.vector_load %arg9[%swap3A_745] {strides = array<i32>} : memref<128xi32, #tpu.memory_space<vmem>>, vector<16xi32>,
      tpu.vector_store %arg9[%swap3A_745], %or3A_739 {strides = array<i32>} : memref<128xi32, #tpu.memory_space<vmem>>, vector<16xi32>,
      %scan3A_747 = arith.constant 0 : i32
      scf.yield %scan3A_747 : i32
    }
    %scan3A_14 = arith.constant 8 : i32
    %barrier3A = arith.constant 0 : index
    tpu.barrier barrier_id(%barrier3A)
    "tpu.region"() ({
      %run_scoped3A = tpu.sem_alloc : memref<!tpu.dma_semaphore, #tpu.memory_space<semaphore_mem>>
      %dma_start3A = arith.constant 0 : i32
      %dma_start3A_34 = tpu.memref_slice %arg11[%dma_start3A] : memref<4096xi32, #tpu.memory_space<vmem_shared>> -> memref<2048xi32, #tpu.memory_space<vmem_shared>>
      %dma_start3A_35 = arith.constant 0 : i32
      %dma_start3A_36 = tpu.memref_slice %arg11[%dma_start3A_35] : memref<4096xi32, #tpu.memory_space<vmem_shared>> -> memref<2048xi32, #tpu.memory_space<vmem_shared>>
      tpu.enqueue_dma source(%dma_start3A_36 : memref<2048xi32, #tpu.memory_space<vmem_shared>>) target(%arg6 : memref<2048xi32, #tpu.memory_space<vmem>>) target_semaphore(%run_scoped3A : memref<!tpu.dma_semaphore, #tpu.memory_space<semaphore_mem>>)
      %dma_wait3A = arith.constant 0 : i32
      %dma_wait3A_37 = tpu.memref_slice %arg11[%dma_wait3A] : memref<4096xi32, #tpu.memory_space<vmem_shared>> -> memref<2048xi32, #tpu.memory_space<vmem_shared>>
      %dma_wait3A_38 = arith.constant 0 : i32
      %dma_wait3A_39 = tpu.memref_slice %arg11[%dma_wait3A_38] : memref<4096xi32, #tpu.memory_space<vmem_shared>> -> memref<2048xi32, #tpu.memory_space<vmem_shared>>
      tpu.wait_dma2 semaphore(%run_scoped3A : memref<!tpu.dma_semaphore, #tpu.memory_space<semaphore_mem>>) src(%dma_wait3A_39 : memref<2048xi32, #tpu.memory_space<vmem_shared>>) dst(%arg6 : memref<2048xi32, #tpu.memory_space<vmem>>)
      tpu.yield
    }) : () -> ()
    "tpu.region"() ({
      %run_scoped3A = tpu.sem_alloc : memref<!tpu.dma_semaphore, #tpu.memory_space<semaphore_mem>>
      %dma_start3A = arith.constant 2048 : i32
      %dma_start3A_34 = tpu.memref_slice %arg11[%dma_start3A] : memref<4096xi32, #tpu.memory_space<vmem_shared>> -> memref<2048xi32, #tpu.memory_space<vmem_shared>>
      %dma_start3A_35 = arith.constant 2048 : i32
      %dma_start3A_36 = tpu.memref_slice %arg11[%dma_start3A_35] : memref<4096xi32, #tpu.memory_space<vmem_shared>> -> memref<2048xi32, #tpu.memory_space<vmem_shared>>
      tpu.enqueue_dma source(%dma_start3A_36 : memref<2048xi32, #tpu.memory_space<vmem_shared>>) target(%arg7 : memref<2048xi32, #tpu.memory_space<vmem>>) target_semaphore(%run_scoped3A : memref<!tpu.dma_semaphore, #tpu.memory_space<semaphore_mem>>)
      %dma_wait3A = arith.constant 2048 : i32
      %dma_wait3A_37 = tpu.memref_slice %arg11[%dma_wait3A] : memref<4096xi32, #tpu.memory_space<vmem_shared>> -> memref<2048xi32, #tpu.memory_space<vmem_shared>>
      %dma_wait3A_38 = arith.constant 2048 : i32
      %dma_wait3A_39 = tpu.memref_slice %arg11[%dma_wait3A_38] : memref<4096xi32, #tpu.memory_space<vmem_shared>> -> memref<2048xi32, #tpu.memory_space<vmem_shared>>
      tpu.wait_dma2 semaphore(%run_scoped3A : memref<!tpu.dma_semaphore, #tpu.memory_space<semaphore_mem>>) src(%dma_wait3A_39 : memref<2048xi32, #tpu.memory_space<vmem_shared>>) dst(%arg7 : memref<2048xi32, #tpu.memory_space<vmem>>)
      tpu.yield
    }) : () -> ()
    %iota3A = tpu.iota {dimensions = array<i32: 0>} : vector<16xi32>
    %broadcast_in_dim3A = arith.constant -1 : i32
    %broadcast_in_dim3A_15 = vector.broadcast %broadcast_in_dim3A : i32 to vector<16xi32>
    %broadcast_in_dim3A_16 = arith.constant 16843009 : i32
    %broadcast_in_dim3A_17 = vector.broadcast %broadcast_in_dim3A_16 : i32 to vector<16xi32>
    %broadcast_in_dim3A_18 = arith.constant -2139062144 : i32
    %broadcast_in_dim3A_19 = vector.broadcast %broadcast_in_dim3A_18 : i32 to vector<16xi32>
    %broadcast_in_dim3A_20 = arith.constant 0 : i32
    %broadcast_in_dim3A_21 = vector.broadcast %broadcast_in_dim3A_20 : i32 to vector<16xi32>
    %scan3A_22 = arith.constant 0 : i32
    %scan3A_23 = arith.constant 0 : i32
    %scan3A_24 = arith.constant 8 : i32
    %scan3A_25 = arith.addi %scan3A_23, %scan3A_24 : i32
    %scan3A_26 = arith.constant 1 : i32
    %scan3A_27 = scf.for %scan3A_34 = %scan3A_23 to %scan3A_25 step %scan3A_26 iter_args(%scan3A_35 = %scan3A_22) -> (i32)  : i32 {
      %mul3A_36 = arith.constant 16 : i32
      %mul3A_37 = arith.muli %scan3A_34, %mul3A_36 : i32
      %get3A = arith.index_cast %mul3A_37 : i32 to index
      %get3A_38 = tpu.vector_load %arg8[%get3A] {strides = array<i32>} : memref<128xi32, #tpu.memory_space<vmem>>, vector<16xi32>,
      %mul3A_39 = arith.constant 16 : i32
      %mul3A_40 = arith.muli %scan3A_34, %mul3A_39 : i32
      %get3A_41 = arith.index_cast %mul3A_40 : i32 to index
      %get3A_42 = tpu.vector_load %arg9[%get3A_41] {strides = array<i32>} : memref<128xi32, #tpu.memory_space<vmem>>, vector<16xi32>,
      %slice3A = vector.extract_strided_slice %get3A_38 {offsets = [0], sizes = [1], strides = [1]} : vector<16xi32> to vector<1xi32>
      %squeeze3A = vector.extract %slice3A[0] : i32 from vector<1xi32>
      %broadcast_in_dim3A_43 = vector.broadcast %squeeze3A : i32 to vector<16xi32>
      %slice3A_44 = vector.extract_strided_slice %get3A_42 {offsets = [0], sizes = [1], strides = [1]} : vector<16xi32> to vector<1xi32>
      %squeeze3A_45 = vector.extract %slice3A_44[0] : i32 from vector<1xi32>
      %broadcast_in_dim3A_46 = vector.broadcast %squeeze3A_45 : i32 to vector<16xi32>
      %mul3A_47 = arith.constant 16 : i32
      %mul3A_48 = arith.muli %scan3A_34, %mul3A_47 : i32
      %add3A_49 = arith.constant 0 : i32
      %add3A_50 = arith.addi %mul3A_48, %add3A_49 : i32
      %mul3A_51 = arith.constant 64 : i32
      %mul3A_52 = arith.muli %add3A_50, %mul3A_51 : i32
      %add3A_53 = arith.constant 0 : i32
      %add3A_54 = arith.addi %mul3A_52, %add3A_53 : i32
      %swap3A = arith.index_cast %add3A_54 : i32 to index
      %swap3A_55 = tpu.vector_load %arg10[%swap3A] {strides = array<i32>} : memref<8208xi32, #tpu.memory_space<vmem>>, vector<16xi32>,
      tpu.vector_store %arg10[%swap3A], %broadcast_in_dim3A_15 {strides = array<i32>} : memref<8208xi32, #tpu.memory_space<vmem>>, vector<16xi32>,
      %add3A_56 = arith.constant 16 : i32
      %add3A_57 = arith.addi %mul3A_52, %add3A_56 : i32
      %swap3A_58 = arith.index_cast %add3A_57 : i32 to index
      %swap3A_59 = tpu.vector_load %arg10[%swap3A_58] {strides = array<i32>} : memref<8208xi32, #tpu.memory_space<vmem>>, vector<16xi32>,
      tpu.vector_store %arg10[%swap3A_58], %broadcast_in_dim3A_15 {strides = array<i32>} : memref<8208xi32, #tpu.memory_space<vmem>>, vector<16xi32>,
      %add3A_60 = arith.constant 32 : i32
      %add3A_61 = arith.addi %mul3A_52, %add3A_60 : i32
      %swap3A_62 = arith.index_cast %add3A_61 : i32 to index
      %swap3A_63 = tpu.vector_load %arg10[%swap3A_62] {strides = array<i32>} : memref<8208xi32, #tpu.memory_space<vmem>>, vector<16xi32>,
      tpu.vector_store %arg10[%swap3A_62], %broadcast_in_dim3A_15 {strides = array<i32>} : memref<8208xi32, #tpu.memory_space<vmem>>, vector<16xi32>,
      %add3A_64 = arith.constant 48 : i32
      %add3A_65 = arith.addi %mul3A_52, %add3A_64 : i32
      %swap3A_66 = arith.index_cast %add3A_65 : i32 to index
      %swap3A_67 = tpu.vector_load %arg10[%swap3A_66] {strides = array<i32>} : memref<8208xi32, #tpu.memory_space<vmem>>, vector<16xi32>,
      tpu.vector_store %arg10[%swap3A_66], %broadcast_in_dim3A_15 {strides = array<i32>} : memref<8208xi32, #tpu.memory_space<vmem>>, vector<16xi32>,
      %scan3A_68 = arith.constant 0 : i32
      %scan3A_69 = arith.constant 0 : i32
      %scan3A_70 = arith.constant 128 : i32
      %scan3A_71 = arith.addi %scan3A_69, %scan3A_70 : i32
      %scan3A_72 = arith.constant 1 : i32
      %scan3A_73 = scf.for %scan3A_601 = %scan3A_69 to %scan3A_71 step %scan3A_72 iter_args(%scan3A_602 = %scan3A_68) -> (i32)  : i32 {
        %mul3A_603 = arith.constant 16 : i32
        %mul3A_604 = arith.muli %scan3A_601, %mul3A_603 : i32
        %get3A_605 = arith.index_cast %mul3A_604 : i32 to index
        %get3A_606 = tpu.vector_load %arg6[%get3A_605] {strides = array<i32>} : memref<2048xi32, #tpu.memory_space<vmem>>, vector<16xi32>,
        %xor3A = arith.xori %get3A_606, %broadcast_in_dim3A_43 : vector<16xi32>
        %mul3A_607 = arith.constant 16 : i32
        %mul3A_608 = arith.muli %scan3A_601, %mul3A_607 : i32
        %get3A_609 = arith.index_cast %mul3A_608 : i32 to index
        %get3A_610 = tpu.vector_load %arg7[%get3A_609] {strides = array<i32>} : memref<2048xi32, #tpu.memory_space<vmem>>, vector<16xi32>,
        %xor3A_611 = arith.xori %get3A_610, %broadcast_in_dim3A_46 : vector<16xi32>
        %sub3A = arith.subi %xor3A, %broadcast_in_dim3A_17 : vector<16xi32>
        %not3A = arith.constant dense<-1> : vector<16xi32>
        %not3A_612 = arith.xori %xor3A, %not3A : vector<16xi32>
        %and3A = arith.andi %sub3A, %not3A_612 : vector<16xi32>
        %sub3A_613 = arith.subi %xor3A_611, %broadcast_in_dim3A_17 : vector<16xi32>
        %not3A_614 = arith.constant dense<-1> : vector<16xi32>
        %not3A_615 = arith.xori %xor3A_611, %not3A_614 : vector<16xi32>
        %and3A_616 = arith.andi %sub3A_613, %not3A_615 : vector<16xi32>
        %or3A = arith.ori %and3A, %and3A_616 : vector<16xi32>
        %and3A_617 = arith.andi %or3A, %broadcast_in_dim3A_19 : vector<16xi32>
        %ne3A = arith.cmpi ne, %and3A_617, %broadcast_in_dim3A_21 : vector<16xi32>
        %all_reduce_population_count3A = tpu.all_reduce %ne3A {dim = 0 : i64, kind = #tpu.reduction_kind<sum>} : vector<16xi1> -> vector<16xi32>
        %slice3A_618 = vector.extract_strided_slice %all_reduce_population_count3A {offsets = [0], sizes = [1], strides = [1]} : vector<16xi32> to vector<1xi32>
        %squeeze3A_619 = vector.extract %slice3A_618[0] : i32 from vector<1xi32>
        %lt3A = arith.constant 64 : i32
        %lt3A_620 = arith.cmpi slt, %scan3A_602, %lt3A : i32
        %gt3A = arith.constant 0 : i32
        %gt3A_621 = arith.cmpi sgt, %squeeze3A_619, %gt3A : i32
        %and3A_622 = arith.andi %lt3A_620, %gt3A_621 : i1
        %convert_element_type3A = arith.extui %and3A_622 : i1 to i32
        %cond3A = arith.constant 0 : i32
        %cond3A_623 = arith.cmpi ne, %convert_element_type3A, %cond3A : i32
        scf.if %cond3A_623 {
          %mul3A_625 = arith.constant 16 : i32
          %mul3A_626 = arith.muli %scan3A_601, %mul3A_625 : i32
          %broadcast_in_dim3A_627 = vector.broadcast %mul3A_626 : i32 to vector<16xi32>
          %add3A_628 = arith.addi %iota3A, %broadcast_in_dim3A_627 : vector<16xi32>
          %add3A_629 = arith.addi %mul3A_52, %scan3A_602 : i32
          %swap3A_630 = arith.index_cast %add3A_629 : i32 to index
          %swap3A_631 = tpu.vector_load %arg10[%swap3A_630] masked %ne3A {strides = array<i32>} : memref<8208xi32, #tpu.memory_space<vmem>>, vector<16xi32>, vector<16xi1>
          tpu.vector_store %arg10[%swap3A_630], %add3A_628 masked %ne3A {strides = array<i32>} : memref<8208xi32, #tpu.memory_space<vmem>>, vector<16xi32>, vector<16xi1>
        } else {
        }
        %add3A_624 = arith.addi %scan3A_602, %squeeze3A_619 : i32
        scf.yield %add3A_624 : i32
      }
      %scan3A_74 = arith.constant 128 : i32
      %slice3A_75 = vector.extract_strided_slice %get3A_38 {offsets = [1], sizes = [1], strides = [1]} : vector<16xi32> to vector<1xi32>
      %squeeze3A_76 = vector.extract %slice3A_75[0] : i32 from vector<1xi32>
      %broadcast_in_dim3A_77 = vector.broadcast %squeeze3A_76 : i32 to vector<16xi32>
      %slice3A_78 = vector.extract_strided_slice %get3A_42 {offsets = [1], sizes = [1], strides = [1]} : vector<16xi32> to vector<1xi32>
      %squeeze3A_79 = vector.extract %slice3A_78[0] : i32 from vector<1xi32>
      %broadcast_in_dim3A_80 = vector.broadcast %squeeze3A_79 : i32 to vector<16xi32>
      %mul3A_81 = arith.constant 16 : i32
      %mul3A_82 = arith.muli %scan3A_34, %mul3A_81 : i32
      %add3A_83 = arith.constant 1 : i32
      %add3A_84 = arith.addi %mul3A_82, %add3A_83 : i32
      %mul3A_85 = arith.constant 64 : i32
      %mul3A_86 = arith.muli %add3A_84, %mul3A_85 : i32
      %add3A_87 = arith.constant 0 : i32
      %add3A_88 = arith.addi %mul3A_86, %add3A_87 : i32
      %swap3A_89 = arith.index_cast %add3A_88 : i32 to index
      %swap3A_90 = tpu.vector_load %arg10[%swap3A_89] {strides = array<i32>} : memref<8208xi32, #tpu.memory_space<vmem>>, vector<16xi32>,
      tpu.vector_store %arg10[%swap3A_89], %broadcast_in_dim3A_15 {strides = array<i32>} : memref<8208xi32, #tpu.memory_space<vmem>>, vector<16xi32>,
      %add3A_91 = arith.constant 16 : i32
      %add3A_92 = arith.addi %mul3A_86, %add3A_91 : i32
      %swap3A_93 = arith.index_cast %add3A_92 : i32 to index
      %swap3A_94 = tpu.vector_load %arg10[%swap3A_93] {strides = array<i32>} : memref<8208xi32, #tpu.memory_space<vmem>>, vector<16xi32>,
      tpu.vector_store %arg10[%swap3A_93], %broadcast_in_dim3A_15 {strides = array<i32>} : memref<8208xi32, #tpu.memory_space<vmem>>, vector<16xi32>,
      %add3A_95 = arith.constant 32 : i32
      %add3A_96 = arith.addi %mul3A_86, %add3A_95 : i32
      %swap3A_97 = arith.index_cast %add3A_96 : i32 to index
      %swap3A_98 = tpu.vector_load %arg10[%swap3A_97] {strides = array<i32>} : memref<8208xi32, #tpu.memory_space<vmem>>, vector<16xi32>,
      tpu.vector_store %arg10[%swap3A_97], %broadcast_in_dim3A_15 {strides = array<i32>} : memref<8208xi32, #tpu.memory_space<vmem>>, vector<16xi32>,
      %add3A_99 = arith.constant 48 : i32
      %add3A_100 = arith.addi %mul3A_86, %add3A_99 : i32
      %swap3A_101 = arith.index_cast %add3A_100 : i32 to index
      %swap3A_102 = tpu.vector_load %arg10[%swap3A_101] {strides = array<i32>} : memref<8208xi32, #tpu.memory_space<vmem>>, vector<16xi32>,
      tpu.vector_store %arg10[%swap3A_101], %broadcast_in_dim3A_15 {strides = array<i32>} : memref<8208xi32, #tpu.memory_space<vmem>>, vector<16xi32>,
      %scan3A_103 = arith.constant 0 : i32
      %scan3A_104 = arith.constant 0 : i32
      %scan3A_105 = arith.constant 128 : i32
      %scan3A_106 = arith.addi %scan3A_104, %scan3A_105 : i32
      %scan3A_107 = arith.constant 1 : i32
      %scan3A_108 = scf.for %scan3A_601 = %scan3A_104 to %scan3A_106 step %scan3A_107 iter_args(%scan3A_602 = %scan3A_103) -> (i32)  : i32 {
        %mul3A_603 = arith.constant 16 : i32
        %mul3A_604 = arith.muli %scan3A_601, %mul3A_603 : i32
        %get3A_605 = arith.index_cast %mul3A_604 : i32 to index
        %get3A_606 = tpu.vector_load %arg6[%get3A_605] {strides = array<i32>} : memref<2048xi32, #tpu.memory_space<vmem>>, vector<16xi32>,
        %xor3A = arith.xori %get3A_606, %broadcast_in_dim3A_77 : vector<16xi32>
        %mul3A_607 = arith.constant 16 : i32
        %mul3A_608 = arith.muli %scan3A_601, %mul3A_607 : i32
        %get3A_609 = arith.index_cast %mul3A_608 : i32 to index
        %get3A_610 = tpu.vector_load %arg7[%get3A_609] {strides = array<i32>} : memref<2048xi32, #tpu.memory_space<vmem>>, vector<16xi32>,
        %xor3A_611 = arith.xori %get3A_610, %broadcast_in_dim3A_80 : vector<16xi32>
        %sub3A = arith.subi %xor3A, %broadcast_in_dim3A_17 : vector<16xi32>
        %not3A = arith.constant dense<-1> : vector<16xi32>
        %not3A_612 = arith.xori %xor3A, %not3A : vector<16xi32>
        %and3A = arith.andi %sub3A, %not3A_612 : vector<16xi32>
        %sub3A_613 = arith.subi %xor3A_611, %broadcast_in_dim3A_17 : vector<16xi32>
        %not3A_614 = arith.constant dense<-1> : vector<16xi32>
        %not3A_615 = arith.xori %xor3A_611, %not3A_614 : vector<16xi32>
        %and3A_616 = arith.andi %sub3A_613, %not3A_615 : vector<16xi32>
        %or3A = arith.ori %and3A, %and3A_616 : vector<16xi32>
        %and3A_617 = arith.andi %or3A, %broadcast_in_dim3A_19 : vector<16xi32>
        %ne3A = arith.cmpi ne, %and3A_617, %broadcast_in_dim3A_21 : vector<16xi32>
        %all_reduce_population_count3A = tpu.all_reduce %ne3A {dim = 0 : i64, kind = #tpu.reduction_kind<sum>} : vector<16xi1> -> vector<16xi32>
        %slice3A_618 = vector.extract_strided_slice %all_reduce_population_count3A {offsets = [0], sizes = [1], strides = [1]} : vector<16xi32> to vector<1xi32>
        %squeeze3A_619 = vector.extract %slice3A_618[0] : i32 from vector<1xi32>
        %lt3A = arith.constant 64 : i32
        %lt3A_620 = arith.cmpi slt, %scan3A_602, %lt3A : i32
        %gt3A = arith.constant 0 : i32
        %gt3A_621 = arith.cmpi sgt, %squeeze3A_619, %gt3A : i32
        %and3A_622 = arith.andi %lt3A_620, %gt3A_621 : i1
        %convert_element_type3A = arith.extui %and3A_622 : i1 to i32
        %cond3A = arith.constant 0 : i32
        %cond3A_623 = arith.cmpi ne, %convert_element_type3A, %cond3A : i32
        scf.if %cond3A_623 {
          %mul3A_625 = arith.constant 16 : i32
          %mul3A_626 = arith.muli %scan3A_601, %mul3A_625 : i32
          %broadcast_in_dim3A_627 = vector.broadcast %mul3A_626 : i32 to vector<16xi32>
          %add3A_628 = arith.addi %iota3A, %broadcast_in_dim3A_627 : vector<16xi32>
          %add3A_629 = arith.addi %mul3A_86, %scan3A_602 : i32
          %swap3A_630 = arith.index_cast %add3A_629 : i32 to index
          %swap3A_631 = tpu.vector_load %arg10[%swap3A_630] masked %ne3A {strides = array<i32>} : memref<8208xi32, #tpu.memory_space<vmem>>, vector<16xi32>, vector<16xi1>
          tpu.vector_store %arg10[%swap3A_630], %add3A_628 masked %ne3A {strides = array<i32>} : memref<8208xi32, #tpu.memory_space<vmem>>, vector<16xi32>, vector<16xi1>
        } else {
        }
        %add3A_624 = arith.addi %scan3A_602, %squeeze3A_619 : i32
        scf.yield %add3A_624 : i32
      }
      %scan3A_109 = arith.constant 128 : i32
      %slice3A_110 = vector.extract_strided_slice %get3A_38 {offsets = [2], sizes = [1], strides = [1]} : vector<16xi32> to vector<1xi32>
      %squeeze3A_111 = vector.extract %slice3A_110[0] : i32 from vector<1xi32>
      %broadcast_in_dim3A_112 = vector.broadcast %squeeze3A_111 : i32 to vector<16xi32>
      %slice3A_113 = vector.extract_strided_slice %get3A_42 {offsets = [2], sizes = [1], strides = [1]} : vector<16xi32> to vector<1xi32>
      %squeeze3A_114 = vector.extract %slice3A_113[0] : i32 from vector<1xi32>
      %broadcast_in_dim3A_115 = vector.broadcast %squeeze3A_114 : i32 to vector<16xi32>
      %mul3A_116 = arith.constant 16 : i32
      %mul3A_117 = arith.muli %scan3A_34, %mul3A_116 : i32
      %add3A_118 = arith.constant 2 : i32
      %add3A_119 = arith.addi %mul3A_117, %add3A_118 : i32
      %mul3A_120 = arith.constant 64 : i32
      %mul3A_121 = arith.muli %add3A_119, %mul3A_120 : i32
      %add3A_122 = arith.constant 0 : i32
      %add3A_123 = arith.addi %mul3A_121, %add3A_122 : i32
      %swap3A_124 = arith.index_cast %add3A_123 : i32 to index
      %swap3A_125 = tpu.vector_load %arg10[%swap3A_124] {strides = array<i32>} : memref<8208xi32, #tpu.memory_space<vmem>>, vector<16xi32>,
      tpu.vector_store %arg10[%swap3A_124], %broadcast_in_dim3A_15 {strides = array<i32>} : memref<8208xi32, #tpu.memory_space<vmem>>, vector<16xi32>,
      %add3A_126 = arith.constant 16 : i32
      %add3A_127 = arith.addi %mul3A_121, %add3A_126 : i32
      %swap3A_128 = arith.index_cast %add3A_127 : i32 to index
      %swap3A_129 = tpu.vector_load %arg10[%swap3A_128] {strides = array<i32>} : memref<8208xi32, #tpu.memory_space<vmem>>, vector<16xi32>,
      tpu.vector_store %arg10[%swap3A_128], %broadcast_in_dim3A_15 {strides = array<i32>} : memref<8208xi32, #tpu.memory_space<vmem>>, vector<16xi32>,
      %add3A_130 = arith.constant 32 : i32
      %add3A_131 = arith.addi %mul3A_121, %add3A_130 : i32
      %swap3A_132 = arith.index_cast %add3A_131 : i32 to index
      %swap3A_133 = tpu.vector_load %arg10[%swap3A_132] {strides = array<i32>} : memref<8208xi32, #tpu.memory_space<vmem>>, vector<16xi32>,
      tpu.vector_store %arg10[%swap3A_132], %broadcast_in_dim3A_15 {strides = array<i32>} : memref<8208xi32, #tpu.memory_space<vmem>>, vector<16xi32>,
      %add3A_134 = arith.constant 48 : i32
      %add3A_135 = arith.addi %mul3A_121, %add3A_134 : i32
      %swap3A_136 = arith.index_cast %add3A_135 : i32 to index
      %swap3A_137 = tpu.vector_load %arg10[%swap3A_136] {strides = array<i32>} : memref<8208xi32, #tpu.memory_space<vmem>>, vector<16xi32>,
      tpu.vector_store %arg10[%swap3A_136], %broadcast_in_dim3A_15 {strides = array<i32>} : memref<8208xi32, #tpu.memory_space<vmem>>, vector<16xi32>,
      %scan3A_138 = arith.constant 0 : i32
      %scan3A_139 = arith.constant 0 : i32
      %scan3A_140 = arith.constant 128 : i32
      %scan3A_141 = arith.addi %scan3A_139, %scan3A_140 : i32
      %scan3A_142 = arith.constant 1 : i32
      %scan3A_143 = scf.for %scan3A_601 = %scan3A_139 to %scan3A_141 step %scan3A_142 iter_args(%scan3A_602 = %scan3A_138) -> (i32)  : i32 {
        %mul3A_603 = arith.constant 16 : i32
        %mul3A_604 = arith.muli %scan3A_601, %mul3A_603 : i32
        %get3A_605 = arith.index_cast %mul3A_604 : i32 to index
        %get3A_606 = tpu.vector_load %arg6[%get3A_605] {strides = array<i32>} : memref<2048xi32, #tpu.memory_space<vmem>>, vector<16xi32>,
        %xor3A = arith.xori %get3A_606, %broadcast_in_dim3A_112 : vector<16xi32>
        %mul3A_607 = arith.constant 16 : i32
        %mul3A_608 = arith.muli %scan3A_601, %mul3A_607 : i32
        %get3A_609 = arith.index_cast %mul3A_608 : i32 to index
        %get3A_610 = tpu.vector_load %arg7[%get3A_609] {strides = array<i32>} : memref<2048xi32, #tpu.memory_space<vmem>>, vector<16xi32>,
        %xor3A_611 = arith.xori %get3A_610, %broadcast_in_dim3A_115 : vector<16xi32>
        %sub3A = arith.subi %xor3A, %broadcast_in_dim3A_17 : vector<16xi32>
        %not3A = arith.constant dense<-1> : vector<16xi32>
        %not3A_612 = arith.xori %xor3A, %not3A : vector<16xi32>
        %and3A = arith.andi %sub3A, %not3A_612 : vector<16xi32>
        %sub3A_613 = arith.subi %xor3A_611, %broadcast_in_dim3A_17 : vector<16xi32>
        %not3A_614 = arith.constant dense<-1> : vector<16xi32>
        %not3A_615 = arith.xori %xor3A_611, %not3A_614 : vector<16xi32>
        %and3A_616 = arith.andi %sub3A_613, %not3A_615 : vector<16xi32>
        %or3A = arith.ori %and3A, %and3A_616 : vector<16xi32>
        %and3A_617 = arith.andi %or3A, %broadcast_in_dim3A_19 : vector<16xi32>
        %ne3A = arith.cmpi ne, %and3A_617, %broadcast_in_dim3A_21 : vector<16xi32>
        %all_reduce_population_count3A = tpu.all_reduce %ne3A {dim = 0 : i64, kind = #tpu.reduction_kind<sum>} : vector<16xi1> -> vector<16xi32>
        %slice3A_618 = vector.extract_strided_slice %all_reduce_population_count3A {offsets = [0], sizes = [1], strides = [1]} : vector<16xi32> to vector<1xi32>
        %squeeze3A_619 = vector.extract %slice3A_618[0] : i32 from vector<1xi32>
        %lt3A = arith.constant 64 : i32
        %lt3A_620 = arith.cmpi slt, %scan3A_602, %lt3A : i32
        %gt3A = arith.constant 0 : i32
        %gt3A_621 = arith.cmpi sgt, %squeeze3A_619, %gt3A : i32
        %and3A_622 = arith.andi %lt3A_620, %gt3A_621 : i1
        %convert_element_type3A = arith.extui %and3A_622 : i1 to i32
        %cond3A = arith.constant 0 : i32
        %cond3A_623 = arith.cmpi ne, %convert_element_type3A, %cond3A : i32
        scf.if %cond3A_623 {
          %mul3A_625 = arith.constant 16 : i32
          %mul3A_626 = arith.muli %scan3A_601, %mul3A_625 : i32
          %broadcast_in_dim3A_627 = vector.broadcast %mul3A_626 : i32 to vector<16xi32>
          %add3A_628 = arith.addi %iota3A, %broadcast_in_dim3A_627 : vector<16xi32>
          %add3A_629 = arith.addi %mul3A_121, %scan3A_602 : i32
          %swap3A_630 = arith.index_cast %add3A_629 : i32 to index
          %swap3A_631 = tpu.vector_load %arg10[%swap3A_630] masked %ne3A {strides = array<i32>} : memref<8208xi32, #tpu.memory_space<vmem>>, vector<16xi32>, vector<16xi1>
          tpu.vector_store %arg10[%swap3A_630], %add3A_628 masked %ne3A {strides = array<i32>} : memref<8208xi32, #tpu.memory_space<vmem>>, vector<16xi32>, vector<16xi1>
        } else {
        }
        %add3A_624 = arith.addi %scan3A_602, %squeeze3A_619 : i32
        scf.yield %add3A_624 : i32
      }
      %scan3A_144 = arith.constant 128 : i32
      %slice3A_145 = vector.extract_strided_slice %get3A_38 {offsets = [3], sizes = [1], strides = [1]} : vector<16xi32> to vector<1xi32>
      %squeeze3A_146 = vector.extract %slice3A_145[0] : i32 from vector<1xi32>
      %broadcast_in_dim3A_147 = vector.broadcast %squeeze3A_146 : i32 to vector<16xi32>
      %slice3A_148 = vector.extract_strided_slice %get3A_42 {offsets = [3], sizes = [1], strides = [1]} : vector<16xi32> to vector<1xi32>
      %squeeze3A_149 = vector.extract %slice3A_148[0] : i32 from vector<1xi32>
      %broadcast_in_dim3A_150 = vector.broadcast %squeeze3A_149 : i32 to vector<16xi32>
      %mul3A_151 = arith.constant 16 : i32
      %mul3A_152 = arith.muli %scan3A_34, %mul3A_151 : i32
      %add3A_153 = arith.constant 3 : i32
      %add3A_154 = arith.addi %mul3A_152, %add3A_153 : i32
      %mul3A_155 = arith.constant 64 : i32
      %mul3A_156 = arith.muli %add3A_154, %mul3A_155 : i32
      %add3A_157 = arith.constant 0 : i32
      %add3A_158 = arith.addi %mul3A_156, %add3A_157 : i32
      %swap3A_159 = arith.index_cast %add3A_158 : i32 to index
      %swap3A_160 = tpu.vector_load %arg10[%swap3A_159] {strides = array<i32>} : memref<8208xi32, #tpu.memory_space<vmem>>, vector<16xi32>,
      tpu.vector_store %arg10[%swap3A_159], %broadcast_in_dim3A_15 {strides = array<i32>} : memref<8208xi32, #tpu.memory_space<vmem>>, vector<16xi32>,
      %add3A_161 = arith.constant 16 : i32
      %add3A_162 = arith.addi %mul3A_156, %add3A_161 : i32
      %swap3A_163 = arith.index_cast %add3A_162 : i32 to index
      %swap3A_164 = tpu.vector_load %arg10[%swap3A_163] {strides = array<i32>} : memref<8208xi32, #tpu.memory_space<vmem>>, vector<16xi32>,
      tpu.vector_store %arg10[%swap3A_163], %broadcast_in_dim3A_15 {strides = array<i32>} : memref<8208xi32, #tpu.memory_space<vmem>>, vector<16xi32>,
      %add3A_165 = arith.constant 32 : i32
      %add3A_166 = arith.addi %mul3A_156, %add3A_165 : i32
      %swap3A_167 = arith.index_cast %add3A_166 : i32 to index
      %swap3A_168 = tpu.vector_load %arg10[%swap3A_167] {strides = array<i32>} : memref<8208xi32, #tpu.memory_space<vmem>>, vector<16xi32>,
      tpu.vector_store %arg10[%swap3A_167], %broadcast_in_dim3A_15 {strides = array<i32>} : memref<8208xi32, #tpu.memory_space<vmem>>, vector<16xi32>,
      %add3A_169 = arith.constant 48 : i32
      %add3A_170 = arith.addi %mul3A_156, %add3A_169 : i32
      %swap3A_171 = arith.index_cast %add3A_170 : i32 to index
      %swap3A_172 = tpu.vector_load %arg10[%swap3A_171] {strides = array<i32>} : memref<8208xi32, #tpu.memory_space<vmem>>, vector<16xi32>,
      tpu.vector_store %arg10[%swap3A_171], %broadcast_in_dim3A_15 {strides = array<i32>} : memref<8208xi32, #tpu.memory_space<vmem>>, vector<16xi32>,
      %scan3A_173 = arith.constant 0 : i32
      %scan3A_174 = arith.constant 0 : i32
      %scan3A_175 = arith.constant 128 : i32
      %scan3A_176 = arith.addi %scan3A_174, %scan3A_175 : i32
      %scan3A_177 = arith.constant 1 : i32
      %scan3A_178 = scf.for %scan3A_601 = %scan3A_174 to %scan3A_176 step %scan3A_177 iter_args(%scan3A_602 = %scan3A_173) -> (i32)  : i32 {
        %mul3A_603 = arith.constant 16 : i32
        %mul3A_604 = arith.muli %scan3A_601, %mul3A_603 : i32
        %get3A_605 = arith.index_cast %mul3A_604 : i32 to index
        %get3A_606 = tpu.vector_load %arg6[%get3A_605] {strides = array<i32>} : memref<2048xi32, #tpu.memory_space<vmem>>, vector<16xi32>,
        %xor3A = arith.xori %get3A_606, %broadcast_in_dim3A_147 : vector<16xi32>
        %mul3A_607 = arith.constant 16 : i32
        %mul3A_608 = arith.muli %scan3A_601, %mul3A_607 : i32
        %get3A_609 = arith.index_cast %mul3A_608 : i32 to index
        %get3A_610 = tpu.vector_load %arg7[%get3A_609] {strides = array<i32>} : memref<2048xi32, #tpu.memory_space<vmem>>, vector<16xi32>,
        %xor3A_611 = arith.xori %get3A_610, %broadcast_in_dim3A_150 : vector<16xi32>
        %sub3A = arith.subi %xor3A, %broadcast_in_dim3A_17 : vector<16xi32>
        %not3A = arith.constant dense<-1> : vector<16xi32>
        %not3A_612 = arith.xori %xor3A, %not3A : vector<16xi32>
        %and3A = arith.andi %sub3A, %not3A_612 : vector<16xi32>
        %sub3A_613 = arith.subi %xor3A_611, %broadcast_in_dim3A_17 : vector<16xi32>
        %not3A_614 = arith.constant dense<-1> : vector<16xi32>
        %not3A_615 = arith.xori %xor3A_611, %not3A_614 : vector<16xi32>
        %and3A_616 = arith.andi %sub3A_613, %not3A_615 : vector<16xi32>
        %or3A = arith.ori %and3A, %and3A_616 : vector<16xi32>
        %and3A_617 = arith.andi %or3A, %broadcast_in_dim3A_19 : vector<16xi32>
        %ne3A = arith.cmpi ne, %and3A_617, %broadcast_in_dim3A_21 : vector<16xi32>
        %all_reduce_population_count3A = tpu.all_reduce %ne3A {dim = 0 : i64, kind = #tpu.reduction_kind<sum>} : vector<16xi1> -> vector<16xi32>
        %slice3A_618 = vector.extract_strided_slice %all_reduce_population_count3A {offsets = [0], sizes = [1], strides = [1]} : vector<16xi32> to vector<1xi32>
        %squeeze3A_619 = vector.extract %slice3A_618[0] : i32 from vector<1xi32>
        %lt3A = arith.constant 64 : i32
        %lt3A_620 = arith.cmpi slt, %scan3A_602, %lt3A : i32
        %gt3A = arith.constant 0 : i32
        %gt3A_621 = arith.cmpi sgt, %squeeze3A_619, %gt3A : i32
        %and3A_622 = arith.andi %lt3A_620, %gt3A_621 : i1
        %convert_element_type3A = arith.extui %and3A_622 : i1 to i32
        %cond3A = arith.constant 0 : i32
        %cond3A_623 = arith.cmpi ne, %convert_element_type3A, %cond3A : i32
        scf.if %cond3A_623 {
          %mul3A_625 = arith.constant 16 : i32
          %mul3A_626 = arith.muli %scan3A_601, %mul3A_625 : i32
          %broadcast_in_dim3A_627 = vector.broadcast %mul3A_626 : i32 to vector<16xi32>
          %add3A_628 = arith.addi %iota3A, %broadcast_in_dim3A_627 : vector<16xi32>
          %add3A_629 = arith.addi %mul3A_156, %scan3A_602 : i32
          %swap3A_630 = arith.index_cast %add3A_629 : i32 to index
          %swap3A_631 = tpu.vector_load %arg10[%swap3A_630] masked %ne3A {strides = array<i32>} : memref<8208xi32, #tpu.memory_space<vmem>>, vector<16xi32>, vector<16xi1>
          tpu.vector_store %arg10[%swap3A_630], %add3A_628 masked %ne3A {strides = array<i32>} : memref<8208xi32, #tpu.memory_space<vmem>>, vector<16xi32>, vector<16xi1>
        } else {
        }
        %add3A_624 = arith.addi %scan3A_602, %squeeze3A_619 : i32
        scf.yield %add3A_624 : i32
      }
      %scan3A_179 = arith.constant 128 : i32
      %slice3A_180 = vector.extract_strided_slice %get3A_38 {offsets = [4], sizes = [1], strides = [1]} : vector<16xi32> to vector<1xi32>
      %squeeze3A_181 = vector.extract %slice3A_180[0] : i32 from vector<1xi32>
      %broadcast_in_dim3A_182 = vector.broadcast %squeeze3A_181 : i32 to vector<16xi32>
      %slice3A_183 = vector.extract_strided_slice %get3A_42 {offsets = [4], sizes = [1], strides = [1]} : vector<16xi32> to vector<1xi32>
      %squeeze3A_184 = vector.extract %slice3A_183[0] : i32 from vector<1xi32>
      %broadcast_in_dim3A_185 = vector.broadcast %squeeze3A_184 : i32 to vector<16xi32>
      %mul3A_186 = arith.constant 16 : i32
      %mul3A_187 = arith.muli %scan3A_34, %mul3A_186 : i32
      %add3A_188 = arith.constant 4 : i32
      %add3A_189 = arith.addi %mul3A_187, %add3A_188 : i32
      %mul3A_190 = arith.constant 64 : i32
      %mul3A_191 = arith.muli %add3A_189, %mul3A_190 : i32
      %add3A_192 = arith.constant 0 : i32
      %add3A_193 = arith.addi %mul3A_191, %add3A_192 : i32
      %swap3A_194 = arith.index_cast %add3A_193 : i32 to index
      %swap3A_195 = tpu.vector_load %arg10[%swap3A_194] {strides = array<i32>} : memref<8208xi32, #tpu.memory_space<vmem>>, vector<16xi32>,
      tpu.vector_store %arg10[%swap3A_194], %broadcast_in_dim3A_15 {strides = array<i32>} : memref<8208xi32, #tpu.memory_space<vmem>>, vector<16xi32>,
      %add3A_196 = arith.constant 16 : i32
      %add3A_197 = arith.addi %mul3A_191, %add3A_196 : i32
      %swap3A_198 = arith.index_cast %add3A_197 : i32 to index
      %swap3A_199 = tpu.vector_load %arg10[%swap3A_198] {strides = array<i32>} : memref<8208xi32, #tpu.memory_space<vmem>>, vector<16xi32>,
      tpu.vector_store %arg10[%swap3A_198], %broadcast_in_dim3A_15 {strides = array<i32>} : memref<8208xi32, #tpu.memory_space<vmem>>, vector<16xi32>,
      %add3A_200 = arith.constant 32 : i32
      %add3A_201 = arith.addi %mul3A_191, %add3A_200 : i32
      %swap3A_202 = arith.index_cast %add3A_201 : i32 to index
      %swap3A_203 = tpu.vector_load %arg10[%swap3A_202] {strides = array<i32>} : memref<8208xi32, #tpu.memory_space<vmem>>, vector<16xi32>,
      tpu.vector_store %arg10[%swap3A_202], %broadcast_in_dim3A_15 {strides = array<i32>} : memref<8208xi32, #tpu.memory_space<vmem>>, vector<16xi32>,
      %add3A_204 = arith.constant 48 : i32
      %add3A_205 = arith.addi %mul3A_191, %add3A_204 : i32
      %swap3A_206 = arith.index_cast %add3A_205 : i32 to index
      %swap3A_207 = tpu.vector_load %arg10[%swap3A_206] {strides = array<i32>} : memref<8208xi32, #tpu.memory_space<vmem>>, vector<16xi32>,
      tpu.vector_store %arg10[%swap3A_206], %broadcast_in_dim3A_15 {strides = array<i32>} : memref<8208xi32, #tpu.memory_space<vmem>>, vector<16xi32>,
      %scan3A_208 = arith.constant 0 : i32
      %scan3A_209 = arith.constant 0 : i32
      %scan3A_210 = arith.constant 128 : i32
      %scan3A_211 = arith.addi %scan3A_209, %scan3A_210 : i32
      %scan3A_212 = arith.constant 1 : i32
      %scan3A_213 = scf.for %scan3A_601 = %scan3A_209 to %scan3A_211 step %scan3A_212 iter_args(%scan3A_602 = %scan3A_208) -> (i32)  : i32 {
        %mul3A_603 = arith.constant 16 : i32
        %mul3A_604 = arith.muli %scan3A_601, %mul3A_603 : i32
        %get3A_605 = arith.index_cast %mul3A_604 : i32 to index
        %get3A_606 = tpu.vector_load %arg6[%get3A_605] {strides = array<i32>} : memref<2048xi32, #tpu.memory_space<vmem>>, vector<16xi32>,
        %xor3A = arith.xori %get3A_606, %broadcast_in_dim3A_182 : vector<16xi32>
        %mul3A_607 = arith.constant 16 : i32
        %mul3A_608 = arith.muli %scan3A_601, %mul3A_607 : i32
        %get3A_609 = arith.index_cast %mul3A_608 : i32 to index
        %get3A_610 = tpu.vector_load %arg7[%get3A_609] {strides = array<i32>} : memref<2048xi32, #tpu.memory_space<vmem>>, vector<16xi32>,
        %xor3A_611 = arith.xori %get3A_610, %broadcast_in_dim3A_185 : vector<16xi32>
        %sub3A = arith.subi %xor3A, %broadcast_in_dim3A_17 : vector<16xi32>
        %not3A = arith.constant dense<-1> : vector<16xi32>
        %not3A_612 = arith.xori %xor3A, %not3A : vector<16xi32>
        %and3A = arith.andi %sub3A, %not3A_612 : vector<16xi32>
        %sub3A_613 = arith.subi %xor3A_611, %broadcast_in_dim3A_17 : vector<16xi32>
        %not3A_614 = arith.constant dense<-1> : vector<16xi32>
        %not3A_615 = arith.xori %xor3A_611, %not3A_614 : vector<16xi32>
        %and3A_616 = arith.andi %sub3A_613, %not3A_615 : vector<16xi32>
        %or3A = arith.ori %and3A, %and3A_616 : vector<16xi32>
        %and3A_617 = arith.andi %or3A, %broadcast_in_dim3A_19 : vector<16xi32>
        %ne3A = arith.cmpi ne, %and3A_617, %broadcast_in_dim3A_21 : vector<16xi32>
        %all_reduce_population_count3A = tpu.all_reduce %ne3A {dim = 0 : i64, kind = #tpu.reduction_kind<sum>} : vector<16xi1> -> vector<16xi32>
        %slice3A_618 = vector.extract_strided_slice %all_reduce_population_count3A {offsets = [0], sizes = [1], strides = [1]} : vector<16xi32> to vector<1xi32>
        %squeeze3A_619 = vector.extract %slice3A_618[0] : i32 from vector<1xi32>
        %lt3A = arith.constant 64 : i32
        %lt3A_620 = arith.cmpi slt, %scan3A_602, %lt3A : i32
        %gt3A = arith.constant 0 : i32
        %gt3A_621 = arith.cmpi sgt, %squeeze3A_619, %gt3A : i32
        %and3A_622 = arith.andi %lt3A_620, %gt3A_621 : i1
        %convert_element_type3A = arith.extui %and3A_622 : i1 to i32
        %cond3A = arith.constant 0 : i32
        %cond3A_623 = arith.cmpi ne, %convert_element_type3A, %cond3A : i32
        scf.if %cond3A_623 {
          %mul3A_625 = arith.constant 16 : i32
          %mul3A_626 = arith.muli %scan3A_601, %mul3A_625 : i32
          %broadcast_in_dim3A_627 = vector.broadcast %mul3A_626 : i32 to vector<16xi32>
          %add3A_628 = arith.addi %iota3A, %broadcast_in_dim3A_627 : vector<16xi32>
          %add3A_629 = arith.addi %mul3A_191, %scan3A_602 : i32
          %swap3A_630 = arith.index_cast %add3A_629 : i32 to index
          %swap3A_631 = tpu.vector_load %arg10[%swap3A_630] masked %ne3A {strides = array<i32>} : memref<8208xi32, #tpu.memory_space<vmem>>, vector<16xi32>, vector<16xi1>
          tpu.vector_store %arg10[%swap3A_630], %add3A_628 masked %ne3A {strides = array<i32>} : memref<8208xi32, #tpu.memory_space<vmem>>, vector<16xi32>, vector<16xi1>
        } else {
        }
        %add3A_624 = arith.addi %scan3A_602, %squeeze3A_619 : i32
        scf.yield %add3A_624 : i32
      }
      %scan3A_214 = arith.constant 128 : i32
      %slice3A_215 = vector.extract_strided_slice %get3A_38 {offsets = [5], sizes = [1], strides = [1]} : vector<16xi32> to vector<1xi32>
      %squeeze3A_216 = vector.extract %slice3A_215[0] : i32 from vector<1xi32>
      %broadcast_in_dim3A_217 = vector.broadcast %squeeze3A_216 : i32 to vector<16xi32>
      %slice3A_218 = vector.extract_strided_slice %get3A_42 {offsets = [5], sizes = [1], strides = [1]} : vector<16xi32> to vector<1xi32>
      %squeeze3A_219 = vector.extract %slice3A_218[0] : i32 from vector<1xi32>
      %broadcast_in_dim3A_220 = vector.broadcast %squeeze3A_219 : i32 to vector<16xi32>
      %mul3A_221 = arith.constant 16 : i32
      %mul3A_222 = arith.muli %scan3A_34, %mul3A_221 : i32
      %add3A_223 = arith.constant 5 : i32
      %add3A_224 = arith.addi %mul3A_222, %add3A_223 : i32
      %mul3A_225 = arith.constant 64 : i32
      %mul3A_226 = arith.muli %add3A_224, %mul3A_225 : i32
      %add3A_227 = arith.constant 0 : i32
      %add3A_228 = arith.addi %mul3A_226, %add3A_227 : i32
      %swap3A_229 = arith.index_cast %add3A_228 : i32 to index
      %swap3A_230 = tpu.vector_load %arg10[%swap3A_229] {strides = array<i32>} : memref<8208xi32, #tpu.memory_space<vmem>>, vector<16xi32>,
      tpu.vector_store %arg10[%swap3A_229], %broadcast_in_dim3A_15 {strides = array<i32>} : memref<8208xi32, #tpu.memory_space<vmem>>, vector<16xi32>,
      %add3A_231 = arith.constant 16 : i32
      %add3A_232 = arith.addi %mul3A_226, %add3A_231 : i32
      %swap3A_233 = arith.index_cast %add3A_232 : i32 to index
      %swap3A_234 = tpu.vector_load %arg10[%swap3A_233] {strides = array<i32>} : memref<8208xi32, #tpu.memory_space<vmem>>, vector<16xi32>,
      tpu.vector_store %arg10[%swap3A_233], %broadcast_in_dim3A_15 {strides = array<i32>} : memref<8208xi32, #tpu.memory_space<vmem>>, vector<16xi32>,
      %add3A_235 = arith.constant 32 : i32
      %add3A_236 = arith.addi %mul3A_226, %add3A_235 : i32
      %swap3A_237 = arith.index_cast %add3A_236 : i32 to index
      %swap3A_238 = tpu.vector_load %arg10[%swap3A_237] {strides = array<i32>} : memref<8208xi32, #tpu.memory_space<vmem>>, vector<16xi32>,
      tpu.vector_store %arg10[%swap3A_237], %broadcast_in_dim3A_15 {strides = array<i32>} : memref<8208xi32, #tpu.memory_space<vmem>>, vector<16xi32>,
      %add3A_239 = arith.constant 48 : i32
      %add3A_240 = arith.addi %mul3A_226, %add3A_239 : i32
      %swap3A_241 = arith.index_cast %add3A_240 : i32 to index
      %swap3A_242 = tpu.vector_load %arg10[%swap3A_241] {strides = array<i32>} : memref<8208xi32, #tpu.memory_space<vmem>>, vector<16xi32>,
      tpu.vector_store %arg10[%swap3A_241], %broadcast_in_dim3A_15 {strides = array<i32>} : memref<8208xi32, #tpu.memory_space<vmem>>, vector<16xi32>,
      %scan3A_243 = arith.constant 0 : i32
      %scan3A_244 = arith.constant 0 : i32
      %scan3A_245 = arith.constant 128 : i32
      %scan3A_246 = arith.addi %scan3A_244, %scan3A_245 : i32
      %scan3A_247 = arith.constant 1 : i32
      %scan3A_248 = scf.for %scan3A_601 = %scan3A_244 to %scan3A_246 step %scan3A_247 iter_args(%scan3A_602 = %scan3A_243) -> (i32)  : i32 {
        %mul3A_603 = arith.constant 16 : i32
        %mul3A_604 = arith.muli %scan3A_601, %mul3A_603 : i32
        %get3A_605 = arith.index_cast %mul3A_604 : i32 to index
        %get3A_606 = tpu.vector_load %arg6[%get3A_605] {strides = array<i32>} : memref<2048xi32, #tpu.memory_space<vmem>>, vector<16xi32>,
        %xor3A = arith.xori %get3A_606, %broadcast_in_dim3A_217 : vector<16xi32>
        %mul3A_607 = arith.constant 16 : i32
        %mul3A_608 = arith.muli %scan3A_601, %mul3A_607 : i32
        %get3A_609 = arith.index_cast %mul3A_608 : i32 to index
        %get3A_610 = tpu.vector_load %arg7[%get3A_609] {strides = array<i32>} : memref<2048xi32, #tpu.memory_space<vmem>>, vector<16xi32>,
        %xor3A_611 = arith.xori %get3A_610, %broadcast_in_dim3A_220 : vector<16xi32>
        %sub3A = arith.subi %xor3A, %broadcast_in_dim3A_17 : vector<16xi32>
        %not3A = arith.constant dense<-1> : vector<16xi32>
        %not3A_612 = arith.xori %xor3A, %not3A : vector<16xi32>
        %and3A = arith.andi %sub3A, %not3A_612 : vector<16xi32>
        %sub3A_613 = arith.subi %xor3A_611, %broadcast_in_dim3A_17 : vector<16xi32>
        %not3A_614 = arith.constant dense<-1> : vector<16xi32>
        %not3A_615 = arith.xori %xor3A_611, %not3A_614 : vector<16xi32>
        %and3A_616 = arith.andi %sub3A_613, %not3A_615 : vector<16xi32>
        %or3A = arith.ori %and3A, %and3A_616 : vector<16xi32>
        %and3A_617 = arith.andi %or3A, %broadcast_in_dim3A_19 : vector<16xi32>
        %ne3A = arith.cmpi ne, %and3A_617, %broadcast_in_dim3A_21 : vector<16xi32>
        %all_reduce_population_count3A = tpu.all_reduce %ne3A {dim = 0 : i64, kind = #tpu.reduction_kind<sum>} : vector<16xi1> -> vector<16xi32>
        %slice3A_618 = vector.extract_strided_slice %all_reduce_population_count3A {offsets = [0], sizes = [1], strides = [1]} : vector<16xi32> to vector<1xi32>
        %squeeze3A_619 = vector.extract %slice3A_618[0] : i32 from vector<1xi32>
        %lt3A = arith.constant 64 : i32
        %lt3A_620 = arith.cmpi slt, %scan3A_602, %lt3A : i32
        %gt3A = arith.constant 0 : i32
        %gt3A_621 = arith.cmpi sgt, %squeeze3A_619, %gt3A : i32
        %and3A_622 = arith.andi %lt3A_620, %gt3A_621 : i1
        %convert_element_type3A = arith.extui %and3A_622 : i1 to i32
        %cond3A = arith.constant 0 : i32
        %cond3A_623 = arith.cmpi ne, %convert_element_type3A, %cond3A : i32
        scf.if %cond3A_623 {
          %mul3A_625 = arith.constant 16 : i32
          %mul3A_626 = arith.muli %scan3A_601, %mul3A_625 : i32
          %broadcast_in_dim3A_627 = vector.broadcast %mul3A_626 : i32 to vector<16xi32>
          %add3A_628 = arith.addi %iota3A, %broadcast_in_dim3A_627 : vector<16xi32>
          %add3A_629 = arith.addi %mul3A_226, %scan3A_602 : i32
          %swap3A_630 = arith.index_cast %add3A_629 : i32 to index
          %swap3A_631 = tpu.vector_load %arg10[%swap3A_630] masked %ne3A {strides = array<i32>} : memref<8208xi32, #tpu.memory_space<vmem>>, vector<16xi32>, vector<16xi1>
          tpu.vector_store %arg10[%swap3A_630], %add3A_628 masked %ne3A {strides = array<i32>} : memref<8208xi32, #tpu.memory_space<vmem>>, vector<16xi32>, vector<16xi1>
        } else {
        }
        %add3A_624 = arith.addi %scan3A_602, %squeeze3A_619 : i32
        scf.yield %add3A_624 : i32
      }
      %scan3A_249 = arith.constant 128 : i32
      %slice3A_250 = vector.extract_strided_slice %get3A_38 {offsets = [6], sizes = [1], strides = [1]} : vector<16xi32> to vector<1xi32>
      %squeeze3A_251 = vector.extract %slice3A_250[0] : i32 from vector<1xi32>
      %broadcast_in_dim3A_252 = vector.broadcast %squeeze3A_251 : i32 to vector<16xi32>
      %slice3A_253 = vector.extract_strided_slice %get3A_42 {offsets = [6], sizes = [1], strides = [1]} : vector<16xi32> to vector<1xi32>
      %squeeze3A_254 = vector.extract %slice3A_253[0] : i32 from vector<1xi32>
      %broadcast_in_dim3A_255 = vector.broadcast %squeeze3A_254 : i32 to vector<16xi32>
      %mul3A_256 = arith.constant 16 : i32
      %mul3A_257 = arith.muli %scan3A_34, %mul3A_256 : i32
      %add3A_258 = arith.constant 6 : i32
      %add3A_259 = arith.addi %mul3A_257, %add3A_258 : i32
      %mul3A_260 = arith.constant 64 : i32
      %mul3A_261 = arith.muli %add3A_259, %mul3A_260 : i32
      %add3A_262 = arith.constant 0 : i32
      %add3A_263 = arith.addi %mul3A_261, %add3A_262 : i32
      %swap3A_264 = arith.index_cast %add3A_263 : i32 to index
      %swap3A_265 = tpu.vector_load %arg10[%swap3A_264] {strides = array<i32>} : memref<8208xi32, #tpu.memory_space<vmem>>, vector<16xi32>,
      tpu.vector_store %arg10[%swap3A_264], %broadcast_in_dim3A_15 {strides = array<i32>} : memref<8208xi32, #tpu.memory_space<vmem>>, vector<16xi32>,
      %add3A_266 = arith.constant 16 : i32
      %add3A_267 = arith.addi %mul3A_261, %add3A_266 : i32
      %swap3A_268 = arith.index_cast %add3A_267 : i32 to index
      %swap3A_269 = tpu.vector_load %arg10[%swap3A_268] {strides = array<i32>} : memref<8208xi32, #tpu.memory_space<vmem>>, vector<16xi32>,
      tpu.vector_store %arg10[%swap3A_268], %broadcast_in_dim3A_15 {strides = array<i32>} : memref<8208xi32, #tpu.memory_space<vmem>>, vector<16xi32>,
      %add3A_270 = arith.constant 32 : i32
      %add3A_271 = arith.addi %mul3A_261, %add3A_270 : i32
      %swap3A_272 = arith.index_cast %add3A_271 : i32 to index
      %swap3A_273 = tpu.vector_load %arg10[%swap3A_272] {strides = array<i32>} : memref<8208xi32, #tpu.memory_space<vmem>>, vector<16xi32>,
      tpu.vector_store %arg10[%swap3A_272], %broadcast_in_dim3A_15 {strides = array<i32>} : memref<8208xi32, #tpu.memory_space<vmem>>, vector<16xi32>,
      %add3A_274 = arith.constant 48 : i32
      %add3A_275 = arith.addi %mul3A_261, %add3A_274 : i32
      %swap3A_276 = arith.index_cast %add3A_275 : i32 to index
      %swap3A_277 = tpu.vector_load %arg10[%swap3A_276] {strides = array<i32>} : memref<8208xi32, #tpu.memory_space<vmem>>, vector<16xi32>,
      tpu.vector_store %arg10[%swap3A_276], %broadcast_in_dim3A_15 {strides = array<i32>} : memref<8208xi32, #tpu.memory_space<vmem>>, vector<16xi32>,
      %scan3A_278 = arith.constant 0 : i32
      %scan3A_279 = arith.constant 0 : i32
      %scan3A_280 = arith.constant 128 : i32
      %scan3A_281 = arith.addi %scan3A_279, %scan3A_280 : i32
      %scan3A_282 = arith.constant 1 : i32
      %scan3A_283 = scf.for %scan3A_601 = %scan3A_279 to %scan3A_281 step %scan3A_282 iter_args(%scan3A_602 = %scan3A_278) -> (i32)  : i32 {
        %mul3A_603 = arith.constant 16 : i32
        %mul3A_604 = arith.muli %scan3A_601, %mul3A_603 : i32
        %get3A_605 = arith.index_cast %mul3A_604 : i32 to index
        %get3A_606 = tpu.vector_load %arg6[%get3A_605] {strides = array<i32>} : memref<2048xi32, #tpu.memory_space<vmem>>, vector<16xi32>,
        %xor3A = arith.xori %get3A_606, %broadcast_in_dim3A_252 : vector<16xi32>
        %mul3A_607 = arith.constant 16 : i32
        %mul3A_608 = arith.muli %scan3A_601, %mul3A_607 : i32
        %get3A_609 = arith.index_cast %mul3A_608 : i32 to index
        %get3A_610 = tpu.vector_load %arg7[%get3A_609] {strides = array<i32>} : memref<2048xi32, #tpu.memory_space<vmem>>, vector<16xi32>,
        %xor3A_611 = arith.xori %get3A_610, %broadcast_in_dim3A_255 : vector<16xi32>
        %sub3A = arith.subi %xor3A, %broadcast_in_dim3A_17 : vector<16xi32>
        %not3A = arith.constant dense<-1> : vector<16xi32>
        %not3A_612 = arith.xori %xor3A, %not3A : vector<16xi32>
        %and3A = arith.andi %sub3A, %not3A_612 : vector<16xi32>
        %sub3A_613 = arith.subi %xor3A_611, %broadcast_in_dim3A_17 : vector<16xi32>
        %not3A_614 = arith.constant dense<-1> : vector<16xi32>
        %not3A_615 = arith.xori %xor3A_611, %not3A_614 : vector<16xi32>
        %and3A_616 = arith.andi %sub3A_613, %not3A_615 : vector<16xi32>
        %or3A = arith.ori %and3A, %and3A_616 : vector<16xi32>
        %and3A_617 = arith.andi %or3A, %broadcast_in_dim3A_19 : vector<16xi32>
        %ne3A = arith.cmpi ne, %and3A_617, %broadcast_in_dim3A_21 : vector<16xi32>
        %all_reduce_population_count3A = tpu.all_reduce %ne3A {dim = 0 : i64, kind = #tpu.reduction_kind<sum>} : vector<16xi1> -> vector<16xi32>
        %slice3A_618 = vector.extract_strided_slice %all_reduce_population_count3A {offsets = [0], sizes = [1], strides = [1]} : vector<16xi32> to vector<1xi32>
        %squeeze3A_619 = vector.extract %slice3A_618[0] : i32 from vector<1xi32>
        %lt3A = arith.constant 64 : i32
        %lt3A_620 = arith.cmpi slt, %scan3A_602, %lt3A : i32
        %gt3A = arith.constant 0 : i32
        %gt3A_621 = arith.cmpi sgt, %squeeze3A_619, %gt3A : i32
        %and3A_622 = arith.andi %lt3A_620, %gt3A_621 : i1
        %convert_element_type3A = arith.extui %and3A_622 : i1 to i32
        %cond3A = arith.constant 0 : i32
        %cond3A_623 = arith.cmpi ne, %convert_element_type3A, %cond3A : i32
        scf.if %cond3A_623 {
          %mul3A_625 = arith.constant 16 : i32
          %mul3A_626 = arith.muli %scan3A_601, %mul3A_625 : i32
          %broadcast_in_dim3A_627 = vector.broadcast %mul3A_626 : i32 to vector<16xi32>
          %add3A_628 = arith.addi %iota3A, %broadcast_in_dim3A_627 : vector<16xi32>
          %add3A_629 = arith.addi %mul3A_261, %scan3A_602 : i32
          %swap3A_630 = arith.index_cast %add3A_629 : i32 to index
          %swap3A_631 = tpu.vector_load %arg10[%swap3A_630] masked %ne3A {strides = array<i32>} : memref<8208xi32, #tpu.memory_space<vmem>>, vector<16xi32>, vector<16xi1>
          tpu.vector_store %arg10[%swap3A_630], %add3A_628 masked %ne3A {strides = array<i32>} : memref<8208xi32, #tpu.memory_space<vmem>>, vector<16xi32>, vector<16xi1>
        } else {
        }
        %add3A_624 = arith.addi %scan3A_602, %squeeze3A_619 : i32
        scf.yield %add3A_624 : i32
      }
      %scan3A_284 = arith.constant 128 : i32
      %slice3A_285 = vector.extract_strided_slice %get3A_38 {offsets = [7], sizes = [1], strides = [1]} : vector<16xi32> to vector<1xi32>
      %squeeze3A_286 = vector.extract %slice3A_285[0] : i32 from vector<1xi32>
      %broadcast_in_dim3A_287 = vector.broadcast %squeeze3A_286 : i32 to vector<16xi32>
      %slice3A_288 = vector.extract_strided_slice %get3A_42 {offsets = [7], sizes = [1], strides = [1]} : vector<16xi32> to vector<1xi32>
      %squeeze3A_289 = vector.extract %slice3A_288[0] : i32 from vector<1xi32>
      %broadcast_in_dim3A_290 = vector.broadcast %squeeze3A_289 : i32 to vector<16xi32>
      %mul3A_291 = arith.constant 16 : i32
      %mul3A_292 = arith.muli %scan3A_34, %mul3A_291 : i32
      %add3A_293 = arith.constant 7 : i32
      %add3A_294 = arith.addi %mul3A_292, %add3A_293 : i32
      %mul3A_295 = arith.constant 64 : i32
      %mul3A_296 = arith.muli %add3A_294, %mul3A_295 : i32
      %add3A_297 = arith.constant 0 : i32
      %add3A_298 = arith.addi %mul3A_296, %add3A_297 : i32
      %swap3A_299 = arith.index_cast %add3A_298 : i32 to index
      %swap3A_300 = tpu.vector_load %arg10[%swap3A_299] {strides = array<i32>} : memref<8208xi32, #tpu.memory_space<vmem>>, vector<16xi32>,
      tpu.vector_store %arg10[%swap3A_299], %broadcast_in_dim3A_15 {strides = array<i32>} : memref<8208xi32, #tpu.memory_space<vmem>>, vector<16xi32>,
      %add3A_301 = arith.constant 16 : i32
      %add3A_302 = arith.addi %mul3A_296, %add3A_301 : i32
      %swap3A_303 = arith.index_cast %add3A_302 : i32 to index
      %swap3A_304 = tpu.vector_load %arg10[%swap3A_303] {strides = array<i32>} : memref<8208xi32, #tpu.memory_space<vmem>>, vector<16xi32>,
      tpu.vector_store %arg10[%swap3A_303], %broadcast_in_dim3A_15 {strides = array<i32>} : memref<8208xi32, #tpu.memory_space<vmem>>, vector<16xi32>,
      %add3A_305 = arith.constant 32 : i32
      %add3A_306 = arith.addi %mul3A_296, %add3A_305 : i32
      %swap3A_307 = arith.index_cast %add3A_306 : i32 to index
      %swap3A_308 = tpu.vector_load %arg10[%swap3A_307] {strides = array<i32>} : memref<8208xi32, #tpu.memory_space<vmem>>, vector<16xi32>,
      tpu.vector_store %arg10[%swap3A_307], %broadcast_in_dim3A_15 {strides = array<i32>} : memref<8208xi32, #tpu.memory_space<vmem>>, vector<16xi32>,
      %add3A_309 = arith.constant 48 : i32
      %add3A_310 = arith.addi %mul3A_296, %add3A_309 : i32
      %swap3A_311 = arith.index_cast %add3A_310 : i32 to index
      %swap3A_312 = tpu.vector_load %arg10[%swap3A_311] {strides = array<i32>} : memref<8208xi32, #tpu.memory_space<vmem>>, vector<16xi32>,
      tpu.vector_store %arg10[%swap3A_311], %broadcast_in_dim3A_15 {strides = array<i32>} : memref<8208xi32, #tpu.memory_space<vmem>>, vector<16xi32>,
      %scan3A_313 = arith.constant 0 : i32
      %scan3A_314 = arith.constant 0 : i32
      %scan3A_315 = arith.constant 128 : i32
      %scan3A_316 = arith.addi %scan3A_314, %scan3A_315 : i32
      %scan3A_317 = arith.constant 1 : i32
      %scan3A_318 = scf.for %scan3A_601 = %scan3A_314 to %scan3A_316 step %scan3A_317 iter_args(%scan3A_602 = %scan3A_313) -> (i32)  : i32 {
        %mul3A_603 = arith.constant 16 : i32
        %mul3A_604 = arith.muli %scan3A_601, %mul3A_603 : i32
        %get3A_605 = arith.index_cast %mul3A_604 : i32 to index
        %get3A_606 = tpu.vector_load %arg6[%get3A_605] {strides = array<i32>} : memref<2048xi32, #tpu.memory_space<vmem>>, vector<16xi32>,
        %xor3A = arith.xori %get3A_606, %broadcast_in_dim3A_287 : vector<16xi32>
        %mul3A_607 = arith.constant 16 : i32
        %mul3A_608 = arith.muli %scan3A_601, %mul3A_607 : i32
        %get3A_609 = arith.index_cast %mul3A_608 : i32 to index
        %get3A_610 = tpu.vector_load %arg7[%get3A_609] {strides = array<i32>} : memref<2048xi32, #tpu.memory_space<vmem>>, vector<16xi32>,
        %xor3A_611 = arith.xori %get3A_610, %broadcast_in_dim3A_290 : vector<16xi32>
        %sub3A = arith.subi %xor3A, %broadcast_in_dim3A_17 : vector<16xi32>
        %not3A = arith.constant dense<-1> : vector<16xi32>
        %not3A_612 = arith.xori %xor3A, %not3A : vector<16xi32>
        %and3A = arith.andi %sub3A, %not3A_612 : vector<16xi32>
        %sub3A_613 = arith.subi %xor3A_611, %broadcast_in_dim3A_17 : vector<16xi32>
        %not3A_614 = arith.constant dense<-1> : vector<16xi32>
        %not3A_615 = arith.xori %xor3A_611, %not3A_614 : vector<16xi32>
        %and3A_616 = arith.andi %sub3A_613, %not3A_615 : vector<16xi32>
        %or3A = arith.ori %and3A, %and3A_616 : vector<16xi32>
        %and3A_617 = arith.andi %or3A, %broadcast_in_dim3A_19 : vector<16xi32>
        %ne3A = arith.cmpi ne, %and3A_617, %broadcast_in_dim3A_21 : vector<16xi32>
        %all_reduce_population_count3A = tpu.all_reduce %ne3A {dim = 0 : i64, kind = #tpu.reduction_kind<sum>} : vector<16xi1> -> vector<16xi32>
        %slice3A_618 = vector.extract_strided_slice %all_reduce_population_count3A {offsets = [0], sizes = [1], strides = [1]} : vector<16xi32> to vector<1xi32>
        %squeeze3A_619 = vector.extract %slice3A_618[0] : i32 from vector<1xi32>
        %lt3A = arith.constant 64 : i32
        %lt3A_620 = arith.cmpi slt, %scan3A_602, %lt3A : i32
        %gt3A = arith.constant 0 : i32
        %gt3A_621 = arith.cmpi sgt, %squeeze3A_619, %gt3A : i32
        %and3A_622 = arith.andi %lt3A_620, %gt3A_621 : i1
        %convert_element_type3A = arith.extui %and3A_622 : i1 to i32
        %cond3A = arith.constant 0 : i32
        %cond3A_623 = arith.cmpi ne, %convert_element_type3A, %cond3A : i32
        scf.if %cond3A_623 {
          %mul3A_625 = arith.constant 16 : i32
          %mul3A_626 = arith.muli %scan3A_601, %mul3A_625 : i32
          %broadcast_in_dim3A_627 = vector.broadcast %mul3A_626 : i32 to vector<16xi32>
          %add3A_628 = arith.addi %iota3A, %broadcast_in_dim3A_627 : vector<16xi32>
          %add3A_629 = arith.addi %mul3A_296, %scan3A_602 : i32
          %swap3A_630 = arith.index_cast %add3A_629 : i32 to index
          %swap3A_631 = tpu.vector_load %arg10[%swap3A_630] masked %ne3A {strides = array<i32>} : memref<8208xi32, #tpu.memory_space<vmem>>, vector<16xi32>, vector<16xi1>
          tpu.vector_store %arg10[%swap3A_630], %add3A_628 masked %ne3A {strides = array<i32>} : memref<8208xi32, #tpu.memory_space<vmem>>, vector<16xi32>, vector<16xi1>
        } else {
        }
        %add3A_624 = arith.addi %scan3A_602, %squeeze3A_619 : i32
        scf.yield %add3A_624 : i32
      }
      %scan3A_319 = arith.constant 128 : i32
      %slice3A_320 = vector.extract_strided_slice %get3A_38 {offsets = [8], sizes = [1], strides = [1]} : vector<16xi32> to vector<1xi32>
      %squeeze3A_321 = vector.extract %slice3A_320[0] : i32 from vector<1xi32>
      %broadcast_in_dim3A_322 = vector.broadcast %squeeze3A_321 : i32 to vector<16xi32>
      %slice3A_323 = vector.extract_strided_slice %get3A_42 {offsets = [8], sizes = [1], strides = [1]} : vector<16xi32> to vector<1xi32>
      %squeeze3A_324 = vector.extract %slice3A_323[0] : i32 from vector<1xi32>
      %broadcast_in_dim3A_325 = vector.broadcast %squeeze3A_324 : i32 to vector<16xi32>
      %mul3A_326 = arith.constant 16 : i32
      %mul3A_327 = arith.muli %scan3A_34, %mul3A_326 : i32
      %add3A_328 = arith.constant 8 : i32
      %add3A_329 = arith.addi %mul3A_327, %add3A_328 : i32
      %mul3A_330 = arith.constant 64 : i32
      %mul3A_331 = arith.muli %add3A_329, %mul3A_330 : i32
      %add3A_332 = arith.constant 0 : i32
      %add3A_333 = arith.addi %mul3A_331, %add3A_332 : i32
      %swap3A_334 = arith.index_cast %add3A_333 : i32 to index
      %swap3A_335 = tpu.vector_load %arg10[%swap3A_334] {strides = array<i32>} : memref<8208xi32, #tpu.memory_space<vmem>>, vector<16xi32>,
      tpu.vector_store %arg10[%swap3A_334], %broadcast_in_dim3A_15 {strides = array<i32>} : memref<8208xi32, #tpu.memory_space<vmem>>, vector<16xi32>,
      %add3A_336 = arith.constant 16 : i32
      %add3A_337 = arith.addi %mul3A_331, %add3A_336 : i32
      %swap3A_338 = arith.index_cast %add3A_337 : i32 to index
      %swap3A_339 = tpu.vector_load %arg10[%swap3A_338] {strides = array<i32>} : memref<8208xi32, #tpu.memory_space<vmem>>, vector<16xi32>,
      tpu.vector_store %arg10[%swap3A_338], %broadcast_in_dim3A_15 {strides = array<i32>} : memref<8208xi32, #tpu.memory_space<vmem>>, vector<16xi32>,
      %add3A_340 = arith.constant 32 : i32
      %add3A_341 = arith.addi %mul3A_331, %add3A_340 : i32
      %swap3A_342 = arith.index_cast %add3A_341 : i32 to index
      %swap3A_343 = tpu.vector_load %arg10[%swap3A_342] {strides = array<i32>} : memref<8208xi32, #tpu.memory_space<vmem>>, vector<16xi32>,
      tpu.vector_store %arg10[%swap3A_342], %broadcast_in_dim3A_15 {strides = array<i32>} : memref<8208xi32, #tpu.memory_space<vmem>>, vector<16xi32>,
      %add3A_344 = arith.constant 48 : i32
      %add3A_345 = arith.addi %mul3A_331, %add3A_344 : i32
      %swap3A_346 = arith.index_cast %add3A_345 : i32 to index
      %swap3A_347 = tpu.vector_load %arg10[%swap3A_346] {strides = array<i32>} : memref<8208xi32, #tpu.memory_space<vmem>>, vector<16xi32>,
      tpu.vector_store %arg10[%swap3A_346], %broadcast_in_dim3A_15 {strides = array<i32>} : memref<8208xi32, #tpu.memory_space<vmem>>, vector<16xi32>,
      %scan3A_348 = arith.constant 0 : i32
      %scan3A_349 = arith.constant 0 : i32
      %scan3A_350 = arith.constant 128 : i32
      %scan3A_351 = arith.addi %scan3A_349, %scan3A_350 : i32
      %scan3A_352 = arith.constant 1 : i32
      %scan3A_353 = scf.for %scan3A_601 = %scan3A_349 to %scan3A_351 step %scan3A_352 iter_args(%scan3A_602 = %scan3A_348) -> (i32)  : i32 {
        %mul3A_603 = arith.constant 16 : i32
        %mul3A_604 = arith.muli %scan3A_601, %mul3A_603 : i32
        %get3A_605 = arith.index_cast %mul3A_604 : i32 to index
        %get3A_606 = tpu.vector_load %arg6[%get3A_605] {strides = array<i32>} : memref<2048xi32, #tpu.memory_space<vmem>>, vector<16xi32>,
        %xor3A = arith.xori %get3A_606, %broadcast_in_dim3A_322 : vector<16xi32>
        %mul3A_607 = arith.constant 16 : i32
        %mul3A_608 = arith.muli %scan3A_601, %mul3A_607 : i32
        %get3A_609 = arith.index_cast %mul3A_608 : i32 to index
        %get3A_610 = tpu.vector_load %arg7[%get3A_609] {strides = array<i32>} : memref<2048xi32, #tpu.memory_space<vmem>>, vector<16xi32>,
        %xor3A_611 = arith.xori %get3A_610, %broadcast_in_dim3A_325 : vector<16xi32>
        %sub3A = arith.subi %xor3A, %broadcast_in_dim3A_17 : vector<16xi32>
        %not3A = arith.constant dense<-1> : vector<16xi32>
        %not3A_612 = arith.xori %xor3A, %not3A : vector<16xi32>
        %and3A = arith.andi %sub3A, %not3A_612 : vector<16xi32>
        %sub3A_613 = arith.subi %xor3A_611, %broadcast_in_dim3A_17 : vector<16xi32>
        %not3A_614 = arith.constant dense<-1> : vector<16xi32>
        %not3A_615 = arith.xori %xor3A_611, %not3A_614 : vector<16xi32>
        %and3A_616 = arith.andi %sub3A_613, %not3A_615 : vector<16xi32>
        %or3A = arith.ori %and3A, %and3A_616 : vector<16xi32>
        %and3A_617 = arith.andi %or3A, %broadcast_in_dim3A_19 : vector<16xi32>
        %ne3A = arith.cmpi ne, %and3A_617, %broadcast_in_dim3A_21 : vector<16xi32>
        %all_reduce_population_count3A = tpu.all_reduce %ne3A {dim = 0 : i64, kind = #tpu.reduction_kind<sum>} : vector<16xi1> -> vector<16xi32>
        %slice3A_618 = vector.extract_strided_slice %all_reduce_population_count3A {offsets = [0], sizes = [1], strides = [1]} : vector<16xi32> to vector<1xi32>
        %squeeze3A_619 = vector.extract %slice3A_618[0] : i32 from vector<1xi32>
        %lt3A = arith.constant 64 : i32
        %lt3A_620 = arith.cmpi slt, %scan3A_602, %lt3A : i32
        %gt3A = arith.constant 0 : i32
        %gt3A_621 = arith.cmpi sgt, %squeeze3A_619, %gt3A : i32
        %and3A_622 = arith.andi %lt3A_620, %gt3A_621 : i1
        %convert_element_type3A = arith.extui %and3A_622 : i1 to i32
        %cond3A = arith.constant 0 : i32
        %cond3A_623 = arith.cmpi ne, %convert_element_type3A, %cond3A : i32
        scf.if %cond3A_623 {
          %mul3A_625 = arith.constant 16 : i32
          %mul3A_626 = arith.muli %scan3A_601, %mul3A_625 : i32
          %broadcast_in_dim3A_627 = vector.broadcast %mul3A_626 : i32 to vector<16xi32>
          %add3A_628 = arith.addi %iota3A, %broadcast_in_dim3A_627 : vector<16xi32>
          %add3A_629 = arith.addi %mul3A_331, %scan3A_602 : i32
          %swap3A_630 = arith.index_cast %add3A_629 : i32 to index
          %swap3A_631 = tpu.vector_load %arg10[%swap3A_630] masked %ne3A {strides = array<i32>} : memref<8208xi32, #tpu.memory_space<vmem>>, vector<16xi32>, vector<16xi1>
          tpu.vector_store %arg10[%swap3A_630], %add3A_628 masked %ne3A {strides = array<i32>} : memref<8208xi32, #tpu.memory_space<vmem>>, vector<16xi32>, vector<16xi1>
        } else {
        }
        %add3A_624 = arith.addi %scan3A_602, %squeeze3A_619 : i32
        scf.yield %add3A_624 : i32
      }
      %scan3A_354 = arith.constant 128 : i32
      %slice3A_355 = vector.extract_strided_slice %get3A_38 {offsets = [9], sizes = [1], strides = [1]} : vector<16xi32> to vector<1xi32>
      %squeeze3A_356 = vector.extract %slice3A_355[0] : i32 from vector<1xi32>
      %broadcast_in_dim3A_357 = vector.broadcast %squeeze3A_356 : i32 to vector<16xi32>
      %slice3A_358 = vector.extract_strided_slice %get3A_42 {offsets = [9], sizes = [1], strides = [1]} : vector<16xi32> to vector<1xi32>
      %squeeze3A_359 = vector.extract %slice3A_358[0] : i32 from vector<1xi32>
      %broadcast_in_dim3A_360 = vector.broadcast %squeeze3A_359 : i32 to vector<16xi32>
      %mul3A_361 = arith.constant 16 : i32
      %mul3A_362 = arith.muli %scan3A_34, %mul3A_361 : i32
      %add3A_363 = arith.constant 9 : i32
      %add3A_364 = arith.addi %mul3A_362, %add3A_363 : i32
      %mul3A_365 = arith.constant 64 : i32
      %mul3A_366 = arith.muli %add3A_364, %mul3A_365 : i32
      %add3A_367 = arith.constant 0 : i32
      %add3A_368 = arith.addi %mul3A_366, %add3A_367 : i32
      %swap3A_369 = arith.index_cast %add3A_368 : i32 to index
      %swap3A_370 = tpu.vector_load %arg10[%swap3A_369] {strides = array<i32>} : memref<8208xi32, #tpu.memory_space<vmem>>, vector<16xi32>,
      tpu.vector_store %arg10[%swap3A_369], %broadcast_in_dim3A_15 {strides = array<i32>} : memref<8208xi32, #tpu.memory_space<vmem>>, vector<16xi32>,
      %add3A_371 = arith.constant 16 : i32
      %add3A_372 = arith.addi %mul3A_366, %add3A_371 : i32
      %swap3A_373 = arith.index_cast %add3A_372 : i32 to index
      %swap3A_374 = tpu.vector_load %arg10[%swap3A_373] {strides = array<i32>} : memref<8208xi32, #tpu.memory_space<vmem>>, vector<16xi32>,
      tpu.vector_store %arg10[%swap3A_373], %broadcast_in_dim3A_15 {strides = array<i32>} : memref<8208xi32, #tpu.memory_space<vmem>>, vector<16xi32>,
      %add3A_375 = arith.constant 32 : i32
      %add3A_376 = arith.addi %mul3A_366, %add3A_375 : i32
      %swap3A_377 = arith.index_cast %add3A_376 : i32 to index
      %swap3A_378 = tpu.vector_load %arg10[%swap3A_377] {strides = array<i32>} : memref<8208xi32, #tpu.memory_space<vmem>>, vector<16xi32>,
      tpu.vector_store %arg10[%swap3A_377], %broadcast_in_dim3A_15 {strides = array<i32>} : memref<8208xi32, #tpu.memory_space<vmem>>, vector<16xi32>,
      %add3A_379 = arith.constant 48 : i32
      %add3A_380 = arith.addi %mul3A_366, %add3A_379 : i32
      %swap3A_381 = arith.index_cast %add3A_380 : i32 to index
      %swap3A_382 = tpu.vector_load %arg10[%swap3A_381] {strides = array<i32>} : memref<8208xi32, #tpu.memory_space<vmem>>, vector<16xi32>,
      tpu.vector_store %arg10[%swap3A_381], %broadcast_in_dim3A_15 {strides = array<i32>} : memref<8208xi32, #tpu.memory_space<vmem>>, vector<16xi32>,
      %scan3A_383 = arith.constant 0 : i32
      %scan3A_384 = arith.constant 0 : i32
      %scan3A_385 = arith.constant 128 : i32
      %scan3A_386 = arith.addi %scan3A_384, %scan3A_385 : i32
      %scan3A_387 = arith.constant 1 : i32
      %scan3A_388 = scf.for %scan3A_601 = %scan3A_384 to %scan3A_386 step %scan3A_387 iter_args(%scan3A_602 = %scan3A_383) -> (i32)  : i32 {
        %mul3A_603 = arith.constant 16 : i32
        %mul3A_604 = arith.muli %scan3A_601, %mul3A_603 : i32
        %get3A_605 = arith.index_cast %mul3A_604 : i32 to index
        %get3A_606 = tpu.vector_load %arg6[%get3A_605] {strides = array<i32>} : memref<2048xi32, #tpu.memory_space<vmem>>, vector<16xi32>,
        %xor3A = arith.xori %get3A_606, %broadcast_in_dim3A_357 : vector<16xi32>
        %mul3A_607 = arith.constant 16 : i32
        %mul3A_608 = arith.muli %scan3A_601, %mul3A_607 : i32
        %get3A_609 = arith.index_cast %mul3A_608 : i32 to index
        %get3A_610 = tpu.vector_load %arg7[%get3A_609] {strides = array<i32>} : memref<2048xi32, #tpu.memory_space<vmem>>, vector<16xi32>,
        %xor3A_611 = arith.xori %get3A_610, %broadcast_in_dim3A_360 : vector<16xi32>
        %sub3A = arith.subi %xor3A, %broadcast_in_dim3A_17 : vector<16xi32>
        %not3A = arith.constant dense<-1> : vector<16xi32>
        %not3A_612 = arith.xori %xor3A, %not3A : vector<16xi32>
        %and3A = arith.andi %sub3A, %not3A_612 : vector<16xi32>
        %sub3A_613 = arith.subi %xor3A_611, %broadcast_in_dim3A_17 : vector<16xi32>
        %not3A_614 = arith.constant dense<-1> : vector<16xi32>
        %not3A_615 = arith.xori %xor3A_611, %not3A_614 : vector<16xi32>
        %and3A_616 = arith.andi %sub3A_613, %not3A_615 : vector<16xi32>
        %or3A = arith.ori %and3A, %and3A_616 : vector<16xi32>
        %and3A_617 = arith.andi %or3A, %broadcast_in_dim3A_19 : vector<16xi32>
        %ne3A = arith.cmpi ne, %and3A_617, %broadcast_in_dim3A_21 : vector<16xi32>
        %all_reduce_population_count3A = tpu.all_reduce %ne3A {dim = 0 : i64, kind = #tpu.reduction_kind<sum>} : vector<16xi1> -> vector<16xi32>
        %slice3A_618 = vector.extract_strided_slice %all_reduce_population_count3A {offsets = [0], sizes = [1], strides = [1]} : vector<16xi32> to vector<1xi32>
        %squeeze3A_619 = vector.extract %slice3A_618[0] : i32 from vector<1xi32>
        %lt3A = arith.constant 64 : i32
        %lt3A_620 = arith.cmpi slt, %scan3A_602, %lt3A : i32
        %gt3A = arith.constant 0 : i32
        %gt3A_621 = arith.cmpi sgt, %squeeze3A_619, %gt3A : i32
        %and3A_622 = arith.andi %lt3A_620, %gt3A_621 : i1
        %convert_element_type3A = arith.extui %and3A_622 : i1 to i32
        %cond3A = arith.constant 0 : i32
        %cond3A_623 = arith.cmpi ne, %convert_element_type3A, %cond3A : i32
        scf.if %cond3A_623 {
          %mul3A_625 = arith.constant 16 : i32
          %mul3A_626 = arith.muli %scan3A_601, %mul3A_625 : i32
          %broadcast_in_dim3A_627 = vector.broadcast %mul3A_626 : i32 to vector<16xi32>
          %add3A_628 = arith.addi %iota3A, %broadcast_in_dim3A_627 : vector<16xi32>
          %add3A_629 = arith.addi %mul3A_366, %scan3A_602 : i32
          %swap3A_630 = arith.index_cast %add3A_629 : i32 to index
          %swap3A_631 = tpu.vector_load %arg10[%swap3A_630] masked %ne3A {strides = array<i32>} : memref<8208xi32, #tpu.memory_space<vmem>>, vector<16xi32>, vector<16xi1>
          tpu.vector_store %arg10[%swap3A_630], %add3A_628 masked %ne3A {strides = array<i32>} : memref<8208xi32, #tpu.memory_space<vmem>>, vector<16xi32>, vector<16xi1>
        } else {
        }
        %add3A_624 = arith.addi %scan3A_602, %squeeze3A_619 : i32
        scf.yield %add3A_624 : i32
      }
      %scan3A_389 = arith.constant 128 : i32
      %slice3A_390 = vector.extract_strided_slice %get3A_38 {offsets = [10], sizes = [1], strides = [1]} : vector<16xi32> to vector<1xi32>
      %squeeze3A_391 = vector.extract %slice3A_390[0] : i32 from vector<1xi32>
      %broadcast_in_dim3A_392 = vector.broadcast %squeeze3A_391 : i32 to vector<16xi32>
      %slice3A_393 = vector.extract_strided_slice %get3A_42 {offsets = [10], sizes = [1], strides = [1]} : vector<16xi32> to vector<1xi32>
      %squeeze3A_394 = vector.extract %slice3A_393[0] : i32 from vector<1xi32>
      %broadcast_in_dim3A_395 = vector.broadcast %squeeze3A_394 : i32 to vector<16xi32>
      %mul3A_396 = arith.constant 16 : i32
      %mul3A_397 = arith.muli %scan3A_34, %mul3A_396 : i32
      %add3A_398 = arith.constant 10 : i32
      %add3A_399 = arith.addi %mul3A_397, %add3A_398 : i32
      %mul3A_400 = arith.constant 64 : i32
      %mul3A_401 = arith.muli %add3A_399, %mul3A_400 : i32
      %add3A_402 = arith.constant 0 : i32
      %add3A_403 = arith.addi %mul3A_401, %add3A_402 : i32
      %swap3A_404 = arith.index_cast %add3A_403 : i32 to index
      %swap3A_405 = tpu.vector_load %arg10[%swap3A_404] {strides = array<i32>} : memref<8208xi32, #tpu.memory_space<vmem>>, vector<16xi32>,
      tpu.vector_store %arg10[%swap3A_404], %broadcast_in_dim3A_15 {strides = array<i32>} : memref<8208xi32, #tpu.memory_space<vmem>>, vector<16xi32>,
      %add3A_406 = arith.constant 16 : i32
      %add3A_407 = arith.addi %mul3A_401, %add3A_406 : i32
      %swap3A_408 = arith.index_cast %add3A_407 : i32 to index
      %swap3A_409 = tpu.vector_load %arg10[%swap3A_408] {strides = array<i32>} : memref<8208xi32, #tpu.memory_space<vmem>>, vector<16xi32>,
      tpu.vector_store %arg10[%swap3A_408], %broadcast_in_dim3A_15 {strides = array<i32>} : memref<8208xi32, #tpu.memory_space<vmem>>, vector<16xi32>,
      %add3A_410 = arith.constant 32 : i32
      %add3A_411 = arith.addi %mul3A_401, %add3A_410 : i32
      %swap3A_412 = arith.index_cast %add3A_411 : i32 to index
      %swap3A_413 = tpu.vector_load %arg10[%swap3A_412] {strides = array<i32>} : memref<8208xi32, #tpu.memory_space<vmem>>, vector<16xi32>,
      tpu.vector_store %arg10[%swap3A_412], %broadcast_in_dim3A_15 {strides = array<i32>} : memref<8208xi32, #tpu.memory_space<vmem>>, vector<16xi32>,
      %add3A_414 = arith.constant 48 : i32
      %add3A_415 = arith.addi %mul3A_401, %add3A_414 : i32
      %swap3A_416 = arith.index_cast %add3A_415 : i32 to index
      %swap3A_417 = tpu.vector_load %arg10[%swap3A_416] {strides = array<i32>} : memref<8208xi32, #tpu.memory_space<vmem>>, vector<16xi32>,
      tpu.vector_store %arg10[%swap3A_416], %broadcast_in_dim3A_15 {strides = array<i32>} : memref<8208xi32, #tpu.memory_space<vmem>>, vector<16xi32>,
      %scan3A_418 = arith.constant 0 : i32
      %scan3A_419 = arith.constant 0 : i32
      %scan3A_420 = arith.constant 128 : i32
      %scan3A_421 = arith.addi %scan3A_419, %scan3A_420 : i32
      %scan3A_422 = arith.constant 1 : i32
      %scan3A_423 = scf.for %scan3A_601 = %scan3A_419 to %scan3A_421 step %scan3A_422 iter_args(%scan3A_602 = %scan3A_418) -> (i32)  : i32 {
        %mul3A_603 = arith.constant 16 : i32
        %mul3A_604 = arith.muli %scan3A_601, %mul3A_603 : i32
        %get3A_605 = arith.index_cast %mul3A_604 : i32 to index
        %get3A_606 = tpu.vector_load %arg6[%get3A_605] {strides = array<i32>} : memref<2048xi32, #tpu.memory_space<vmem>>, vector<16xi32>,
        %xor3A = arith.xori %get3A_606, %broadcast_in_dim3A_392 : vector<16xi32>
        %mul3A_607 = arith.constant 16 : i32
        %mul3A_608 = arith.muli %scan3A_601, %mul3A_607 : i32
        %get3A_609 = arith.index_cast %mul3A_608 : i32 to index
        %get3A_610 = tpu.vector_load %arg7[%get3A_609] {strides = array<i32>} : memref<2048xi32, #tpu.memory_space<vmem>>, vector<16xi32>,
        %xor3A_611 = arith.xori %get3A_610, %broadcast_in_dim3A_395 : vector<16xi32>
        %sub3A = arith.subi %xor3A, %broadcast_in_dim3A_17 : vector<16xi32>
        %not3A = arith.constant dense<-1> : vector<16xi32>
        %not3A_612 = arith.xori %xor3A, %not3A : vector<16xi32>
        %and3A = arith.andi %sub3A, %not3A_612 : vector<16xi32>
        %sub3A_613 = arith.subi %xor3A_611, %broadcast_in_dim3A_17 : vector<16xi32>
        %not3A_614 = arith.constant dense<-1> : vector<16xi32>
        %not3A_615 = arith.xori %xor3A_611, %not3A_614 : vector<16xi32>
        %and3A_616 = arith.andi %sub3A_613, %not3A_615 : vector<16xi32>
        %or3A = arith.ori %and3A, %and3A_616 : vector<16xi32>
        %and3A_617 = arith.andi %or3A, %broadcast_in_dim3A_19 : vector<16xi32>
        %ne3A = arith.cmpi ne, %and3A_617, %broadcast_in_dim3A_21 : vector<16xi32>
        %all_reduce_population_count3A = tpu.all_reduce %ne3A {dim = 0 : i64, kind = #tpu.reduction_kind<sum>} : vector<16xi1> -> vector<16xi32>
        %slice3A_618 = vector.extract_strided_slice %all_reduce_population_count3A {offsets = [0], sizes = [1], strides = [1]} : vector<16xi32> to vector<1xi32>
        %squeeze3A_619 = vector.extract %slice3A_618[0] : i32 from vector<1xi32>
        %lt3A = arith.constant 64 : i32
        %lt3A_620 = arith.cmpi slt, %scan3A_602, %lt3A : i32
        %gt3A = arith.constant 0 : i32
        %gt3A_621 = arith.cmpi sgt, %squeeze3A_619, %gt3A : i32
        %and3A_622 = arith.andi %lt3A_620, %gt3A_621 : i1
        %convert_element_type3A = arith.extui %and3A_622 : i1 to i32
        %cond3A = arith.constant 0 : i32
        %cond3A_623 = arith.cmpi ne, %convert_element_type3A, %cond3A : i32
        scf.if %cond3A_623 {
          %mul3A_625 = arith.constant 16 : i32
          %mul3A_626 = arith.muli %scan3A_601, %mul3A_625 : i32
          %broadcast_in_dim3A_627 = vector.broadcast %mul3A_626 : i32 to vector<16xi32>
          %add3A_628 = arith.addi %iota3A, %broadcast_in_dim3A_627 : vector<16xi32>
          %add3A_629 = arith.addi %mul3A_401, %scan3A_602 : i32
          %swap3A_630 = arith.index_cast %add3A_629 : i32 to index
          %swap3A_631 = tpu.vector_load %arg10[%swap3A_630] masked %ne3A {strides = array<i32>} : memref<8208xi32, #tpu.memory_space<vmem>>, vector<16xi32>, vector<16xi1>
          tpu.vector_store %arg10[%swap3A_630], %add3A_628 masked %ne3A {strides = array<i32>} : memref<8208xi32, #tpu.memory_space<vmem>>, vector<16xi32>, vector<16xi1>
        } else {
        }
        %add3A_624 = arith.addi %scan3A_602, %squeeze3A_619 : i32
        scf.yield %add3A_624 : i32
      }
      %scan3A_424 = arith.constant 128 : i32
      %slice3A_425 = vector.extract_strided_slice %get3A_38 {offsets = [11], sizes = [1], strides = [1]} : vector<16xi32> to vector<1xi32>
      %squeeze3A_426 = vector.extract %slice3A_425[0] : i32 from vector<1xi32>
      %broadcast_in_dim3A_427 = vector.broadcast %squeeze3A_426 : i32 to vector<16xi32>
      %slice3A_428 = vector.extract_strided_slice %get3A_42 {offsets = [11], sizes = [1], strides = [1]} : vector<16xi32> to vector<1xi32>
      %squeeze3A_429 = vector.extract %slice3A_428[0] : i32 from vector<1xi32>
      %broadcast_in_dim3A_430 = vector.broadcast %squeeze3A_429 : i32 to vector<16xi32>
      %mul3A_431 = arith.constant 16 : i32
      %mul3A_432 = arith.muli %scan3A_34, %mul3A_431 : i32
      %add3A_433 = arith.constant 11 : i32
      %add3A_434 = arith.addi %mul3A_432, %add3A_433 : i32
      %mul3A_435 = arith.constant 64 : i32
      %mul3A_436 = arith.muli %add3A_434, %mul3A_435 : i32
      %add3A_437 = arith.constant 0 : i32
      %add3A_438 = arith.addi %mul3A_436, %add3A_437 : i32
      %swap3A_439 = arith.index_cast %add3A_438 : i32 to index
      %swap3A_440 = tpu.vector_load %arg10[%swap3A_439] {strides = array<i32>} : memref<8208xi32, #tpu.memory_space<vmem>>, vector<16xi32>,
      tpu.vector_store %arg10[%swap3A_439], %broadcast_in_dim3A_15 {strides = array<i32>} : memref<8208xi32, #tpu.memory_space<vmem>>, vector<16xi32>,
      %add3A_441 = arith.constant 16 : i32
      %add3A_442 = arith.addi %mul3A_436, %add3A_441 : i32
      %swap3A_443 = arith.index_cast %add3A_442 : i32 to index
      %swap3A_444 = tpu.vector_load %arg10[%swap3A_443] {strides = array<i32>} : memref<8208xi32, #tpu.memory_space<vmem>>, vector<16xi32>,
      tpu.vector_store %arg10[%swap3A_443], %broadcast_in_dim3A_15 {strides = array<i32>} : memref<8208xi32, #tpu.memory_space<vmem>>, vector<16xi32>,
      %add3A_445 = arith.constant 32 : i32
      %add3A_446 = arith.addi %mul3A_436, %add3A_445 : i32
      %swap3A_447 = arith.index_cast %add3A_446 : i32 to index
      %swap3A_448 = tpu.vector_load %arg10[%swap3A_447] {strides = array<i32>} : memref<8208xi32, #tpu.memory_space<vmem>>, vector<16xi32>,
      tpu.vector_store %arg10[%swap3A_447], %broadcast_in_dim3A_15 {strides = array<i32>} : memref<8208xi32, #tpu.memory_space<vmem>>, vector<16xi32>,
      %add3A_449 = arith.constant 48 : i32
      %add3A_450 = arith.addi %mul3A_436, %add3A_449 : i32
      %swap3A_451 = arith.index_cast %add3A_450 : i32 to index
      %swap3A_452 = tpu.vector_load %arg10[%swap3A_451] {strides = array<i32>} : memref<8208xi32, #tpu.memory_space<vmem>>, vector<16xi32>,
      tpu.vector_store %arg10[%swap3A_451], %broadcast_in_dim3A_15 {strides = array<i32>} : memref<8208xi32, #tpu.memory_space<vmem>>, vector<16xi32>,
      %scan3A_453 = arith.constant 0 : i32
      %scan3A_454 = arith.constant 0 : i32
      %scan3A_455 = arith.constant 128 : i32
      %scan3A_456 = arith.addi %scan3A_454, %scan3A_455 : i32
      %scan3A_457 = arith.constant 1 : i32
      %scan3A_458 = scf.for %scan3A_601 = %scan3A_454 to %scan3A_456 step %scan3A_457 iter_args(%scan3A_602 = %scan3A_453) -> (i32)  : i32 {
        %mul3A_603 = arith.constant 16 : i32
        %mul3A_604 = arith.muli %scan3A_601, %mul3A_603 : i32
        %get3A_605 = arith.index_cast %mul3A_604 : i32 to index
        %get3A_606 = tpu.vector_load %arg6[%get3A_605] {strides = array<i32>} : memref<2048xi32, #tpu.memory_space<vmem>>, vector<16xi32>,
        %xor3A = arith.xori %get3A_606, %broadcast_in_dim3A_427 : vector<16xi32>
        %mul3A_607 = arith.constant 16 : i32
        %mul3A_608 = arith.muli %scan3A_601, %mul3A_607 : i32
        %get3A_609 = arith.index_cast %mul3A_608 : i32 to index
        %get3A_610 = tpu.vector_load %arg7[%get3A_609] {strides = array<i32>} : memref<2048xi32, #tpu.memory_space<vmem>>, vector<16xi32>,
        %xor3A_611 = arith.xori %get3A_610, %broadcast_in_dim3A_430 : vector<16xi32>
        %sub3A = arith.subi %xor3A, %broadcast_in_dim3A_17 : vector<16xi32>
        %not3A = arith.constant dense<-1> : vector<16xi32>
        %not3A_612 = arith.xori %xor3A, %not3A : vector<16xi32>
        %and3A = arith.andi %sub3A, %not3A_612 : vector<16xi32>
        %sub3A_613 = arith.subi %xor3A_611, %broadcast_in_dim3A_17 : vector<16xi32>
        %not3A_614 = arith.constant dense<-1> : vector<16xi32>
        %not3A_615 = arith.xori %xor3A_611, %not3A_614 : vector<16xi32>
        %and3A_616 = arith.andi %sub3A_613, %not3A_615 : vector<16xi32>
        %or3A = arith.ori %and3A, %and3A_616 : vector<16xi32>
        %and3A_617 = arith.andi %or3A, %broadcast_in_dim3A_19 : vector<16xi32>
        %ne3A = arith.cmpi ne, %and3A_617, %broadcast_in_dim3A_21 : vector<16xi32>
        %all_reduce_population_count3A = tpu.all_reduce %ne3A {dim = 0 : i64, kind = #tpu.reduction_kind<sum>} : vector<16xi1> -> vector<16xi32>
        %slice3A_618 = vector.extract_strided_slice %all_reduce_population_count3A {offsets = [0], sizes = [1], strides = [1]} : vector<16xi32> to vector<1xi32>
        %squeeze3A_619 = vector.extract %slice3A_618[0] : i32 from vector<1xi32>
        %lt3A = arith.constant 64 : i32
        %lt3A_620 = arith.cmpi slt, %scan3A_602, %lt3A : i32
        %gt3A = arith.constant 0 : i32
        %gt3A_621 = arith.cmpi sgt, %squeeze3A_619, %gt3A : i32
        %and3A_622 = arith.andi %lt3A_620, %gt3A_621 : i1
        %convert_element_type3A = arith.extui %and3A_622 : i1 to i32
        %cond3A = arith.constant 0 : i32
        %cond3A_623 = arith.cmpi ne, %convert_element_type3A, %cond3A : i32
        scf.if %cond3A_623 {
          %mul3A_625 = arith.constant 16 : i32
          %mul3A_626 = arith.muli %scan3A_601, %mul3A_625 : i32
          %broadcast_in_dim3A_627 = vector.broadcast %mul3A_626 : i32 to vector<16xi32>
          %add3A_628 = arith.addi %iota3A, %broadcast_in_dim3A_627 : vector<16xi32>
          %add3A_629 = arith.addi %mul3A_436, %scan3A_602 : i32
          %swap3A_630 = arith.index_cast %add3A_629 : i32 to index
          %swap3A_631 = tpu.vector_load %arg10[%swap3A_630] masked %ne3A {strides = array<i32>} : memref<8208xi32, #tpu.memory_space<vmem>>, vector<16xi32>, vector<16xi1>
          tpu.vector_store %arg10[%swap3A_630], %add3A_628 masked %ne3A {strides = array<i32>} : memref<8208xi32, #tpu.memory_space<vmem>>, vector<16xi32>, vector<16xi1>
        } else {
        }
        %add3A_624 = arith.addi %scan3A_602, %squeeze3A_619 : i32
        scf.yield %add3A_624 : i32
      }
      %scan3A_459 = arith.constant 128 : i32
      %slice3A_460 = vector.extract_strided_slice %get3A_38 {offsets = [12], sizes = [1], strides = [1]} : vector<16xi32> to vector<1xi32>
      %squeeze3A_461 = vector.extract %slice3A_460[0] : i32 from vector<1xi32>
      %broadcast_in_dim3A_462 = vector.broadcast %squeeze3A_461 : i32 to vector<16xi32>
      %slice3A_463 = vector.extract_strided_slice %get3A_42 {offsets = [12], sizes = [1], strides = [1]} : vector<16xi32> to vector<1xi32>
      %squeeze3A_464 = vector.extract %slice3A_463[0] : i32 from vector<1xi32>
      %broadcast_in_dim3A_465 = vector.broadcast %squeeze3A_464 : i32 to vector<16xi32>
      %mul3A_466 = arith.constant 16 : i32
      %mul3A_467 = arith.muli %scan3A_34, %mul3A_466 : i32
      %add3A_468 = arith.constant 12 : i32
      %add3A_469 = arith.addi %mul3A_467, %add3A_468 : i32
      %mul3A_470 = arith.constant 64 : i32
      %mul3A_471 = arith.muli %add3A_469, %mul3A_470 : i32
      %add3A_472 = arith.constant 0 : i32
      %add3A_473 = arith.addi %mul3A_471, %add3A_472 : i32
      %swap3A_474 = arith.index_cast %add3A_473 : i32 to index
      %swap3A_475 = tpu.vector_load %arg10[%swap3A_474] {strides = array<i32>} : memref<8208xi32, #tpu.memory_space<vmem>>, vector<16xi32>,
      tpu.vector_store %arg10[%swap3A_474], %broadcast_in_dim3A_15 {strides = array<i32>} : memref<8208xi32, #tpu.memory_space<vmem>>, vector<16xi32>,
      %add3A_476 = arith.constant 16 : i32
      %add3A_477 = arith.addi %mul3A_471, %add3A_476 : i32
      %swap3A_478 = arith.index_cast %add3A_477 : i32 to index
      %swap3A_479 = tpu.vector_load %arg10[%swap3A_478] {strides = array<i32>} : memref<8208xi32, #tpu.memory_space<vmem>>, vector<16xi32>,
      tpu.vector_store %arg10[%swap3A_478], %broadcast_in_dim3A_15 {strides = array<i32>} : memref<8208xi32, #tpu.memory_space<vmem>>, vector<16xi32>,
      %add3A_480 = arith.constant 32 : i32
      %add3A_481 = arith.addi %mul3A_471, %add3A_480 : i32
      %swap3A_482 = arith.index_cast %add3A_481 : i32 to index
      %swap3A_483 = tpu.vector_load %arg10[%swap3A_482] {strides = array<i32>} : memref<8208xi32, #tpu.memory_space<vmem>>, vector<16xi32>,
      tpu.vector_store %arg10[%swap3A_482], %broadcast_in_dim3A_15 {strides = array<i32>} : memref<8208xi32, #tpu.memory_space<vmem>>, vector<16xi32>,
      %add3A_484 = arith.constant 48 : i32
      %add3A_485 = arith.addi %mul3A_471, %add3A_484 : i32
      %swap3A_486 = arith.index_cast %add3A_485 : i32 to index
      %swap3A_487 = tpu.vector_load %arg10[%swap3A_486] {strides = array<i32>} : memref<8208xi32, #tpu.memory_space<vmem>>, vector<16xi32>,
      tpu.vector_store %arg10[%swap3A_486], %broadcast_in_dim3A_15 {strides = array<i32>} : memref<8208xi32, #tpu.memory_space<vmem>>, vector<16xi32>,
      %scan3A_488 = arith.constant 0 : i32
      %scan3A_489 = arith.constant 0 : i32
      %scan3A_490 = arith.constant 128 : i32
      %scan3A_491 = arith.addi %scan3A_489, %scan3A_490 : i32
      %scan3A_492 = arith.constant 1 : i32
      %scan3A_493 = scf.for %scan3A_601 = %scan3A_489 to %scan3A_491 step %scan3A_492 iter_args(%scan3A_602 = %scan3A_488) -> (i32)  : i32 {
        %mul3A_603 = arith.constant 16 : i32
        %mul3A_604 = arith.muli %scan3A_601, %mul3A_603 : i32
        %get3A_605 = arith.index_cast %mul3A_604 : i32 to index
        %get3A_606 = tpu.vector_load %arg6[%get3A_605] {strides = array<i32>} : memref<2048xi32, #tpu.memory_space<vmem>>, vector<16xi32>,
        %xor3A = arith.xori %get3A_606, %broadcast_in_dim3A_462 : vector<16xi32>
        %mul3A_607 = arith.constant 16 : i32
        %mul3A_608 = arith.muli %scan3A_601, %mul3A_607 : i32
        %get3A_609 = arith.index_cast %mul3A_608 : i32 to index
        %get3A_610 = tpu.vector_load %arg7[%get3A_609] {strides = array<i32>} : memref<2048xi32, #tpu.memory_space<vmem>>, vector<16xi32>,
        %xor3A_611 = arith.xori %get3A_610, %broadcast_in_dim3A_465 : vector<16xi32>
        %sub3A = arith.subi %xor3A, %broadcast_in_dim3A_17 : vector<16xi32>
        %not3A = arith.constant dense<-1> : vector<16xi32>
        %not3A_612 = arith.xori %xor3A, %not3A : vector<16xi32>
        %and3A = arith.andi %sub3A, %not3A_612 : vector<16xi32>
        %sub3A_613 = arith.subi %xor3A_611, %broadcast_in_dim3A_17 : vector<16xi32>
        %not3A_614 = arith.constant dense<-1> : vector<16xi32>
        %not3A_615 = arith.xori %xor3A_611, %not3A_614 : vector<16xi32>
        %and3A_616 = arith.andi %sub3A_613, %not3A_615 : vector<16xi32>
        %or3A = arith.ori %and3A, %and3A_616 : vector<16xi32>
        %and3A_617 = arith.andi %or3A, %broadcast_in_dim3A_19 : vector<16xi32>
        %ne3A = arith.cmpi ne, %and3A_617, %broadcast_in_dim3A_21 : vector<16xi32>
        %all_reduce_population_count3A = tpu.all_reduce %ne3A {dim = 0 : i64, kind = #tpu.reduction_kind<sum>} : vector<16xi1> -> vector<16xi32>
        %slice3A_618 = vector.extract_strided_slice %all_reduce_population_count3A {offsets = [0], sizes = [1], strides = [1]} : vector<16xi32> to vector<1xi32>
        %squeeze3A_619 = vector.extract %slice3A_618[0] : i32 from vector<1xi32>
        %lt3A = arith.constant 64 : i32
        %lt3A_620 = arith.cmpi slt, %scan3A_602, %lt3A : i32
        %gt3A = arith.constant 0 : i32
        %gt3A_621 = arith.cmpi sgt, %squeeze3A_619, %gt3A : i32
        %and3A_622 = arith.andi %lt3A_620, %gt3A_621 : i1
        %convert_element_type3A = arith.extui %and3A_622 : i1 to i32
        %cond3A = arith.constant 0 : i32
        %cond3A_623 = arith.cmpi ne, %convert_element_type3A, %cond3A : i32
        scf.if %cond3A_623 {
          %mul3A_625 = arith.constant 16 : i32
          %mul3A_626 = arith.muli %scan3A_601, %mul3A_625 : i32
          %broadcast_in_dim3A_627 = vector.broadcast %mul3A_626 : i32 to vector<16xi32>
          %add3A_628 = arith.addi %iota3A, %broadcast_in_dim3A_627 : vector<16xi32>
          %add3A_629 = arith.addi %mul3A_471, %scan3A_602 : i32
          %swap3A_630 = arith.index_cast %add3A_629 : i32 to index
          %swap3A_631 = tpu.vector_load %arg10[%swap3A_630] masked %ne3A {strides = array<i32>} : memref<8208xi32, #tpu.memory_space<vmem>>, vector<16xi32>, vector<16xi1>
          tpu.vector_store %arg10[%swap3A_630], %add3A_628 masked %ne3A {strides = array<i32>} : memref<8208xi32, #tpu.memory_space<vmem>>, vector<16xi32>, vector<16xi1>
        } else {
        }
        %add3A_624 = arith.addi %scan3A_602, %squeeze3A_619 : i32
        scf.yield %add3A_624 : i32
      }
      %scan3A_494 = arith.constant 128 : i32
      %slice3A_495 = vector.extract_strided_slice %get3A_38 {offsets = [13], sizes = [1], strides = [1]} : vector<16xi32> to vector<1xi32>
      %squeeze3A_496 = vector.extract %slice3A_495[0] : i32 from vector<1xi32>
      %broadcast_in_dim3A_497 = vector.broadcast %squeeze3A_496 : i32 to vector<16xi32>
      %slice3A_498 = vector.extract_strided_slice %get3A_42 {offsets = [13], sizes = [1], strides = [1]} : vector<16xi32> to vector<1xi32>
      %squeeze3A_499 = vector.extract %slice3A_498[0] : i32 from vector<1xi32>
      %broadcast_in_dim3A_500 = vector.broadcast %squeeze3A_499 : i32 to vector<16xi32>
      %mul3A_501 = arith.constant 16 : i32
      %mul3A_502 = arith.muli %scan3A_34, %mul3A_501 : i32
      %add3A_503 = arith.constant 13 : i32
      %add3A_504 = arith.addi %mul3A_502, %add3A_503 : i32
      %mul3A_505 = arith.constant 64 : i32
      %mul3A_506 = arith.muli %add3A_504, %mul3A_505 : i32
      %add3A_507 = arith.constant 0 : i32
      %add3A_508 = arith.addi %mul3A_506, %add3A_507 : i32
      %swap3A_509 = arith.index_cast %add3A_508 : i32 to index
      %swap3A_510 = tpu.vector_load %arg10[%swap3A_509] {strides = array<i32>} : memref<8208xi32, #tpu.memory_space<vmem>>, vector<16xi32>,
      tpu.vector_store %arg10[%swap3A_509], %broadcast_in_dim3A_15 {strides = array<i32>} : memref<8208xi32, #tpu.memory_space<vmem>>, vector<16xi32>,
      %add3A_511 = arith.constant 16 : i32
      %add3A_512 = arith.addi %mul3A_506, %add3A_511 : i32
      %swap3A_513 = arith.index_cast %add3A_512 : i32 to index
      %swap3A_514 = tpu.vector_load %arg10[%swap3A_513] {strides = array<i32>} : memref<8208xi32, #tpu.memory_space<vmem>>, vector<16xi32>,
      tpu.vector_store %arg10[%swap3A_513], %broadcast_in_dim3A_15 {strides = array<i32>} : memref<8208xi32, #tpu.memory_space<vmem>>, vector<16xi32>,
      %add3A_515 = arith.constant 32 : i32
      %add3A_516 = arith.addi %mul3A_506, %add3A_515 : i32
      %swap3A_517 = arith.index_cast %add3A_516 : i32 to index
      %swap3A_518 = tpu.vector_load %arg10[%swap3A_517] {strides = array<i32>} : memref<8208xi32, #tpu.memory_space<vmem>>, vector<16xi32>,
      tpu.vector_store %arg10[%swap3A_517], %broadcast_in_dim3A_15 {strides = array<i32>} : memref<8208xi32, #tpu.memory_space<vmem>>, vector<16xi32>,
      %add3A_519 = arith.constant 48 : i32
      %add3A_520 = arith.addi %mul3A_506, %add3A_519 : i32
      %swap3A_521 = arith.index_cast %add3A_520 : i32 to index
      %swap3A_522 = tpu.vector_load %arg10[%swap3A_521] {strides = array<i32>} : memref<8208xi32, #tpu.memory_space<vmem>>, vector<16xi32>,
      tpu.vector_store %arg10[%swap3A_521], %broadcast_in_dim3A_15 {strides = array<i32>} : memref<8208xi32, #tpu.memory_space<vmem>>, vector<16xi32>,
      %scan3A_523 = arith.constant 0 : i32
      %scan3A_524 = arith.constant 0 : i32
      %scan3A_525 = arith.constant 128 : i32
      %scan3A_526 = arith.addi %scan3A_524, %scan3A_525 : i32
      %scan3A_527 = arith.constant 1 : i32
      %scan3A_528 = scf.for %scan3A_601 = %scan3A_524 to %scan3A_526 step %scan3A_527 iter_args(%scan3A_602 = %scan3A_523) -> (i32)  : i32 {
        %mul3A_603 = arith.constant 16 : i32
        %mul3A_604 = arith.muli %scan3A_601, %mul3A_603 : i32
        %get3A_605 = arith.index_cast %mul3A_604 : i32 to index
        %get3A_606 = tpu.vector_load %arg6[%get3A_605] {strides = array<i32>} : memref<2048xi32, #tpu.memory_space<vmem>>, vector<16xi32>,
        %xor3A = arith.xori %get3A_606, %broadcast_in_dim3A_497 : vector<16xi32>
        %mul3A_607 = arith.constant 16 : i32
        %mul3A_608 = arith.muli %scan3A_601, %mul3A_607 : i32
        %get3A_609 = arith.index_cast %mul3A_608 : i32 to index
        %get3A_610 = tpu.vector_load %arg7[%get3A_609] {strides = array<i32>} : memref<2048xi32, #tpu.memory_space<vmem>>, vector<16xi32>,
        %xor3A_611 = arith.xori %get3A_610, %broadcast_in_dim3A_500 : vector<16xi32>
        %sub3A = arith.subi %xor3A, %broadcast_in_dim3A_17 : vector<16xi32>
        %not3A = arith.constant dense<-1> : vector<16xi32>
        %not3A_612 = arith.xori %xor3A, %not3A : vector<16xi32>
        %and3A = arith.andi %sub3A, %not3A_612 : vector<16xi32>
        %sub3A_613 = arith.subi %xor3A_611, %broadcast_in_dim3A_17 : vector<16xi32>
        %not3A_614 = arith.constant dense<-1> : vector<16xi32>
        %not3A_615 = arith.xori %xor3A_611, %not3A_614 : vector<16xi32>
        %and3A_616 = arith.andi %sub3A_613, %not3A_615 : vector<16xi32>
        %or3A = arith.ori %and3A, %and3A_616 : vector<16xi32>
        %and3A_617 = arith.andi %or3A, %broadcast_in_dim3A_19 : vector<16xi32>
        %ne3A = arith.cmpi ne, %and3A_617, %broadcast_in_dim3A_21 : vector<16xi32>
        %all_reduce_population_count3A = tpu.all_reduce %ne3A {dim = 0 : i64, kind = #tpu.reduction_kind<sum>} : vector<16xi1> -> vector<16xi32>
        %slice3A_618 = vector.extract_strided_slice %all_reduce_population_count3A {offsets = [0], sizes = [1], strides = [1]} : vector<16xi32> to vector<1xi32>
        %squeeze3A_619 = vector.extract %slice3A_618[0] : i32 from vector<1xi32>
        %lt3A = arith.constant 64 : i32
        %lt3A_620 = arith.cmpi slt, %scan3A_602, %lt3A : i32
        %gt3A = arith.constant 0 : i32
        %gt3A_621 = arith.cmpi sgt, %squeeze3A_619, %gt3A : i32
        %and3A_622 = arith.andi %lt3A_620, %gt3A_621 : i1
        %convert_element_type3A = arith.extui %and3A_622 : i1 to i32
        %cond3A = arith.constant 0 : i32
        %cond3A_623 = arith.cmpi ne, %convert_element_type3A, %cond3A : i32
        scf.if %cond3A_623 {
          %mul3A_625 = arith.constant 16 : i32
          %mul3A_626 = arith.muli %scan3A_601, %mul3A_625 : i32
          %broadcast_in_dim3A_627 = vector.broadcast %mul3A_626 : i32 to vector<16xi32>
          %add3A_628 = arith.addi %iota3A, %broadcast_in_dim3A_627 : vector<16xi32>
          %add3A_629 = arith.addi %mul3A_506, %scan3A_602 : i32
          %swap3A_630 = arith.index_cast %add3A_629 : i32 to index
          %swap3A_631 = tpu.vector_load %arg10[%swap3A_630] masked %ne3A {strides = array<i32>} : memref<8208xi32, #tpu.memory_space<vmem>>, vector<16xi32>, vector<16xi1>
          tpu.vector_store %arg10[%swap3A_630], %add3A_628 masked %ne3A {strides = array<i32>} : memref<8208xi32, #tpu.memory_space<vmem>>, vector<16xi32>, vector<16xi1>
        } else {
        }
        %add3A_624 = arith.addi %scan3A_602, %squeeze3A_619 : i32
        scf.yield %add3A_624 : i32
      }
      %scan3A_529 = arith.constant 128 : i32
      %slice3A_530 = vector.extract_strided_slice %get3A_38 {offsets = [14], sizes = [1], strides = [1]} : vector<16xi32> to vector<1xi32>
      %squeeze3A_531 = vector.extract %slice3A_530[0] : i32 from vector<1xi32>
      %broadcast_in_dim3A_532 = vector.broadcast %squeeze3A_531 : i32 to vector<16xi32>
      %slice3A_533 = vector.extract_strided_slice %get3A_42 {offsets = [14], sizes = [1], strides = [1]} : vector<16xi32> to vector<1xi32>
      %squeeze3A_534 = vector.extract %slice3A_533[0] : i32 from vector<1xi32>
      %broadcast_in_dim3A_535 = vector.broadcast %squeeze3A_534 : i32 to vector<16xi32>
      %mul3A_536 = arith.constant 16 : i32
      %mul3A_537 = arith.muli %scan3A_34, %mul3A_536 : i32
      %add3A_538 = arith.constant 14 : i32
      %add3A_539 = arith.addi %mul3A_537, %add3A_538 : i32
      %mul3A_540 = arith.constant 64 : i32
      %mul3A_541 = arith.muli %add3A_539, %mul3A_540 : i32
      %add3A_542 = arith.constant 0 : i32
      %add3A_543 = arith.addi %mul3A_541, %add3A_542 : i32
      %swap3A_544 = arith.index_cast %add3A_543 : i32 to index
      %swap3A_545 = tpu.vector_load %arg10[%swap3A_544] {strides = array<i32>} : memref<8208xi32, #tpu.memory_space<vmem>>, vector<16xi32>,
      tpu.vector_store %arg10[%swap3A_544], %broadcast_in_dim3A_15 {strides = array<i32>} : memref<8208xi32, #tpu.memory_space<vmem>>, vector<16xi32>,
      %add3A_546 = arith.constant 16 : i32
      %add3A_547 = arith.addi %mul3A_541, %add3A_546 : i32
      %swap3A_548 = arith.index_cast %add3A_547 : i32 to index
      %swap3A_549 = tpu.vector_load %arg10[%swap3A_548] {strides = array<i32>} : memref<8208xi32, #tpu.memory_space<vmem>>, vector<16xi32>,
      tpu.vector_store %arg10[%swap3A_548], %broadcast_in_dim3A_15 {strides = array<i32>} : memref<8208xi32, #tpu.memory_space<vmem>>, vector<16xi32>,
      %add3A_550 = arith.constant 32 : i32
      %add3A_551 = arith.addi %mul3A_541, %add3A_550 : i32
      %swap3A_552 = arith.index_cast %add3A_551 : i32 to index
      %swap3A_553 = tpu.vector_load %arg10[%swap3A_552] {strides = array<i32>} : memref<8208xi32, #tpu.memory_space<vmem>>, vector<16xi32>,
      tpu.vector_store %arg10[%swap3A_552], %broadcast_in_dim3A_15 {strides = array<i32>} : memref<8208xi32, #tpu.memory_space<vmem>>, vector<16xi32>,
      %add3A_554 = arith.constant 48 : i32
      %add3A_555 = arith.addi %mul3A_541, %add3A_554 : i32
      %swap3A_556 = arith.index_cast %add3A_555 : i32 to index
      %swap3A_557 = tpu.vector_load %arg10[%swap3A_556] {strides = array<i32>} : memref<8208xi32, #tpu.memory_space<vmem>>, vector<16xi32>,
      tpu.vector_store %arg10[%swap3A_556], %broadcast_in_dim3A_15 {strides = array<i32>} : memref<8208xi32, #tpu.memory_space<vmem>>, vector<16xi32>,
      %scan3A_558 = arith.constant 0 : i32
      %scan3A_559 = arith.constant 0 : i32
      %scan3A_560 = arith.constant 128 : i32
      %scan3A_561 = arith.addi %scan3A_559, %scan3A_560 : i32
      %scan3A_562 = arith.constant 1 : i32
      %scan3A_563 = scf.for %scan3A_601 = %scan3A_559 to %scan3A_561 step %scan3A_562 iter_args(%scan3A_602 = %scan3A_558) -> (i32)  : i32 {
        %mul3A_603 = arith.constant 16 : i32
        %mul3A_604 = arith.muli %scan3A_601, %mul3A_603 : i32
        %get3A_605 = arith.index_cast %mul3A_604 : i32 to index
        %get3A_606 = tpu.vector_load %arg6[%get3A_605] {strides = array<i32>} : memref<2048xi32, #tpu.memory_space<vmem>>, vector<16xi32>,
        %xor3A = arith.xori %get3A_606, %broadcast_in_dim3A_532 : vector<16xi32>
        %mul3A_607 = arith.constant 16 : i32
        %mul3A_608 = arith.muli %scan3A_601, %mul3A_607 : i32
        %get3A_609 = arith.index_cast %mul3A_608 : i32 to index
        %get3A_610 = tpu.vector_load %arg7[%get3A_609] {strides = array<i32>} : memref<2048xi32, #tpu.memory_space<vmem>>, vector<16xi32>,
        %xor3A_611 = arith.xori %get3A_610, %broadcast_in_dim3A_535 : vector<16xi32>
        %sub3A = arith.subi %xor3A, %broadcast_in_dim3A_17 : vector<16xi32>
        %not3A = arith.constant dense<-1> : vector<16xi32>
        %not3A_612 = arith.xori %xor3A, %not3A : vector<16xi32>
        %and3A = arith.andi %sub3A, %not3A_612 : vector<16xi32>
        %sub3A_613 = arith.subi %xor3A_611, %broadcast_in_dim3A_17 : vector<16xi32>
        %not3A_614 = arith.constant dense<-1> : vector<16xi32>
        %not3A_615 = arith.xori %xor3A_611, %not3A_614 : vector<16xi32>
        %and3A_616 = arith.andi %sub3A_613, %not3A_615 : vector<16xi32>
        %or3A = arith.ori %and3A, %and3A_616 : vector<16xi32>
        %and3A_617 = arith.andi %or3A, %broadcast_in_dim3A_19 : vector<16xi32>
        %ne3A = arith.cmpi ne, %and3A_617, %broadcast_in_dim3A_21 : vector<16xi32>
        %all_reduce_population_count3A = tpu.all_reduce %ne3A {dim = 0 : i64, kind = #tpu.reduction_kind<sum>} : vector<16xi1> -> vector<16xi32>
        %slice3A_618 = vector.extract_strided_slice %all_reduce_population_count3A {offsets = [0], sizes = [1], strides = [1]} : vector<16xi32> to vector<1xi32>
        %squeeze3A_619 = vector.extract %slice3A_618[0] : i32 from vector<1xi32>
        %lt3A = arith.constant 64 : i32
        %lt3A_620 = arith.cmpi slt, %scan3A_602, %lt3A : i32
        %gt3A = arith.constant 0 : i32
        %gt3A_621 = arith.cmpi sgt, %squeeze3A_619, %gt3A : i32
        %and3A_622 = arith.andi %lt3A_620, %gt3A_621 : i1
        %convert_element_type3A = arith.extui %and3A_622 : i1 to i32
        %cond3A = arith.constant 0 : i32
        %cond3A_623 = arith.cmpi ne, %convert_element_type3A, %cond3A : i32
        scf.if %cond3A_623 {
          %mul3A_625 = arith.constant 16 : i32
          %mul3A_626 = arith.muli %scan3A_601, %mul3A_625 : i32
          %broadcast_in_dim3A_627 = vector.broadcast %mul3A_626 : i32 to vector<16xi32>
          %add3A_628 = arith.addi %iota3A, %broadcast_in_dim3A_627 : vector<16xi32>
          %add3A_629 = arith.addi %mul3A_541, %scan3A_602 : i32
          %swap3A_630 = arith.index_cast %add3A_629 : i32 to index
          %swap3A_631 = tpu.vector_load %arg10[%swap3A_630] masked %ne3A {strides = array<i32>} : memref<8208xi32, #tpu.memory_space<vmem>>, vector<16xi32>, vector<16xi1>
          tpu.vector_store %arg10[%swap3A_630], %add3A_628 masked %ne3A {strides = array<i32>} : memref<8208xi32, #tpu.memory_space<vmem>>, vector<16xi32>, vector<16xi1>
        } else {
        }
        %add3A_624 = arith.addi %scan3A_602, %squeeze3A_619 : i32
        scf.yield %add3A_624 : i32
      }
      %scan3A_564 = arith.constant 128 : i32
      %slice3A_565 = vector.extract_strided_slice %get3A_38 {offsets = [15], sizes = [1], strides = [1]} : vector<16xi32> to vector<1xi32>
      %squeeze3A_566 = vector.extract %slice3A_565[0] : i32 from vector<1xi32>
      %broadcast_in_dim3A_567 = vector.broadcast %squeeze3A_566 : i32 to vector<16xi32>
      %slice3A_568 = vector.extract_strided_slice %get3A_42 {offsets = [15], sizes = [1], strides = [1]} : vector<16xi32> to vector<1xi32>
      %squeeze3A_569 = vector.extract %slice3A_568[0] : i32 from vector<1xi32>
      %broadcast_in_dim3A_570 = vector.broadcast %squeeze3A_569 : i32 to vector<16xi32>
      %mul3A_571 = arith.constant 16 : i32
      %mul3A_572 = arith.muli %scan3A_34, %mul3A_571 : i32
      %add3A_573 = arith.constant 15 : i32
      %add3A_574 = arith.addi %mul3A_572, %add3A_573 : i32
      %mul3A_575 = arith.constant 64 : i32
      %mul3A_576 = arith.muli %add3A_574, %mul3A_575 : i32
      %add3A_577 = arith.constant 0 : i32
      %add3A_578 = arith.addi %mul3A_576, %add3A_577 : i32
      %swap3A_579 = arith.index_cast %add3A_578 : i32 to index
      %swap3A_580 = tpu.vector_load %arg10[%swap3A_579] {strides = array<i32>} : memref<8208xi32, #tpu.memory_space<vmem>>, vector<16xi32>,
      tpu.vector_store %arg10[%swap3A_579], %broadcast_in_dim3A_15 {strides = array<i32>} : memref<8208xi32, #tpu.memory_space<vmem>>, vector<16xi32>,
      %add3A_581 = arith.constant 16 : i32
      %add3A_582 = arith.addi %mul3A_576, %add3A_581 : i32
      %swap3A_583 = arith.index_cast %add3A_582 : i32 to index
      %swap3A_584 = tpu.vector_load %arg10[%swap3A_583] {strides = array<i32>} : memref<8208xi32, #tpu.memory_space<vmem>>, vector<16xi32>,
      tpu.vector_store %arg10[%swap3A_583], %broadcast_in_dim3A_15 {strides = array<i32>} : memref<8208xi32, #tpu.memory_space<vmem>>, vector<16xi32>,
      %add3A_585 = arith.constant 32 : i32
      %add3A_586 = arith.addi %mul3A_576, %add3A_585 : i32
      %swap3A_587 = arith.index_cast %add3A_586 : i32 to index
      %swap3A_588 = tpu.vector_load %arg10[%swap3A_587] {strides = array<i32>} : memref<8208xi32, #tpu.memory_space<vmem>>, vector<16xi32>,
      tpu.vector_store %arg10[%swap3A_587], %broadcast_in_dim3A_15 {strides = array<i32>} : memref<8208xi32, #tpu.memory_space<vmem>>, vector<16xi32>,
      %add3A_589 = arith.constant 48 : i32
      %add3A_590 = arith.addi %mul3A_576, %add3A_589 : i32
      %swap3A_591 = arith.index_cast %add3A_590 : i32 to index
      %swap3A_592 = tpu.vector_load %arg10[%swap3A_591] {strides = array<i32>} : memref<8208xi32, #tpu.memory_space<vmem>>, vector<16xi32>,
      tpu.vector_store %arg10[%swap3A_591], %broadcast_in_dim3A_15 {strides = array<i32>} : memref<8208xi32, #tpu.memory_space<vmem>>, vector<16xi32>,
      %scan3A_593 = arith.constant 0 : i32
      %scan3A_594 = arith.constant 0 : i32
      %scan3A_595 = arith.constant 128 : i32
      %scan3A_596 = arith.addi %scan3A_594, %scan3A_595 : i32
      %scan3A_597 = arith.constant 1 : i32
      %scan3A_598 = scf.for %scan3A_601 = %scan3A_594 to %scan3A_596 step %scan3A_597 iter_args(%scan3A_602 = %scan3A_593) -> (i32)  : i32 {
        %mul3A_603 = arith.constant 16 : i32
        %mul3A_604 = arith.muli %scan3A_601, %mul3A_603 : i32
        %get3A_605 = arith.index_cast %mul3A_604 : i32 to index
        %get3A_606 = tpu.vector_load %arg6[%get3A_605] {strides = array<i32>} : memref<2048xi32, #tpu.memory_space<vmem>>, vector<16xi32>,
        %xor3A = arith.xori %get3A_606, %broadcast_in_dim3A_567 : vector<16xi32>
        %mul3A_607 = arith.constant 16 : i32
        %mul3A_608 = arith.muli %scan3A_601, %mul3A_607 : i32
        %get3A_609 = arith.index_cast %mul3A_608 : i32 to index
        %get3A_610 = tpu.vector_load %arg7[%get3A_609] {strides = array<i32>} : memref<2048xi32, #tpu.memory_space<vmem>>, vector<16xi32>,
        %xor3A_611 = arith.xori %get3A_610, %broadcast_in_dim3A_570 : vector<16xi32>
        %sub3A = arith.subi %xor3A, %broadcast_in_dim3A_17 : vector<16xi32>
        %not3A = arith.constant dense<-1> : vector<16xi32>
        %not3A_612 = arith.xori %xor3A, %not3A : vector<16xi32>
        %and3A = arith.andi %sub3A, %not3A_612 : vector<16xi32>
        %sub3A_613 = arith.subi %xor3A_611, %broadcast_in_dim3A_17 : vector<16xi32>
        %not3A_614 = arith.constant dense<-1> : vector<16xi32>
        %not3A_615 = arith.xori %xor3A_611, %not3A_614 : vector<16xi32>
        %and3A_616 = arith.andi %sub3A_613, %not3A_615 : vector<16xi32>
        %or3A = arith.ori %and3A, %and3A_616 : vector<16xi32>
        %and3A_617 = arith.andi %or3A, %broadcast_in_dim3A_19 : vector<16xi32>
        %ne3A = arith.cmpi ne, %and3A_617, %broadcast_in_dim3A_21 : vector<16xi32>
        %all_reduce_population_count3A = tpu.all_reduce %ne3A {dim = 0 : i64, kind = #tpu.reduction_kind<sum>} : vector<16xi1> -> vector<16xi32>
        %slice3A_618 = vector.extract_strided_slice %all_reduce_population_count3A {offsets = [0], sizes = [1], strides = [1]} : vector<16xi32> to vector<1xi32>
        %squeeze3A_619 = vector.extract %slice3A_618[0] : i32 from vector<1xi32>
        %lt3A = arith.constant 64 : i32
        %lt3A_620 = arith.cmpi slt, %scan3A_602, %lt3A : i32
        %gt3A = arith.constant 0 : i32
        %gt3A_621 = arith.cmpi sgt, %squeeze3A_619, %gt3A : i32
        %and3A_622 = arith.andi %lt3A_620, %gt3A_621 : i1
        %convert_element_type3A = arith.extui %and3A_622 : i1 to i32
        %cond3A = arith.constant 0 : i32
        %cond3A_623 = arith.cmpi ne, %convert_element_type3A, %cond3A : i32
        scf.if %cond3A_623 {
          %mul3A_625 = arith.constant 16 : i32
          %mul3A_626 = arith.muli %scan3A_601, %mul3A_625 : i32
          %broadcast_in_dim3A_627 = vector.broadcast %mul3A_626 : i32 to vector<16xi32>
          %add3A_628 = arith.addi %iota3A, %broadcast_in_dim3A_627 : vector<16xi32>
          %add3A_629 = arith.addi %mul3A_576, %scan3A_602 : i32
          %swap3A_630 = arith.index_cast %add3A_629 : i32 to index
          %swap3A_631 = tpu.vector_load %arg10[%swap3A_630] masked %ne3A {strides = array<i32>} : memref<8208xi32, #tpu.memory_space<vmem>>, vector<16xi32>, vector<16xi1>
          tpu.vector_store %arg10[%swap3A_630], %add3A_628 masked %ne3A {strides = array<i32>} : memref<8208xi32, #tpu.memory_space<vmem>>, vector<16xi32>, vector<16xi1>
        } else {
        }
        %add3A_624 = arith.addi %scan3A_602, %squeeze3A_619 : i32
        scf.yield %add3A_624 : i32
      }
      %scan3A_599 = arith.constant 128 : i32
      %scan3A_600 = arith.constant 0 : i32
      scf.yield %scan3A_600 : i32
    }
    %scan3A_28 = arith.constant 8 : i32
    %mul3A_29 = arith.constant 2048 : i32
    %mul3A_30 = arith.muli %arg0, %mul3A_29 : i32
    %add3A_31 = arith.addi %mul3A_30, %mul3A_0 : i32
    %mul3A_32 = arith.constant 64 : i32
    %mul3A_33 = arith.muli %add3A_31, %mul3A_32 : i32
    "tpu.region"() ({
      %run_scoped3A = tpu.sem_alloc : memref<!tpu.dma_semaphore, #tpu.memory_space<semaphore_mem>>
      %dma_start3A = arith.constant 0 : i32
      %dma_start3A_34 = tpu.memref_slice %arg10[%dma_start3A] : memref<8208xi32, #tpu.memory_space<vmem>> -> memref<8192xi32, #tpu.memory_space<vmem>>
      %dma_start3A_35 = tpu.memref_slice %arg4[%mul3A_33] : memref<262144xi32, #tpu.memory_space<hbm>> -> memref<8192xi32, #tpu.memory_space<hbm>>
      %dma_start3A_36 = tpu.memref_slice %arg4[%mul3A_33] : memref<262144xi32, #tpu.memory_space<hbm>> -> memref<8192xi32, #tpu.memory_space<hbm>>
      %dma_start3A_37 = arith.constant 0 : i32
      %dma_start3A_38 = tpu.memref_slice %arg10[%dma_start3A_37] : memref<8208xi32, #tpu.memory_space<vmem>> -> memref<8192xi32, #tpu.memory_space<vmem>>
      tpu.enqueue_dma source(%dma_start3A_38 : memref<8192xi32, #tpu.memory_space<vmem>>) target(%dma_start3A_36 : memref<8192xi32, #tpu.memory_space<hbm>>) target_semaphore(%run_scoped3A : memref<!tpu.dma_semaphore, #tpu.memory_space<semaphore_mem>>)
      %dma_wait3A = arith.constant 0 : i32
      %dma_wait3A_39 = tpu.memref_slice %arg10[%dma_wait3A] : memref<8208xi32, #tpu.memory_space<vmem>> -> memref<8192xi32, #tpu.memory_space<vmem>>
      %dma_wait3A_40 = tpu.memref_slice %arg4[%mul3A_33] : memref<262144xi32, #tpu.memory_space<hbm>> -> memref<8192xi32, #tpu.memory_space<hbm>>
      %dma_wait3A_41 = tpu.memref_slice %arg4[%mul3A_33] : memref<262144xi32, #tpu.memory_space<hbm>> -> memref<8192xi32, #tpu.memory_space<hbm>>
      %dma_wait3A_42 = arith.constant 0 : i32
      %dma_wait3A_43 = tpu.memref_slice %arg10[%dma_wait3A_42] : memref<8208xi32, #tpu.memory_space<vmem>> -> memref<8192xi32, #tpu.memory_space<vmem>>
      tpu.wait_dma2 semaphore(%run_scoped3A : memref<!tpu.dma_semaphore, #tpu.memory_space<semaphore_mem>>) src(%dma_wait3A_43 : memref<8192xi32, #tpu.memory_space<vmem>>) dst(%dma_wait3A_41 : memref<8192xi32, #tpu.memory_space<hbm>>)
      tpu.yield
    }) : () -> ()
    return
  }
}

</mosaic_0001>

<sc_bundles>
// kernel: kernel.3.cloned.1.call-start
scs
__scs_entry_jumppad:
0x0: {  	(pc) =	sbr.rel $0x88, $3  }
0x1: {  	(tag) =	ssettag $0x0;
	lr =	simm.s32 $0x1  }
0x2: {  	[smem:$0x3F9F] =	sst lr;
	_ =	strace $0xD0000000  }
0x3: {  	_ = 	snop  }
0x4: {  	_ = 	snop  }
0x5: {  	_ = 	snop  }
0x6: {  	_ = 	snop  }
0x7: {  	_ = 	snop  }
__scs_overlays_trampoline_lowered:
0x8: {  	[smem:$0x3FAE] =	sst s0  }
0x9: {  	[smem:$0x3FAF] =	sst s1  }
0xa: {  	[smem:$0x3FB0] =	sst s2  }
0xb: {  	[smem:$0x3FB1] =	sst s3  }
0xc: {  	[smem:$0x3FB2] =	sst s4  }
0xd: {  	[smem:$0x3FB3] =	sst s5  }
0xe: {  	[smem:$0x3FB4] =	sst s6  }
0xf: {  	[smem:$0x3FB5] =	sst s7  }
0x10: {  	[smem:$0x3FB6] =	sst s8  }
0x11: {  	[smem:$0x3FB7] =	sst s9;
	s0 =	simm.s32 @!p0 $0x0  }
0x12: {  	s1 =	sld [smem:$0x3F9D];
	s0 =	simm.s32 @p0 $0x1  }
0x13: {  	[smem:$0x3FB8] =	sst s0;
	s0 =	simm.s32 @!p1 $0x0  }
0x14: {  	s2 =	sld [smem:$0x3F9C];
	s0 =	simm.s32 @p1 $0x1  }
0x15: {  	[smem:$0x3FB9] =	sst s0;
	s0 =	simm.s32 @!p2 $0x0  }
0x16: {  	s3 =	sld [smem:$0x3FDB];
	s0 =	simm.s32 @p2 $0x1  }
0x17: {  	s4 =	simm.s32 $0x1BF5;
	[smem:$0x3FBB] =	sst s0  }
0x18: {  	s0 =	sld [smem:$0x3F9E];
	_ =	swait.ge [sflag:s4], $0x0  }
0x19: {  	s7 =	sld [smem:$0x3F9F]  }
0x1a: {  	s8 =	sadd.s32 $0xFFFFE003, lr  }
0x1b: {  	s9 =	sadd.s32 $0xFFFFFEF7, lr;
	s5 =	simm.s32 $0xFFFFFFFF;
	p2 =	slt.u32 s8, $0xFFFFF086  }
0x1c: {  	p1 =	slt.u32 s9, $0xF7A;
	s5 =	simm.s32 @!p2 $0x0  }
0x1d: {  	s5 =	simm.s32 @p1 $0x1;
	p0 =	seq.s32 s7, s2  }
0x1e: {  	s7 =	smul.u32 @!p0 $0xF7A, s2;
	p2 =	seq.s32 @!p0 s5, $0x0  }
0x1f: {  	s9 =	smul.u32 $0xF7A, s1;
	s8 =	simm.s32 @!p0 $0x1BF5;
	p2 =	por !p2, p0  }
0x20: {  	[sflag:s8] =	ssyncset.s32 @!p0 $0xFFFFF086;
	s6 =	sadd.s32 @!p0 s3, s7;
	s7 =	simm.s32 @!p0 $0x108  }
0x21: {  	s3 =	sadd.s32 s3, s9;
	s6 =	sadd.s32 @!p0 $0x88, s6;
	s7 =	simm.s32 @p2 $0x1082  }
0x22: {  	[simem:s7], [sflag:s8] =	dma.local @!p0 [hbm:s6], $0xF7A  }
0x23: {  	s9 =	sor.u32 $0xD0000000, s2;
	s6 =	simm.s32 $0x108;
	_ =	swait.ge @!p0 [sflag:s8], $0x0  }
0x24: {  	s3 =	sadd.s32 $0x88, s3;
	s6 =	simm.s32 @!p1 $0x1082;
	[sflag:s4] =	ssyncset.s32 $0xFFFFF086  }
0x25: {  	[simem:s6], [sflag:s4] =	dma.local [hbm:s3], $0xF7A  }
0x26: {  	[smem:$0x3F9F] =	sst s1;
	(tag) =	ssettag s2;
	_ =	strace s9  }
0x27: {  	s1 =	sld [smem:$0x3FAF]  }
0x28: {  	s2 =	sld [smem:$0x3FB0]  }
0x29: {  	s4 =	sld [smem:$0x3FB2]  }
0x2a: {  	p0 =	seq.s32 s5, $0x0;
	s5 =	sld [smem:$0x3FB3]  }
0x2b: {  	s6 =	sld [smem:$0x3FB4]  }
0x2c: {  	s7 =	sld [smem:$0x3FB5]  }
0x2d: {  	s3 =	simm.s32 $0x108;
	s8 =	sld [smem:$0x3FB6]  }
0x2e: {  	s3 =	simm.s32 @!p0 $0x1082;
	s9 =	sld [smem:$0x3FB7]  }
0x2f: {  	lr =	sadd.s32 s0, s3;
	s0 =	sld [smem:$0x3FAE]  }
0x30: {  	s3 =	sld [smem:$0x3FB1]  }
0x31: {  	[smem:$0x3FBA] =	sst s10  }
0x32: {  	s10 =	sld [smem:$0x3FB8];
	_ =	sdelay $0x3  }
0x33: {  	p0 =	seq.s32 s10, $0x1;
	s10 =	sld [smem:$0x3FBA];
	_ =	sdelay $0x3  }
0x34: {  	[smem:$0x3FBA] =	sst s10  }
0x35: {  	s10 =	sld [smem:$0x3FB9];
	_ =	sdelay $0x3  }
0x36: {  	p1 =	seq.s32 s10, $0x1;
	s10 =	sld [smem:$0x3FBA];
	_ =	sdelay $0x3  }
0x37: {  	[smem:$0x3FBA] =	sst s10  }
0x38: {  	s10 =	sld [smem:$0x3FBB]  }
0x39: {  	_ = 	snop;
	(pc) =	sbr.ind lr, $3  }
0x3a: {  	_ = 	snop  }
0x3b: {  	_ = 	snop  }
0x3c: {  	p2 =	seq.s32 s10, $0x1;
	s10 =	sld [smem:$0x3FBA]  }
0x3d: {  	_ =	shalt  }
0x3e: {  	_ =	shalt  }
0x3f: {  	_ =	shalt  }
0x40: {  	_ =	shalt  }
0x41: {  	_ =	shalt  }
0x42: {  	_ =	shalt  }
0x43: {  	_ =	shalt  }
0x44: {  	_ =	shalt  }
0x45: {  	_ =	shalt  }
0x46: {  	_ =	shalt  }
0x47: {  	_ =	shalt  }
0x48: {  	_ =	shalt  }
0x49: {  	_ =	shalt  }
0x4a: {  	_ =	shalt  }
0x4b: {  	_ =	shalt  }
0x4c: {  	_ =	shalt  }
0x4d: {  	_ =	shalt  }
0x4e: {  	_ =	shalt  }
0x4f: {  	_ =	shalt  }
0x50: {  	_ =	shalt  }
0x51: {  	_ =	shalt  }
0x52: {  	_ =	shalt  }
0x53: {  	_ =	shalt  }
0x54: {  	_ =	shalt  }
0x55: {  	_ =	shalt  }
0x56: {  	_ =	shalt  }
0x57: {  	_ =	shalt  }
0x58: {  	_ =	shalt  }
0x59: {  	_ =	shalt  }
0x5a: {  	_ =	shalt  }
0x5b: {  	_ =	shalt  }
0x5c: {  	_ =	shalt  }
0x5d: {  	_ =	shalt  }
0x5e: {  	_ =	shalt  }
0x5f: {  	_ =	shalt  }
0x60: {  	_ =	shalt  }
0x61: {  	_ =	shalt  }
0x62: {  	_ =	shalt  }
0x63: {  	_ =	shalt  }
0x64: {  	_ =	shalt  }
0x65: {  	_ =	shalt  }
0x66: {  	_ =	shalt  }
0x67: {  	_ =	shalt  }
0x68: {  	_ =	shalt  }
0x69: {  	_ =	shalt  }
0x6a: {  	_ =	shalt  }
0x6b: {  	_ =	shalt  }
0x6c: {  	_ =	shalt  }
0x6d: {  	_ =	shalt  }
0x6e: {  	_ =	shalt  }
0x6f: {  	_ =	shalt  }
0x70: {  	_ =	shalt  }
0x71: {  	_ =	shalt  }
0x72: {  	_ =	shalt  }
0x73: {  	_ =	shalt  }
0x74: {  	_ =	shalt  }
0x75: {  	_ =	shalt  }
0x76: {  	_ =	shalt  }
0x77: {  	_ =	shalt  }
0x78: {  	_ =	shalt  }
0x79: {  	_ =	shalt  }
0x7a: {  	_ =	shalt  }
0x7b: {  	_ =	shalt  }
0x7c: {  	_ =	shalt  }
0x7d: {  	_ =	shalt  }
0x7e: {  	_ =	shalt  }
0x7f: {  	_ =	shalt  }
0x80: {  	_ =	shalt  }
0x81: {  	_ =	shalt  }
0x82: {  	_ =	shalt  }
0x83: {  	_ =	shalt  }
0x84: {  	_ =	shalt  }
0x85: {  	_ =	shalt  }
0x86: {  	_ =	shalt  }
0x87: {  	_ =	shalt  }
.Lfunc_end0:
.L_simem_size_0:
called_computation_lowered:
.L_overlay_start_0:
0x88: {  	s2 =	sld [smem:$0x3FD9]  }
0x89: {  	s3 =	sld [smem:$0x3FFE];
	_ =	sdelay $0x1  }
0x8a: {  	s1 =	srdreg.scid  }
0x8b: {  	s0 =	sand.u32 $0x1, s1  }
0x8c: {  	s18 =	sshll.u32 s0, $0xA;
	s2 =	sadd.s32 s3, s2  }
0x8d: {  	s2 =	sadd.s32 s2, s18  }
0x8e: {  	[smem:$0x3FC6] =	sst s2  }
0x8f: {  	_ = 	snop  }
0x90: {  	s2 =	sld [smem:$0x3FC9]  }
0x91: {  	s19 =	sld [smem:$0x3FC8]  }
0x92: {  	s4 =	sld [smem:$0x3FD0];
	(tm) =	ssettm $0x1  }
0x93: {  	s5 =	sld [smem:$0x3FFB];
	_ =	sdelay $0x3  }
0x94: {  	_ =	strace s5  }
0x95: {  	s5 =	sld [smem:$0x3FFC];
	_ =	sdelay $0x3  }
0x96: {  	_ =	strace s5  }
0x97: {  	s5 =	sld [smem:$0x3FFD];
	_ =	sdelay $0x3  }
0x98: {  	_ =	strace s5  }
0x99: {  	_ =	strace $0x8FFFFFFF  }
0x9a: {  	s20 =	sld [smem:$0x3FDB];
	_ =	sdelay $0x1  }
0x9b: {  	s6 =	simm.s32 $_scs_section_size  }
0x9c: {  	s7 =	simm.s32 $_size__tile_overlayer_lowered;
	s8 =	simm.s32 $_tile_overlayer_lowered  }
0x9d: {  	s23 =	simm.s32 $0x1BFF;
	s22 =	sshll.u32 s8, $0x1;
	s5 =	sadd.s32 s6, s20  }
0x9e: {  	s9 =	simm.s32 $0x0;
	s21 =	sshll.u32 s7, $0x1;
	s7 =	sadd.s32 s22, s5  }
0x9f: {  	[timem:s9], [sflag:s23] =	dma.local [hbm:s7], s21  }
0xa0: {  	_ =	swait.ge [sflag:s23], s21  }
0xa1: {  	s6 =	ssub.s32 $0x0, s21;
	[sflag:s23] =	ssyncset.done $0x0  }
0xa2: {  	[sflag:s23] =	ssyncadd.s32 s6;
	_ =	sdelay $0x1  }
0xa3: {  	s24 =	simm.s32 $0x1B8B  }
0xa4: {  	_ =	swait.ge [sflag:s24], $0x1  }
0xa5: {  	[sflag:s24] =	ssyncset.done $0x0  }
0xa6: {  	s25 =	simm.s32 $0x1B8E;
	[sflag:s24] =	ssyncadd.s32 $0xFFFFFFFF  }
0xa7: {  	s26 =	simm.s32 $execute0_lowered;
	[smem:$0x3FD2] =	sst s25  }
0xa8: {  	s6 =	sshll.u32 s26, $0x1;
	_ =	strace $0x80000046;
	[dreg:$0x1] =	wrdreg $0xFFFFFFFF  }
0xa9: {  	s28 =	simm.s32 $_size_execute0_lowered;
	s5 =	sadd.s32 s5, s6;
	[dreg:$0x0] =	wrdreg $0x0  }
0xaa: {  	s6 =	sshll.u32 s28, $0x1;
	[dreg:$0x2] =	wrdreg s5  }
0xab: {  	[dreg:$0x3] =	wrdreg s6  }
0xac: {  	[dreg:$0x4] =	wrdreg $0xC0  }
0xad: {  	_ =	task [dreg:s9], $0x5FFFF  }
0xae: {  	[dreg:$0x1] =	wrdreg $0xFFFFFFFF  }
0xaf: {  	[dreg:$0x0] =	wrdreg $0x60  }
0xb0: {  	[dreg:$0x2] =	wrdreg s2  }
0xb1: {  	[dreg:$0x3] =	wrdreg s19  }
0xb2: {  	[dreg:$0x4] =	wrdreg s4  }
0xb3: {  	[dreg:$0x5] =	wrdreg $0x51800  }
0xb4: {  	[dreg:$0x6] =	wrdreg $0x9  }
0xb5: {  	_ =	task.clear_ibuf [dreg:s9], $0x7FFFF;
	_ =	strace $0x90000046  }
0xb6: {  	s29 =	simm.s32 $0x9;
	_ =	strace $0x80000048  }
0xb7: {  	_ =	swait.ge [sflag:s29], $0x1  }
0xb8: {  	[sflag:s29] =	ssyncadd.s32 $0xFFFFFFFF  }
0xb9: {  	_ =	strace $0x90000048  }
0xba: {  	_ =	sfence  }
0xbb: {  	s30 =	sld [smem:$0x0];
	_ =	sdelay $0x2  }
0xbc: {  	s31 =	sshll.u32 s1, $0xD;
	s1 =	sshrl.u32 s1, $0x2  }
0xbd: {  	s3 =	sand.u32 $0x4000, s31;
	s1 =	sadd.s32 s1, s30  }
0xbe: {  	s0 =	sor.u32 s3, s0;
	s1 =	sshll.u32 s1, $0x11  }
0xbf: {  	s0 =	sor.u32 s1, s0  }
0xc0: {  	s0 =	sadd.s32 $0x8F2B, s0  }
0xc1: {  	[sflag:s0] =	ssyncadd.remote.s32 $0x1  }
0xc2: {  	_ =	sfence.sel $0xFFFF  }
0xc3: {  	[dreg:$0x0] =	wrdreg $0xFFFFFFFF;
	(pc) =	sbr.abs _section_cstart, $3  }
0xc4: {  	[dreg:$0x1] =	wrdreg $0xFFFFFFFF  }
0xc5: {  	_ =	task.clear_ibuf [dreg:s9], $0x2FFFF;
	_ =	strace $0x9FFFFFFF  }
0xc6: {  	(tm) =	ssettm $0x7FFFFFFF  }
0xc7: {  	_ =	shalt  }
tec
execute0_lowered:
.L_overlay_start_1:
0x0: {  	(tag) =	ssettag $0x1  }
0x1: {  	s9 =	rddreg [dreg:$0x0]  }
0x2: {  	s4 =	rddreg [dreg:$0x1]  }
0x3: {  	s11 =	rddreg [dreg:$0x2]  }
0x4: {  	s2 =	rddreg [dreg:$0x3];
	s3 =	srdreg.scid  }
0x5: {  	s0 =	rddreg [dreg:$0x4];
	s1 =	stileid.u32;
	s15 =	simm.s32 $0x1  }
0x6: {  	s16 =	simm.s32 $0x2000;
	s17 =	simm.s32 $0x2800;
	s18 =	simm.s32 $0x3100  }
0x7: {  	s19 =	simm.s32 $0x0;
	s5 =	sand.u32 $0x1, s3;
	s3 =	simm.s32 $0x0  }
0x8: {  	s6 =	sshll.u32 s1, $0xA;
	s8 =	sshll.u32 s1, $0x7;
	s14 =	sshll.u32 s1, $0xD  }
0x9: {  	s10 =	sshll.u32 s5, $0x11;
	[smem:$0x7FF] =	sst s3;
	s5 =	ssub.s32 $0x2, s5  }
0xa: {  	s6 =	sor.u32 s6, s10;
	_ =	strace $0x80000047;
	s7 =	sshrl.u32 s5, $0x1  }
0xb: {  	s14 =	sor.u32 s14, s10;
	s10 =	sadd.s32 $0x800, s2;
	s12 =	sshrl.u32 s6, $0x3  }
0xc: {  	s13 =	ssub.s32 s5, s7;
	s5 =	sadd.s32 s8, s2;
	s6 =	sor.u32 $0x2000, s8  }
0xd: {  	s8 =	sor.u32 $0x2800, s8;
	s31 =	sshrl.u32 s14, $0x3;
	s14 =	simm.s32 $0x4000  }
0xe: {  	v0 =	vimm.s32 $0x0;
	s4 =	sadd.s32 s4, s12;
	s7 =	sadd.s32 $0x800, s5;
	s9 =	sadd.s32 s9, s12  }
0xf: {  	v1 =	vimm.s32 $0xFFFFFFFF;
	s11 =	sadd.s32 s11, s31;
	s12 =	smax.u32 s13, $0x1;
	s13 =	simm.s32 $0x400;
	v2 =	vmov s6;
	v3 =	vmov s8  }
.LBB2_1:
0x10: {  	[tilespmem:s3], [sflag:$0x1] =	stream.strided.gather [hbm4b:s4+s13], $0x2000, s14, s13, $0x38;
	[tilespmem:$0x5280] =	vst v63  }
0x11: {  	_ =	swait.ge [sflag:s15], $0x2000  }
0x12: {  	[sflag:s15] =	ssyncset.done $0x0  }
0x13: {  	s20 =	simm.s32 $0x0;
	[sflag:s15] =	ssyncadd.s32 $0xFFFFE000  }
0x14: {  	v4 =	vld [tilespmem:s20+$0x380]  }
0x15: {  	v5 =	vld [tilespmem:s20+$0xC80]  }
0x16: {  	v6 =	vld [tilespmem:s20+$0x300]  }
0x17: {  	v7 =	vld [tilespmem:s20+$0x1400]  }
0x18: {  	v9 =	vld [tilespmem:s20+$0x1380]  }
0x19: {  	v8 =	vld [tilespmem:s20+$0x1300]  }
0x1a: {  	v10 =	vld [tilespmem:s20+$0x200]  }
0x1b: {  	v11 =	vld [tilespmem:s20+$0x1280]  }
0x1c: {  	v13 =	vld [tilespmem:s20+$0x180]  }
0x1d: {  	v14 =	vld [tilespmem:s20+$0x1180]  }
0x1e: {  	v16 =	vld [tilespmem:s20+$0x1080]  }
0x1f: {  	v12 =	vld [tilespmem:s20+$0x1200]  }
0x20: {  	v15 =	vld [tilespmem:s20+$0x1100]  }
0x21: {  	v17 =	vld [tilespmem:s20+$0x280];
	vm1 =	vgt.f32 v11, $0.0e+00  }
0x22: {  	vm0 =	vgt.f32 v5, $0.0e+00;
	v11 =	vld [tilespmem:s20+$0x100];
	vm2 =	vgt.f32 v13, $0.0e+00;
	vm3 =	vgt.f32 v10, $0.0e+00  }
0x23: {  	v13 =	vld [tilespmem:s20+$0x1000];
	vm4 =	vgt.f32 v14, $0.0e+00;
	vm5 =	vgt.f32 v16, $0.0e+00;
	vm10 =	vgt.f32 v7, $0.0e+00  }
0x24: {  	v5 =	vld [tilespmem:s20+$0x0];
	vm12 =	vgt.f32 v6, $0.0e+00;
	v18 =	vsel vm1, $0x20, v0;
	vm1 =	vgt.f32 v12, $0.0e+00  }
0x25: {  	v14 =	vld [tilespmem:s20+$0x80];
	v19 =	vsel vm3, $0x10, v0;
	vm3 =	vgt.f32 v8, $0.0e+00;
	v16 =	vsel vm4, $0x8, v0  }
0x26: {  	v7 =	vld [tilespmem:s20+$0x880];
	v8 =	vsel vm10, $0x100, v0;
	v12 =	vsel vm1, $0x10, v0;
	vm1 =	vgt.f32 v15, $0.0e+00  }
0x27: {  	v20 =	vsel vm3, $0x40, v0;
	vm3 =	vgt.f32 v17, $0.0e+00;
	v15 =	vld [tilespmem:s20+$0x400];
	v17 =	vsel vm2, $0x8, v0  }
0x28: {  	vm2 =	vgt.f32 v4, $0.0e+00;
	v4 =	vld [tilespmem:s20+$0x480];
	v25 =	vsel vm3, $0x20, v0;
	vm3 =	vgt.f32 v9, $0.0e+00  }
0x29: {  	v21 =	vsel vm5, $0x2, v0;
	v9 =	vld [tilespmem:s20+$0x500];
	v10 =	vsel vm3, $0x80, v0;
	vm11 =	vgt.f32 v5, $0.0e+00  }
0x2a: {  	v22 =	vld [tilespmem:s20+$0x1480];
	v5 =	vsel vm2, $0x80, v0;
	vm2 =	vgt.f32 v13, $0.0e+00;
	vm3 =	vgt.f32 v14, $0.0e+00  }
0x2b: {  	v23 =	vld [tilespmem:s20+$0x1500];
	v27 =	vsel vm12, $0x40, v0;
	v14 =	vsel vm2, $0x1, v0;
	v13 =	vsel vm3, $0x2, v0  }
0x2c: {  	v26 =	vld [tilespmem:s20+$0x1600];
	vm2 =	vgt.f32 v11, $0.0e+00;
	vm3 =	vgt.f32 v7, $0.0e+00;
	v7 =	vsel vm11, $0x1, v0  }
0x2d: {  	v11 =	vld [tilespmem:s20+$0x1580];
	vm13 =	vgt.f32 v15, $0.0e+00;
	v24 =	vsel vm2, $0x4, v0;
	vm2 =	vgt.f32 v4, $0.0e+00  }
0x2e: {  	v15 =	vld [tilespmem:s20+$0x580];
	v4 =	vsel vm3, $0x20000, v0;
	v6 =	vsel vm13, $0x100, v0;
	vm14 =	vgt.f32 v9, $0.0e+00  }
0x2f: {  	v29 =	vld [tilespmem:s20+$0x600];
	v9 =	vor.u32 v7, v13;
	v7 =	vsel vm2, $0x200, v0;
	vm2 =	vgt.f32 v22, $0.0e+00  }
0x30: {  	v9 =	vor.u32 v24, v9;
	v13 =	vsel vm2, $0x200, v0;
	vm2 =	vgt.f32 v23, $0.0e+00;
	v23 =	vld [tilespmem:s20+$0x1680]  }
0x31: {  	v22 =	vld [tilespmem:s20+$0x1700];
	v28 =	vor.u32 v17, v9;
	v17 =	vor.u32 v14, v21;
	v14 =	vsel vm2, $0x400, v0  }
0x32: {  	v30 =	vld [tilespmem:s20+$0x1780];
	vm3 =	vgt.f32 v11, $0.0e+00;
	v11 =	vsel vm1, $0x4, v0;
	vm1 =	vgt.f32 v26, $0.0e+00  }
0x33: {  	v19 =	vor.u32 v19, v28;
	vm15 =	vgt.f32 v15, $0.0e+00;
	v11 =	vor.u32 v11, v17  }
0x34: {  	v21 =	vld [tilespmem:s20+$0x680];
	v15 =	vsel vm3, $0x800, v0;
	v17 =	vsel vm1, $0x1000, v0;
	vm1 =	vgt.f32 v29, $0.0e+00  }
0x35: {  	v9 =	vsel vm15, $0x800, v0;
	v16 =	vor.u32 v16, v11;
	vm3 =	vgt.f32 v23, $0.0e+00;
	v23 =	vld [tilespmem:s20+$0x700]  }
0x36: {  	v24 =	vld [tilespmem:s20+$0x780];
	vm2 =	vgt.f32 v22, $0.0e+00;
	v11 =	vsel vm14, $0x400, v0;
	v12 =	vor.u32 v12, v16  }
0x37: {  	v16 =	vsel vm2, $0x4000, v0;
	vm2 =	vgt.f32 v30, $0.0e+00;
	v12 =	vor.u32 v18, v12  }
0x38: {  	v22 =	vld [tilespmem:s20+$0x1800];
	v18 =	vsel vm3, $0x2000, v0;
	v26 =	vor.u32 v20, v12;
	v12 =	vor.u32 v25, v19  }
0x39: {  	s21 =	simm.s32 $0x40;
	v25 =	vld [tilespmem:s20+$0x800];
	v19 =	vsel vm2, $0x8000, v0;
	v20 =	vor.u32 v27, v12;
	v12 =	vsel vm1, $0x1000, v0  }
.LBB2_2:
0x3a: {  	p0 =	sne.s32 s21, $0x1C0;
	vm1 =	vgt.f32 v21, $0.0e+00;
	vm2 =	vgt.f32 v23, $0.0e+00;
	v10 =	vor.u32 v10, v26;
	s22 =	smov.u32 s21;
	s21 =	sadd.s32 $0x40, s21  }
0x3b: {  	v21 =	vsel vm2, $0x4000, v0;
	vm2 =	vgt.f32 v24, $0.0e+00;
	v8 =	vor.u32 v8, v10;
	v10 =	vld [tilespmem:s20+$0x1880]  }
0x3c: {  	v23 =	vsel vm1, $0x2000, v0;
	v24 =	vsel vm2, $0x8000, v0;
	v26 =	vld [tilespmem:s20+$0x900];
	v8 =	vor.u32 v13, v8  }
0x3d: {  	vm1 =	vgt.f32 v22, $0.0e+00;
	v13 =	vld [tilespmem:s20+$0x980];
	v8 =	vor.u32 v14, v8  }
0x3e: {  	v14 =	vsel vm1, $0x10000, v0;
	v8 =	vor.u32 v15, v8;
	v15 =	vld [tilespmem:s20+$0x1900]  }
0x3f: {  	vm1 =	vgt.f32 v25, $0.0e+00;
	v8 =	vor.u32 v17, v8;
	v17 =	vld [tilespmem:s20+$0x1980]  }
0x40: {  	v22 =	vsel vm1, $0x10000, v0;
	v25 =	vld [tilespmem:s20+$0xA00];
	v8 =	vor.u32 v18, v8  }
0x41: {  	vm1 =	vgt.f32 v10, $0.0e+00;
	v8 =	vor.u32 v16, v8;
	v10 =	vld [tilespmem:s20+$0x1A00]  }
0x42: {  	v5 =	vor.u32 v5, v20;
	vm2 =	vgt.f32 v13, $0.0e+00;
	v13 =	vld [tilespmem:s20+$0xA80];
	v8 =	vor.u32 v19, v8  }
0x43: {  	v5 =	vor.u32 v6, v5;
	vm3 =	vgt.f32 v26, $0.0e+00;
	v16 =	vsel vm1, $0x20000, v0;
	v6 =	vld [tilespmem:s20+$0xB00]  }
0x44: {  	v5 =	vor.u32 v7, v5;
	v7 =	vsel vm3, $0x40000, v0;
	vm1 =	vgt.f32 v15, $0.0e+00  }
0x45: {  	v5 =	vor.u32 v11, v5;
	v11 =	vsel vm1, $0x40000, v0;
	vm1 =	vgt.f32 v17, $0.0e+00;
	v15 =	vld [tilespmem:s20+$0x1B00]  }
0x46: {  	v5 =	vor.u32 v9, v5;
	v9 =	vsel vm2, $0x80000, v0;
	v18 =	vsel vm1, $0x80000, v0;
	v17 =	vld [tilespmem:s20+$0xB80]  }
0x47: {  	v5 =	vor.u32 v12, v5;
	vm1 =	vgt.f32 v13, $0.0e+00;
	v12 =	vld [tilespmem:s20+$0xC00]  }
0x48: {  	v5 =	vor.u32 v23, v5;
	v13 =	vsel vm1, $0x200000, v0;
	vm1 =	vgt.f32 v10, $0.0e+00;
	v10 =	vld [tilespmem:s20+$0x1B80]  }
0x49: {  	v5 =	vor.u32 v21, v5;
	vm2 =	vgt.f32 v6, $0.0e+00;
	v6 =	vsel vm1, $0x100000, v0  }
0x4a: {  	v20 =	vsel vm0, $0x2000000, v0;
	v5 =	vor.u32 v24, v5;
	v19 =	vsel vm2, $0x400000, v0;
	v21 =	vld [tilespmem:s20+$0x1A80]  }
0x4b: {  	v8 =	vor.u32 v14, v8;
	vm0 =	vgt.f32 v25, $0.0e+00;
	vm1 =	vgt.f32 v17, $0.0e+00  }
0x4c: {  	v5 =	vor.u32 v22, v5;
	v8 =	vor.u32 v16, v8;
	vm2 =	vgt.f32 v15, $0.0e+00  }
0x4d: {  	v8 =	vor.u32 v11, v8;
	v14 =	vsel vm1, $0x800000, v0;
	vm1 =	vgt.f32 v10, $0.0e+00;
	v10 =	vld [tilespmem:s20+$0x1C00]  }
0x4e: {  	v8 =	vor.u32 v18, v8;
	v11 =	vsel vm2, $0x400000, v0;
	vm3 =	vgt.f32 v12, $0.0e+00;
	v12 =	vld [tilespmem:s20+$0x1C80]  }
0x4f: {  	v15 =	vsel vm3, $0x1000000, v0;
	v16 =	vsel vm1, $0x800000, v0;
	vm2 =	vgt.f32 v21, $0.0e+00;
	v17 =	vld [tilespmem:s20+$0x1E00]  }
0x50: {  	v4 =	vor.u32 v4, v5;
	v5 =	vor.u32 v6, v8;
	v6 =	vsel vm2, $0x200000, v0;
	v8 =	vld [tilespmem:s20+$0x1D00]  }
0x51: {  	v4 =	vor.u32 v7, v4;
	v7 =	vsel vm0, $0x100000, v0;
	v5 =	vor.u32 v6, v5;
	v6 =	vld [tilespmem:s20+$0x1D80]  }
0x52: {  	v4 =	vor.u32 v9, v4;
	v9 =	vld [tilespmem:s20+$0xD00];
	v5 =	vor.u32 v11, v5;
	vm0 =	vgt.f32 v10, $0.0e+00  }
0x53: {  	v4 =	vor.u32 v7, v4;
	v7 =	vld [tilespmem:s20+$0xD80];
	v5 =	vor.u32 v16, v5;
	v10 =	vsel vm0, $0x1000000, v0  }
0x54: {  	v4 =	vor.u32 v13, v4;
	v5 =	vor.u32 v10, v5;
	vm0 =	vgt.f32 v17, $0.0e+00;
	v10 =	vld [tilespmem:s20+$0x1E80]  }
0x55: {  	v4 =	vor.u32 v19, v4;
	vm1 =	vgt.f32 v12, $0.0e+00;
	v11 =	vld [tilespmem:s20+$0xE00];
	vm2 =	vgt.f32 v8, $0.0e+00  }
0x56: {  	v4 =	vor.u32 v14, v4;
	v12 =	vsel vm1, $0x2000000, v0;
	v8 =	vld [tilespmem:s20+$0xE80];
	v13 =	vsel vm2, $0x4000000, v0  }
0x57: {  	v4 =	vor.u32 v15, v4;
	v5 =	vor.u32 v12, v5;
	vm1 =	vgt.f32 v6, $0.0e+00;
	v14 =	vld [tilespmem:s20+$0xF00]  }
0x58: {  	v4 =	vor.u32 v20, v4;
	vm2 =	vgt.f32 v9, $0.0e+00;
	v5 =	vor.u32 v13, v5;
	v6 =	vld [tilespmem:s20+$0x1F00]  }
0x59: {  	v9 =	vsel vm2, $0x4000000, v0;
	vm2 =	vgt.f32 v7, $0.0e+00;
	vm3 =	vgt.f32 v10, $0.0e+00  }
0x5a: {  	v4 =	vor.u32 v9, v4;
	v7 =	vsel vm2, $0x8000000, v0;
	v9 =	vld [tilespmem:s20+$0xF80];
	v10 =	vsel vm3, $0x20000000, v0  }
0x5b: {  	v12 =	vsel vm0, $0x10000000, v0;
	v4 =	vor.u32 v7, v4;
	v7 =	vsel vm1, $0x8000000, v0;
	v13 =	vld [tilespmem:s20+$0x1F80]  }
0x5c: {  	vm0 =	vgt.f32 v11, $0.0e+00;
	v5 =	vor.u32 v7, v5;
	vm1 =	vgt.f32 v14, $0.0e+00  }
0x5d: {  	v7 =	vsel vm0, $0x10000000, v0;
	vm0 =	vgt.f32 v8, $0.0e+00;
	v5 =	vor.u32 v12, v5  }
0x5e: {  	v8 =	vsel vm0, $0x20000000, v0;
	v5 =	vor.u32 v10, v5;
	vm0 =	vgt.f32 v6, $0.0e+00  }
0x5f: {  	v4 =	vor.u32 v7, v4;
	v6 =	vsel vm1, $0x40000000, v0;
	v7 =	vsel vm0, $0x40000000, v0  }
0x60: {  	v4 =	vor.u32 v8, v4;
	v5 =	vor.u32 v7, v5;
	vm0 =	vgt.f32 v13, $0.0e+00  }
0x61: {  	v4 =	vor.u32 v6, v4;
	vm1 =	vgt.f32 v9, $0.0e+00;
	v6 =	vsel vm0, $0x80000000, v0  }
0x62: {  	v7 =	vsel vm1, $0x80000000, v0;
	v5 =	vor.u32 v6, v5  }
0x63: {  	v4 =	vor.u32 v7, v4  }
0x64: {  	[tilespmem:v2+s20+$0x0 ss:$0x1] =	vst.idx.msk $0xffff, v4  }
0x65: {  	[tilespmem:v3+s20+$0x0 ss:$0x1] =	vst.idx.msk $0xffff, v5;
	s20 =	sshra.s32 s22, $0x2  }
0x66: {  	v4 =	vld [tilespmem:s20+$0x380]  }
0x67: {  	v5 =	vld [tilespmem:s20+$0xC80]  }
0x68: {  	v6 =	vld [tilespmem:s20+$0x300]  }
0x69: {  	v7 =	vld [tilespmem:s20+$0x1400]  }
0x6a: {  	v9 =	vld [tilespmem:s20+$0x1380]  }
0x6b: {  	v8 =	vld [tilespmem:s20+$0x280]  }
0x6c: {  	vm0 =	vgt.f32 v5, $0.0e+00;
	v5 =	vld [tilespmem:s20+$0x1300]  }
0x6d: {  	v10 =	vld [tilespmem:s20+$0x200]  }
0x6e: {  	v11 =	vld [tilespmem:s20+$0x1280]  }
0x6f: {  	v12 =	vld [tilespmem:s20+$0x1200]  }
0x70: {  	v13 =	vld [tilespmem:s20+$0x180]  }
0x71: {  	v14 =	vld [tilespmem:s20+$0x1180]  }
0x72: {  	v15 =	vld [tilespmem:s20+$0x1100]  }
0x73: {  	v16 =	vld [tilespmem:s20+$0x1080];
	vm1 =	vgt.f32 v11, $0.0e+00  }
0x74: {  	v11 =	vld [tilespmem:s20+$0x100];
	v17 =	vsel vm1, $0x20, v0  }
0x75: {  	vm1 =	vgt.f32 v12, $0.0e+00;
	vm2 =	vgt.f32 v13, $0.0e+00;
	v13 =	vld [tilespmem:s20+$0x1000]  }
0x76: {  	vm3 =	vgt.f32 v10, $0.0e+00;
	v18 =	vsel vm1, $0x10, v0;
	v12 =	vld [tilespmem:s20+$0x0];
	vm4 =	vgt.f32 v14, $0.0e+00  }
0x77: {  	v19 =	vsel vm3, $0x10, v0;
	vm3 =	vgt.f32 v5, $0.0e+00;
	v14 =	vld [tilespmem:s20+$0x880];
	vm1 =	vgt.f32 v15, $0.0e+00  }
0x78: {  	v20 =	vsel vm3, $0x40, v0;
	v15 =	vld [tilespmem:s20+$0x80];
	vm5 =	vgt.f32 v16, $0.0e+00  }
0x79: {  	vm3 =	vgt.f32 v8, $0.0e+00;
	v22 =	vsel vm4, $0x8, v0;
	vm4 =	vgt.f32 v7, $0.0e+00;
	v16 =	vld [tilespmem:s20+$0x400]  }
0x7a: {  	v25 =	vsel vm3, $0x20, v0;
	v21 =	vsel vm2, $0x8, v0;
	v8 =	vsel vm4, $0x100, v0;
	v23 =	vld [tilespmem:s20+$0x1480]  }
0x7b: {  	vm3 =	vgt.f32 v9, $0.0e+00;
	vm2 =	vgt.f32 v4, $0.0e+00;
	v24 =	vsel vm5, $0x2, v0;
	v4 =	vld [tilespmem:s20+$0x480]  }
0x7c: {  	v10 =	vsel vm3, $0x80, v0;
	vm5 =	vgt.f32 v6, $0.0e+00;
	vm4 =	vgt.f32 v12, $0.0e+00;
	v7 =	vld [tilespmem:s20+$0x500]  }
0x7d: {  	v5 =	vsel vm2, $0x80, v0;
	vm2 =	vgt.f32 v13, $0.0e+00;
	v12 =	vsel vm5, $0x40, v0;
	v9 =	vld [tilespmem:s20+$0x1500]  }
0x7e: {  	vm3 =	vgt.f32 v15, $0.0e+00;
	vm5 =	vgt.f32 v16, $0.0e+00;
	v15 =	vld [tilespmem:s20+$0x580];
	v16 =	vsel vm2, $0x1, v0  }
0x7f: {  	v13 =	vsel vm3, $0x2, v0;
	vm2 =	vgt.f32 v11, $0.0e+00;
	v6 =	vsel vm5, $0x100, v0;
	v11 =	vld [tilespmem:s20+$0x1580]  }
0x80: {  	v26 =	vsel vm2, $0x4, v0;
	vm5 =	vgt.f32 v14, $0.0e+00;
	vm3 =	vgt.f32 v4, $0.0e+00  }
0x81: {  	v14 =	vsel vm4, $0x1, v0;
	v4 =	vsel vm5, $0x20000, v0;
	vm2 =	vgt.f32 v7, $0.0e+00;
	v27 =	vld [tilespmem:s20+$0x1600]  }
0x82: {  	v13 =	vor.u32 v14, v13;
	v7 =	vsel vm3, $0x200, v0;
	vm3 =	vgt.f32 v23, $0.0e+00;
	v28 =	vld [tilespmem:s20+$0x1700]  }
0x83: {  	v14 =	vor.u32 v26, v13;
	v13 =	vsel vm3, $0x200, v0;
	vm3 =	vgt.f32 v9, $0.0e+00;
	v26 =	vld [tilespmem:s20+$0x1680]  }
0x84: {  	v16 =	vor.u32 v16, v24;
	v29 =	vor.u32 v21, v14;
	v30 =	vld [tilespmem:s20+$0x600];
	vm4 =	vgt.f32 v11, $0.0e+00  }
0x85: {  	vm5 =	vgt.f32 v15, $0.0e+00;
	v14 =	vsel vm3, $0x400, v0;
	v11 =	vsel vm1, $0x4, v0;
	v21 =	vld [tilespmem:s20+$0x680]  }
0x86: {  	v9 =	vsel vm5, $0x800, v0;
	v11 =	vor.u32 v11, v16;
	v15 =	vsel vm4, $0x800, v0;
	v31 =	vld [tilespmem:s20+$0x1780]  }
0x87: {  	v16 =	vor.u32 v22, v11;
	vm1 =	vgt.f32 v27, $0.0e+00;
	v23 =	vld [tilespmem:s20+$0x700];
	vm3 =	vgt.f32 v28, $0.0e+00  }
.Ltmp0:
0x88: {  	v11 =	vsel vm2, $0x400, v0;
	v16 =	vor.u32 v18, v16;
	v24 =	vld [tilespmem:s20+$0x780];
	vm2 =	vgt.f32 v26, $0.0e+00;
	(pc) =	sbr.rel @p0 .LBB2_2-.Ltmp0, $4  }
0x89: {  	v18 =	vor.u32 v17, v16;
	v17 =	vsel vm1, $0x1000, v0;
	v16 =	vsel vm3, $0x4000, v0;
	v22 =	vld [tilespmem:s20+$0x1800]  }
0x8a: {  	v19 =	vor.u32 v19, v29;
	v26 =	vor.u32 v20, v18;
	v18 =	vsel vm2, $0x2000, v0  }
0x8b: {  	v19 =	vor.u32 v25, v19;
	vm1 =	vgt.f32 v30, $0.0e+00;
	vm2 =	vgt.f32 v31, $0.0e+00  }
0x8c: {  	v20 =	vor.u32 v12, v19;
	v12 =	vsel vm1, $0x1000, v0;
	v25 =	vld [tilespmem:s20+$0x800];
	v19 =	vsel vm2, $0x8000, v0  }
0x8d: {  	v10 =	vor.u32 v10, v26;
	vm1 =	vgt.f32 v21, $0.0e+00  }
0x8e: {  	vm2 =	vgt.f32 v23, $0.0e+00;
	v5 =	vor.u32 v5, v20;
	v52 =	vsel vm0, $0x2000000, v0  }
0x8f: {  	v35 =	vld [tilespmem:s20+$0x980];
	v8 =	vor.u32 v8, v10;
	v34 =	vsel vm2, $0x4000, v0;
	vm2 =	vgt.f32 v24, $0.0e+00  }
0x90: {  	v38 =	vld [tilespmem:s20+$0x900];
	v36 =	vsel vm1, $0x2000, v0;
	vm1 =	vgt.f32 v22, $0.0e+00;
	v5 =	vor.u32 v6, v5  }
0x91: {  	v10 =	vld [tilespmem:s20+$0x1880];
	v8 =	vor.u32 v13, v8;
	v37 =	vsel vm2, $0x8000, v0;
	v5 =	vor.u32 v7, v5  }
0x92: {  	v47 =	vld [tilespmem:s20+$0xC00];
	v40 =	vsel vm1, $0x10000, v0;
	v8 =	vor.u32 v14, v8;
	v5 =	vor.u32 v11, v5  }
0x93: {  	v39 =	vld [tilespmem:s20+$0x1900];
	v8 =	vor.u32 v15, v8;
	vm2 =	vgt.f32 v25, $0.0e+00;
	v5 =	vor.u32 v9, v5  }
0x94: {  	v7 =	vld [tilespmem:s20+$0xA00];
	v8 =	vor.u32 v17, v8;
	v25 =	vsel vm2, $0x10000, v0;
	vm2 =	vgt.f32 v35, $0.0e+00  }
0x95: {  	v41 =	vld [tilespmem:s20+$0x1980];
	vm3 =	vgt.f32 v38, $0.0e+00;
	v5 =	vor.u32 v12, v5;
	v8 =	vor.u32 v18, v8  }
0x96: {  	vm1 =	vgt.f32 v10, $0.0e+00;
	v44 =	vsel vm3, $0x40000, v0;
	v9 =	vsel vm2, $0x80000, v0  }
0x97: {  	v10 =	vld [tilespmem:s20+$0xA80];
	v5 =	vor.u32 v36, v5;
	vm3 =	vgt.f32 v47, $0.0e+00;
	v8 =	vor.u32 v16, v8  }
0x98: {  	v42 =	vld [tilespmem:s20+$0x1A00];
	v43 =	vsel vm1, $0x20000, v0;
	vm1 =	vgt.f32 v39, $0.0e+00;
	v5 =	vor.u32 v34, v5  }
0x99: {  	v6 =	vld [tilespmem:s20+$0xB00];
	vm0 =	vgt.f32 v7, $0.0e+00;
	v8 =	vor.u32 v19, v8;
	v11 =	vsel vm1, $0x40000, v0  }
0x9a: {  	v46 =	vld [tilespmem:s20+$0xB80];
	vm1 =	vgt.f32 v41, $0.0e+00;
	v5 =	vor.u32 v37, v5;
	v7 =	vor.u32 v40, v8  }
0x9b: {  	v45 =	vld [tilespmem:s20+$0x1B00];
	v56 =	vsel vm0, $0x100000, v0;
	v5 =	vor.u32 v25, v5;
	v7 =	vor.u32 v43, v7  }
0x9c: {  	v49 =	vld [tilespmem:s20+$0x1B80];
	v4 =	vor.u32 v4, v5;
	vm2 =	vgt.f32 v10, $0.0e+00;
	v10 =	vsel vm1, $0x80000, v0  }
0x9d: {  	v51 =	vld [tilespmem:s20+$0x1A80];
	vm1 =	vgt.f32 v42, $0.0e+00;
	v7 =	vor.u32 v11, v7;
	v4 =	vor.u32 v44, v4  }
0x9e: {  	v53 =	vld [tilespmem:s20+$0x1C80];
	v48 =	vsel vm2, $0x200000, v0;
	vm2 =	vgt.f32 v6, $0.0e+00;
	v6 =	vsel vm1, $0x100000, v0  }
0x9f: {  	v11 =	vld [tilespmem:s20+$0x1C00];
	vm1 =	vgt.f32 v46, $0.0e+00;
	v7 =	vor.u32 v10, v7;
	v4 =	vor.u32 v9, v4  }
0xa0: {  	v50 =	vsel vm2, $0x400000, v0;
	vm2 =	vgt.f32 v45, $0.0e+00;
	v8 =	vsel vm1, $0x800000, v0  }
0xa1: {  	v55 =	vld [tilespmem:s20+$0x1E00];
	vm1 =	vgt.f32 v49, $0.0e+00;
	v5 =	vor.u32 v6, v7;
	v4 =	vor.u32 v56, v4  }
0xa2: {  	v7 =	vld [tilespmem:s20+$0x1D00];
	v10 =	vsel vm2, $0x400000, v0;
	vm2 =	vgt.f32 v51, $0.0e+00;
	v54 =	vsel vm1, $0x800000, v0  }
0xa3: {  	v57 =	vld [tilespmem:s20+$0xD80];
	v4 =	vor.u32 v48, v4;
	vm1 =	vgt.f32 v53, $0.0e+00;
	v6 =	vsel vm2, $0x200000, v0  }
0xa4: {  	v9 =	vld [tilespmem:s20+$0xD00];
	v4 =	vor.u32 v50, v4;
	v5 =	vor.u32 v6, v5;
	vm0 =	vgt.f32 v11, $0.0e+00  }
0xa5: {  	v6 =	vld [tilespmem:s20+$0x1D80];
	v11 =	vsel vm3, $0x1000000, v0;
	v4 =	vor.u32 v8, v4;
	v5 =	vor.u32 v10, v5  }
0xa6: {  	v58 =	vld [tilespmem:s20+$0xE00];
	v10 =	vsel vm0, $0x1000000, v0;
	vm0 =	vgt.f32 v55, $0.0e+00;
	v5 =	vor.u32 v54, v5  }
0xa7: {  	v4 =	vor.u32 v11, v4;
	vm2 =	vgt.f32 v7, $0.0e+00;
	v5 =	vor.u32 v10, v5;
	v10 =	vld [tilespmem:s20+$0x1E80]  }
0xa8: {  	v8 =	vld [tilespmem:s20+$0xE80];
	v7 =	vsel vm1, $0x2000000, v0;
	v4 =	vor.u32 v52, v4;
	v60 =	vsel vm0, $0x10000000, v0  }
0xa9: {  	v59 =	vsel vm2, $0x4000000, v0;
	vm2 =	vgt.f32 v9, $0.0e+00;
	v9 =	vld [tilespmem:s20+$0x1F00];
	v5 =	vor.u32 v7, v5  }
0xaa: {  	v7 =	vld [tilespmem:s20+$0xF00];
	vm1 =	vgt.f32 v6, $0.0e+00;
	v6 =	vsel vm2, $0x4000000, v0;
	vm2 =	vgt.f32 v57, $0.0e+00  }
0xab: {  	v5 =	vor.u32 v59, v5;
	v4 =	vor.u32 v6, v4;
	v6 =	vsel vm2, $0x8000000, v0  }
0xac: {  	v4 =	vor.u32 v6, v4;
	v6 =	vsel vm1, $0x8000000, v0;
	vm3 =	vgt.f32 v10, $0.0e+00;
	v10 =	vld [tilespmem:s20+$0xF80]  }
0xad: {  	v61 =	vld [tilespmem:s20+$0x1F80];
	vm0 =	vgt.f32 v58, $0.0e+00;
	vm2 =	vgt.f32 v8, $0.0e+00;
	v5 =	vor.u32 v6, v5  }
0xae: {  	v6 =	vsel vm0, $0x10000000, v0;
	vm0 =	vgt.f32 v9, $0.0e+00;
	v11 =	vsel vm3, $0x20000000, v0  }
0xaf: {  	vm1 =	vgt.f32 v7, $0.0e+00;
	v5 =	vor.u32 v60, v5;
	v7 =	vsel vm2, $0x20000000, v0  }
0xb0: {  	v4 =	vor.u32 v6, v4;
	v8 =	vsel vm0, $0x40000000, v0;
	v5 =	vor.u32 v11, v5  }
0xb1: {  	v6 =	vsel vm1, $0x40000000, v0;
	v4 =	vor.u32 v7, v4;
	vm0 =	vgt.f32 v10, $0.0e+00  }
0xb2: {  	vm1 =	vgt.f32 v61, $0.0e+00;
	v4 =	vor.u32 v6, v4;
	v6 =	vsel vm0, $0x80000000, v0  }
0xb3: {  	v5 =	vor.u32 v8, v5;
	v7 =	vsel vm1, $0x80000000, v0;
	v4 =	vor.u32 v6, v4  }
0xb4: {  	v5 =	vor.u32 v7, v5;
	[tilespmem:v2+s20+$0x0 ss:$0x1] =	vst.idx.msk $0xffff, v4  }
0xb5: {  	[tilespmem:v3+s20+$0x0 ss:$0x1] =	vst.idx.msk $0xffff, v5  }
0xb6: {  	[spmem:s5] =	stream.linear.scatter [tilespmem:s6], [sflag:$0x1], $0x80, $0x38;
	[tilespmem:$0x5280] =	vst v63  }
0xb7: {  	_ =	swait.ge [sflag:s15], $0x80  }
0xb8: {  	[sflag:s15] =	ssyncset.done $0x0  }
0xb9: {  	[sflag:s15] =	ssyncadd.s32 $0xFFFFFF80  }
0xba: {  	[spmem:s7] =	stream.linear.scatter [tilespmem:s8], [sflag:$0x1], $0x80, $0x38;
	[tilespmem:$0x5280] =	vst v63  }
0xbb: {  	_ =	swait.ge [sflag:s15], $0x80  }
0xbc: {  	[sflag:s15] =	ssyncset.done $0x0  }
0xbd: {  	s31 =	simm.s32 $0x0;
	[sflag:s15] =	ssyncadd.s32 $0xFFFFFF80  }
0xbe: {  	[tilespmem:s31], [sflag:$0x1] =	stream.strided.gather [hbm4b:s9+s13], $0x2000, s14, s13, $0x38;
	[tilespmem:$0x5280] =	vst v63  }
0xbf: {  	_ =	swait.ge [sflag:s15], $0x2000  }
0xc0: {  	[sflag:s15] =	ssyncset.done $0x0  }
0xc1: {  	s20 =	simm.s32 $0x0;
	[sflag:s15] =	ssyncadd.s32 $0xFFFFE000  }
0xc2: {  	v4 =	vld [tilespmem:s20+$0x1000]  }
0xc3: {  	v5 =	vld [tilespmem:s20+$0x1080]  }
0xc4: {  	v6 =	vld [tilespmem:s20+$0x1100]  }
0xc5: {  	v7 =	vld [tilespmem:s20+$0x1180]  }
0xc6: {  	v8 =	vld [tilespmem:s20+$0x1200]  }
0xc7: {  	v9 =	vld [tilespmem:s20+$0x1280]  }
0xc8: {  	v10 =	vld [tilespmem:s20+$0x1300];
	vm0 =	vgt.f32 v4, $0.0e+00;
	vm1 =	vgt.f32 v5, $0.0e+00  }
0xc9: {  	v4 =	vld [tilespmem:s20+$0x1380];
	v5 =	vsel vm0, $0x1, v0;
	v11 =	vsel vm1, $0x2, v0;
	vm0 =	vgt.f32 v6, $0.0e+00  }
0xca: {  	v6 =	vld [tilespmem:s20+$0x1400];
	v5 =	vor.u32 v5, v11;
	v11 =	vsel vm0, $0x4, v0;
	vm0 =	vgt.f32 v7, $0.0e+00  }
0xcb: {  	v7 =	vld [tilespmem:s20+$0x1480];
	v5 =	vor.u32 v11, v5;
	v11 =	vsel vm0, $0x8, v0;
	vm0 =	vgt.f32 v8, $0.0e+00  }
0xcc: {  	v8 =	vld [tilespmem:s20+$0x1500];
	v5 =	vor.u32 v11, v5;
	v11 =	vsel vm0, $0x10, v0;
	vm0 =	vgt.f32 v9, $0.0e+00  }
0xcd: {  	v9 =	vld [tilespmem:s20+$0x1580];
	v5 =	vor.u32 v11, v5;
	v11 =	vsel vm0, $0x20, v0;
	vm0 =	vgt.f32 v10, $0.0e+00  }
0xce: {  	v10 =	vld [tilespmem:s20+$0x1600];
	v5 =	vor.u32 v11, v5;
	v11 =	vsel vm0, $0x40, v0;
	vm0 =	vgt.f32 v4, $0.0e+00  }
0xcf: {  	v4 =	vld [tilespmem:s20+$0x1680];
	v5 =	vor.u32 v11, v5;
	v11 =	vsel vm0, $0x80, v0;
	vm0 =	vgt.f32 v6, $0.0e+00  }
0xd0: {  	v6 =	vld [tilespmem:s20+$0x1700];
	v5 =	vor.u32 v11, v5;
	v11 =	vsel vm0, $0x100, v0;
	vm0 =	vgt.f32 v7, $0.0e+00  }
0xd1: {  	v7 =	vld [tilespmem:s20+$0x1780];
	v5 =	vor.u32 v11, v5;
	v11 =	vsel vm0, $0x200, v0;
	vm0 =	vgt.f32 v8, $0.0e+00  }
0xd2: {  	v8 =	vld [tilespmem:s20+$0x1800];
	v5 =	vor.u32 v11, v5;
	v11 =	vsel vm0, $0x400, v0;
	vm0 =	vgt.f32 v9, $0.0e+00  }
0xd3: {  	v9 =	vld [tilespmem:s20+$0x1880];
	v5 =	vor.u32 v11, v5;
	v11 =	vsel vm0, $0x800, v0;
	vm0 =	vgt.f32 v10, $0.0e+00  }
0xd4: {  	v10 =	vld [tilespmem:s20+$0x1900];
	v5 =	vor.u32 v11, v5;
	v11 =	vsel vm0, $0x1000, v0;
	vm0 =	vgt.f32 v4, $0.0e+00  }
0xd5: {  	v4 =	vld [tilespmem:s20+$0x1980];
	v5 =	vor.u32 v11, v5;
	v11 =	vsel vm0, $0x2000, v0;
	vm0 =	vgt.f32 v6, $0.0e+00  }
0xd6: {  	v6 =	vld [tilespmem:s20+$0x1A00];
	v5 =	vor.u32 v11, v5;
	v11 =	vsel vm0, $0x4000, v0;
	vm0 =	vgt.f32 v7, $0.0e+00  }
0xd7: {  	v7 =	vld [tilespmem:s20+$0x1A80];
	v5 =	vor.u32 v11, v5;
	v11 =	vsel vm0, $0x8000, v0;
	vm0 =	vgt.f32 v8, $0.0e+00  }
0xd8: {  	v8 =	vld [tilespmem:s20+$0x1B00];
	v5 =	vor.u32 v11, v5;
	v11 =	vsel vm0, $0x10000, v0;
	vm0 =	vgt.f32 v9, $0.0e+00  }
0xd9: {  	v9 =	vld [tilespmem:s20+$0x1B80];
	v5 =	vor.u32 v11, v5;
	v11 =	vsel vm0, $0x20000, v0;
	vm0 =	vgt.f32 v10, $0.0e+00  }
0xda: {  	v10 =	vld [tilespmem:s20+$0x1C00];
	v5 =	vor.u32 v11, v5;
	v11 =	vsel vm0, $0x40000, v0;
	vm0 =	vgt.f32 v4, $0.0e+00  }
0xdb: {  	v4 =	vld [tilespmem:s20+$0x1C80];
	v5 =	vor.u32 v11, v5;
	v11 =	vsel vm0, $0x80000, v0;
	vm0 =	vgt.f32 v6, $0.0e+00  }
0xdc: {  	v6 =	vld [tilespmem:s20+$0x1D00];
	v5 =	vor.u32 v11, v5;
	v11 =	vsel vm0, $0x100000, v0;
	vm0 =	vgt.f32 v7, $0.0e+00  }
0xdd: {  	v7 =	vld [tilespmem:s20+$0x1D80];
	v5 =	vor.u32 v11, v5;
	v11 =	vsel vm0, $0x200000, v0;
	vm0 =	vgt.f32 v8, $0.0e+00  }
0xde: {  	v8 =	vld [tilespmem:s20+$0x1E00];
	v5 =	vor.u32 v11, v5;
	v11 =	vsel vm0, $0x400000, v0;
	vm0 =	vgt.f32 v9, $0.0e+00  }
0xdf: {  	v9 =	vld [tilespmem:s20+$0x1E80];
	v5 =	vor.u32 v11, v5;
	v11 =	vsel vm0, $0x800000, v0;
	vm0 =	vgt.f32 v10, $0.0e+00  }
0xe0: {  	v10 =	vld [tilespmem:s20+$0x1F00];
	v5 =	vor.u32 v11, v5;
	v11 =	vsel vm0, $0x1000000, v0;
	vm0 =	vgt.f32 v4, $0.0e+00  }
0xe1: {  	v4 =	vld [tilespmem:s20+$0x1F80];
	v5 =	vor.u32 v11, v5;
	v11 =	vsel vm0, $0x2000000, v0;
	vm0 =	vgt.f32 v6, $0.0e+00  }
0xe2: {  	v6 =	vld [tilespmem:s20+$0x0];
	v5 =	vor.u32 v11, v5;
	v11 =	vsel vm0, $0x4000000, v0;
	vm0 =	vgt.f32 v7, $0.0e+00  }
0xe3: {  	v7 =	vld [tilespmem:s20+$0x80];
	v5 =	vor.u32 v11, v5;
	v11 =	vsel vm0, $0x8000000, v0;
	vm0 =	vgt.f32 v8, $0.0e+00  }
0xe4: {  	v8 =	vld [tilespmem:s20+$0x100];
	v5 =	vor.u32 v11, v5;
	v11 =	vsel vm0, $0x10000000, v0;
	vm0 =	vgt.f32 v9, $0.0e+00  }
0xe5: {  	v9 =	vld [tilespmem:s20+$0x180];
	v5 =	vor.u32 v11, v5;
	v11 =	vsel vm0, $0x20000000, v0;
	vm0 =	vgt.f32 v10, $0.0e+00  }
0xe6: {  	v10 =	vld [tilespmem:s20+$0x200];
	v5 =	vor.u32 v11, v5;
	v11 =	vsel vm0, $0x40000000, v0;
	vm0 =	vgt.f32 v4, $0.0e+00  }
0xe7: {  	v4 =	vld [tilespmem:s20+$0x280];
	v5 =	vor.u32 v11, v5;
	v11 =	vsel vm0, $0x80000000, v0  }
0xe8: {  	v62 =	vld [tilespmem:s20+$0x300];
	vm0 =	vgt.f32 v6, $0.0e+00;
	vm1 =	vgt.f32 v7, $0.0e+00;
	v5 =	vor.u32 v11, v5  }
0xe9: {  	v6 =	vld [tilespmem:s20+$0x380];
	v7 =	vsel vm0, $0x1, v0;
	v11 =	vsel vm1, $0x2, v0;
	vm0 =	vgt.f32 v8, $0.0e+00  }
0xea: {  	v8 =	vld [tilespmem:s20+$0x400];
	[tilespmem:s20+$0x3080] =	vst v5;
	v5 =	vor.u32 v7, v11;
	v7 =	vsel vm0, $0x4, v0;
	vm0 =	vgt.f32 v9, $0.0e+00  }
0xeb: {  	v9 =	vld [tilespmem:s20+$0x480];
	v5 =	vor.u32 v7, v5;
	v7 =	vsel vm0, $0x8, v0;
	vm0 =	vgt.f32 v10, $0.0e+00  }
0xec: {  	v5 =	vor.u32 v7, v5;
	v7 =	vsel vm0, $0x10, v0;
	vm0 =	vgt.f32 v4, $0.0e+00;
	v4 =	vld [tilespmem:s20+$0x500]  }
0xed: {  	v10 =	vld [tilespmem:s20+$0x580];
	v5 =	vor.u32 v7, v5;
	v7 =	vsel vm0, $0x20, v0;
	vm0 =	vgt.f32 v62, $0.0e+00  }
0xee: {  	v5 =	vor.u32 v7, v5;
	v7 =	vsel vm0, $0x40, v0;
	vm0 =	vgt.f32 v6, $0.0e+00;
	v6 =	vld [tilespmem:s20+$0x600]  }
0xef: {  	v5 =	vor.u32 v7, v5;
	v7 =	vsel vm0, $0x80, v0;
	vm0 =	vgt.f32 v8, $0.0e+00;
	v8 =	vld [tilespmem:s20+$0x680]  }
0xf0: {  	v5 =	vor.u32 v7, v5;
	v7 =	vsel vm0, $0x100, v0;
	vm0 =	vgt.f32 v9, $0.0e+00;
	v9 =	vld [tilespmem:s20+$0x700]  }
0xf1: {  	v5 =	vor.u32 v7, v5;
	v7 =	vsel vm0, $0x200, v0;
	vm0 =	vgt.f32 v4, $0.0e+00;
	v4 =	vld [tilespmem:s20+$0x780]  }
0xf2: {  	v5 =	vor.u32 v7, v5;
	v7 =	vsel vm0, $0x400, v0;
	vm0 =	vgt.f32 v10, $0.0e+00;
	v10 =	vld [tilespmem:s20+$0x800]  }
0xf3: {  	v5 =	vor.u32 v7, v5;
	v7 =	vsel vm0, $0x800, v0;
	vm0 =	vgt.f32 v6, $0.0e+00;
	v6 =	vld [tilespmem:s20+$0x880]  }
0xf4: {  	v5 =	vor.u32 v7, v5;
	v7 =	vsel vm0, $0x1000, v0;
	vm0 =	vgt.f32 v8, $0.0e+00;
	v8 =	vld [tilespmem:s20+$0x900]  }
0xf5: {  	v5 =	vor.u32 v7, v5;
	v7 =	vsel vm0, $0x2000, v0;
	vm0 =	vgt.f32 v9, $0.0e+00;
	v9 =	vld [tilespmem:s20+$0x980]  }
0xf6: {  	v5 =	vor.u32 v7, v5;
	v7 =	vsel vm0, $0x4000, v0;
	vm0 =	vgt.f32 v4, $0.0e+00;
	v4 =	vld [tilespmem:s20+$0xA00]  }
0xf7: {  	v5 =	vor.u32 v7, v5;
	v7 =	vsel vm0, $0x8000, v0;
	vm0 =	vgt.f32 v10, $0.0e+00;
	v10 =	vld [tilespmem:s20+$0xA80]  }
0xf8: {  	v5 =	vor.u32 v7, v5;
	v7 =	vsel vm0, $0x10000, v0;
	vm0 =	vgt.f32 v6, $0.0e+00;
	v6 =	vld [tilespmem:s20+$0xB00]  }
0xf9: {  	v5 =	vor.u32 v7, v5;
	v7 =	vsel vm0, $0x20000, v0;
	vm0 =	vgt.f32 v8, $0.0e+00;
	v8 =	vld [tilespmem:s20+$0xB80]  }
0xfa: {  	v5 =	vor.u32 v7, v5;
	v7 =	vsel vm0, $0x40000, v0;
	vm0 =	vgt.f32 v9, $0.0e+00;
	v9 =	vld [tilespmem:s20+$0xC00]  }
0xfb: {  	v5 =	vor.u32 v7, v5;
	v7 =	vsel vm0, $0x80000, v0;
	vm0 =	vgt.f32 v4, $0.0e+00;
	v4 =	vld [tilespmem:s20+$0xC80]  }
0xfc: {  	v5 =	vor.u32 v7, v5;
	v7 =	vsel vm0, $0x100000, v0;
	vm0 =	vgt.f32 v10, $0.0e+00;
	v10 =	vld [tilespmem:s20+$0xD00]  }
0xfd: {  	v11 =	vld [tilespmem:s20+$0xD80];
	v5 =	vor.u32 v7, v5;
	v7 =	vsel vm0, $0x200000, v0;
	vm0 =	vgt.f32 v6, $0.0e+00  }
0xfe: {  	v6 =	vor.u32 v7, v5;
	v7 =	vsel vm0, $0x400000, v0;
	vm0 =	vgt.f32 v8, $0.0e+00;
	v5 =	vld [tilespmem:s20+$0xE00]  }
0xff: {  	v7 =	vor.u32 v7, v6;
	v8 =	vsel vm0, $0x800000, v0;
	vm0 =	vgt.f32 v9, $0.0e+00;
	v6 =	vld [tilespmem:s20+$0xE80]  }
0x100: {  	v8 =	vor.u32 v8, v7;
	v9 =	vsel vm0, $0x1000000, v0;
	vm0 =	vgt.f32 v4, $0.0e+00;
	v7 =	vld [tilespmem:s20+$0xF00]  }
0x101: {  	s21 =	simm.s32 $0x10;
	v9 =	vor.u32 v9, v8;
	v63 =	vsel vm0, $0x2000000, v0;
	vm0 =	vgt.f32 v10, $0.0e+00;
	v8 =	vld [tilespmem:s20+$0xF80]  }
0x102: {  	s22 =	simm.s32 $0x80;
	v4 =	vld [tilespmem:s21+$0x1000];
	v9 =	vor.u32 v63, v9;
	v10 =	vsel vm0, $0x4000000, v0;
	vm0 =	vgt.f32 v11, $0.0e+00  }
.LBB2_4:
0x103: {  	p0 =	sne.s32 s22, $0x1C0;
	v11 =	vld [tilespmem:s21+$0x1080];
	v9 =	vor.u32 v10, v9;
	v10 =	vsel vm0, $0x8000000, v0;
	vm0 =	vgt.f32 v5, $0.0e+00  }
0x104: {  	v5 =	vld [tilespmem:s21+$0x1100];
	v9 =	vor.u32 v10, v9;
	v10 =	vsel vm0, $0x10000000, v0;
	vm0 =	vgt.f32 v6, $0.0e+00  }
0x105: {  	v6 =	vld [tilespmem:s21+$0x1180];
	v9 =	vor.u32 v10, v9;
	v10 =	vsel vm0, $0x20000000, v0;
	vm0 =	vgt.f32 v7, $0.0e+00  }
0x106: {  	v7 =	vld [tilespmem:s21+$0x1200];
	v9 =	vor.u32 v10, v9;
	v10 =	vsel vm0, $0x40000000, v0;
	vm0 =	vgt.f32 v8, $0.0e+00  }
0x107: {  	v8 =	vld [tilespmem:s21+$0x1280];
	v9 =	vor.u32 v10, v9;
	v10 =	vsel vm0, $0x80000000, v0  }
0x108: {  	vm0 =	vgt.f32 v4, $0.0e+00;
	vm1 =	vgt.f32 v11, $0.0e+00;
	v4 =	vld [tilespmem:s21+$0x1300];
	v9 =	vor.u32 v10, v9  }
0x109: {  	v10 =	vsel vm0, $0x1, v0;
	v11 =	vsel vm1, $0x2, v0;
	vm0 =	vgt.f32 v5, $0.0e+00;
	v5 =	vld [tilespmem:s21+$0x1380];
	[tilespmem:s20+$0x3000] =	vst v9;
	s20 =	smov.u32 s21  }
0x10a: {  	v9 =	vor.u32 v10, v11;
	v10 =	vsel vm0, $0x4, v0;
	vm0 =	vgt.f32 v6, $0.0e+00;
	v6 =	vld [tilespmem:s20+$0x1400]  }
0x10b: {  	v9 =	vor.u32 v10, v9;
	v10 =	vsel vm0, $0x8, v0;
	vm0 =	vgt.f32 v7, $0.0e+00;
	v7 =	vld [tilespmem:s20+$0x1480]  }
0x10c: {  	v9 =	vor.u32 v10, v9;
	v10 =	vsel vm0, $0x10, v0;
	vm0 =	vgt.f32 v8, $0.0e+00;
	v8 =	vld [tilespmem:s20+$0x1500]  }
0x10d: {  	v9 =	vor.u32 v10, v9;
	v10 =	vsel vm0, $0x20, v0;
	vm0 =	vgt.f32 v4, $0.0e+00;
	v4 =	vld [tilespmem:s20+$0x1580]  }
0x10e: {  	v9 =	vor.u32 v10, v9;
	v10 =	vsel vm0, $0x40, v0;
	vm0 =	vgt.f32 v5, $0.0e+00;
	v5 =	vld [tilespmem:s20+$0x1600]  }
0x10f: {  	v9 =	vor.u32 v10, v9;
	v10 =	vsel vm0, $0x80, v0;
	vm0 =	vgt.f32 v6, $0.0e+00;
	v6 =	vld [tilespmem:s20+$0x1680]  }
0x110: {  	v9 =	vor.u32 v10, v9;
	v10 =	vsel vm0, $0x100, v0;
	vm0 =	vgt.f32 v7, $0.0e+00;
	v7 =	vld [tilespmem:s20+$0x1700]  }
0x111: {  	v9 =	vor.u32 v10, v9;
	v10 =	vsel vm0, $0x200, v0;
	vm0 =	vgt.f32 v8, $0.0e+00;
	v8 =	vld [tilespmem:s20+$0x1780]  }
0x112: {  	v9 =	vor.u32 v10, v9;
	v10 =	vsel vm0, $0x400, v0;
	vm0 =	vgt.f32 v4, $0.0e+00;
	v4 =	vld [tilespmem:s20+$0x1800]  }
0x113: {  	v9 =	vor.u32 v10, v9;
	v10 =	vsel vm0, $0x800, v0;
	vm0 =	vgt.f32 v5, $0.0e+00;
	v5 =	vld [tilespmem:s20+$0x1880]  }
0x114: {  	v9 =	vor.u32 v10, v9;
	v10 =	vsel vm0, $0x1000, v0;
	vm0 =	vgt.f32 v6, $0.0e+00;
	v6 =	vld [tilespmem:s20+$0x1900]  }
0x115: {  	v9 =	vor.u32 v10, v9;
	v10 =	vsel vm0, $0x2000, v0;
	vm0 =	vgt.f32 v7, $0.0e+00;
	v7 =	vld [tilespmem:s20+$0x1980]  }
0x116: {  	v9 =	vor.u32 v10, v9;
	v10 =	vsel vm0, $0x4000, v0;
	vm0 =	vgt.f32 v8, $0.0e+00;
	v8 =	vld [tilespmem:s20+$0x1A00]  }
0x117: {  	v9 =	vor.u32 v10, v9;
	v10 =	vsel vm0, $0x8000, v0;
	vm0 =	vgt.f32 v4, $0.0e+00;
	v4 =	vld [tilespmem:s20+$0x1A80]  }
0x118: {  	v9 =	vor.u32 v10, v9;
	v10 =	vsel vm0, $0x10000, v0;
	vm0 =	vgt.f32 v5, $0.0e+00;
	v5 =	vld [tilespmem:s20+$0x1B00]  }
0x119: {  	v9 =	vor.u32 v10, v9;
	v10 =	vsel vm0, $0x20000, v0;
	vm0 =	vgt.f32 v6, $0.0e+00;
	v6 =	vld [tilespmem:s20+$0x1B80]  }
0x11a: {  	v9 =	vor.u32 v10, v9;
	v10 =	vsel vm0, $0x40000, v0;
	vm0 =	vgt.f32 v7, $0.0e+00;
	v7 =	vld [tilespmem:s20+$0x1C00]  }
0x11b: {  	v9 =	vor.u32 v10, v9;
	v10 =	vsel vm0, $0x80000, v0;
	vm0 =	vgt.f32 v8, $0.0e+00;
	v8 =	vld [tilespmem:s20+$0x1C80]  }
0x11c: {  	v9 =	vor.u32 v10, v9;
	v10 =	vsel vm0, $0x100000, v0;
	vm0 =	vgt.f32 v4, $0.0e+00;
	v4 =	vld [tilespmem:s20+$0x1D00]  }
0x11d: {  	v9 =	vor.u32 v10, v9;
	v10 =	vsel vm0, $0x200000, v0;
	vm0 =	vgt.f32 v5, $0.0e+00;
	v5 =	vld [tilespmem:s20+$0x1D80]  }
0x11e: {  	v9 =	vor.u32 v10, v9;
	v10 =	vsel vm0, $0x400000, v0;
	vm0 =	vgt.f32 v6, $0.0e+00;
	v6 =	vld [tilespmem:s20+$0x1E00]  }
0x11f: {  	v9 =	vor.u32 v10, v9;
	v10 =	vsel vm0, $0x800000, v0;
	vm0 =	vgt.f32 v7, $0.0e+00;
	v7 =	vld [tilespmem:s20+$0x1E80]  }
0x120: {  	v9 =	vor.u32 v10, v9;
	v10 =	vsel vm0, $0x1000000, v0;
	vm0 =	vgt.f32 v8, $0.0e+00;
	v8 =	vld [tilespmem:s20+$0x1F00]  }
0x121: {  	v9 =	vor.u32 v10, v9;
	v10 =	vsel vm0, $0x2000000, v0;
	vm0 =	vgt.f32 v4, $0.0e+00;
	v4 =	vld [tilespmem:s20+$0x1F80]  }
0x122: {  	v11 =	vld [tilespmem:s20+$0x0];
	v9 =	vor.u32 v10, v9;
	v10 =	vsel vm0, $0x4000000, v0;
	vm0 =	vgt.f32 v5, $0.0e+00  }
0x123: {  	v5 =	vld [tilespmem:s20+$0x80];
	v9 =	vor.u32 v10, v9;
	v10 =	vsel vm0, $0x8000000, v0;
	vm0 =	vgt.f32 v6, $0.0e+00  }
0x124: {  	v6 =	vld [tilespmem:s20+$0x100];
	v9 =	vor.u32 v10, v9;
	v10 =	vsel vm0, $0x10000000, v0;
	vm0 =	vgt.f32 v7, $0.0e+00  }
0x125: {  	v7 =	vld [tilespmem:s20+$0x180];
	v9 =	vor.u32 v10, v9;
	v10 =	vsel vm0, $0x20000000, v0;
	vm0 =	vgt.f32 v8, $0.0e+00  }
0x126: {  	v8 =	vld [tilespmem:s20+$0x200];
	v9 =	vor.u32 v10, v9;
	v10 =	vsel vm0, $0x40000000, v0;
	vm0 =	vgt.f32 v4, $0.0e+00  }
0x127: {  	vm1 =	vgt.f32 v11, $0.0e+00;
	v4 =	vld [tilespmem:s20+$0x280];
	v9 =	vor.u32 v10, v9;
	v10 =	vsel vm0, $0x80000000, v0  }
0x128: {  	v11 =	vsel vm1, $0x1, v0;
	vm0 =	vgt.f32 v5, $0.0e+00;
	v5 =	vld [tilespmem:s20+$0x300];
	v9 =	vor.u32 v10, v9  }
0x129: {  	v10 =	vsel vm0, $0x2, v0;
	vm0 =	vgt.f32 v6, $0.0e+00;
	v6 =	vld [tilespmem:s20+$0x380];
	[tilespmem:s20+$0x3080] =	vst v9  }
0x12a: {  	v9 =	vor.u32 v11, v10;
	v10 =	vsel vm0, $0x4, v0;
	vm0 =	vgt.f32 v7, $0.0e+00;
	v7 =	vld [tilespmem:s20+$0x400]  }
0x12b: {  	v9 =	vor.u32 v10, v9;
	v10 =	vsel vm0, $0x8, v0;
	vm0 =	vgt.f32 v8, $0.0e+00;
	v8 =	vld [tilespmem:s20+$0x480]  }
0x12c: {  	v9 =	vor.u32 v10, v9;
	v10 =	vsel vm0, $0x10, v0;
	vm0 =	vgt.f32 v4, $0.0e+00;
	v4 =	vld [tilespmem:s20+$0x500]  }
0x12d: {  	v9 =	vor.u32 v10, v9;
	v10 =	vsel vm0, $0x20, v0;
	vm0 =	vgt.f32 v5, $0.0e+00;
	v5 =	vld [tilespmem:s20+$0x580]  }
0x12e: {  	v9 =	vor.u32 v10, v9;
	v10 =	vsel vm0, $0x40, v0;
	vm0 =	vgt.f32 v6, $0.0e+00;
	v6 =	vld [tilespmem:s20+$0x600]  }
0x12f: {  	v9 =	vor.u32 v10, v9;
	v10 =	vsel vm0, $0x80, v0;
	vm0 =	vgt.f32 v7, $0.0e+00;
	v7 =	vld [tilespmem:s20+$0x680]  }
0x130: {  	v9 =	vor.u32 v10, v9;
	v10 =	vsel vm0, $0x100, v0;
	vm0 =	vgt.f32 v8, $0.0e+00;
	v8 =	vld [tilespmem:s20+$0x700]  }
0x131: {  	v9 =	vor.u32 v10, v9;
	v10 =	vsel vm0, $0x200, v0;
	vm0 =	vgt.f32 v4, $0.0e+00;
	v4 =	vld [tilespmem:s20+$0x780]  }
0x132: {  	v9 =	vor.u32 v10, v9;
	v10 =	vsel vm0, $0x400, v0;
	vm0 =	vgt.f32 v5, $0.0e+00;
	v5 =	vld [tilespmem:s20+$0x800]  }
0x133: {  	v9 =	vor.u32 v10, v9;
	v10 =	vsel vm0, $0x800, v0;
	vm0 =	vgt.f32 v6, $0.0e+00;
	v6 =	vld [tilespmem:s20+$0x880]  }
0x134: {  	v9 =	vor.u32 v10, v9;
	v10 =	vsel vm0, $0x1000, v0;
	vm0 =	vgt.f32 v7, $0.0e+00;
	v7 =	vld [tilespmem:s20+$0x900]  }
0x135: {  	v9 =	vor.u32 v10, v9;
	v10 =	vsel vm0, $0x2000, v0;
	vm0 =	vgt.f32 v8, $0.0e+00;
	v8 =	vld [tilespmem:s20+$0x980]  }
0x136: {  	v9 =	vor.u32 v10, v9;
	v10 =	vsel vm0, $0x4000, v0;
	vm0 =	vgt.f32 v4, $0.0e+00;
	v4 =	vld [tilespmem:s20+$0xA00]  }
0x137: {  	v9 =	vor.u32 v10, v9;
	v10 =	vsel vm0, $0x8000, v0;
	vm0 =	vgt.f32 v5, $0.0e+00;
	v5 =	vld [tilespmem:s20+$0xA80]  }
0x138: {  	v9 =	vor.u32 v10, v9;
	v10 =	vsel vm0, $0x10000, v0;
	vm0 =	vgt.f32 v6, $0.0e+00;
	v6 =	vld [tilespmem:s20+$0xB00]  }
0x139: {  	v9 =	vor.u32 v10, v9;
	v10 =	vsel vm0, $0x20000, v0;
	vm0 =	vgt.f32 v7, $0.0e+00;
	v7 =	vld [tilespmem:s20+$0xB80]  }
0x13a: {  	v9 =	vor.u32 v10, v9;
	v10 =	vsel vm0, $0x40000, v0;
	vm0 =	vgt.f32 v8, $0.0e+00;
	v8 =	vld [tilespmem:s20+$0xC00]  }
0x13b: {  	v9 =	vor.u32 v10, v9;
	v10 =	vsel vm0, $0x80000, v0;
	vm0 =	vgt.f32 v4, $0.0e+00;
	v4 =	vld [tilespmem:s20+$0xC80]  }
0x13c: {  	v9 =	vor.u32 v10, v9;
	v10 =	vsel vm0, $0x100000, v0;
	vm0 =	vgt.f32 v5, $0.0e+00;
	v11 =	vld [tilespmem:s20+$0xD00]  }
0x13d: {  	v5 =	vor.u32 v10, v9;
	v9 =	vsel vm0, $0x200000, v0;
	vm0 =	vgt.f32 v6, $0.0e+00;
	v12 =	vld [tilespmem:s20+$0xD80]  }
.Ltmp1:
0x13e: {  	v6 =	vor.u32 v9, v5;
	v9 =	vsel vm0, $0x400000, v0;
	vm0 =	vgt.f32 v7, $0.0e+00;
	v5 =	vld [tilespmem:s20+$0xE00];
	(pc) =	sbr.rel @p0 .LBB2_4-.Ltmp1, $4  }
0x13f: {  	v7 =	vor.u32 v9, v6;
	v9 =	vsel vm0, $0x800000, v0;
	vm0 =	vgt.f32 v8, $0.0e+00;
	v6 =	vld [tilespmem:s20+$0xE80]  }
0x140: {  	v8 =	vor.u32 v9, v7;
	v9 =	vsel vm0, $0x1000000, v0;
	vm0 =	vgt.f32 v4, $0.0e+00;
	v7 =	vld [tilespmem:s20+$0xF00]  }
0x141: {  	s21 =	sshra.s32 s22, $0x2;
	v9 =	vor.u32 v9, v8;
	v10 =	vsel vm0, $0x2000000, v0;
	vm0 =	vgt.f32 v11, $0.0e+00;
	v8 =	vld [tilespmem:s20+$0xF80]  }
0x142: {  	s22 =	sadd.s32 $0x40, s22;
	v4 =	vld [tilespmem:s21+$0x1000];
	v9 =	vor.u32 v10, v9;
	v10 =	vsel vm0, $0x4000000, v0;
	vm0 =	vgt.f32 v12, $0.0e+00  }
0x143: {  	v11 =	vld [tilespmem:s21+$0x1080];
	v9 =	vor.u32 v10, v9;
	v50 =	vsel vm0, $0x8000000, v0;
	vm9 =	vgt.f32 v5, $0.0e+00  }
0x144: {  	v5 =	vld [tilespmem:s21+$0x1100];
	v9 =	vor.u32 v50, v9;
	v51 =	vsel vm9, $0x10000000, v0;
	vm10 =	vgt.f32 v6, $0.0e+00  }
0x145: {  	v52 =	vld [tilespmem:s21+$0x1180];
	v9 =	vor.u32 v51, v9;
	v53 =	vsel vm10, $0x20000000, v0;
	vm11 =	vgt.f32 v7, $0.0e+00  }
0x146: {  	v54 =	vld [tilespmem:s21+$0x1200];
	v9 =	vor.u32 v53, v9;
	v55 =	vsel vm11, $0x40000000, v0;
	vm12 =	vgt.f32 v8, $0.0e+00  }
0x147: {  	v56 =	vld [tilespmem:s21+$0x1280];
	v9 =	vor.u32 v55, v9;
	v57 =	vsel vm12, $0x80000000, v0  }
0x148: {  	v12 =	vld [tilespmem:s21+$0x1300];
	v9 =	vor.u32 v57, v9  }
0x149: {  	v58 =	vld [tilespmem:s21+$0x1380];
	vm13 =	vgt.f32 v4, $0.0e+00;
	vm1 =	vgt.f32 v11, $0.0e+00;
	[tilespmem:s20+$0x3000] =	vst v9  }
0x14a: {  	v4 =	vsel vm13, $0x1, v0;
	vm14 =	vgt.f32 v5, $0.0e+00;
	v59 =	vsel vm1, $0x2, v0;
	v5 =	vld [tilespmem:s21+$0x1400]  }
0x14b: {  	vm15 =	vgt.f32 v52, $0.0e+00;
	v60 =	vsel vm14, $0x4, v0;
	v4 =	vor.u32 v4, v59;
	v61 =	vld [tilespmem:s21+$0x1480]  }
0x14c: {  	vm4 =	vgt.f32 v54, $0.0e+00;
	v62 =	vsel vm15, $0x8, v0;
	v63 =	vld [tilespmem:s21+$0x1500];
	v4 =	vor.u32 v60, v4  }
0x14d: {  	vm5 =	vgt.f32 v56, $0.0e+00;
	v13 =	vsel vm4, $0x10, v0;
	v14 =	vld [tilespmem:s21+$0x1580];
	v4 =	vor.u32 v62, v4  }
0x14e: {  	vm6 =	vgt.f32 v12, $0.0e+00;
	v15 =	vsel vm5, $0x20, v0;
	v16 =	vld [tilespmem:s21+$0x1600];
	v4 =	vor.u32 v13, v4  }
0x14f: {  	vm7 =	vgt.f32 v58, $0.0e+00;
	v17 =	vsel vm6, $0x40, v0;
	v18 =	vld [tilespmem:s21+$0x1680];
	v4 =	vor.u32 v15, v4  }
0x150: {  	v19 =	vsel vm7, $0x80, v0;
	v21 =	vld [tilespmem:s21+$0x1780];
	v4 =	vor.u32 v17, v4  }
0x151: {  	v23 =	vld [tilespmem:s21+$0x1800];
	vm8 =	vgt.f32 v5, $0.0e+00;
	vm9 =	vgt.f32 v61, $0.0e+00;
	vm10 =	vgt.f32 v63, $0.0e+00  }
0x152: {  	v5 =	vld [tilespmem:s21+$0x1700];
	vm11 =	vgt.f32 v14, $0.0e+00;
	v4 =	vor.u32 v19, v4;
	v20 =	vsel vm8, $0x100, v0  }
0x153: {  	v25 =	vld [tilespmem:s21+$0x1880];
	vm12 =	vgt.f32 v16, $0.0e+00;
	v22 =	vsel vm9, $0x200, v0;
	v4 =	vor.u32 v20, v4  }
0x154: {  	v27 =	vld [tilespmem:s21+$0x1900];
	vm13 =	vgt.f32 v18, $0.0e+00;
	v24 =	vsel vm10, $0x400, v0;
	v4 =	vor.u32 v22, v4  }
0x155: {  	v29 =	vld [tilespmem:s21+$0x1980];
	vm15 =	vgt.f32 v21, $0.0e+00;
	v26 =	vsel vm11, $0x800, v0;
	v4 =	vor.u32 v24, v4  }
0x156: {  	v32 =	vld [tilespmem:s21+$0x1A80];
	vm4 =	vgt.f32 v23, $0.0e+00;
	v28 =	vsel vm12, $0x1000, v0;
	v4 =	vor.u32 v26, v4  }
0x157: {  	v34 =	vld [tilespmem:s21+$0x1B00];
	v30 =	vsel vm13, $0x2000, v0;
	vm14 =	vgt.f32 v5, $0.0e+00;
	v4 =	vor.u32 v28, v4  }
0x158: {  	vm5 =	vgt.f32 v25, $0.0e+00;
	v5 =	vld [tilespmem:s21+$0x1A00];
	v31 =	vsel vm14, $0x4000, v0;
	v4 =	vor.u32 v30, v4  }
0x159: {  	v36 =	vld [tilespmem:s21+$0x1B80];
	vm6 =	vgt.f32 v27, $0.0e+00;
	v33 =	vsel vm15, $0x8000, v0;
	v4 =	vor.u32 v31, v4  }
0x15a: {  	v38 =	vld [tilespmem:s21+$0x1C00];
	vm7 =	vgt.f32 v29, $0.0e+00;
	v35 =	vsel vm4, $0x10000, v0;
	v4 =	vor.u32 v33, v4  }
0x15b: {  	v40 =	vld [tilespmem:s21+$0x1C80];
	v37 =	vsel vm5, $0x20000, v0;
	v39 =	vsel vm6, $0x40000, v0;
	v4 =	vor.u32 v35, v4  }
0x15c: {  	v43 =	vld [tilespmem:s21+$0x1D80];
	v41 =	vsel vm7, $0x80000, v0;
	vm9 =	vgt.f32 v32, $0.0e+00;
	v4 =	vor.u32 v37, v4  }
0x15d: {  	v45 =	vld [tilespmem:s21+$0x1E00];
	vm10 =	vgt.f32 v34, $0.0e+00;
	vm8 =	vgt.f32 v5, $0.0e+00;
	v4 =	vor.u32 v39, v4  }
0x15e: {  	vm11 =	vgt.f32 v36, $0.0e+00;
	v5 =	vld [tilespmem:s21+$0x1D00];
	v42 =	vsel vm8, $0x100000, v0;
	v4 =	vor.u32 v41, v4  }
0x15f: {  	v47 =	vld [tilespmem:s21+$0x1E80];
	vm12 =	vgt.f32 v38, $0.0e+00;
	v44 =	vsel vm9, $0x200000, v0;
	v4 =	vor.u32 v42, v4  }
0x160: {  	v49 =	vld [tilespmem:s21+$0x1F00];
	vm13 =	vgt.f32 v40, $0.0e+00;
	v46 =	vsel vm10, $0x400000, v0;
	v4 =	vor.u32 v44, v4  }
0x161: {  	v51 =	vld [tilespmem:s21+$0x1F80];
	vm15 =	vgt.f32 v43, $0.0e+00;
	v48 =	vsel vm11, $0x800000, v0;
	v4 =	vor.u32 v46, v4  }
0x162: {  	v54 =	vld [tilespmem:s21+$0x80];
	vm4 =	vgt.f32 v45, $0.0e+00;
	v50 =	vsel vm12, $0x1000000, v0;
	v4 =	vor.u32 v48, v4  }
0x163: {  	v56 =	vld [tilespmem:s21+$0x100];
	v52 =	vsel vm13, $0x2000000, v0;
	vm14 =	vgt.f32 v5, $0.0e+00;
	v4 =	vor.u32 v50, v4  }
0x164: {  	vm5 =	vgt.f32 v47, $0.0e+00;
	v5 =	vld [tilespmem:s21+$0x0];
	v53 =	vsel vm14, $0x4000000, v0;
	v4 =	vor.u32 v52, v4  }
0x165: {  	vm6 =	vgt.f32 v49, $0.0e+00;
	v55 =	vsel vm15, $0x8000000, v0;
	v4 =	vor.u32 v53, v4  }
0x166: {  	v58 =	vld [tilespmem:s21+$0x180];
	vm7 =	vgt.f32 v51, $0.0e+00;
	v57 =	vsel vm4, $0x10000000, v0;
	v4 =	vor.u32 v55, v4  }
0x167: {  	v60 =	vld [tilespmem:s21+$0x200];
	v59 =	vsel vm5, $0x20000000, v0;
	v61 =	vsel vm6, $0x40000000, v0;
	v4 =	vor.u32 v57, v4  }
0x168: {  	v62 =	vld [tilespmem:s21+$0x280];
	v63 =	vsel vm7, $0x80000000, v0;
	vm9 =	vgt.f32 v54, $0.0e+00;
	v4 =	vor.u32 v59, v4  }
0x169: {  	v16 =	vld [tilespmem:s21+$0x300];
	vm10 =	vgt.f32 v56, $0.0e+00;
	vm8 =	vgt.f32 v5, $0.0e+00;
	v4 =	vor.u32 v61, v4  }
0x16a: {  	v18 =	vsel vm9, $0x2, v0;
	v5 =	vld [tilespmem:s21+$0x380];
	v17 =	vsel vm8, $0x1, v0;
	v4 =	vor.u32 v63, v4  }
0x16b: {  	vm11 =	vgt.f32 v58, $0.0e+00;
	v20 =	vld [tilespmem:s21+$0x400];
	v19 =	vsel vm10, $0x4, v0;
	[tilespmem:s21+$0x3080] =	vst v4;
	v4 =	vor.u32 v17, v18  }
0x16c: {  	vm12 =	vgt.f32 v60, $0.0e+00;
	v21 =	vsel vm11, $0x8, v0;
	v22 =	vld [tilespmem:s21+$0x480];
	v4 =	vor.u32 v19, v4  }
0x16d: {  	vm13 =	vgt.f32 v62, $0.0e+00;
	v23 =	vsel vm12, $0x10, v0;
	v24 =	vld [tilespmem:s21+$0x500];
	v4 =	vor.u32 v21, v4  }
0x16e: {  	v25 =	vsel vm13, $0x20, v0;
	v26 =	vld [tilespmem:s21+$0x580];
	vm14 =	vgt.f32 v16, $0.0e+00;
	v4 =	vor.u32 v23, v4  }
0x16f: {  	v27 =	vsel vm14, $0x40, v0;
	vm15 =	vgt.f32 v5, $0.0e+00;
	v5 =	vld [tilespmem:s21+$0x600];
	v4 =	vor.u32 v25, v4  }
0x170: {  	v29 =	vld [tilespmem:s21+$0x680];
	vm4 =	vgt.f32 v20, $0.0e+00;
	v28 =	vsel vm15, $0x80, v0;
	v4 =	vor.u32 v27, v4  }
0x171: {  	v30 =	vsel vm4, $0x100, v0;
	vm5 =	vgt.f32 v22, $0.0e+00;
	v31 =	vld [tilespmem:s21+$0x700];
	v4 =	vor.u32 v28, v4  }
0x172: {  	v32 =	vsel vm5, $0x200, v0;
	vm6 =	vgt.f32 v24, $0.0e+00;
	v33 =	vld [tilespmem:s21+$0x780];
	v4 =	vor.u32 v30, v4  }
0x173: {  	v34 =	vsel vm6, $0x400, v0;
	vm7 =	vgt.f32 v26, $0.0e+00;
	v35 =	vld [tilespmem:s21+$0x800];
	v4 =	vor.u32 v32, v4  }
0x174: {  	v36 =	vsel vm7, $0x800, v0;
	vm8 =	vgt.f32 v5, $0.0e+00;
	v5 =	vld [tilespmem:s21+$0x880];
	v4 =	vor.u32 v34, v4  }
0x175: {  	v38 =	vld [tilespmem:s21+$0x900];
	vm9 =	vgt.f32 v29, $0.0e+00;
	v37 =	vsel vm8, $0x1000, v0;
	v4 =	vor.u32 v36, v4  }
0x176: {  	v40 =	vld [tilespmem:s21+$0x980];
	v39 =	vsel vm9, $0x2000, v0;
	vm10 =	vgt.f32 v31, $0.0e+00;
	v4 =	vor.u32 v37, v4  }
0x177: {  	v41 =	vsel vm10, $0x4000, v0;
	vm11 =	vgt.f32 v33, $0.0e+00;
	v42 =	vld [tilespmem:s21+$0xA00];
	v4 =	vor.u32 v39, v4  }
0x178: {  	v43 =	vsel vm11, $0x8000, v0;
	vm12 =	vgt.f32 v35, $0.0e+00;
	v44 =	vld [tilespmem:s21+$0xA80];
	v4 =	vor.u32 v41, v4  }
0x179: {  	v45 =	vsel vm12, $0x10000, v0;
	vm13 =	vgt.f32 v5, $0.0e+00;
	v5 =	vld [tilespmem:s21+$0xB00];
	v4 =	vor.u32 v43, v4  }
0x17a: {  	v47 =	vld [tilespmem:s21+$0xB80];
	vm14 =	vgt.f32 v38, $0.0e+00;
	v46 =	vsel vm13, $0x20000, v0;
	v4 =	vor.u32 v45, v4  }
0x17b: {  	v49 =	vld [tilespmem:s21+$0xC00];
	v48 =	vsel vm14, $0x40000, v0;
	vm15 =	vgt.f32 v40, $0.0e+00;
	v4 =	vor.u32 v46, v4  }
0x17c: {  	v51 =	vld [tilespmem:s21+$0xC80];
	vm4 =	vgt.f32 v42, $0.0e+00;
	v50 =	vsel vm15, $0x80000, v0;
	v4 =	vor.u32 v48, v4  }
0x17d: {  	v52 =	vsel vm4, $0x100000, v0;
	vm5 =	vgt.f32 v44, $0.0e+00;
	v53 =	vld [tilespmem:s21+$0xD00];
	v4 =	vor.u32 v50, v4  }
0x17e: {  	v54 =	vsel vm5, $0x200000, v0;
	vm6 =	vgt.f32 v5, $0.0e+00;
	v5 =	vld [tilespmem:s21+$0xD80];
	v4 =	vor.u32 v52, v4  }
0x17f: {  	v56 =	vld [tilespmem:s21+$0xE00];
	vm7 =	vgt.f32 v47, $0.0e+00;
	v55 =	vsel vm6, $0x400000, v0;
	v4 =	vor.u32 v54, v4  }
0x180: {  	v58 =	vld [tilespmem:s21+$0xE80];
	v57 =	vsel vm7, $0x800000, v0;
	vm8 =	vgt.f32 v49, $0.0e+00;
	v4 =	vor.u32 v55, v4  }
0x181: {  	v60 =	vld [tilespmem:s21+$0xF00];
	vm9 =	vgt.f32 v51, $0.0e+00;
	v59 =	vsel vm8, $0x1000000, v0;
	v4 =	vor.u32 v57, v4  }
0x182: {  	v62 =	vld [tilespmem:s21+$0xF80];
	v61 =	vsel vm9, $0x2000000, v0;
	vm10 =	vgt.f32 v53, $0.0e+00;
	v4 =	vor.u32 v59, v4  }
0x183: {  	v63 =	vsel vm10, $0x4000000, v0;
	vm11 =	vgt.f32 v5, $0.0e+00;
	v4 =	vor.u32 v61, v4  }
0x184: {  	vm12 =	vgt.f32 v56, $0.0e+00;
	v5 =	vsel vm11, $0x8000000, v0;
	v4 =	vor.u32 v63, v4  }
0x185: {  	vm13 =	vgt.f32 v58, $0.0e+00;
	v4 =	vor.u32 v5, v4;
	v5 =	vsel vm12, $0x10000000, v0  }
0x186: {  	vm14 =	vgt.f32 v60, $0.0e+00;
	v4 =	vor.u32 v5, v4;
	v5 =	vsel vm13, $0x20000000, v0  }
0x187: {  	vm15 =	vgt.f32 v62, $0.0e+00;
	v4 =	vor.u32 v5, v4;
	v5 =	vsel vm14, $0x40000000, v0  }
0x188: {  	v4 =	vor.u32 v5, v4;
	v5 =	vsel vm15, $0x80000000, v0  }
0x189: {  	v4 =	vor.u32 v5, v4  }
0x18a: {  	[tilespmem:s21+$0x3000] =	vst v4  }
0x18b: {  	[bflag:$0x0] =	sbarrier.arrive $0xFFFF  }
0x18c: {  	[tilespmem:s16], [sflag:$0x1] =	stream.linear.gather [spmem:s2], $0x800, $0x38;
	[tilespmem:$0x5280] =	vst v63  }
0x18d: {  	_ =	swait.ge [sflag:s15], $0x800  }
0x18e: {  	[sflag:s15] =	ssyncset.done $0x0  }
0x18f: {  	[sflag:s15] =	ssyncadd.s32 $0xFFFFF800  }
0x190: {  	[tilespmem:s17], [sflag:$0x1] =	stream.linear.gather [spmem:s10], $0x800, $0x38;
	[tilespmem:$0x5280] =	vst v63  }
0x191: {  	_ =	swait.ge [sflag:s15], $0x800  }
0x192: {  	[sflag:s15] =	ssyncset.done $0x0  }
0x193: {  	s20 =	simm.s32 $0x0;
	s21 =	simm.s32 $0x0;
	[sflag:s15] =	ssyncadd.s32 $0xFFFFF800  }
.LBB2_6:
0x194: {  	s22 =	sshll.u32 s21, $0x4  }
0x195: {  	s23 =	sshll.u32 s21, $0xC;
	v4 =	vld [tilespmem:s22+$0x3000]  }
0x196: {  	v5 =	vld [tilespmem:s22+$0x3080];
	s22 =	sshra.s32 s23, $0x2  }
0x197: {  	[tilespmem:s22+$0x3100] =	vst v1  }
0x198: {  	[tilespmem:s22+$0x3110] =	vst v1  }
0x199: {  	[tilespmem:s22+$0x3120] =	vst v1  }
0x19a: {  	s24 =	simm.s32 $0x2800;
	[tilespmem:s22+$0x3130] =	vst v1  }
0x19b: {  	s23 =	simm.s32 $0x2000;
	v8 =	vld [tilespmem:s24+$0x0]  }
0x19c: {  	v9 =	vld [tilespmem:s23+$0x0];
	_ =	sdelay $0x2  }
0x19d: {  	v6 =	vbroadcast v4, $0x0;
	v7 =	vbroadcast v5, $0x0;
	_ =	sdelay $0x1  }
0x19e: {  	v9 =	vxor.u32 v6, v9;
	v8 =	vxor.u32 v7, v8  }
0x19f: {  	v10 =	vsub.s32 $0x1010100, v9;
	v11 =	vsub.s32 $0x1010100, v8  }
0x1a0: {  	v9 =	vor.u32 v9, v10;
	v8 =	vor.u32 v8, v11  }
0x1a1: {  	v8 =	vand.u32 v8, v9  }
0x1a2: {  	v8 =	vand.u32 $0x80808080, v8  }
0x1a3: {  	vm0 =	vne.s32 v8, $0x80808080  }
0x1a4: {  	v9 =	vmpcnt.ones.xlane vm0;
	_ =	sdelay $0x1  }
0x1a5: {  	(v2sf) =	vpush v9, $0x0;
	_ =	sdelay $0xe  }
0x1a6: {  	p0 =	por $0x0, $0x0;
	s25 =	spop (v2sf)  }
0x1a7: {  	p1 =	slt.s32 @!p0 s25, $0x1  }
0x1a8: {  	p0 =	por p1, p0  }
0x1a9: {  	s31 =	sadd.s32 $0x3100, s22;
	vm0 =	vne.s32 @!p0 v8, $0x80808080  }
0x1aa: {  	v8 =	vmov s31;
	_ =	sdelay $0x2  }
0x1ab: {  	v9 =	vlaneseq.u32 @!p0  }
0x1ac: {  	v9 =	vor.u32 @!p0 s20, v9  }
0x1ad: {  	s26 =	simm.s32 $0x2810;
	s24 =	simm.s32 $0x10;
	s25 =	sadd.s32 $0x0, s25;
	[tilespmem:v8+s20+$0x0 ss:$0x1] =	vst.idx.msk @!p0 vm0, v9  }
.LBB2_7:
0x1ae: {  	v9 =	vld [tilespmem:s26+$0x0];
	s23 =	sadd.s32 $0x10, s23;
	s28 =	smov.u32 s24;
	s29 =	smov.u32 s25  }
0x1af: {  	s24 =	sadd.s32 $0x10, s24;
	v10 =	vld [tilespmem:s23+$0x0]  }
0x1b0: {  	p0 =	sne.s32 s24, $0x800;
	_ =	sdelay $0x3  }
0x1b1: {  	v9 =	vxor.u32 v7, v9;
	v10 =	vxor.u32 v6, v10  }
0x1b2: {  	v12 =	vsub.s32 $0x1010100, v9;
	v11 =	vsub.s32 $0x1010100, v10  }
0x1b3: {  	v9 =	vor.u32 v9, v12;
	v10 =	vor.u32 v10, v11  }
0x1b4: {  	v9 =	vand.u32 v9, v10  }
0x1b5: {  	v9 =	vand.u32 $0x80808080, v9  }
0x1b6: {  	vm0 =	vne.s32 v9, $0x80808080  }
0x1b7: {  	v10 =	vmpcnt.ones.xlane vm0;
	_ =	sdelay $0x1  }
0x1b8: {  	(v2sf) =	vpush v10, $0x0;
	_ =	sdelay $0xe  }
0x1b9: {  	p1 =	sgt.s32 s25, $0x3F;
	s30 =	spop (v2sf)  }
0x1ba: {  	p2 =	slt.s32 @!p1 s30, $0x1;
	s25 =	sadd.s32 s25, s30  }
0x1bb: {  	p1 =	por p2, p1  }
0x1bc: {  	vm0 =	vne.s32 @!p1 v9, $0x80808080;
	_ =	sdelay $0x1  }
.Ltmp2:
0x1bd: {  	(pc) =	sbr.rel @p0 .LBB2_7-.Ltmp2, $4  }
0x1be: {  	_ = 	snop  }
0x1bf: {  	v9 =	vlaneseq.u32 @!p1  }
0x1c0: {  	v9 =	vor.u32 @!p1 s28, v9  }
0x1c1: {  	s26 =	sadd.s32 $0x10, s26;
	[tilespmem:v8+s29+$0x0 ss:$0x1] =	vst.idx.msk @!p1 vm0, v9  }
0x1c2: {  	[tilespmem:s22+$0x3140] =	vst v1  }
0x1c3: {  	[tilespmem:s22+$0x3150] =	vst v1  }
0x1c4: {  	[tilespmem:s22+$0x3160] =	vst v1  }
0x1c5: {  	[tilespmem:s22+$0x3170] =	vst v1;
	s24 =	simm.s32 $0x2800  }
0x1c6: {  	s23 =	simm.s32 $0x2000;
	v8 =	vld [tilespmem:s24+$0x0]  }
0x1c7: {  	v9 =	vld [tilespmem:s23+$0x0];
	_ =	sdelay $0x2  }
0x1c8: {  	v6 =	vbroadcast v4, $0x1;
	v7 =	vbroadcast v5, $0x1;
	_ =	sdelay $0x1  }
0x1c9: {  	v9 =	vxor.u32 v6, v9;
	v8 =	vxor.u32 v7, v8  }
0x1ca: {  	v10 =	vsub.s32 $0x1010100, v9;
	v11 =	vsub.s32 $0x1010100, v8  }
0x1cb: {  	v9 =	vor.u32 v9, v10;
	v8 =	vor.u32 v8, v11  }
0x1cc: {  	v8 =	vand.u32 v8, v9  }
0x1cd: {  	v8 =	vand.u32 $0x80808080, v8  }
0x1ce: {  	vm0 =	vne.s32 v8, $0x80808080  }
0x1cf: {  	v9 =	vmpcnt.ones.xlane vm0;
	_ =	sdelay $0x1  }
0x1d0: {  	(v2sf) =	vpush v9, $0x0;
	_ =	sdelay $0xe  }
0x1d1: {  	p0 =	por $0x0, $0x0;
	s25 =	spop (v2sf)  }
0x1d2: {  	p1 =	slt.s32 @!p0 s25, $0x1  }
0x1d3: {  	p0 =	por p1, p0  }
0x1d4: {  	s31 =	sadd.s32 $0x3140, s22;
	vm0 =	vne.s32 @!p0 v8, $0x80808080  }
0x1d5: {  	v8 =	vmov s31;
	_ =	sdelay $0x2  }
0x1d6: {  	s26 =	simm.s32 $0x0;
	v9 =	vlaneseq.u32 @!p0  }
0x1d7: {  	v9 =	vor.u32 @!p0 s26, v9  }
0x1d8: {  	s24 =	simm.s32 $0x10;
	s25 =	sadd.s32 $0x0, s25;
	[tilespmem:v8+s26+$0x0 ss:$0x1] =	vst.idx.msk @!p0 vm0, v9;
	s26 =	simm.s32 $0x2810  }
.LBB2_9:
0x1d9: {  	v9 =	vld [tilespmem:s26+$0x0];
	s23 =	sadd.s32 $0x10, s23;
	s28 =	smov.u32 s24;
	s29 =	smov.u32 s25  }
0x1da: {  	s24 =	sadd.s32 $0x10, s24;
	v10 =	vld [tilespmem:s23+$0x0]  }
0x1db: {  	p0 =	sne.s32 s24, $0x800;
	_ =	sdelay $0x3  }
0x1dc: {  	v9 =	vxor.u32 v7, v9;
	v10 =	vxor.u32 v6, v10  }
0x1dd: {  	v12 =	vsub.s32 $0x1010100, v9;
	v11 =	vsub.s32 $0x1010100, v10  }
0x1de: {  	v9 =	vor.u32 v9, v12;
	v10 =	vor.u32 v10, v11  }
0x1df: {  	v9 =	vand.u32 v9, v10  }
0x1e0: {  	v9 =	vand.u32 $0x80808080, v9  }
0x1e1: {  	vm0 =	vne.s32 v9, $0x80808080  }
0x1e2: {  	v10 =	vmpcnt.ones.xlane vm0;
	_ =	sdelay $0x1  }
0x1e3: {  	(v2sf) =	vpush v10, $0x0;
	_ =	sdelay $0xe  }
0x1e4: {  	p1 =	sgt.s32 s25, $0x3F;
	s30 =	spop (v2sf)  }
0x1e5: {  	p2 =	slt.s32 @!p1 s30, $0x1;
	s25 =	sadd.s32 s25, s30  }
0x1e6: {  	p1 =	por p2, p1  }
0x1e7: {  	vm0 =	vne.s32 @!p1 v9, $0x80808080;
	_ =	sdelay $0x1  }
.Ltmp3:
0x1e8: {  	(pc) =	sbr.rel @p0 .LBB2_9-.Ltmp3, $4  }
0x1e9: {  	_ = 	snop  }
0x1ea: {  	v9 =	vlaneseq.u32 @!p1  }
0x1eb: {  	v9 =	vor.u32 @!p1 s28, v9  }
0x1ec: {  	s26 =	sadd.s32 $0x10, s26;
	[tilespmem:v8+s29+$0x0 ss:$0x1] =	vst.idx.msk @!p1 vm0, v9  }
0x1ed: {  	[tilespmem:s22+$0x3180] =	vst v1  }
0x1ee: {  	[tilespmem:s22+$0x3190] =	vst v1  }
0x1ef: {  	[tilespmem:s22+$0x31A0] =	vst v1  }
0x1f0: {  	[tilespmem:s22+$0x31B0] =	vst v1;
	s24 =	simm.s32 $0x2800  }
0x1f1: {  	s23 =	simm.s32 $0x2000;
	v8 =	vld [tilespmem:s24+$0x0]  }
0x1f2: {  	v9 =	vld [tilespmem:s23+$0x0];
	_ =	sdelay $0x2  }
0x1f3: {  	v6 =	vbroadcast v4, $0x2;
	v7 =	vbroadcast v5, $0x2;
	_ =	sdelay $0x1  }
0x1f4: {  	v9 =	vxor.u32 v6, v9;
	v8 =	vxor.u32 v7, v8  }
0x1f5: {  	v10 =	vsub.s32 $0x1010100, v9;
	v11 =	vsub.s32 $0x1010100, v8  }
0x1f6: {  	v9 =	vor.u32 v9, v10;
	v8 =	vor.u32 v8, v11  }
0x1f7: {  	v8 =	vand.u32 v8, v9  }
0x1f8: {  	v8 =	vand.u32 $0x80808080, v8  }
0x1f9: {  	vm0 =	vne.s32 v8, $0x80808080  }
0x1fa: {  	v9 =	vmpcnt.ones.xlane vm0;
	_ =	sdelay $0x1  }
0x1fb: {  	(v2sf) =	vpush v9, $0x0;
	_ =	sdelay $0xe  }
0x1fc: {  	p0 =	por $0x0, $0x0;
	s25 =	spop (v2sf)  }
0x1fd: {  	p1 =	slt.s32 @!p0 s25, $0x1  }
0x1fe: {  	p0 =	por p1, p0  }
0x1ff: {  	s31 =	sadd.s32 $0x3180, s22;
	vm0 =	vne.s32 @!p0 v8, $0x80808080  }
0x200: {  	v8 =	vmov s31;
	_ =	sdelay $0x2  }
0x201: {  	s26 =	simm.s32 $0x0;
	v9 =	vlaneseq.u32 @!p0  }
0x202: {  	v9 =	vor.u32 @!p0 s26, v9  }
0x203: {  	s24 =	simm.s32 $0x10;
	s25 =	sadd.s32 $0x0, s25;
	[tilespmem:v8+s26+$0x0 ss:$0x1] =	vst.idx.msk @!p0 vm0, v9;
	s26 =	simm.s32 $0x2810  }
.LBB2_11:
0x204: {  	v9 =	vld [tilespmem:s26+$0x0];
	s23 =	sadd.s32 $0x10, s23;
	s28 =	smov.u32 s24;
	s29 =	smov.u32 s25  }
0x205: {  	s24 =	sadd.s32 $0x10, s24;
	v10 =	vld [tilespmem:s23+$0x0]  }
0x206: {  	p0 =	sne.s32 s24, $0x800;
	_ =	sdelay $0x3  }
0x207: {  	v9 =	vxor.u32 v7, v9;
	v10 =	vxor.u32 v6, v10  }
0x208: {  	v12 =	vsub.s32 $0x1010100, v9;
	v11 =	vsub.s32 $0x1010100, v10  }
0x209: {  	v9 =	vor.u32 v9, v12;
	v10 =	vor.u32 v10, v11  }
0x20a: {  	v9 =	vand.u32 v9, v10  }
0x20b: {  	v9 =	vand.u32 $0x80808080, v9  }
0x20c: {  	vm0 =	vne.s32 v9, $0x80808080  }
0x20d: {  	v10 =	vmpcnt.ones.xlane vm0;
	_ =	sdelay $0x1  }
0x20e: {  	(v2sf) =	vpush v10, $0x0;
	_ =	sdelay $0xe  }
0x20f: {  	p1 =	sgt.s32 s25, $0x3F;
	s30 =	spop (v2sf)  }
0x210: {  	p2 =	slt.s32 @!p1 s30, $0x1;
	s25 =	sadd.s32 s25, s30  }
0x211: {  	p1 =	por p2, p1  }
0x212: {  	vm0 =	vne.s32 @!p1 v9, $0x80808080;
	_ =	sdelay $0x1  }
.Ltmp4:
0x213: {  	(pc) =	sbr.rel @p0 .LBB2_11-.Ltmp4, $4  }
0x214: {  	_ = 	snop  }
0x215: {  	v9 =	vlaneseq.u32 @!p1  }
0x216: {  	v9 =	vor.u32 @!p1 s28, v9  }
0x217: {  	s26 =	sadd.s32 $0x10, s26;
	[tilespmem:v8+s29+$0x0 ss:$0x1] =	vst.idx.msk @!p1 vm0, v9  }
0x218: {  	[tilespmem:s22+$0x31C0] =	vst v1  }
0x219: {  	[tilespmem:s22+$0x31D0] =	vst v1  }
0x21a: {  	[tilespmem:s22+$0x31E0] =	vst v1  }
0x21b: {  	[tilespmem:s22+$0x31F0] =	vst v1;
	s24 =	simm.s32 $0x2800  }
0x21c: {  	s23 =	simm.s32 $0x2000;
	v8 =	vld [tilespmem:s24+$0x0]  }
0x21d: {  	v9 =	vld [tilespmem:s23+$0x0];
	_ =	sdelay $0x2  }
0x21e: {  	v6 =	vbroadcast v4, $0x3;
	v7 =	vbroadcast v5, $0x3;
	_ =	sdelay $0x1  }
0x21f: {  	v9 =	vxor.u32 v6, v9;
	v8 =	vxor.u32 v7, v8  }
0x220: {  	v10 =	vsub.s32 $0x1010100, v9;
	v11 =	vsub.s32 $0x1010100, v8  }
0x221: {  	v9 =	vor.u32 v9, v10;
	v8 =	vor.u32 v8, v11  }
0x222: {  	v8 =	vand.u32 v8, v9  }
0x223: {  	v8 =	vand.u32 $0x80808080, v8  }
0x224: {  	vm0 =	vne.s32 v8, $0x80808080  }
0x225: {  	v9 =	vmpcnt.ones.xlane vm0;
	_ =	sdelay $0x1  }
0x226: {  	(v2sf) =	vpush v9, $0x0;
	_ =	sdelay $0xe  }
0x227: {  	p0 =	por $0x0, $0x0;
	s25 =	spop (v2sf)  }
0x228: {  	p1 =	slt.s32 @!p0 s25, $0x1  }
0x229: {  	p0 =	por p1, p0  }
0x22a: {  	s31 =	sadd.s32 $0x31C0, s22;
	vm0 =	vne.s32 @!p0 v8, $0x80808080  }
0x22b: {  	v8 =	vmov s31;
	_ =	sdelay $0x2  }
0x22c: {  	s26 =	simm.s32 $0x0;
	v9 =	vlaneseq.u32 @!p0  }
0x22d: {  	v9 =	vor.u32 @!p0 s26, v9  }
0x22e: {  	s24 =	simm.s32 $0x10;
	s25 =	sadd.s32 $0x0, s25;
	[tilespmem:v8+s26+$0x0 ss:$0x1] =	vst.idx.msk @!p0 vm0, v9;
	s26 =	simm.s32 $0x2810  }
.LBB2_13:
0x22f: {  	v9 =	vld [tilespmem:s26+$0x0];
	s23 =	sadd.s32 $0x10, s23;
	s28 =	smov.u32 s24;
	s29 =	smov.u32 s25  }
0x230: {  	s24 =	sadd.s32 $0x10, s24;
	v10 =	vld [tilespmem:s23+$0x0]  }
0x231: {  	p0 =	sne.s32 s24, $0x800;
	_ =	sdelay $0x3  }
0x232: {  	v9 =	vxor.u32 v7, v9;
	v10 =	vxor.u32 v6, v10  }
0x233: {  	v12 =	vsub.s32 $0x1010100, v9;
	v11 =	vsub.s32 $0x1010100, v10  }
0x234: {  	v9 =	vor.u32 v9, v12;
	v10 =	vor.u32 v10, v11  }
0x235: {  	v9 =	vand.u32 v9, v10  }
0x236: {  	v9 =	vand.u32 $0x80808080, v9  }
0x237: {  	vm0 =	vne.s32 v9, $0x80808080  }
0x238: {  	v10 =	vmpcnt.ones.xlane vm0;
	_ =	sdelay $0x1  }
0x239: {  	(v2sf) =	vpush v10, $0x0;
	_ =	sdelay $0xe  }
0x23a: {  	p1 =	sgt.s32 s25, $0x3F;
	s30 =	spop (v2sf)  }
0x23b: {  	p2 =	slt.s32 @!p1 s30, $0x1;
	s25 =	sadd.s32 s25, s30  }
0x23c: {  	p1 =	por p2, p1  }
0x23d: {  	vm0 =	vne.s32 @!p1 v9, $0x80808080;
	_ =	sdelay $0x1  }
.Ltmp5:
0x23e: {  	(pc) =	sbr.rel @p0 .LBB2_13-.Ltmp5, $4  }
0x23f: {  	_ = 	snop  }
0x240: {  	v9 =	vlaneseq.u32 @!p1  }
0x241: {  	v9 =	vor.u32 @!p1 s28, v9  }
0x242: {  	s26 =	sadd.s32 $0x10, s26;
	[tilespmem:v8+s29+$0x0 ss:$0x1] =	vst.idx.msk @!p1 vm0, v9  }
0x243: {  	[tilespmem:s22+$0x3200] =	vst v1  }
0x244: {  	[tilespmem:s22+$0x3210] =	vst v1  }
0x245: {  	[tilespmem:s22+$0x3220] =	vst v1  }
0x246: {  	[tilespmem:s22+$0x3230] =	vst v1;
	s24 =	simm.s32 $0x2800  }
0x247: {  	s23 =	simm.s32 $0x2000;
	v8 =	vld [tilespmem:s24+$0x0]  }
0x248: {  	v9 =	vld [tilespmem:s23+$0x0];
	_ =	sdelay $0x2  }
0x249: {  	v6 =	vbroadcast v4, $0x4;
	v7 =	vbroadcast v5, $0x4;
	_ =	sdelay $0x1  }
0x24a: {  	v9 =	vxor.u32 v6, v9;
	v8 =	vxor.u32 v7, v8  }
0x24b: {  	v10 =	vsub.s32 $0x1010100, v9;
	v11 =	vsub.s32 $0x1010100, v8  }
0x24c: {  	v9 =	vor.u32 v9, v10;
	v8 =	vor.u32 v8, v11  }
0x24d: {  	v8 =	vand.u32 v8, v9  }
0x24e: {  	v8 =	vand.u32 $0x80808080, v8  }
0x24f: {  	vm0 =	vne.s32 v8, $0x80808080  }
0x250: {  	v9 =	vmpcnt.ones.xlane vm0;
	_ =	sdelay $0x1  }
0x251: {  	(v2sf) =	vpush v9, $0x0;
	_ =	sdelay $0xe  }
0x252: {  	p0 =	por $0x0, $0x0;
	s25 =	spop (v2sf)  }
0x253: {  	p1 =	slt.s32 @!p0 s25, $0x1  }
0x254: {  	p0 =	por p1, p0  }
0x255: {  	s31 =	sadd.s32 $0x3200, s22;
	vm0 =	vne.s32 @!p0 v8, $0x80808080  }
0x256: {  	v8 =	vmov s31;
	_ =	sdelay $0x2  }
0x257: {  	s26 =	simm.s32 $0x0;
	v9 =	vlaneseq.u32 @!p0  }
0x258: {  	v9 =	vor.u32 @!p0 s26, v9  }
0x259: {  	s24 =	simm.s32 $0x10;
	s25 =	sadd.s32 $0x0, s25;
	[tilespmem:v8+s26+$0x0 ss:$0x1] =	vst.idx.msk @!p0 vm0, v9;
	s26 =	simm.s32 $0x2810  }
.LBB2_15:
0x25a: {  	v9 =	vld [tilespmem:s26+$0x0];
	s23 =	sadd.s32 $0x10, s23;
	s28 =	smov.u32 s24;
	s29 =	smov.u32 s25  }
0x25b: {  	s24 =	sadd.s32 $0x10, s24;
	v10 =	vld [tilespmem:s23+$0x0]  }
0x25c: {  	p0 =	sne.s32 s24, $0x800;
	_ =	sdelay $0x3  }
0x25d: {  	v9 =	vxor.u32 v7, v9;
	v10 =	vxor.u32 v6, v10  }
0x25e: {  	v12 =	vsub.s32 $0x1010100, v9;
	v11 =	vsub.s32 $0x1010100, v10  }
0x25f: {  	v9 =	vor.u32 v9, v12;
	v10 =	vor.u32 v10, v11  }
0x260: {  	v9 =	vand.u32 v9, v10  }
0x261: {  	v9 =	vand.u32 $0x80808080, v9  }
0x262: {  	vm0 =	vne.s32 v9, $0x80808080  }
0x263: {  	v10 =	vmpcnt.ones.xlane vm0;
	_ =	sdelay $0x1  }
0x264: {  	(v2sf) =	vpush v10, $0x0;
	_ =	sdelay $0xe  }
0x265: {  	p1 =	sgt.s32 s25, $0x3F;
	s30 =	spop (v2sf)  }
0x266: {  	p2 =	slt.s32 @!p1 s30, $0x1;
	s25 =	sadd.s32 s25, s30  }
0x267: {  	p1 =	por p2, p1  }
0x268: {  	vm0 =	vne.s32 @!p1 v9, $0x80808080;
	_ =	sdelay $0x1  }
.Ltmp6:
0x269: {  	(pc) =	sbr.rel @p0 .LBB2_15-.Ltmp6, $4  }
0x26a: {  	_ = 	snop  }
0x26b: {  	v9 =	vlaneseq.u32 @!p1  }
0x26c: {  	v9 =	vor.u32 @!p1 s28, v9  }
0x26d: {  	s26 =	sadd.s32 $0x10, s26;
	[tilespmem:v8+s29+$0x0 ss:$0x1] =	vst.idx.msk @!p1 vm0, v9  }
0x26e: {  	[tilespmem:s22+$0x3240] =	vst v1  }
0x26f: {  	[tilespmem:s22+$0x3250] =	vst v1  }
0x270: {  	[tilespmem:s22+$0x3260] =	vst v1  }
0x271: {  	[tilespmem:s22+$0x3270] =	vst v1;
	s24 =	simm.s32 $0x2800  }
0x272: {  	s23 =	simm.s32 $0x2000;
	v8 =	vld [tilespmem:s24+$0x0]  }
0x273: {  	v9 =	vld [tilespmem:s23+$0x0];
	_ =	sdelay $0x2  }
0x274: {  	v6 =	vbroadcast v4, $0x5;
	v7 =	vbroadcast v5, $0x5;
	_ =	sdelay $0x1  }
0x275: {  	v9 =	vxor.u32 v6, v9;
	v8 =	vxor.u32 v7, v8  }
0x276: {  	v10 =	vsub.s32 $0x1010100, v9;
	v11 =	vsub.s32 $0x1010100, v8  }
0x277: {  	v9 =	vor.u32 v9, v10;
	v8 =	vor.u32 v8, v11  }
0x278: {  	v8 =	vand.u32 v8, v9  }
0x279: {  	v8 =	vand.u32 $0x80808080, v8  }
0x27a: {  	vm0 =	vne.s32 v8, $0x80808080  }
0x27b: {  	v9 =	vmpcnt.ones.xlane vm0;
	_ =	sdelay $0x1  }
0x27c: {  	(v2sf) =	vpush v9, $0x0;
	_ =	sdelay $0xe  }
0x27d: {  	p0 =	por $0x0, $0x0;
	s25 =	spop (v2sf)  }
0x27e: {  	p1 =	slt.s32 @!p0 s25, $0x1  }
0x27f: {  	p0 =	por p1, p0  }
0x280: {  	s31 =	sadd.s32 $0x3240, s22;
	vm0 =	vne.s32 @!p0 v8, $0x80808080  }
0x281: {  	v8 =	vmov s31;
	_ =	sdelay $0x2  }
0x282: {  	s26 =	simm.s32 $0x0;
	v9 =	vlaneseq.u32 @!p0  }
0x283: {  	v9 =	vor.u32 @!p0 s26, v9  }
0x284: {  	s24 =	simm.s32 $0x10;
	s25 =	sadd.s32 $0x0, s25;
	[tilespmem:v8+s26+$0x0 ss:$0x1] =	vst.idx.msk @!p0 vm0, v9;
	s26 =	simm.s32 $0x2810  }
.LBB2_17:
0x285: {  	v9 =	vld [tilespmem:s26+$0x0];
	s23 =	sadd.s32 $0x10, s23;
	s28 =	smov.u32 s24;
	s29 =	smov.u32 s25  }
0x286: {  	s24 =	sadd.s32 $0x10, s24;
	v10 =	vld [tilespmem:s23+$0x0]  }
0x287: {  	p0 =	sne.s32 s24, $0x800;
	_ =	sdelay $0x3  }
0x288: {  	v9 =	vxor.u32 v7, v9;
	v10 =	vxor.u32 v6, v10  }
0x289: {  	v12 =	vsub.s32 $0x1010100, v9;
	v11 =	vsub.s32 $0x1010100, v10  }
0x28a: {  	v9 =	vor.u32 v9, v12;
	v10 =	vor.u32 v10, v11  }
0x28b: {  	v9 =	vand.u32 v9, v10  }
0x28c: {  	v9 =	vand.u32 $0x80808080, v9  }
0x28d: {  	vm0 =	vne.s32 v9, $0x80808080  }
0x28e: {  	v10 =	vmpcnt.ones.xlane vm0;
	_ =	sdelay $0x1  }
0x28f: {  	(v2sf) =	vpush v10, $0x0;
	_ =	sdelay $0xe  }
0x290: {  	p1 =	sgt.s32 s25, $0x3F;
	s30 =	spop (v2sf)  }
0x291: {  	p2 =	slt.s32 @!p1 s30, $0x1;
	s25 =	sadd.s32 s25, s30  }
0x292: {  	p1 =	por p2, p1  }
0x293: {  	vm0 =	vne.s32 @!p1 v9, $0x80808080;
	_ =	sdelay $0x1  }
.Ltmp7:
0x294: {  	(pc) =	sbr.rel @p0 .LBB2_17-.Ltmp7, $4  }
0x295: {  	_ = 	snop  }
0x296: {  	v9 =	vlaneseq.u32 @!p1  }
0x297: {  	v9 =	vor.u32 @!p1 s28, v9  }
0x298: {  	s26 =	sadd.s32 $0x10, s26;
	[tilespmem:v8+s29+$0x0 ss:$0x1] =	vst.idx.msk @!p1 vm0, v9  }
0x299: {  	[tilespmem:s22+$0x3280] =	vst v1  }
0x29a: {  	[tilespmem:s22+$0x3290] =	vst v1  }
0x29b: {  	[tilespmem:s22+$0x32A0] =	vst v1  }
0x29c: {  	[tilespmem:s22+$0x32B0] =	vst v1;
	s24 =	simm.s32 $0x2800  }
0x29d: {  	s23 =	simm.s32 $0x2000;
	v8 =	vld [tilespmem:s24+$0x0]  }
0x29e: {  	v9 =	vld [tilespmem:s23+$0x0];
	_ =	sdelay $0x2  }
0x29f: {  	v6 =	vbroadcast v4, $0x6;
	v7 =	vbroadcast v5, $0x6;
	_ =	sdelay $0x1  }
0x2a0: {  	v9 =	vxor.u32 v6, v9;
	v8 =	vxor.u32 v7, v8  }
0x2a1: {  	v10 =	vsub.s32 $0x1010100, v9;
	v11 =	vsub.s32 $0x1010100, v8  }
0x2a2: {  	v9 =	vor.u32 v9, v10;
	v8 =	vor.u32 v8, v11  }
0x2a3: {  	v8 =	vand.u32 v8, v9  }
0x2a4: {  	v8 =	vand.u32 $0x80808080, v8  }
0x2a5: {  	vm0 =	vne.s32 v8, $0x80808080  }
0x2a6: {  	v9 =	vmpcnt.ones.xlane vm0;
	_ =	sdelay $0x1  }
0x2a7: {  	(v2sf) =	vpush v9, $0x0;
	_ =	sdelay $0xe  }
0x2a8: {  	p0 =	por $0x0, $0x0;
	s25 =	spop (v2sf)  }
0x2a9: {  	p1 =	slt.s32 @!p0 s25, $0x1  }
0x2aa: {  	p0 =	por p1, p0  }
0x2ab: {  	s31 =	sadd.s32 $0x3280, s22;
	vm0 =	vne.s32 @!p0 v8, $0x80808080  }
0x2ac: {  	v8 =	vmov s31;
	_ =	sdelay $0x2  }
0x2ad: {  	s26 =	simm.s32 $0x0;
	v9 =	vlaneseq.u32 @!p0  }
0x2ae: {  	v9 =	vor.u32 @!p0 s26, v9  }
0x2af: {  	s24 =	simm.s32 $0x10;
	s25 =	sadd.s32 $0x0, s25;
	[tilespmem:v8+s26+$0x0 ss:$0x1] =	vst.idx.msk @!p0 vm0, v9;
	s26 =	simm.s32 $0x2810  }
.LBB2_19:
0x2b0: {  	v9 =	vld [tilespmem:s26+$0x0];
	s23 =	sadd.s32 $0x10, s23;
	s28 =	smov.u32 s24;
	s29 =	smov.u32 s25  }
0x2b1: {  	s24 =	sadd.s32 $0x10, s24;
	v10 =	vld [tilespmem:s23+$0x0]  }
0x2b2: {  	p0 =	sne.s32 s24, $0x800;
	_ =	sdelay $0x3  }
0x2b3: {  	v9 =	vxor.u32 v7, v9;
	v10 =	vxor.u32 v6, v10  }
0x2b4: {  	v12 =	vsub.s32 $0x1010100, v9;
	v11 =	vsub.s32 $0x1010100, v10  }
0x2b5: {  	v9 =	vor.u32 v9, v12;
	v10 =	vor.u32 v10, v11  }
0x2b6: {  	v9 =	vand.u32 v9, v10  }
0x2b7: {  	v9 =	vand.u32 $0x80808080, v9  }
0x2b8: {  	vm0 =	vne.s32 v9, $0x80808080  }
0x2b9: {  	v10 =	vmpcnt.ones.xlane vm0;
	_ =	sdelay $0x1  }
0x2ba: {  	(v2sf) =	vpush v10, $0x0;
	_ =	sdelay $0xe  }
0x2bb: {  	p1 =	sgt.s32 s25, $0x3F;
	s30 =	spop (v2sf)  }
0x2bc: {  	p2 =	slt.s32 @!p1 s30, $0x1;
	s25 =	sadd.s32 s25, s30  }
0x2bd: {  	p1 =	por p2, p1  }
0x2be: {  	vm0 =	vne.s32 @!p1 v9, $0x80808080;
	_ =	sdelay $0x1  }
.Ltmp8:
0x2bf: {  	(pc) =	sbr.rel @p0 .LBB2_19-.Ltmp8, $4  }
0x2c0: {  	_ = 	snop  }
0x2c1: {  	v9 =	vlaneseq.u32 @!p1  }
0x2c2: {  	v9 =	vor.u32 @!p1 s28, v9  }
0x2c3: {  	s26 =	sadd.s32 $0x10, s26;
	[tilespmem:v8+s29+$0x0 ss:$0x1] =	vst.idx.msk @!p1 vm0, v9  }
0x2c4: {  	[tilespmem:s22+$0x32C0] =	vst v1  }
0x2c5: {  	[tilespmem:s22+$0x32D0] =	vst v1  }
0x2c6: {  	[tilespmem:s22+$0x32E0] =	vst v1  }
0x2c7: {  	[tilespmem:s22+$0x32F0] =	vst v1;
	s24 =	simm.s32 $0x2800  }
0x2c8: {  	s23 =	simm.s32 $0x2000;
	v8 =	vld [tilespmem:s24+$0x0]  }
0x2c9: {  	v9 =	vld [tilespmem:s23+$0x0];
	_ =	sdelay $0x2  }
0x2ca: {  	v6 =	vbroadcast v4, $0x7;
	v7 =	vbroadcast v5, $0x7;
	_ =	sdelay $0x1  }
0x2cb: {  	v9 =	vxor.u32 v6, v9;
	v8 =	vxor.u32 v7, v8  }
0x2cc: {  	v10 =	vsub.s32 $0x1010100, v9;
	v11 =	vsub.s32 $0x1010100, v8  }
0x2cd: {  	v9 =	vor.u32 v9, v10;
	v8 =	vor.u32 v8, v11  }
0x2ce: {  	v8 =	vand.u32 v8, v9  }
0x2cf: {  	v8 =	vand.u32 $0x80808080, v8  }
0x2d0: {  	vm0 =	vne.s32 v8, $0x80808080  }
0x2d1: {  	v9 =	vmpcnt.ones.xlane vm0;
	_ =	sdelay $0x1  }
0x2d2: {  	(v2sf) =	vpush v9, $0x0;
	_ =	sdelay $0xe  }
0x2d3: {  	p0 =	por $0x0, $0x0;
	s25 =	spop (v2sf)  }
0x2d4: {  	p1 =	slt.s32 @!p0 s25, $0x1  }
0x2d5: {  	p0 =	por p1, p0  }
0x2d6: {  	s31 =	sadd.s32 $0x32C0, s22;
	vm0 =	vne.s32 @!p0 v8, $0x80808080  }
0x2d7: {  	v8 =	vmov s31;
	_ =	sdelay $0x2  }
0x2d8: {  	s26 =	simm.s32 $0x0;
	v9 =	vlaneseq.u32 @!p0  }
0x2d9: {  	v9 =	vor.u32 @!p0 s26, v9  }
0x2da: {  	s24 =	simm.s32 $0x10;
	s25 =	sadd.s32 $0x0, s25;
	[tilespmem:v8+s26+$0x0 ss:$0x1] =	vst.idx.msk @!p0 vm0, v9;
	s26 =	simm.s32 $0x2810  }
.LBB2_21:
0x2db: {  	v9 =	vld [tilespmem:s26+$0x0];
	s23 =	sadd.s32 $0x10, s23;
	s28 =	smov.u32 s24;
	s29 =	smov.u32 s25  }
0x2dc: {  	s24 =	sadd.s32 $0x10, s24;
	v10 =	vld [tilespmem:s23+$0x0]  }
0x2dd: {  	p0 =	sne.s32 s24, $0x800;
	_ =	sdelay $0x3  }
0x2de: {  	v9 =	vxor.u32 v7, v9;
	v10 =	vxor.u32 v6, v10  }
0x2df: {  	v12 =	vsub.s32 $0x1010100, v9;
	v11 =	vsub.s32 $0x1010100, v10  }
0x2e0: {  	v9 =	vor.u32 v9, v12;
	v10 =	vor.u32 v10, v11  }
0x2e1: {  	v9 =	vand.u32 v9, v10  }
0x2e2: {  	v9 =	vand.u32 $0x80808080, v9  }
0x2e3: {  	vm0 =	vne.s32 v9, $0x80808080  }
0x2e4: {  	v10 =	vmpcnt.ones.xlane vm0;
	_ =	sdelay $0x1  }
0x2e5: {  	(v2sf) =	vpush v10, $0x0;
	_ =	sdelay $0xe  }
0x2e6: {  	p1 =	sgt.s32 s25, $0x3F;
	s30 =	spop (v2sf)  }
0x2e7: {  	p2 =	slt.s32 @!p1 s30, $0x1;
	s25 =	sadd.s32 s25, s30  }
0x2e8: {  	p1 =	por p2, p1  }
0x2e9: {  	vm0 =	vne.s32 @!p1 v9, $0x80808080;
	_ =	sdelay $0x1  }
.Ltmp9:
0x2ea: {  	(pc) =	sbr.rel @p0 .LBB2_21-.Ltmp9, $4  }
0x2eb: {  	_ = 	snop  }
0x2ec: {  	v9 =	vlaneseq.u32 @!p1  }
0x2ed: {  	v9 =	vor.u32 @!p1 s28, v9  }
0x2ee: {  	s26 =	sadd.s32 $0x10, s26;
	[tilespmem:v8+s29+$0x0 ss:$0x1] =	vst.idx.msk @!p1 vm0, v9  }
0x2ef: {  	[tilespmem:s22+$0x3300] =	vst v1  }
0x2f0: {  	[tilespmem:s22+$0x3310] =	vst v1  }
0x2f1: {  	[tilespmem:s22+$0x3320] =	vst v1  }
0x2f2: {  	[tilespmem:s22+$0x3330] =	vst v1;
	s24 =	simm.s32 $0x2800  }
0x2f3: {  	s23 =	simm.s32 $0x2000;
	v8 =	vld [tilespmem:s24+$0x0]  }
0x2f4: {  	v9 =	vld [tilespmem:s23+$0x0];
	_ =	sdelay $0x2  }
0x2f5: {  	v6 =	vbroadcast v4, $0x8;
	v7 =	vbroadcast v5, $0x8;
	_ =	sdelay $0x1  }
0x2f6: {  	v9 =	vxor.u32 v6, v9;
	v8 =	vxor.u32 v7, v8  }
0x2f7: {  	v10 =	vsub.s32 $0x1010100, v9;
	v11 =	vsub.s32 $0x1010100, v8  }
0x2f8: {  	v9 =	vor.u32 v9, v10;
	v8 =	vor.u32 v8, v11  }
0x2f9: {  	v8 =	vand.u32 v8, v9  }
0x2fa: {  	v8 =	vand.u32 $0x80808080, v8  }
0x2fb: {  	vm0 =	vne.s32 v8, $0x80808080  }
0x2fc: {  	v9 =	vmpcnt.ones.xlane vm0;
	_ =	sdelay $0x1  }
0x2fd: {  	(v2sf) =	vpush v9, $0x0;
	_ =	sdelay $0xe  }
0x2fe: {  	p0 =	por $0x0, $0x0;
	s25 =	spop (v2sf)  }
0x2ff: {  	p1 =	slt.s32 @!p0 s25, $0x1  }
0x300: {  	p0 =	por p1, p0  }
0x301: {  	s31 =	sadd.s32 $0x3300, s22;
	vm0 =	vne.s32 @!p0 v8, $0x80808080  }
0x302: {  	v8 =	vmov s31;
	_ =	sdelay $0x2  }
0x303: {  	s26 =	simm.s32 $0x0;
	v9 =	vlaneseq.u32 @!p0  }
0x304: {  	v9 =	vor.u32 @!p0 s26, v9  }
0x305: {  	s24 =	simm.s32 $0x10;
	s25 =	sadd.s32 $0x0, s25;
	[tilespmem:v8+s26+$0x0 ss:$0x1] =	vst.idx.msk @!p0 vm0, v9;
	s26 =	simm.s32 $0x2810  }
.LBB2_23:
0x306: {  	v9 =	vld [tilespmem:s26+$0x0];
	s23 =	sadd.s32 $0x10, s23;
	s28 =	smov.u32 s24;
	s29 =	smov.u32 s25  }
0x307: {  	s24 =	sadd.s32 $0x10, s24;
	v10 =	vld [tilespmem:s23+$0x0]  }
0x308: {  	p0 =	sne.s32 s24, $0x800;
	_ =	sdelay $0x3  }
0x309: {  	v9 =	vxor.u32 v7, v9;
	v10 =	vxor.u32 v6, v10  }
0x30a: {  	v12 =	vsub.s32 $0x1010100, v9;
	v11 =	vsub.s32 $0x1010100, v10  }
0x30b: {  	v9 =	vor.u32 v9, v12;
	v10 =	vor.u32 v10, v11  }
0x30c: {  	v9 =	vand.u32 v9, v10  }
0x30d: {  	v9 =	vand.u32 $0x80808080, v9  }
0x30e: {  	vm0 =	vne.s32 v9, $0x80808080  }
0x30f: {  	v10 =	vmpcnt.ones.xlane vm0;
	_ =	sdelay $0x1  }
0x310: {  	(v2sf) =	vpush v10, $0x0;
	_ =	sdelay $0xe  }
0x311: {  	p1 =	sgt.s32 s25, $0x3F;
	s30 =	spop (v2sf)  }
0x312: {  	p2 =	slt.s32 @!p1 s30, $0x1;
	s25 =	sadd.s32 s25, s30  }
0x313: {  	p1 =	por p2, p1  }
0x314: {  	vm0 =	vne.s32 @!p1 v9, $0x80808080;
	_ =	sdelay $0x1  }
.Ltmp10:
0x315: {  	(pc) =	sbr.rel @p0 .LBB2_23-.Ltmp10, $4  }
0x316: {  	_ = 	snop  }
0x317: {  	v9 =	vlaneseq.u32 @!p1  }
0x318: {  	v9 =	vor.u32 @!p1 s28, v9  }
0x319: {  	s26 =	sadd.s32 $0x10, s26;
	[tilespmem:v8+s29+$0x0 ss:$0x1] =	vst.idx.msk @!p1 vm0, v9  }
0x31a: {  	[tilespmem:s22+$0x3340] =	vst v1  }
0x31b: {  	[tilespmem:s22+$0x3350] =	vst v1  }
0x31c: {  	[tilespmem:s22+$0x3360] =	vst v1  }
0x31d: {  	[tilespmem:s22+$0x3370] =	vst v1;
	s24 =	simm.s32 $0x2800  }
0x31e: {  	s23 =	simm.s32 $0x2000;
	v8 =	vld [tilespmem:s24+$0x0]  }
0x31f: {  	v9 =	vld [tilespmem:s23+$0x0];
	_ =	sdelay $0x2  }
0x320: {  	v6 =	vbroadcast v4, $0x9;
	v7 =	vbroadcast v5, $0x9;
	_ =	sdelay $0x1  }
0x321: {  	v9 =	vxor.u32 v6, v9;
	v8 =	vxor.u32 v7, v8  }
0x322: {  	v10 =	vsub.s32 $0x1010100, v9;
	v11 =	vsub.s32 $0x1010100, v8  }
0x323: {  	v9 =	vor.u32 v9, v10;
	v8 =	vor.u32 v8, v11  }
0x324: {  	v8 =	vand.u32 v8, v9  }
0x325: {  	v8 =	vand.u32 $0x80808080, v8  }
0x326: {  	vm0 =	vne.s32 v8, $0x80808080  }
0x327: {  	v9 =	vmpcnt.ones.xlane vm0;
	_ =	sdelay $0x1  }
0x328: {  	(v2sf) =	vpush v9, $0x0;
	_ =	sdelay $0xe  }
0x329: {  	p0 =	por $0x0, $0x0;
	s25 =	spop (v2sf)  }
0x32a: {  	p1 =	slt.s32 @!p0 s25, $0x1  }
0x32b: {  	p0 =	por p1, p0  }
0x32c: {  	s31 =	sadd.s32 $0x3340, s22;
	vm0 =	vne.s32 @!p0 v8, $0x80808080  }
0x32d: {  	v8 =	vmov s31;
	_ =	sdelay $0x2  }
0x32e: {  	s26 =	simm.s32 $0x0;
	v9 =	vlaneseq.u32 @!p0  }
0x32f: {  	v9 =	vor.u32 @!p0 s26, v9  }
0x330: {  	s24 =	simm.s32 $0x10;
	s25 =	sadd.s32 $0x0, s25;
	[tilespmem:v8+s26+$0x0 ss:$0x1] =	vst.idx.msk @!p0 vm0, v9;
	s26 =	simm.s32 $0x2810  }
.LBB2_25:
0x331: {  	v9 =	vld [tilespmem:s26+$0x0];
	s23 =	sadd.s32 $0x10, s23;
	s28 =	smov.u32 s24;
	s29 =	smov.u32 s25  }
0x332: {  	s24 =	sadd.s32 $0x10, s24;
	v10 =	vld [tilespmem:s23+$0x0]  }
0x333: {  	p0 =	sne.s32 s24, $0x800;
	_ =	sdelay $0x3  }
0x334: {  	v9 =	vxor.u32 v7, v9;
	v10 =	vxor.u32 v6, v10  }
0x335: {  	v12 =	vsub.s32 $0x1010100, v9;
	v11 =	vsub.s32 $0x1010100, v10  }
0x336: {  	v9 =	vor.u32 v9, v12;
	v10 =	vor.u32 v10, v11  }
0x337: {  	v9 =	vand.u32 v9, v10  }
0x338: {  	v9 =	vand.u32 $0x80808080, v9  }
0x339: {  	vm0 =	vne.s32 v9, $0x80808080  }
0x33a: {  	v10 =	vmpcnt.ones.xlane vm0;
	_ =	sdelay $0x1  }
0x33b: {  	(v2sf) =	vpush v10, $0x0;
	_ =	sdelay $0xe  }
0x33c: {  	p1 =	sgt.s32 s25, $0x3F;
	s30 =	spop (v2sf)  }
0x33d: {  	p2 =	slt.s32 @!p1 s30, $0x1;
	s25 =	sadd.s32 s25, s30  }
0x33e: {  	p1 =	por p2, p1  }
0x33f: {  	vm0 =	vne.s32 @!p1 v9, $0x80808080;
	_ =	sdelay $0x1  }
.Ltmp11:
0x340: {  	(pc) =	sbr.rel @p0 .LBB2_25-.Ltmp11, $4  }
0x341: {  	_ = 	snop  }
0x342: {  	v9 =	vlaneseq.u32 @!p1  }
0x343: {  	v9 =	vor.u32 @!p1 s28, v9  }
0x344: {  	s26 =	sadd.s32 $0x10, s26;
	[tilespmem:v8+s29+$0x0 ss:$0x1] =	vst.idx.msk @!p1 vm0, v9  }
0x345: {  	[tilespmem:s22+$0x3380] =	vst v1  }
0x346: {  	[tilespmem:s22+$0x3390] =	vst v1  }
0x347: {  	[tilespmem:s22+$0x33A0] =	vst v1  }
0x348: {  	[tilespmem:s22+$0x33B0] =	vst v1;
	s24 =	simm.s32 $0x2800  }
0x349: {  	s23 =	simm.s32 $0x2000;
	v8 =	vld [tilespmem:s24+$0x0]  }
0x34a: {  	v9 =	vld [tilespmem:s23+$0x0];
	_ =	sdelay $0x2  }
0x34b: {  	v6 =	vbroadcast v4, $0xA;
	v7 =	vbroadcast v5, $0xA;
	_ =	sdelay $0x1  }
0x34c: {  	v9 =	vxor.u32 v6, v9;
	v8 =	vxor.u32 v7, v8  }
0x34d: {  	v10 =	vsub.s32 $0x1010100, v9;
	v11 =	vsub.s32 $0x1010100, v8  }
0x34e: {  	v9 =	vor.u32 v9, v10;
	v8 =	vor.u32 v8, v11  }
0x34f: {  	v8 =	vand.u32 v8, v9  }
0x350: {  	v8 =	vand.u32 $0x80808080, v8  }
0x351: {  	vm0 =	vne.s32 v8, $0x80808080  }
0x352: {  	v9 =	vmpcnt.ones.xlane vm0;
	_ =	sdelay $0x1  }
0x353: {  	(v2sf) =	vpush v9, $0x0;
	_ =	sdelay $0xe  }
0x354: {  	p0 =	por $0x0, $0x0;
	s25 =	spop (v2sf)  }
0x355: {  	p1 =	slt.s32 @!p0 s25, $0x1  }
0x356: {  	p0 =	por p1, p0  }
0x357: {  	s31 =	sadd.s32 $0x3380, s22;
	vm0 =	vne.s32 @!p0 v8, $0x80808080  }
0x358: {  	v8 =	vmov s31;
	_ =	sdelay $0x2  }
0x359: {  	s26 =	simm.s32 $0x0;
	v9 =	vlaneseq.u32 @!p0  }
0x35a: {  	v9 =	vor.u32 @!p0 s26, v9  }
0x35b: {  	s24 =	simm.s32 $0x10;
	s25 =	sadd.s32 $0x0, s25;
	[tilespmem:v8+s26+$0x0 ss:$0x1] =	vst.idx.msk @!p0 vm0, v9;
	s26 =	simm.s32 $0x2810  }
.LBB2_27:
0x35c: {  	v9 =	vld [tilespmem:s26+$0x0];
	s23 =	sadd.s32 $0x10, s23;
	s28 =	smov.u32 s24;
	s29 =	smov.u32 s25  }
0x35d: {  	s24 =	sadd.s32 $0x10, s24;
	v10 =	vld [tilespmem:s23+$0x0]  }
0x35e: {  	p0 =	sne.s32 s24, $0x800;
	_ =	sdelay $0x3  }
0x35f: {  	v9 =	vxor.u32 v7, v9;
	v10 =	vxor.u32 v6, v10  }
0x360: {  	v12 =	vsub.s32 $0x1010100, v9;
	v11 =	vsub.s32 $0x1010100, v10  }
0x361: {  	v9 =	vor.u32 v9, v12;
	v10 =	vor.u32 v10, v11  }
0x362: {  	v9 =	vand.u32 v9, v10  }
0x363: {  	v9 =	vand.u32 $0x80808080, v9  }
0x364: {  	vm0 =	vne.s32 v9, $0x80808080  }
0x365: {  	v10 =	vmpcnt.ones.xlane vm0;
	_ =	sdelay $0x1  }
0x366: {  	(v2sf) =	vpush v10, $0x0;
	_ =	sdelay $0xe  }
0x367: {  	p1 =	sgt.s32 s25, $0x3F;
	s30 =	spop (v2sf)  }
0x368: {  	p2 =	slt.s32 @!p1 s30, $0x1;
	s25 =	sadd.s32 s25, s30  }
0x369: {  	p1 =	por p2, p1  }
0x36a: {  	vm0 =	vne.s32 @!p1 v9, $0x80808080;
	_ =	sdelay $0x1  }
.Ltmp12:
0x36b: {  	(pc) =	sbr.rel @p0 .LBB2_27-.Ltmp12, $4  }
0x36c: {  	_ = 	snop  }
0x36d: {  	v9 =	vlaneseq.u32 @!p1  }
0x36e: {  	v9 =	vor.u32 @!p1 s28, v9  }
0x36f: {  	s26 =	sadd.s32 $0x10, s26;
	[tilespmem:v8+s29+$0x0 ss:$0x1] =	vst.idx.msk @!p1 vm0, v9  }
0x370: {  	[tilespmem:s22+$0x33C0] =	vst v1  }
0x371: {  	[tilespmem:s22+$0x33D0] =	vst v1  }
0x372: {  	[tilespmem:s22+$0x33E0] =	vst v1  }
0x373: {  	[tilespmem:s22+$0x33F0] =	vst v1;
	s24 =	simm.s32 $0x2800  }
0x374: {  	s23 =	simm.s32 $0x2000;
	v8 =	vld [tilespmem:s24+$0x0]  }
0x375: {  	v9 =	vld [tilespmem:s23+$0x0];
	_ =	sdelay $0x2  }
0x376: {  	v6 =	vbroadcast v4, $0xB;
	v7 =	vbroadcast v5, $0xB;
	_ =	sdelay $0x1  }
0x377: {  	v9 =	vxor.u32 v6, v9;
	v8 =	vxor.u32 v7, v8  }
0x378: {  	v10 =	vsub.s32 $0x1010100, v9;
	v11 =	vsub.s32 $0x1010100, v8  }
0x379: {  	v9 =	vor.u32 v9, v10;
	v8 =	vor.u32 v8, v11  }
0x37a: {  	v8 =	vand.u32 v8, v9  }
0x37b: {  	v8 =	vand.u32 $0x80808080, v8  }
0x37c: {  	vm0 =	vne.s32 v8, $0x80808080  }
0x37d: {  	v9 =	vmpcnt.ones.xlane vm0;
	_ =	sdelay $0x1  }
0x37e: {  	(v2sf) =	vpush v9, $0x0;
	_ =	sdelay $0xe  }
0x37f: {  	p0 =	por $0x0, $0x0;
	s25 =	spop (v2sf)  }
0x380: {  	p1 =	slt.s32 @!p0 s25, $0x1  }
0x381: {  	p0 =	por p1, p0  }
0x382: {  	s31 =	sadd.s32 $0x33C0, s22;
	vm0 =	vne.s32 @!p0 v8, $0x80808080  }
0x383: {  	v8 =	vmov s31;
	_ =	sdelay $0x2  }
0x384: {  	s26 =	simm.s32 $0x0;
	v9 =	vlaneseq.u32 @!p0  }
0x385: {  	v9 =	vor.u32 @!p0 s26, v9  }
0x386: {  	s24 =	simm.s32 $0x10;
	s25 =	sadd.s32 $0x0, s25;
	[tilespmem:v8+s26+$0x0 ss:$0x1] =	vst.idx.msk @!p0 vm0, v9;
	s26 =	simm.s32 $0x2810  }
.LBB2_29:
0x387: {  	v9 =	vld [tilespmem:s26+$0x0];
	s23 =	sadd.s32 $0x10, s23;
	s28 =	smov.u32 s24;
	s29 =	smov.u32 s25  }
0x388: {  	s24 =	sadd.s32 $0x10, s24;
	v10 =	vld [tilespmem:s23+$0x0]  }
0x389: {  	p0 =	sne.s32 s24, $0x800;
	_ =	sdelay $0x3  }
0x38a: {  	v9 =	vxor.u32 v7, v9;
	v10 =	vxor.u32 v6, v10  }
0x38b: {  	v12 =	vsub.s32 $0x1010100, v9;
	v11 =	vsub.s32 $0x1010100, v10  }
0x38c: {  	v9 =	vor.u32 v9, v12;
	v10 =	vor.u32 v10, v11  }
0x38d: {  	v9 =	vand.u32 v9, v10  }
0x38e: {  	v9 =	vand.u32 $0x80808080, v9  }
0x38f: {  	vm0 =	vne.s32 v9, $0x80808080  }
0x390: {  	v10 =	vmpcnt.ones.xlane vm0;
	_ =	sdelay $0x1  }
0x391: {  	(v2sf) =	vpush v10, $0x0;
	_ =	sdelay $0xe  }
0x392: {  	p1 =	sgt.s32 s25, $0x3F;
	s30 =	spop (v2sf)  }
0x393: {  	p2 =	slt.s32 @!p1 s30, $0x1;
	s25 =	sadd.s32 s25, s30  }
0x394: {  	p1 =	por p2, p1  }
0x395: {  	vm0 =	vne.s32 @!p1 v9, $0x80808080;
	_ =	sdelay $0x1  }
.Ltmp13:
0x396: {  	(pc) =	sbr.rel @p0 .LBB2_29-.Ltmp13, $4  }
0x397: {  	_ = 	snop  }
0x398: {  	v9 =	vlaneseq.u32 @!p1  }
0x399: {  	v9 =	vor.u32 @!p1 s28, v9  }
0x39a: {  	s26 =	sadd.s32 $0x10, s26;
	[tilespmem:v8+s29+$0x0 ss:$0x1] =	vst.idx.msk @!p1 vm0, v9  }
0x39b: {  	[tilespmem:s22+$0x3400] =	vst v1  }
0x39c: {  	[tilespmem:s22+$0x3410] =	vst v1  }
0x39d: {  	[tilespmem:s22+$0x3420] =	vst v1  }
0x39e: {  	[tilespmem:s22+$0x3430] =	vst v1;
	s24 =	simm.s32 $0x2800  }
0x39f: {  	s23 =	simm.s32 $0x2000;
	v8 =	vld [tilespmem:s24+$0x0]  }
0x3a0: {  	v9 =	vld [tilespmem:s23+$0x0];
	_ =	sdelay $0x2  }
0x3a1: {  	v6 =	vbroadcast v4, $0xC;
	v7 =	vbroadcast v5, $0xC;
	_ =	sdelay $0x1  }
0x3a2: {  	v9 =	vxor.u32 v6, v9;
	v8 =	vxor.u32 v7, v8  }
0x3a3: {  	v10 =	vsub.s32 $0x1010100, v9;
	v11 =	vsub.s32 $0x1010100, v8  }
0x3a4: {  	v9 =	vor.u32 v9, v10;
	v8 =	vor.u32 v8, v11  }
0x3a5: {  	v8 =	vand.u32 v8, v9  }
0x3a6: {  	v8 =	vand.u32 $0x80808080, v8  }
0x3a7: {  	vm0 =	vne.s32 v8, $0x80808080  }
0x3a8: {  	v9 =	vmpcnt.ones.xlane vm0;
	_ =	sdelay $0x1  }
0x3a9: {  	(v2sf) =	vpush v9, $0x0;
	_ =	sdelay $0xe  }
0x3aa: {  	p0 =	por $0x0, $0x0;
	s25 =	spop (v2sf)  }
0x3ab: {  	p1 =	slt.s32 @!p0 s25, $0x1  }
0x3ac: {  	p0 =	por p1, p0  }
0x3ad: {  	s31 =	sadd.s32 $0x3400, s22;
	vm0 =	vne.s32 @!p0 v8, $0x80808080  }
0x3ae: {  	v8 =	vmov s31;
	_ =	sdelay $0x2  }
0x3af: {  	s26 =	simm.s32 $0x0;
	v9 =	vlaneseq.u32 @!p0  }
0x3b0: {  	v9 =	vor.u32 @!p0 s26, v9  }
0x3b1: {  	s24 =	simm.s32 $0x10;
	s25 =	sadd.s32 $0x0, s25;
	[tilespmem:v8+s26+$0x0 ss:$0x1] =	vst.idx.msk @!p0 vm0, v9;
	s26 =	simm.s32 $0x2810  }
.LBB2_31:
0x3b2: {  	v9 =	vld [tilespmem:s26+$0x0];
	s23 =	sadd.s32 $0x10, s23;
	s28 =	smov.u32 s24;
	s29 =	smov.u32 s25  }
0x3b3: {  	s24 =	sadd.s32 $0x10, s24;
	v10 =	vld [tilespmem:s23+$0x0]  }
0x3b4: {  	p0 =	sne.s32 s24, $0x800;
	_ =	sdelay $0x3  }
0x3b5: {  	v9 =	vxor.u32 v7, v9;
	v10 =	vxor.u32 v6, v10  }
0x3b6: {  	v12 =	vsub.s32 $0x1010100, v9;
	v11 =	vsub.s32 $0x1010100, v10  }
0x3b7: {  	v9 =	vor.u32 v9, v12;
	v10 =	vor.u32 v10, v11  }
0x3b8: {  	v9 =	vand.u32 v9, v10  }
0x3b9: {  	v9 =	vand.u32 $0x80808080, v9  }
0x3ba: {  	vm0 =	vne.s32 v9, $0x80808080  }
0x3bb: {  	v10 =	vmpcnt.ones.xlane vm0;
	_ =	sdelay $0x1  }
0x3bc: {  	(v2sf) =	vpush v10, $0x0;
	_ =	sdelay $0xe  }
0x3bd: {  	p1 =	sgt.s32 s25, $0x3F;
	s30 =	spop (v2sf)  }
0x3be: {  	p2 =	slt.s32 @!p1 s30, $0x1;
	s25 =	sadd.s32 s25, s30  }
0x3bf: {  	p1 =	por p2, p1  }
0x3c0: {  	vm0 =	vne.s32 @!p1 v9, $0x80808080;
	_ =	sdelay $0x1  }
.Ltmp14:
0x3c1: {  	(pc) =	sbr.rel @p0 .LBB2_31-.Ltmp14, $4  }
0x3c2: {  	_ = 	snop  }
0x3c3: {  	v9 =	vlaneseq.u32 @!p1  }
0x3c4: {  	v9 =	vor.u32 @!p1 s28, v9  }
0x3c5: {  	s26 =	sadd.s32 $0x10, s26;
	[tilespmem:v8+s29+$0x0 ss:$0x1] =	vst.idx.msk @!p1 vm0, v9  }
0x3c6: {  	[tilespmem:s22+$0x3440] =	vst v1  }
0x3c7: {  	[tilespmem:s22+$0x3450] =	vst v1  }
0x3c8: {  	[tilespmem:s22+$0x3460] =	vst v1  }
0x3c9: {  	[tilespmem:s22+$0x3470] =	vst v1;
	s24 =	simm.s32 $0x2800  }
0x3ca: {  	s23 =	simm.s32 $0x2000;
	v8 =	vld [tilespmem:s24+$0x0]  }
0x3cb: {  	v9 =	vld [tilespmem:s23+$0x0];
	_ =	sdelay $0x2  }
0x3cc: {  	v6 =	vbroadcast v4, $0xD;
	v7 =	vbroadcast v5, $0xD;
	_ =	sdelay $0x1  }
0x3cd: {  	v9 =	vxor.u32 v6, v9;
	v8 =	vxor.u32 v7, v8  }
0x3ce: {  	v10 =	vsub.s32 $0x1010100, v9;
	v11 =	vsub.s32 $0x1010100, v8  }
0x3cf: {  	v9 =	vor.u32 v9, v10;
	v8 =	vor.u32 v8, v11  }
0x3d0: {  	v8 =	vand.u32 v8, v9  }
0x3d1: {  	v8 =	vand.u32 $0x80808080, v8  }
0x3d2: {  	vm0 =	vne.s32 v8, $0x80808080  }
0x3d3: {  	v9 =	vmpcnt.ones.xlane vm0;
	_ =	sdelay $0x1  }
0x3d4: {  	(v2sf) =	vpush v9, $0x0;
	_ =	sdelay $0xe  }
0x3d5: {  	p0 =	por $0x0, $0x0;
	s25 =	spop (v2sf)  }
0x3d6: {  	p1 =	slt.s32 @!p0 s25, $0x1  }
0x3d7: {  	p0 =	por p1, p0  }
0x3d8: {  	s31 =	sadd.s32 $0x3440, s22;
	vm0 =	vne.s32 @!p0 v8, $0x80808080  }
0x3d9: {  	v8 =	vmov s31;
	_ =	sdelay $0x2  }
0x3da: {  	s26 =	simm.s32 $0x0;
	v9 =	vlaneseq.u32 @!p0  }
0x3db: {  	v9 =	vor.u32 @!p0 s26, v9  }
0x3dc: {  	s24 =	simm.s32 $0x10;
	s25 =	sadd.s32 $0x0, s25;
	[tilespmem:v8+s26+$0x0 ss:$0x1] =	vst.idx.msk @!p0 vm0, v9;
	s26 =	simm.s32 $0x2810  }
.LBB2_33:
0x3dd: {  	v9 =	vld [tilespmem:s26+$0x0];
	s23 =	sadd.s32 $0x10, s23;
	s28 =	smov.u32 s24;
	s29 =	smov.u32 s25  }
0x3de: {  	s24 =	sadd.s32 $0x10, s24;
	v10 =	vld [tilespmem:s23+$0x0]  }
0x3df: {  	p0 =	sne.s32 s24, $0x800;
	_ =	sdelay $0x3  }
0x3e0: {  	v9 =	vxor.u32 v7, v9;
	v10 =	vxor.u32 v6, v10  }
0x3e1: {  	v12 =	vsub.s32 $0x1010100, v9;
	v11 =	vsub.s32 $0x1010100, v10  }
0x3e2: {  	v9 =	vor.u32 v9, v12;
	v10 =	vor.u32 v10, v11  }
0x3e3: {  	v9 =	vand.u32 v9, v10  }
0x3e4: {  	v9 =	vand.u32 $0x80808080, v9  }
0x3e5: {  	vm0 =	vne.s32 v9, $0x80808080  }
0x3e6: {  	v10 =	vmpcnt.ones.xlane vm0;
	_ =	sdelay $0x1  }
0x3e7: {  	(v2sf) =	vpush v10, $0x0;
	_ =	sdelay $0xe  }
0x3e8: {  	p1 =	sgt.s32 s25, $0x3F;
	s30 =	spop (v2sf)  }
0x3e9: {  	p2 =	slt.s32 @!p1 s30, $0x1;
	s25 =	sadd.s32 s25, s30  }
0x3ea: {  	p1 =	por p2, p1  }
0x3eb: {  	vm0 =	vne.s32 @!p1 v9, $0x80808080;
	_ =	sdelay $0x1  }
.Ltmp15:
0x3ec: {  	(pc) =	sbr.rel @p0 .LBB2_33-.Ltmp15, $4  }
0x3ed: {  	_ = 	snop  }
0x3ee: {  	v9 =	vlaneseq.u32 @!p1  }
0x3ef: {  	v9 =	vor.u32 @!p1 s28, v9  }
0x3f0: {  	s26 =	sadd.s32 $0x10, s26;
	[tilespmem:v8+s29+$0x0 ss:$0x1] =	vst.idx.msk @!p1 vm0, v9  }
0x3f1: {  	[tilespmem:s22+$0x3480] =	vst v1  }
0x3f2: {  	[tilespmem:s22+$0x3490] =	vst v1  }
0x3f3: {  	[tilespmem:s22+$0x34A0] =	vst v1  }
0x3f4: {  	[tilespmem:s22+$0x34B0] =	vst v1;
	s24 =	simm.s32 $0x2800  }
0x3f5: {  	s23 =	simm.s32 $0x2000;
	v8 =	vld [tilespmem:s24+$0x0]  }
0x3f6: {  	v9 =	vld [tilespmem:s23+$0x0];
	_ =	sdelay $0x2  }
0x3f7: {  	v6 =	vbroadcast v4, $0xE;
	v7 =	vbroadcast v5, $0xE;
	_ =	sdelay $0x1  }
0x3f8: {  	v9 =	vxor.u32 v6, v9;
	v8 =	vxor.u32 v7, v8  }
0x3f9: {  	v10 =	vsub.s32 $0x1010100, v9;
	v11 =	vsub.s32 $0x1010100, v8  }
0x3fa: {  	v9 =	vor.u32 v9, v10;
	v8 =	vor.u32 v8, v11  }
0x3fb: {  	v8 =	vand.u32 v8, v9  }
0x3fc: {  	v8 =	vand.u32 $0x80808080, v8  }
0x3fd: {  	vm0 =	vne.s32 v8, $0x80808080  }
0x3fe: {  	v9 =	vmpcnt.ones.xlane vm0;
	_ =	sdelay $0x1  }
0x3ff: {  	(v2sf) =	vpush v9, $0x0;
	_ =	sdelay $0xe  }
0x400: {  	p0 =	por $0x0, $0x0;
	s25 =	spop (v2sf)  }
0x401: {  	p1 =	slt.s32 @!p0 s25, $0x1  }
0x402: {  	p0 =	por p1, p0  }
0x403: {  	s31 =	sadd.s32 $0x3480, s22;
	vm0 =	vne.s32 @!p0 v8, $0x80808080  }
0x404: {  	v8 =	vmov s31;
	_ =	sdelay $0x2  }
0x405: {  	s26 =	simm.s32 $0x0;
	v9 =	vlaneseq.u32 @!p0  }
0x406: {  	v9 =	vor.u32 @!p0 s26, v9  }
0x407: {  	s24 =	simm.s32 $0x10;
	s25 =	sadd.s32 $0x0, s25;
	[tilespmem:v8+s26+$0x0 ss:$0x1] =	vst.idx.msk @!p0 vm0, v9;
	s26 =	simm.s32 $0x2810  }
.LBB2_35:
0x408: {  	v9 =	vld [tilespmem:s26+$0x0];
	s23 =	sadd.s32 $0x10, s23;
	s28 =	smov.u32 s24;
	s29 =	smov.u32 s25  }
0x409: {  	s24 =	sadd.s32 $0x10, s24;
	v10 =	vld [tilespmem:s23+$0x0]  }
0x40a: {  	p0 =	sne.s32 s24, $0x800;
	_ =	sdelay $0x3  }
0x40b: {  	v9 =	vxor.u32 v7, v9;
	v10 =	vxor.u32 v6, v10  }
0x40c: {  	v12 =	vsub.s32 $0x1010100, v9;
	v11 =	vsub.s32 $0x1010100, v10  }
0x40d: {  	v9 =	vor.u32 v9, v12;
	v10 =	vor.u32 v10, v11  }
0x40e: {  	v9 =	vand.u32 v9, v10  }
0x40f: {  	v9 =	vand.u32 $0x80808080, v9  }
0x410: {  	vm0 =	vne.s32 v9, $0x80808080  }
0x411: {  	v10 =	vmpcnt.ones.xlane vm0;
	_ =	sdelay $0x1  }
0x412: {  	(v2sf) =	vpush v10, $0x0;
	_ =	sdelay $0xe  }
0x413: {  	p1 =	sgt.s32 s25, $0x3F;
	s30 =	spop (v2sf)  }
0x414: {  	p2 =	slt.s32 @!p1 s30, $0x1;
	s25 =	sadd.s32 s25, s30  }
0x415: {  	p1 =	por p2, p1  }
0x416: {  	vm0 =	vne.s32 @!p1 v9, $0x80808080;
	_ =	sdelay $0x1  }
.Ltmp16:
0x417: {  	(pc) =	sbr.rel @p0 .LBB2_35-.Ltmp16, $4  }
0x418: {  	_ = 	snop  }
0x419: {  	v9 =	vlaneseq.u32 @!p1  }
0x41a: {  	v9 =	vor.u32 @!p1 s28, v9  }
0x41b: {  	s26 =	sadd.s32 $0x10, s26;
	[tilespmem:v8+s29+$0x0 ss:$0x1] =	vst.idx.msk @!p1 vm0, v9  }
0x41c: {  	[tilespmem:s22+$0x34C0] =	vst v1  }
0x41d: {  	[tilespmem:s22+$0x34D0] =	vst v1  }
0x41e: {  	[tilespmem:s22+$0x34E0] =	vst v1  }
0x41f: {  	[tilespmem:s22+$0x34F0] =	vst v1;
	s24 =	simm.s32 $0x2800  }
0x420: {  	s23 =	simm.s32 $0x2000;
	v6 =	vld [tilespmem:s24+$0x0]  }
0x421: {  	v7 =	vld [tilespmem:s23+$0x0];
	_ =	sdelay $0x2  }
0x422: {  	v4 =	vbroadcast v4, $0xF;
	v5 =	vbroadcast v5, $0xF;
	_ =	sdelay $0x1  }
0x423: {  	v7 =	vxor.u32 v4, v7;
	v6 =	vxor.u32 v5, v6  }
0x424: {  	v8 =	vsub.s32 $0x1010100, v7;
	v9 =	vsub.s32 $0x1010100, v6  }
0x425: {  	v7 =	vor.u32 v7, v8;
	v6 =	vor.u32 v6, v9  }
0x426: {  	v6 =	vand.u32 v6, v7  }
0x427: {  	v6 =	vand.u32 $0x80808080, v6  }
0x428: {  	vm0 =	vne.s32 v6, $0x80808080  }
0x429: {  	v7 =	vmpcnt.ones.xlane vm0;
	_ =	sdelay $0x1  }
0x42a: {  	(v2sf) =	vpush v7, $0x0;
	_ =	sdelay $0xe  }
0x42b: {  	p0 =	por $0x0, $0x0;
	s24 =	spop (v2sf)  }
0x42c: {  	p1 =	slt.s32 @!p0 s24, $0x1  }
0x42d: {  	p0 =	por p1, p0  }
0x42e: {  	s31 =	sadd.s32 $0x34C0, s22;
	vm0 =	vne.s32 @!p0 v6, $0x80808080  }
0x42f: {  	v6 =	vmov s31;
	_ =	sdelay $0x2  }
0x430: {  	s25 =	simm.s32 $0x0;
	v7 =	vlaneseq.u32 @!p0  }
0x431: {  	v7 =	vor.u32 @!p0 s25, v7  }
0x432: {  	s22 =	simm.s32 $0x10;
	s24 =	sadd.s32 $0x0, s24;
	[tilespmem:v6+s25+$0x0 ss:$0x1] =	vst.idx.msk @!p0 vm0, v7;
	s25 =	simm.s32 $0x2810  }
.LBB2_37:
0x433: {  	v7 =	vld [tilespmem:s25+$0x0];
	s23 =	sadd.s32 $0x10, s23;
	s26 =	smov.u32 s22;
	s28 =	smov.u32 s24  }
0x434: {  	s22 =	sadd.s32 $0x10, s22;
	v8 =	vld [tilespmem:s23+$0x0]  }
0x435: {  	p0 =	sne.s32 s22, $0x800;
	_ =	sdelay $0x3  }
0x436: {  	v7 =	vxor.u32 v5, v7;
	v8 =	vxor.u32 v4, v8  }
0x437: {  	v10 =	vsub.s32 $0x1010100, v7;
	v9 =	vsub.s32 $0x1010100, v8  }
0x438: {  	v7 =	vor.u32 v7, v10;
	v8 =	vor.u32 v8, v9  }
0x439: {  	v7 =	vand.u32 v7, v8  }
0x43a: {  	v7 =	vand.u32 $0x80808080, v7  }
0x43b: {  	vm0 =	vne.s32 v7, $0x80808080  }
0x43c: {  	v8 =	vmpcnt.ones.xlane vm0;
	_ =	sdelay $0x1  }
0x43d: {  	(v2sf) =	vpush v8, $0x0;
	_ =	sdelay $0xe  }
0x43e: {  	p1 =	sgt.s32 s24, $0x3F;
	s29 =	spop (v2sf)  }
0x43f: {  	p2 =	slt.s32 @!p1 s29, $0x1;
	s24 =	sadd.s32 s24, s29  }
0x440: {  	p1 =	por p2, p1  }
0x441: {  	vm0 =	vne.s32 @!p1 v7, $0x80808080;
	_ =	sdelay $0x1  }
.Ltmp17:
0x442: {  	(pc) =	sbr.rel @p0 .LBB2_37-.Ltmp17, $4  }
0x443: {  	_ = 	snop  }
0x444: {  	v7 =	vlaneseq.u32 @!p1  }
0x445: {  	v7 =	vor.u32 @!p1 s26, v7  }
0x446: {  	s25 =	sadd.s32 $0x10, s25;
	[tilespmem:v6+s28+$0x0 ss:$0x1] =	vst.idx.msk @!p1 vm0, v7  }
0x447: {  	s21 =	sadd.s32 $0x1, s21  }
0x448: {  	p0 =	sne.s32 s21, $0x8  }
.Ltmp18:
0x449: {  	_ = 	snop;
	(pc) =	sbr.rel @p0 .LBB2_6-.Ltmp18, $1  }
0x44a: {  	_ =	sdelay $0x3  }
0x44b: {  	s19 =	sadd.s32 $0x1, s19  }
0x44c: {  	p0 =	sne.s32 s19, s12  }
.Ltmp19:
0x44d: {  	_ = 	snop;
	(pc) =	sbr.rel @p0 .LBB2_1-.Ltmp19, $4  }
0x44e: {  	[hbm4b:s11+s3] =	stream.linear.scatter [tilespmem:s18], [sflag:$0x1], $0x2000, $0x38;
	[tilespmem:$0x5280] =	vst v63  }
0x44f: {  	_ =	swait.ge [sflag:s15], $0x2000  }
0x450: {  	[sflag:s15] =	ssyncset.done $0x0  }
0x451: {  	[sflag:s15] =	ssyncadd.s32 $0xFFFFE000  }
0x452: {  	_ =	sfence.sel $0x180000  }
0x453: {  	[bflag:$0x0] =	sbarrier.arrive $0xFFFF  }
0x454: {  	p0 =	sne.s32 s1, $0x0;
	_ =	strace $0x90000047  }
0x455: {  	s0 =	sadd.s32 @!p0 $0x100000, s0;
	[bflag:$0x2] =	sbarrier.arrive $0xFFFF  }
0x456: {  	[sflag:s0] =	ssyncadd.tile.s32 @!p0 $0x1;
	_ =	shalt  }
.Lfunc_end2:
_tile_overlayer_lowered:
.L_overlay_start_2:
0x457: {  	(tag) =	ssettag $0x2  }
0x458: {  	s0 =	rddreg [dreg:$0x0];
	s2 =	stileid.u32  }
0x459: {  	s1 =	rddreg [dreg:$0x1];
	p0 =	sne.s32 s2, $0x0  }
0x45a: {  	s3 =	rddreg [dreg:$0x2];
	[bflag:$0x3] =	sbarrier.arrive $0xFFFF;
	s2 =	simm.s32 @!p0 $0x1C01  }
0x45b: {  	[timem:s3], [sflag:s2] =	dma.local @!p0 [hbm:s0], s1  }
0x45c: {  	s0 =	simm.s32 @!p0 $0x1  }
0x45d: {  	_ =	swait.ge @!p0 [sflag:s0], s1  }
0x45e: {  	s1 =	ssub.s32 @!p0 $0x0, s1;
	[sflag:s0] =	ssyncset.done @!p0 $0x0  }
0x45f: {  	[sflag:s0] =	ssyncadd.s32 @!p0 s1  }
0x460: {  	[bflag:$0x3] =	sbarrier.arrive $0xFFFF  }
0x461: {  	_ =	shalt  }

</sc_bundles>
